<compile_context>
chip_gen: v7x
topology: tpu7x:2x2x1
jax: 0.10.2.dev20260603
libtpu: 0.0.44.dev20260713+nightly
codegen_flags: <defaults>
</compile_context>

<pallas_src>
import functools

import jax
import jax.numpy as jnp
from jax import lax
from jax.experimental import pallas as pl
from jax.experimental.pallas import tpu as pltpu
from jax.experimental.pallas import tpu_sc as plsc

_NC = 2
_NS = 16
_NW = _NC * _NS
_K = 128
_CG = 8


def _deg_kernel(dstg, ones_rows, zdeg, *, nch, nrd, rptd):
    mesh = plsc.VectorSubcoreMesh(core_axis_name="c", subcore_axis_name="s")

    @functools.partial(
        pl.kernel,
        mesh=mesh,
        out_type=jax.ShapeDtypeStruct((_NC * nrd, 128), jnp.float32),
        scratch_types=[
            pltpu.VMEM((nch, _K), jnp.int32),
            pltpu.VMEM((_K, 128), jnp.float32),
            pltpu.VMEM_SHARED((nrd, 128), jnp.float32),
            pltpu.SemaphoreType.DMA,
        ],
    )
    def k(dst_h, ones_h, zd_h, out_h, didx, ones_v, deg, dsem):
        c = lax.axis_index("c")
        s = lax.axis_index("s")
        w = c * _NS + s
        pltpu.sync_copy(zd_h, deg.at[pl.ds(s * rptd, rptd)])
        pltpu.sync_copy(ones_h, ones_v)
        pltpu.sync_copy(dst_h.at[pl.ds(w * nch, nch)], didx)
        plsc.subcore_barrier()

        def body(r, carry):
            base = r * 8
            for b in range(8):
                pltpu.async_copy(ones_v, deg.at[didx.at[base + b]], dsem,
                                 add=True)
            for b in range(8):
                pltpu.make_async_copy(ones_v, deg.at[didx.at[base + b]],
                                      dsem).wait()
            return carry

        lax.fori_loop(0, nch // 8, body, 0)
        plsc.subcore_barrier()
        pltpu.sync_copy(deg.at[pl.ds(s * rptd, rptd)],
                        out_h.at[pl.ds(c * nrd + s * rptd, rptd)])

    return k(dstg, ones_rows, zdeg)


def _agg_kernel(y, srcg, dstg, zrows, *, dd, ngw, nr, rpt):
    ng0, ng1 = ngw
    mesh = plsc.VectorSubcoreMesh(core_axis_name="c", subcore_axis_name="s")

    @functools.partial(
        pl.kernel,
        mesh=mesh,
        out_type=jax.ShapeDtypeStruct((_NC * nr, dd), jnp.float32),
        scratch_types=[
            pltpu.VMEM((2, _CG, _K), jnp.int32),
            pltpu.VMEM((2, _CG, _K), jnp.int32),
            pltpu.VMEM((_K, dd), jnp.float32),
            pltpu.VMEM((_K, dd), jnp.float32),
            pltpu.SemaphoreType.DMA,
            pltpu.SemaphoreType.DMA,
            pltpu.SemaphoreType.DMA,
            pltpu.SemaphoreType.DMA,
            pltpu.SemaphoreType.DMA,
            pltpu.SemaphoreType.DMA,
            pltpu.VMEM_SHARED((nr, dd), jnp.float32),
        ],
    )
    def k(y_h, src_h, dst_h, z_h, out_h, sidxb, didxb, r0, r1,
          g0, g1, s0, s1, isem_s, isem_d, acc):
        rows = (r0, r1)
        gsem = (g0, g1)
        ssem = (s0, s1)
        c = lax.axis_index("c")
        s = lax.axis_index("s")
        ng = jnp.where(c == 0, ng0, ng1)
        base = jnp.where(c == 0, s * (ng0 * _CG),
                         _NS * (ng0 * _CG) + s * (ng1 * _CG))
        pltpu.sync_copy(z_h, acc.at[pl.ds(s * rpt, rpt)])
        plsc.subcore_barrier()

        def group_body(g, carry):
            p = lax.rem(g, 2)
            for r in range(_CG // 2):
                for b in range(2):
                    cj = 2 * r + b
                    pltpu.make_async_copy(y_h.at[sidxb.at[p, cj]], rows[b],
                                          gsem[b]).wait()
                    pltpu.async_copy(rows[b], acc.at[didxb.at[p, cj]],
                                     ssem[b], add=True)
                if r < _CG // 2 - 1:
                    for b in range(2):
                        cj = 2 * r + b
                        pltpu.make_async_copy(rows[b],
                                              acc.at[didxb.at[p, cj]],
                                              ssem[b]).wait()
                        pltpu.async_copy(y_h.at[sidxb.at[p, 2 * r + 2 + b]],
                                         rows[b], gsem[b])
                else:
                    pltpu.make_async_copy(src_h.at[pl.ds(base, _CG)],
                                          sidxb.at[1 - p], isem_s).wait()
                    pltpu.make_async_copy(dst_h.at[pl.ds(base, _CG)],
                                          didxb.at[1 - p], isem_d).wait()
                    for b in range(2):
                        cj = 2 * r + b
                        pltpu.make_async_copy(rows[b],
                                              acc.at[didxb.at[p, cj]],
                                              ssem[b]).wait()
                        pltpu.async_copy(y_h.at[sidxb.at[1 - p, b]],
                                         rows[b], gsem[b])
            nxt = base + jnp.minimum(g + 2, ng - 1) * _CG
            pltpu.async_copy(src_h.at[pl.ds(nxt, _CG)], sidxb.at[p],
                             isem_s)
            pltpu.async_copy(dst_h.at[pl.ds(nxt, _CG)], didxb.at[p],
                             isem_d)
            return carry

        @pl.when(ng > 0)
        def _edge_work():
            pltpu.sync_copy(src_h.at[pl.ds(base, _CG)], sidxb.at[0])
            pltpu.sync_copy(dst_h.at[pl.ds(base, _CG)], didxb.at[0])
            pltpu.async_copy(src_h.at[pl.ds(base + _CG, _CG)], sidxb.at[1],
                             isem_s)
            pltpu.async_copy(dst_h.at[pl.ds(base + _CG, _CG)], didxb.at[1],
                             isem_d)
            for b in range(2):
                pltpu.async_copy(y_h.at[sidxb.at[0, b]], rows[b], gsem[b])

            lax.fori_loop(0, ng - 1, group_body, 0)
            pltpu.make_async_copy(src_h.at[pl.ds(base, _CG)], sidxb.at[0],
                                  isem_s).wait()
            pltpu.make_async_copy(dst_h.at[pl.ds(base, _CG)], didxb.at[0],
                                  isem_d).wait()
            pl_ = 1
            for r in range(_CG // 2):
                for b in range(2):
                    cj = 2 * r + b
                    pltpu.make_async_copy(y_h.at[sidxb.at[pl_, cj]], rows[b],
                                          gsem[b]).wait()
                    pltpu.async_copy(rows[b], acc.at[didxb.at[pl_, cj]],
                                     ssem[b], add=True)
                for b in range(2):
                    cj = 2 * r + b
                    pltpu.make_async_copy(rows[b], acc.at[didxb.at[pl_, cj]],
                                          ssem[b]).wait()
                    if r < _CG // 2 - 1:
                        pltpu.async_copy(y_h.at[sidxb.at[pl_, 2 * r + 2 + b]],
                                         rows[b], gsem[b])

        plsc.subcore_barrier()
        pltpu.sync_copy(acc.at[pl.ds(s * rpt, rpt)],
                        out_h.at[pl.ds(c * nr + s * rpt, rpt)])

    return k(y, srcg, dstg, zrows)


def _mm_scale(x, W, dcol, *, bn=1000):
    n, din = x.shape
    dout = W.shape[1]

    def body(x_ref, w_ref, d_ref, o_ref):
        o_ref[...] = jnp.dot(x_ref[...], w_ref[...],
                             preferred_element_type=jnp.float32) * d_ref[...]

    return pl.pallas_call(
        body,
        grid=(n // bn,),
        in_specs=[
            pl.BlockSpec((bn, din), lambda i: (i, 0)),
            pl.BlockSpec((din, dout), lambda i: (0, 0)),
            pl.BlockSpec((bn, 1), lambda i: (i, 0)),
        ],
        out_specs=pl.BlockSpec((bn, dout), lambda i: (i, 0)),
        out_shape=jax.ShapeDtypeStruct((n, dout), jnp.float32),
    )(x, W, dcol)


def _layer_epilogue_mm(accp, y, dcol, b, W, *, bn=1000):
    n, dd = y.shape
    dout = W.shape[1]

    def body(a_ref, y_ref, d_ref, b_ref, w_ref, xl_ref, yn_ref):
        a = a_ref[...]
        dv = d_ref[...]
        xl = jnp.maximum(dv * (a[0] + a[1] + y_ref[...]) + b_ref[...], 0.0)
        xl_ref[...] = xl
        yn_ref[...] = jnp.dot(xl, w_ref[...],
                              preferred_element_type=jnp.float32) * dv

    return pl.pallas_call(
        body,
        grid=(n // bn,),
        in_specs=[
            pl.BlockSpec((2, bn, dd), lambda i: (0, i, 0)),
            pl.BlockSpec((bn, dd), lambda i: (i, 0)),
            pl.BlockSpec((bn, 1), lambda i: (i, 0)),
            pl.BlockSpec((1, dd), lambda i: (0, 0)),
            pl.BlockSpec((dd, dout), lambda i: (0, 0)),
        ],
        out_specs=[
            pl.BlockSpec((bn, dd), lambda i: (i, 0)),
            pl.BlockSpec((bn, dout), lambda i: (i, 0)),
        ],
        out_shape=[
            jax.ShapeDtypeStruct((n, dd), jnp.float32),
            jax.ShapeDtypeStruct((n, dout), jnp.float32),
        ],
    )(accp, y, dcol, b, W)


def _final_mm(accp, y2, dcol, b2, x1, W_out, b_out, *, bn=1000):
    n, dd = y2.shape
    dout = W_out.shape[1]

    def body(a_ref, y_ref, d_ref, b_ref, x1_ref, w_ref, bo_ref, o_ref):
        a = a_ref[...]
        x2 = jnp.maximum(
            d_ref[...] * (a[0] + a[1] + y_ref[...]) + b_ref[...], 0.0)
        o_ref[...] = jnp.dot(x1_ref[...] + x2, w_ref[...],
                             preferred_element_type=jnp.float32) + bo_ref[...]

    return pl.pallas_call(
        body,
        grid=(n // bn,),
        in_specs=[
            pl.BlockSpec((2, bn, dd), lambda i: (0, i, 0)),
            pl.BlockSpec((bn, dd), lambda i: (i, 0)),
            pl.BlockSpec((bn, 1), lambda i: (i, 0)),
            pl.BlockSpec((1, dd), lambda i: (0, 0)),
            pl.BlockSpec((bn, dd), lambda i: (i, 0)),
            pl.BlockSpec((dd, dout), lambda i: (0, 0)),
            pl.BlockSpec((1, dout), lambda i: (0, 0)),
        ],
        out_specs=pl.BlockSpec((bn, dout), lambda i: (i, 0)),
        out_shape=jax.ShapeDtypeStruct((n, dout), jnp.float32),
    )(accp, y2, dcol, b2, x1, W_out, b_out)


def kernel(x, edge_index, W1, b1, W2, b2, W_out, b_out):
    n, _ = x.shape
    d_hid = W1.shape[1]
    e = edge_index.shape[1]
    src = edge_index[0]
    dst = edge_index[1]

    nch = -(-e // (_NW * _K))
    nch = ((nch + 7) // 8) * 8
    totc = _NW * nch
    pad = totc * _K - e
    srcg = jnp.concatenate([src, jnp.zeros((pad,), src.dtype)]).reshape(
        totc, _K)
    dstg = jnp.concatenate([dst, jnp.full((pad,), n, dst.dtype)]).reshape(
        totc, _K)
    tg = totc // (_NS * _CG)
    ng1 = max(2, (tg // 10) & ~1)
    ng0 = tg - ng1

    rptd = ((-(-(n + 1) // _NS) + 7) // 8) * 8
    nrd = rptd * _NS
    ones_rows = jnp.ones((_K, 128), jnp.float32)
    zdeg = jnp.zeros((rptd, 128), jnp.float32)
    degp = _deg_kernel(dstg, ones_rows, zdeg, nch=nch, nrd=nrd, rptd=rptd)
    degp = degp.reshape(_NC, nrd, 128)
    deg = degp[0, :n, 0] + degp[1, :n, 0] + 1.0
    dcol = lax.rsqrt(deg)[:, None]

    rpt = rptd
    nr = nrd
    zrows = jnp.zeros((rpt, d_hid), jnp.float32)

    y1 = _mm_scale(x, W1, dcol)
    acc1 = _agg_kernel(y1, srcg, dstg, zrows, dd=d_hid, ngw=(ng0, ng1),
                       nr=nr, rpt=rpt).reshape(_NC, nr, d_hid)[:, :n]
    x1, y2 = _layer_epilogue_mm(acc1, y1, dcol, b1.reshape(1, -1), W2)
    acc2 = _agg_kernel(y2, srcg, dstg, zrows, dd=d_hid, ngw=(ng0, ng1),
                       nr=nr, rpt=rpt).reshape(_NC, nr, d_hid)[:, :n]
    return _final_mm(acc2, y2, dcol, b2.reshape(1, -1), x1, W_out,
                     b_out.reshape(1, -1))

# --- scband reference (transcript-rebuilt; emitter-appended) ---
"""Pipeline reference for scband-gcn-py-g-11175504904536 (READ-ONLY COPY).

The authoritative reference and input builder live on the scoring server;
editing this copy changes nothing except your own understanding.
"""

import jax, jax.numpy as jnp
import numpy as np

N = 10000
E = 320000
D_IN = 128
D_HID = 128
D_OUT = 128


def _gcn_conv(x, edge_index, W, b):
    # Faithful PyG GCNConv: add self-loops, symmetric normalization,
    # linear transform, scatter-add aggregation, then bias.
    num_nodes = x.shape[0]
    src = edge_index[0]
    dst = edge_index[1]
    loop = jnp.arange(num_nodes, dtype=src.dtype)
    src = jnp.concatenate([src, loop])
    dst = jnp.concatenate([dst, loop])
    ones = jnp.ones(src.shape[0], dtype=x.dtype)
    deg = jnp.zeros(num_nodes, dtype=x.dtype).at[dst].add(ones)
    deg_inv_sqrt = jnp.where(deg > 0, 1.0 / jnp.sqrt(deg), 0.0)
    norm = deg_inv_sqrt[src] * deg_inv_sqrt[dst]
    xw = x @ W
    msg = xw[src] * norm[:, None]
    out = jnp.zeros((num_nodes, W.shape[1]), dtype=x.dtype).at[dst].add(msg)
    return out + b


def setup_inputs(seed: int = 0):
    key = jax.random.key(seed)
    ks = jax.random.split(key, 8)
    x = jax.random.normal(ks[0], (N, D_IN), dtype=jnp.float32)
    edge_index = jax.random.randint(ks[1], (2, E), 0, N, dtype=jnp.int32)
    s1 = 1.0 / np.sqrt(D_IN)
    s2 = 1.0 / np.sqrt(D_HID)
    W1 = jax.random.uniform(ks[2], (D_IN, D_HID), dtype=jnp.float32, minval=-s1, maxval=s1)
    b1 = jnp.zeros((D_HID,), dtype=jnp.float32)
    W2 = jax.random.uniform(ks[3], (D_HID, D_HID), dtype=jnp.float32, minval=-s2, maxval=s2)
    b2 = jnp.zeros((D_HID,), dtype=jnp.float32)
    W_out = jax.random.uniform(ks[4], (D_HID, D_OUT), dtype=jnp.float32, minval=-s2, maxval=s2)
    b_out = jax.random.uniform(ks[5], (D_OUT,), dtype=jnp.float32, minval=-s2, maxval=s2)
    return {"x": x, "edge_index": edge_index, "W1": W1, "b1": b1, "W2": W2, "b2": b2, "W_out": W_out, "b_out": b_out}


def reference(x, edge_index, W1, b1, W2, b2, W_out, b_out):
    x1 = jax.nn.relu(_gcn_conv(x, edge_index, W1, b1))
    x2 = jax.nn.relu(_gcn_conv(x1, edge_index, W2, b2))
    x_out = x1 + x2
    return x_out @ W_out + b_out

if __name__ == "__main__":
    import jax
    _d = setup_inputs()
    print(jax.jit(kernel)(*tuple(_d.values())))

</pallas_src>

<mosaic_0001>
#map = affine_map<(d0, d1) -> (0, 0)>
module attributes {stable_mosaic.version = 14 : i64} {
  func.func @k(%arg0: i32, %arg1: i32, %arg2: memref<10000x128xf32, #tpu.memory_space<hbm>>, %arg3: memref<2560x128xi32, #tpu.memory_space<hbm>>, %arg4: memref<2560x128xi32, #tpu.memory_space<hbm>>, %arg5: memref<632x128xf32, #tpu.memory_space<hbm>>, %arg6: memref<20224x128xf32, #tpu.memory_space<hbm>>, %arg7: memref<2x8x128xi32, #tpu.memory_space<vmem>>, %arg8: memref<2x8x128xi32, #tpu.memory_space<vmem>>, %arg9: memref<128x128xf32, #tpu.memory_space<vmem>>, %arg10: memref<128x128xf32, #tpu.memory_space<vmem>>, %arg11: memref<!tpu.dma_semaphore, #tpu.memory_space<semaphore_mem>>, %arg12: memref<!tpu.dma_semaphore, #tpu.memory_space<semaphore_mem>>, %arg13: memref<!tpu.dma_semaphore, #tpu.memory_space<semaphore_mem>>, %arg14: memref<!tpu.dma_semaphore, #tpu.memory_space<semaphore_mem>>, %arg15: memref<!tpu.dma_semaphore, #tpu.memory_space<semaphore_mem>>, %arg16: memref<!tpu.dma_semaphore, #tpu.memory_space<semaphore_mem>>, %arg17: memref<10112x128xf32, #tpu.memory_space<vmem_shared>>) attributes {dimension_semantics = [#tpu.dimension_semantics<core_parallel>, #tpu.dimension_semantics<subcore_parallel>], iteration_bounds = array<i64: 2, 16>, scalar_prefetch = 0 : i64, scratch_operands = 11 : i64, tpu.core_type = #tpu.core_type<sc_vector_subcore>, window_params = [{transform_indices = #map}, {transform_indices = #map}, {transform_indices = #map}, {transform_indices = #map}, {transform_indices = #map}]} {
    %eq3A = arith.constant 0 : i32
    %eq3A_0 = arith.cmpi eq, %arg0, %eq3A : i32
    %jit3A = arith.constant 18 : i32
    %jit3A_1 = arith.constant 2 : i32
    %select_n3A = arith.select %eq3A_0, %jit3A, %jit3A_1 : i32
    %eq3A_2 = arith.constant 0 : i32
    %eq3A_3 = arith.cmpi eq, %arg0, %eq3A_2 : i32
    %mul3A = arith.constant 144 : i32
    %mul3A_4 = arith.muli %arg1, %mul3A : i32
    %mul3A_5 = arith.constant 16 : i32
    %mul3A_6 = arith.muli %arg1, %mul3A_5 : i32
    %add3A = arith.constant 2304 : i32
    %add3A_7 = arith.addi %add3A, %mul3A_6 : i32
    %select_n3A_8 = arith.select %eq3A_3, %mul3A_4, %add3A_7 : i32
    %mul3A_9 = arith.constant 632 : i32
    %mul3A_10 = arith.muli %arg1, %mul3A_9 : i32
    "tpu.region"() ({
      %run_scoped3A = tpu.sem_alloc : memref<!tpu.dma_semaphore, #tpu.memory_space<semaphore_mem>>
      %dma_start3A = arith.constant 0 : i32
      %dma_start3A_21 = tpu.memref_slice %arg17[%mul3A_10, %dma_start3A] : memref<10112x128xf32, #tpu.memory_space<vmem_shared>> -> memref<632x128xf32, #tpu.memory_space<vmem_shared>>
      tpu.enqueue_dma source(%arg5 : memref<632x128xf32, #tpu.memory_space<hbm>>) target(%dma_start3A_21 : memref<632x128xf32, #tpu.memory_space<vmem_shared>>) target_semaphore(%run_scoped3A : memref<!tpu.dma_semaphore, #tpu.memory_space<semaphore_mem>>)
      %dma_wait3A = arith.constant 0 : i32
      %dma_wait3A_22 = tpu.memref_slice %arg17[%mul3A_10, %dma_wait3A] : memref<10112x128xf32, #tpu.memory_space<vmem_shared>> -> memref<632x128xf32, #tpu.memory_space<vmem_shared>>
      tpu.wait_dma2 semaphore(%run_scoped3A : memref<!tpu.dma_semaphore, #tpu.memory_space<semaphore_mem>>) src(%arg5 : memref<632x128xf32, #tpu.memory_space<hbm>>) dst(%dma_wait3A_22 : memref<632x128xf32, #tpu.memory_space<vmem_shared>>)
      tpu.yield
    }) : () -> ()
    %barrier3A = arith.constant 0 : index
    tpu.barrier barrier_id(%barrier3A)
    %gt3A = arith.constant 0 : i32
    %gt3A_11 = arith.cmpi sgt, %select_n3A, %gt3A : i32
    %convert_element_type3A = arith.extui %gt3A_11 : i1 to i32
    %cond3A = arith.constant 0 : i32
    %cond3A_12 = arith.cmpi ne, %convert_element_type3A, %cond3A : i32
    scf.if %cond3A_12 {
      %run_scoped3A = arith.constant 0 : i32
      "tpu.region"() ({
        %run_scoped3A_342 = tpu.sem_alloc : memref<!tpu.dma_semaphore, #tpu.memory_space<semaphore_mem>>
        %dma_start3A_343 = arith.constant 0 : i32
        %dma_start3A_344 = arith.constant 0 : i32
        %dma_start3A_345 = tpu.memref_slice %arg7[%run_scoped3A, %dma_start3A_343, %dma_start3A_344] : memref<2x8x128xi32, #tpu.memory_space<vmem>> -> memref<1x8x128xi32, #tpu.memory_space<vmem>>
        %dma_start3A_346 = tpu.memref_squeeze %dma_start3A_345 : memref<1x8x128xi32, #tpu.memory_space<vmem>> -> memref<8x128xi32, #tpu.memory_space<vmem>>
        %dma_start3A_347 = arith.constant 0 : i32
        %dma_start3A_348 = tpu.memref_slice %arg3[%select_n3A_8, %dma_start3A_347] : memref<2560x128xi32, #tpu.memory_space<hbm>> -> memref<8x128xi32, #tpu.memory_space<hbm>>
        %dma_start3A_349 = arith.constant 0 : i32
        %dma_start3A_350 = arith.constant 0 : i32
        %dma_start3A_351 = tpu.memref_slice %arg7[%run_scoped3A, %dma_start3A_349, %dma_start3A_350] : memref<2x8x128xi32, #tpu.memory_space<vmem>> -> memref<1x8x128xi32, #tpu.memory_space<vmem>>
        %dma_start3A_352 = tpu.memref_squeeze %dma_start3A_351 : memref<1x8x128xi32, #tpu.memory_space<vmem>> -> memref<8x128xi32, #tpu.memory_space<vmem>>
        %dma_start3A_353 = arith.constant 0 : i32
        %dma_start3A_354 = tpu.memref_slice %arg3[%select_n3A_8, %dma_start3A_353] : memref<2560x128xi32, #tpu.memory_space<hbm>> -> memref<8x128xi32, #tpu.memory_space<hbm>>
        tpu.enqueue_dma source(%dma_start3A_354 : memref<8x128xi32, #tpu.memory_space<hbm>>) target(%dma_start3A_352 : memref<8x128xi32, #tpu.memory_space<vmem>>) target_semaphore(%run_scoped3A_342 : memref<!tpu.dma_semaphore, #tpu.memory_space<semaphore_mem>>)
        %dma_wait3A_355 = arith.constant 0 : i32
        %dma_wait3A_356 = arith.constant 0 : i32
        %dma_wait3A_357 = tpu.memref_slice %arg7[%run_scoped3A, %dma_wait3A_355, %dma_wait3A_356] : memref<2x8x128xi32, #tpu.memory_space<vmem>> -> memref<1x8x128xi32, #tpu.memory_space<vmem>>
        %dma_wait3A_358 = tpu.memref_squeeze %dma_wait3A_357 : memref<1x8x128xi32, #tpu.memory_space<vmem>> -> memref<8x128xi32, #tpu.memory_space<vmem>>
        %dma_wait3A_359 = arith.constant 0 : i32
        %dma_wait3A_360 = tpu.memref_slice %arg3[%select_n3A_8, %dma_wait3A_359] : memref<2560x128xi32, #tpu.memory_space<hbm>> -> memref<8x128xi32, #tpu.memory_space<hbm>>
        %dma_wait3A_361 = arith.constant 0 : i32
        %dma_wait3A_362 = arith.constant 0 : i32
        %dma_wait3A_363 = tpu.memref_slice %arg7[%run_scoped3A, %dma_wait3A_361, %dma_wait3A_362] : memref<2x8x128xi32, #tpu.memory_space<vmem>> -> memref<1x8x128xi32, #tpu.memory_space<vmem>>
        %dma_wait3A_364 = tpu.memref_squeeze %dma_wait3A_363 : memref<1x8x128xi32, #tpu.memory_space<vmem>> -> memref<8x128xi32, #tpu.memory_space<vmem>>
        %dma_wait3A_365 = arith.constant 0 : i32
        %dma_wait3A_366 = tpu.memref_slice %arg3[%select_n3A_8, %dma_wait3A_365] : memref<2560x128xi32, #tpu.memory_space<hbm>> -> memref<8x128xi32, #tpu.memory_space<hbm>>
        tpu.wait_dma2 semaphore(%run_scoped3A_342 : memref<!tpu.dma_semaphore, #tpu.memory_space<semaphore_mem>>) src(%dma_wait3A_366 : memref<8x128xi32, #tpu.memory_space<hbm>>) dst(%dma_wait3A_364 : memref<8x128xi32, #tpu.memory_space<vmem>>)
        tpu.yield
      }) : () -> ()
      %run_scoped3A_21 = arith.constant 0 : i32
      "tpu.region"() ({
        %run_scoped3A_342 = tpu.sem_alloc : memref<!tpu.dma_semaphore, #tpu.memory_space<semaphore_mem>>
        %dma_start3A_343 = arith.constant 0 : i32
        %dma_start3A_344 = arith.constant 0 : i32
        %dma_start3A_345 = tpu.memref_slice %arg8[%run_scoped3A_21, %dma_start3A_343, %dma_start3A_344] : memref<2x8x128xi32, #tpu.memory_space<vmem>> -> memref<1x8x128xi32, #tpu.memory_space<vmem>>
        %dma_start3A_346 = tpu.memref_squeeze %dma_start3A_345 : memref<1x8x128xi32, #tpu.memory_space<vmem>> -> memref<8x128xi32, #tpu.memory_space<vmem>>
        %dma_start3A_347 = arith.constant 0 : i32
        %dma_start3A_348 = tpu.memref_slice %arg4[%select_n3A_8, %dma_start3A_347] : memref<2560x128xi32, #tpu.memory_space<hbm>> -> memref<8x128xi32, #tpu.memory_space<hbm>>
        %dma_start3A_349 = arith.constant 0 : i32
        %dma_start3A_350 = arith.constant 0 : i32
        %dma_start3A_351 = tpu.memref_slice %arg8[%run_scoped3A_21, %dma_start3A_349, %dma_start3A_350] : memref<2x8x128xi32, #tpu.memory_space<vmem>> -> memref<1x8x128xi32, #tpu.memory_space<vmem>>
        %dma_start3A_352 = tpu.memref_squeeze %dma_start3A_351 : memref<1x8x128xi32, #tpu.memory_space<vmem>> -> memref<8x128xi32, #tpu.memory_space<vmem>>
        %dma_start3A_353 = arith.constant 0 : i32
        %dma_start3A_354 = tpu.memref_slice %arg4[%select_n3A_8, %dma_start3A_353] : memref<2560x128xi32, #tpu.memory_space<hbm>> -> memref<8x128xi32, #tpu.memory_space<hbm>>
        tpu.enqueue_dma source(%dma_start3A_354 : memref<8x128xi32, #tpu.memory_space<hbm>>) target(%dma_start3A_352 : memref<8x128xi32, #tpu.memory_space<vmem>>) target_semaphore(%run_scoped3A_342 : memref<!tpu.dma_semaphore, #tpu.memory_space<semaphore_mem>>)
        %dma_wait3A_355 = arith.constant 0 : i32
        %dma_wait3A_356 = arith.constant 0 : i32
        %dma_wait3A_357 = tpu.memref_slice %arg8[%run_scoped3A_21, %dma_wait3A_355, %dma_wait3A_356] : memref<2x8x128xi32, #tpu.memory_space<vmem>> -> memref<1x8x128xi32, #tpu.memory_space<vmem>>
        %dma_wait3A_358 = tpu.memref_squeeze %dma_wait3A_357 : memref<1x8x128xi32, #tpu.memory_space<vmem>> -> memref<8x128xi32, #tpu.memory_space<vmem>>
        %dma_wait3A_359 = arith.constant 0 : i32
        %dma_wait3A_360 = tpu.memref_slice %arg4[%select_n3A_8, %dma_wait3A_359] : memref<2560x128xi32, #tpu.memory_space<hbm>> -> memref<8x128xi32, #tpu.memory_space<hbm>>
        %dma_wait3A_361 = arith.constant 0 : i32
        %dma_wait3A_362 = arith.constant 0 : i32
        %dma_wait3A_363 = tpu.memref_slice %arg8[%run_scoped3A_21, %dma_wait3A_361, %dma_wait3A_362] : memref<2x8x128xi32, #tpu.memory_space<vmem>> -> memref<1x8x128xi32, #tpu.memory_space<vmem>>
        %dma_wait3A_364 = tpu.memref_squeeze %dma_wait3A_363 : memref<1x8x128xi32, #tpu.memory_space<vmem>> -> memref<8x128xi32, #tpu.memory_space<vmem>>
        %dma_wait3A_365 = arith.constant 0 : i32
        %dma_wait3A_366 = tpu.memref_slice %arg4[%select_n3A_8, %dma_wait3A_365] : memref<2560x128xi32, #tpu.memory_space<hbm>> -> memref<8x128xi32, #tpu.memory_space<hbm>>
        tpu.wait_dma2 semaphore(%run_scoped3A_342 : memref<!tpu.dma_semaphore, #tpu.memory_space<semaphore_mem>>) src(%dma_wait3A_366 : memref<8x128xi32, #tpu.memory_space<hbm>>) dst(%dma_wait3A_364 : memref<8x128xi32, #tpu.memory_space<vmem>>)
        tpu.yield
      }) : () -> ()
      %add3A_22 = arith.constant 8 : i32
      %add3A_23 = arith.addi %select_n3A_8, %add3A_22 : i32
      %dma_start3A = arith.constant 1 : i32
      %dma_start3A_24 = arith.constant 0 : i32
      %dma_start3A_25 = arith.constant 0 : i32
      %dma_start3A_26 = tpu.memref_slice %arg7[%dma_start3A, %dma_start3A_24, %dma_start3A_25] : memref<2x8x128xi32, #tpu.memory_space<vmem>> -> memref<1x8x128xi32, #tpu.memory_space<vmem>>
      %dma_start3A_27 = tpu.memref_squeeze %dma_start3A_26 : memref<1x8x128xi32, #tpu.memory_space<vmem>> -> memref<8x128xi32, #tpu.memory_space<vmem>>
      %dma_start3A_28 = arith.constant 0 : i32
      %dma_start3A_29 = tpu.memref_slice %arg3[%add3A_23, %dma_start3A_28] : memref<2560x128xi32, #tpu.memory_space<hbm>> -> memref<8x128xi32, #tpu.memory_space<hbm>>
      %dma_start3A_30 = arith.constant 0 : i32
      %dma_start3A_31 = arith.constant 0 : i32
      %dma_start3A_32 = tpu.memref_slice %arg7[%dma_start3A, %dma_start3A_30, %dma_start3A_31] : memref<2x8x128xi32, #tpu.memory_space<vmem>> -> memref<1x8x128xi32, #tpu.memory_space<vmem>>
      %dma_start3A_33 = tpu.memref_squeeze %dma_start3A_32 : memref<1x8x128xi32, #tpu.memory_space<vmem>> -> memref<8x128xi32, #tpu.memory_space<vmem>>
      %dma_start3A_34 = arith.constant 0 : i32
      %dma_start3A_35 = tpu.memref_slice %arg3[%add3A_23, %dma_start3A_34] : memref<2560x128xi32, #tpu.memory_space<hbm>> -> memref<8x128xi32, #tpu.memory_space<hbm>>
      tpu.enqueue_dma source(%dma_start3A_35 : memref<8x128xi32, #tpu.memory_space<hbm>>) target(%dma_start3A_33 : memref<8x128xi32, #tpu.memory_space<vmem>>) target_semaphore(%arg15 : memref<!tpu.dma_semaphore, #tpu.memory_space<semaphore_mem>>)
      %add3A_36 = arith.constant 8 : i32
      %add3A_37 = arith.addi %select_n3A_8, %add3A_36 : i32
      %dma_start3A_38 = arith.constant 1 : i32
      %dma_start3A_39 = arith.constant 0 : i32
      %dma_start3A_40 = arith.constant 0 : i32
      %dma_start3A_41 = tpu.memref_slice %arg8[%dma_start3A_38, %dma_start3A_39, %dma_start3A_40] : memref<2x8x128xi32, #tpu.memory_space<vmem>> -> memref<1x8x128xi32, #tpu.memory_space<vmem>>
      %dma_start3A_42 = tpu.memref_squeeze %dma_start3A_41 : memref<1x8x128xi32, #tpu.memory_space<vmem>> -> memref<8x128xi32, #tpu.memory_space<vmem>>
      %dma_start3A_43 = arith.constant 0 : i32
      %dma_start3A_44 = tpu.memref_slice %arg4[%add3A_37, %dma_start3A_43] : memref<2560x128xi32, #tpu.memory_space<hbm>> -> memref<8x128xi32, #tpu.memory_space<hbm>>
      %dma_start3A_45 = arith.constant 0 : i32
      %dma_start3A_46 = arith.constant 0 : i32
      %dma_start3A_47 = tpu.memref_slice %arg8[%dma_start3A_38, %dma_start3A_45, %dma_start3A_46] : memref<2x8x128xi32, #tpu.memory_space<vmem>> -> memref<1x8x128xi32, #tpu.memory_space<vmem>>
      %dma_start3A_48 = tpu.memref_squeeze %dma_start3A_47 : memref<1x8x128xi32, #tpu.memory_space<vmem>> -> memref<8x128xi32, #tpu.memory_space<vmem>>
      %dma_start3A_49 = arith.constant 0 : i32
      %dma_start3A_50 = tpu.memref_slice %arg4[%add3A_37, %dma_start3A_49] : memref<2560x128xi32, #tpu.memory_space<hbm>> -> memref<8x128xi32, #tpu.memory_space<hbm>>
      tpu.enqueue_dma source(%dma_start3A_50 : memref<8x128xi32, #tpu.memory_space<hbm>>) target(%dma_start3A_48 : memref<8x128xi32, #tpu.memory_space<vmem>>) target_semaphore(%arg16 : memref<!tpu.dma_semaphore, #tpu.memory_space<semaphore_mem>>)
      %dma_start3A_51 = arith.constant 0 : i32
      %dma_start3A_52 = arith.constant 0 : i32
      %dma_start3A_53 = arith.constant 0 : i32
      %dma_start3A_54 = tpu.memref_slice %arg7[%dma_start3A_51, %dma_start3A_52, %dma_start3A_53] : memref<2x8x128xi32, #tpu.memory_space<vmem>> -> memref<1x1x128xi32, #tpu.memory_space<vmem>>
      %dma_start3A_55 = tpu.memref_squeeze %dma_start3A_54 : memref<1x1x128xi32, #tpu.memory_space<vmem>> -> memref<128xi32, #tpu.memory_space<vmem>>
      %dma_start3A_56 = arith.constant 0 : i32
      %dma_start3A_57 = arith.constant 0 : i32
      %dma_start3A_58 = tpu.memref_slice %arg2[%dma_start3A_56, %dma_start3A_57] : memref<10000x128xf32, #tpu.memory_space<hbm>> -> memref<10000x128xf32, #tpu.memory_space<hbm>>
      tpu.enqueue_indirect_dma source(%dma_start3A_58 : memref<10000x128xf32, #tpu.memory_space<hbm>>) target(%arg9 : memref<128x128xf32, #tpu.memory_space<vmem>>) offsets(%dma_start3A_55 : memref<128xi32, #tpu.memory_space<vmem>>) semaphore(%arg11 : memref<!tpu.dma_semaphore, #tpu.memory_space<semaphore_mem>>)
      %dma_start3A_59 = arith.constant 0 : i32
      %dma_start3A_60 = arith.constant 1 : i32
      %dma_start3A_61 = arith.constant 0 : i32
      %dma_start3A_62 = tpu.memref_slice %arg7[%dma_start3A_59, %dma_start3A_60, %dma_start3A_61] : memref<2x8x128xi32, #tpu.memory_space<vmem>> -> memref<1x1x128xi32, #tpu.memory_space<vmem>>
      %dma_start3A_63 = tpu.memref_squeeze %dma_start3A_62 : memref<1x1x128xi32, #tpu.memory_space<vmem>> -> memref<128xi32, #tpu.memory_space<vmem>>
      %dma_start3A_64 = arith.constant 0 : i32
      %dma_start3A_65 = arith.constant 0 : i32
      %dma_start3A_66 = tpu.memref_slice %arg2[%dma_start3A_64, %dma_start3A_65] : memref<10000x128xf32, #tpu.memory_space<hbm>> -> memref<10000x128xf32, #tpu.memory_space<hbm>>
      tpu.enqueue_indirect_dma source(%dma_start3A_66 : memref<10000x128xf32, #tpu.memory_space<hbm>>) target(%arg10 : memref<128x128xf32, #tpu.memory_space<vmem>>) offsets(%dma_start3A_63 : memref<128xi32, #tpu.memory_space<vmem>>) semaphore(%arg12 : memref<!tpu.dma_semaphore, #tpu.memory_space<semaphore_mem>>)
      %sub3A = arith.constant 1 : i32
      %sub3A_67 = arith.subi %select_n3A, %sub3A : i32
      %while3A = arith.constant 0 : i32
      %while3A_68 = arith.constant 0 : i32
      %while3A_69 = arith.subi %sub3A_67, %while3A_68 : i32
      %while3A_70 = arith.addi %while3A_68, %while3A_69 : i32
      %while3A_71 = arith.constant 1 : i32
      %while3A_72 = arith.divsi %while3A_69, %while3A_71 : i32
      %while3A_73 = arith.muli %while3A_72, %while3A_71 : i32
      %while3A_74 = arith.addi %while3A_68, %while3A_73 : i32
      %while3A_75 = arith.constant 1 : i32
      scf.for %while3A_342 = %while3A_68 to %while3A_74 step %while3A_75  : i32 {
        %rem3A = arith.constant 2 : i32
        %rem3A_343 = arith.remsi %while3A_342, %rem3A : i32
        %dma_wait3A_344 = arith.constant 0 : i32
        %dma_wait3A_345 = arith.constant 0 : i32
        %dma_wait3A_346 = tpu.memref_slice %arg7[%rem3A_343, %dma_wait3A_344, %dma_wait3A_345] : memref<2x8x128xi32, #tpu.memory_space<vmem>> -> memref<1x1x128xi32, #tpu.memory_space<vmem>>
        %dma_wait3A_347 = tpu.memref_squeeze %dma_wait3A_346 : memref<1x1x128xi32, #tpu.memory_space<vmem>> -> memref<128xi32, #tpu.memory_space<vmem>>
        %dma_wait3A_348 = arith.constant 0 : i32
        %dma_wait3A_349 = arith.constant 0 : i32
        %dma_wait3A_350 = tpu.memref_slice %arg2[%dma_wait3A_348, %dma_wait3A_349] : memref<10000x128xf32, #tpu.memory_space<hbm>> -> memref<10000x128xf32, #tpu.memory_space<hbm>>
        tpu.wait_indirect_dma semaphore(%arg11 : memref<!tpu.dma_semaphore, #tpu.memory_space<semaphore_mem>>) src(%dma_wait3A_350 : memref<10000x128xf32, #tpu.memory_space<hbm>>) dst(%arg9 : memref<128x128xf32, #tpu.memory_space<vmem>>)
        %dma_start3A_351 = arith.constant 0 : i32
        %dma_start3A_352 = arith.constant 0 : i32
        %dma_start3A_353 = tpu.memref_slice %arg8[%rem3A_343, %dma_start3A_351, %dma_start3A_352] : memref<2x8x128xi32, #tpu.memory_space<vmem>> -> memref<1x1x128xi32, #tpu.memory_space<vmem>>
        %dma_start3A_354 = tpu.memref_squeeze %dma_start3A_353 : memref<1x1x128xi32, #tpu.memory_space<vmem>> -> memref<128xi32, #tpu.memory_space<vmem>>
        %dma_start3A_355 = arith.constant 0 : i32
        %dma_start3A_356 = arith.constant 0 : i32
        %dma_start3A_357 = tpu.memref_slice %arg17[%dma_start3A_355, %dma_start3A_356] : memref<10112x128xf32, #tpu.memory_space<vmem_shared>> -> memref<10112x128xf32, #tpu.memory_space<vmem_shared>>
        tpu.enqueue_indirect_dma source(%arg9 : memref<128x128xf32, #tpu.memory_space<vmem>>) target(%dma_start3A_357 : memref<10112x128xf32, #tpu.memory_space<vmem_shared>>) offsets(%dma_start3A_354 : memref<128xi32, #tpu.memory_space<vmem>>) semaphore(%arg13 : memref<!tpu.dma_semaphore, #tpu.memory_space<semaphore_mem>>) {add = true}
        %dma_wait3A_358 = arith.constant 1 : i32
        %dma_wait3A_359 = arith.constant 0 : i32
        %dma_wait3A_360 = tpu.memref_slice %arg7[%rem3A_343, %dma_wait3A_358, %dma_wait3A_359] : memref<2x8x128xi32, #tpu.memory_space<vmem>> -> memref<1x1x128xi32, #tpu.memory_space<vmem>>
        %dma_wait3A_361 = tpu.memref_squeeze %dma_wait3A_360 : memref<1x1x128xi32, #tpu.memory_space<vmem>> -> memref<128xi32, #tpu.memory_space<vmem>>
        %dma_wait3A_362 = arith.constant 0 : i32
        %dma_wait3A_363 = arith.constant 0 : i32
        %dma_wait3A_364 = tpu.memref_slice %arg2[%dma_wait3A_362, %dma_wait3A_363] : memref<10000x128xf32, #tpu.memory_space<hbm>> -> memref<10000x128xf32, #tpu.memory_space<hbm>>
        tpu.wait_indirect_dma semaphore(%arg12 : memref<!tpu.dma_semaphore, #tpu.memory_space<semaphore_mem>>) src(%dma_wait3A_364 : memref<10000x128xf32, #tpu.memory_space<hbm>>) dst(%arg10 : memref<128x128xf32, #tpu.memory_space<vmem>>)
        %dma_start3A_365 = arith.constant 1 : i32
        %dma_start3A_366 = arith.constant 0 : i32
        %dma_start3A_367 = tpu.memref_slice %arg8[%rem3A_343, %dma_start3A_365, %dma_start3A_366] : memref<2x8x128xi32, #tpu.memory_space<vmem>> -> memref<1x1x128xi32, #tpu.memory_space<vmem>>
        %dma_start3A_368 = tpu.memref_squeeze %dma_start3A_367 : memref<1x1x128xi32, #tpu.memory_space<vmem>> -> memref<128xi32, #tpu.memory_space<vmem>>
        %dma_start3A_369 = arith.constant 0 : i32
        %dma_start3A_370 = arith.constant 0 : i32
        %dma_start3A_371 = tpu.memref_slice %arg17[%dma_start3A_369, %dma_start3A_370] : memref<10112x128xf32, #tpu.memory_space<vmem_shared>> -> memref<10112x128xf32, #tpu.memory_space<vmem_shared>>
        tpu.enqueue_indirect_dma source(%arg10 : memref<128x128xf32, #tpu.memory_space<vmem>>) target(%dma_start3A_371 : memref<10112x128xf32, #tpu.memory_space<vmem_shared>>) offsets(%dma_start3A_368 : memref<128xi32, #tpu.memory_space<vmem>>) semaphore(%arg14 : memref<!tpu.dma_semaphore, #tpu.memory_space<semaphore_mem>>) {add = true}
        %dma_wait3A_372 = arith.constant 0 : i32
        %dma_wait3A_373 = arith.constant 0 : i32
        %dma_wait3A_374 = tpu.memref_slice %arg8[%rem3A_343, %dma_wait3A_372, %dma_wait3A_373] : memref<2x8x128xi32, #tpu.memory_space<vmem>> -> memref<1x1x128xi32, #tpu.memory_space<vmem>>
        %dma_wait3A_375 = tpu.memref_squeeze %dma_wait3A_374 : memref<1x1x128xi32, #tpu.memory_space<vmem>> -> memref<128xi32, #tpu.memory_space<vmem>>
        %dma_wait3A_376 = arith.constant 0 : i32
        %dma_wait3A_377 = arith.constant 0 : i32
        %dma_wait3A_378 = tpu.memref_slice %arg17[%dma_wait3A_376, %dma_wait3A_377] : memref<10112x128xf32, #tpu.memory_space<vmem_shared>> -> memref<10112x128xf32, #tpu.memory_space<vmem_shared>>
        tpu.wait_indirect_dma semaphore(%arg13 : memref<!tpu.dma_semaphore, #tpu.memory_space<semaphore_mem>>) src(%arg9 : memref<128x128xf32, #tpu.memory_space<vmem>>) dst(%dma_wait3A_378 : memref<10112x128xf32, #tpu.memory_space<vmem_shared>>)
        %dma_start3A_379 = arith.constant 2 : i32
        %dma_start3A_380 = arith.constant 0 : i32
        %dma_start3A_381 = tpu.memref_slice %arg7[%rem3A_343, %dma_start3A_379, %dma_start3A_380] : memref<2x8x128xi32, #tpu.memory_space<vmem>> -> memref<1x1x128xi32, #tpu.memory_space<vmem>>
        %dma_start3A_382 = tpu.memref_squeeze %dma_start3A_381 : memref<1x1x128xi32, #tpu.memory_space<vmem>> -> memref<128xi32, #tpu.memory_space<vmem>>
        %dma_start3A_383 = arith.constant 0 : i32
        %dma_start3A_384 = arith.constant 0 : i32
        %dma_start3A_385 = tpu.memref_slice %arg2[%dma_start3A_383, %dma_start3A_384] : memref<10000x128xf32, #tpu.memory_space<hbm>> -> memref<10000x128xf32, #tpu.memory_space<hbm>>
        tpu.enqueue_indirect_dma source(%dma_start3A_385 : memref<10000x128xf32, #tpu.memory_space<hbm>>) target(%arg9 : memref<128x128xf32, #tpu.memory_space<vmem>>) offsets(%dma_start3A_382 : memref<128xi32, #tpu.memory_space<vmem>>) semaphore(%arg11 : memref<!tpu.dma_semaphore, #tpu.memory_space<semaphore_mem>>)
        %dma_wait3A_386 = arith.constant 1 : i32
        %dma_wait3A_387 = arith.constant 0 : i32
        %dma_wait3A_388 = tpu.memref_slice %arg8[%rem3A_343, %dma_wait3A_386, %dma_wait3A_387] : memref<2x8x128xi32, #tpu.memory_space<vmem>> -> memref<1x1x128xi32, #tpu.memory_space<vmem>>
        %dma_wait3A_389 = tpu.memref_squeeze %dma_wait3A_388 : memref<1x1x128xi32, #tpu.memory_space<vmem>> -> memref<128xi32, #tpu.memory_space<vmem>>
        %dma_wait3A_390 = arith.constant 0 : i32
        %dma_wait3A_391 = arith.constant 0 : i32
        %dma_wait3A_392 = tpu.memref_slice %arg17[%dma_wait3A_390, %dma_wait3A_391] : memref<10112x128xf32, #tpu.memory_space<vmem_shared>> -> memref<10112x128xf32, #tpu.memory_space<vmem_shared>>
        tpu.wait_indirect_dma semaphore(%arg14 : memref<!tpu.dma_semaphore, #tpu.memory_space<semaphore_mem>>) src(%arg10 : memref<128x128xf32, #tpu.memory_space<vmem>>) dst(%dma_wait3A_392 : memref<10112x128xf32, #tpu.memory_space<vmem_shared>>)
        %dma_start3A_393 = arith.constant 3 : i32
        %dma_start3A_394 = arith.constant 0 : i32
        %dma_start3A_395 = tpu.memref_slice %arg7[%rem3A_343, %dma_start3A_393, %dma_start3A_394] : memref<2x8x128xi32, #tpu.memory_space<vmem>> -> memref<1x1x128xi32, #tpu.memory_space<vmem>>
        %dma_start3A_396 = tpu.memref_squeeze %dma_start3A_395 : memref<1x1x128xi32, #tpu.memory_space<vmem>> -> memref<128xi32, #tpu.memory_space<vmem>>
        %dma_start3A_397 = arith.constant 0 : i32
        %dma_start3A_398 = arith.constant 0 : i32
        %dma_start3A_399 = tpu.memref_slice %arg2[%dma_start3A_397, %dma_start3A_398] : memref<10000x128xf32, #tpu.memory_space<hbm>> -> memref<10000x128xf32, #tpu.memory_space<hbm>>
        tpu.enqueue_indirect_dma source(%dma_start3A_399 : memref<10000x128xf32, #tpu.memory_space<hbm>>) target(%arg10 : memref<128x128xf32, #tpu.memory_space<vmem>>) offsets(%dma_start3A_396 : memref<128xi32, #tpu.memory_space<vmem>>) semaphore(%arg12 : memref<!tpu.dma_semaphore, #tpu.memory_space<semaphore_mem>>)
        %dma_wait3A_400 = arith.constant 2 : i32
        %dma_wait3A_401 = arith.constant 0 : i32
        %dma_wait3A_402 = tpu.memref_slice %arg7[%rem3A_343, %dma_wait3A_400, %dma_wait3A_401] : memref<2x8x128xi32, #tpu.memory_space<vmem>> -> memref<1x1x128xi32, #tpu.memory_space<vmem>>
        %dma_wait3A_403 = tpu.memref_squeeze %dma_wait3A_402 : memref<1x1x128xi32, #tpu.memory_space<vmem>> -> memref<128xi32, #tpu.memory_space<vmem>>
        %dma_wait3A_404 = arith.constant 0 : i32
        %dma_wait3A_405 = arith.constant 0 : i32
        %dma_wait3A_406 = tpu.memref_slice %arg2[%dma_wait3A_404, %dma_wait3A_405] : memref<10000x128xf32, #tpu.memory_space<hbm>> -> memref<10000x128xf32, #tpu.memory_space<hbm>>
        tpu.wait_indirect_dma semaphore(%arg11 : memref<!tpu.dma_semaphore, #tpu.memory_space<semaphore_mem>>) src(%dma_wait3A_406 : memref<10000x128xf32, #tpu.memory_space<hbm>>) dst(%arg9 : memref<128x128xf32, #tpu.memory_space<vmem>>)
        %dma_start3A_407 = arith.constant 2 : i32
        %dma_start3A_408 = arith.constant 0 : i32
        %dma_start3A_409 = tpu.memref_slice %arg8[%rem3A_343, %dma_start3A_407, %dma_start3A_408] : memref<2x8x128xi32, #tpu.memory_space<vmem>> -> memref<1x1x128xi32, #tpu.memory_space<vmem>>
        %dma_start3A_410 = tpu.memref_squeeze %dma_start3A_409 : memref<1x1x128xi32, #tpu.memory_space<vmem>> -> memref<128xi32, #tpu.memory_space<vmem>>
        %dma_start3A_411 = arith.constant 0 : i32
        %dma_start3A_412 = arith.constant 0 : i32
        %dma_start3A_413 = tpu.memref_slice %arg17[%dma_start3A_411, %dma_start3A_412] : memref<10112x128xf32, #tpu.memory_space<vmem_shared>> -> memref<10112x128xf32, #tpu.memory_space<vmem_shared>>
        tpu.enqueue_indirect_dma source(%arg9 : memref<128x128xf32, #tpu.memory_space<vmem>>) target(%dma_start3A_413 : memref<10112x128xf32, #tpu.memory_space<vmem_shared>>) offsets(%dma_start3A_410 : memref<128xi32, #tpu.memory_space<vmem>>) semaphore(%arg13 : memref<!tpu.dma_semaphore, #tpu.memory_space<semaphore_mem>>) {add = true}
        %dma_wait3A_414 = arith.constant 3 : i32
        %dma_wait3A_415 = arith.constant 0 : i32
        %dma_wait3A_416 = tpu.memref_slice %arg7[%rem3A_343, %dma_wait3A_414, %dma_wait3A_415] : memref<2x8x128xi32, #tpu.memory_space<vmem>> -> memref<1x1x128xi32, #tpu.memory_space<vmem>>
        %dma_wait3A_417 = tpu.memref_squeeze %dma_wait3A_416 : memref<1x1x128xi32, #tpu.memory_space<vmem>> -> memref<128xi32, #tpu.memory_space<vmem>>
        %dma_wait3A_418 = arith.constant 0 : i32
        %dma_wait3A_419 = arith.constant 0 : i32
        %dma_wait3A_420 = tpu.memref_slice %arg2[%dma_wait3A_418, %dma_wait3A_419] : memref<10000x128xf32, #tpu.memory_space<hbm>> -> memref<10000x128xf32, #tpu.memory_space<hbm>>
        tpu.wait_indirect_dma semaphore(%arg12 : memref<!tpu.dma_semaphore, #tpu.memory_space<semaphore_mem>>) src(%dma_wait3A_420 : memref<10000x128xf32, #tpu.memory_space<hbm>>) dst(%arg10 : memref<128x128xf32, #tpu.memory_space<vmem>>)
        %dma_start3A_421 = arith.constant 3 : i32
        %dma_start3A_422 = arith.constant 0 : i32
        %dma_start3A_423 = tpu.memref_slice %arg8[%rem3A_343, %dma_start3A_421, %dma_start3A_422] : memref<2x8x128xi32, #tpu.memory_space<vmem>> -> memref<1x1x128xi32, #tpu.memory_space<vmem>>
        %dma_start3A_424 = tpu.memref_squeeze %dma_start3A_423 : memref<1x1x128xi32, #tpu.memory_space<vmem>> -> memref<128xi32, #tpu.memory_space<vmem>>
        %dma_start3A_425 = arith.constant 0 : i32
        %dma_start3A_426 = arith.constant 0 : i32
        %dma_start3A_427 = tpu.memref_slice %arg17[%dma_start3A_425, %dma_start3A_426] : memref<10112x128xf32, #tpu.memory_space<vmem_shared>> -> memref<10112x128xf32, #tpu.memory_space<vmem_shared>>
        tpu.enqueue_indirect_dma source(%arg10 : memref<128x128xf32, #tpu.memory_space<vmem>>) target(%dma_start3A_427 : memref<10112x128xf32, #tpu.memory_space<vmem_shared>>) offsets(%dma_start3A_424 : memref<128xi32, #tpu.memory_space<vmem>>) semaphore(%arg14 : memref<!tpu.dma_semaphore, #tpu.memory_space<semaphore_mem>>) {add = true}
        %dma_wait3A_428 = arith.constant 2 : i32
        %dma_wait3A_429 = arith.constant 0 : i32
        %dma_wait3A_430 = tpu.memref_slice %arg8[%rem3A_343, %dma_wait3A_428, %dma_wait3A_429] : memref<2x8x128xi32, #tpu.memory_space<vmem>> -> memref<1x1x128xi32, #tpu.memory_space<vmem>>
        %dma_wait3A_431 = tpu.memref_squeeze %dma_wait3A_430 : memref<1x1x128xi32, #tpu.memory_space<vmem>> -> memref<128xi32, #tpu.memory_space<vmem>>
        %dma_wait3A_432 = arith.constant 0 : i32
        %dma_wait3A_433 = arith.constant 0 : i32
        %dma_wait3A_434 = tpu.memref_slice %arg17[%dma_wait3A_432, %dma_wait3A_433] : memref<10112x128xf32, #tpu.memory_space<vmem_shared>> -> memref<10112x128xf32, #tpu.memory_space<vmem_shared>>
        tpu.wait_indirect_dma semaphore(%arg13 : memref<!tpu.dma_semaphore, #tpu.memory_space<semaphore_mem>>) src(%arg9 : memref<128x128xf32, #tpu.memory_space<vmem>>) dst(%dma_wait3A_434 : memref<10112x128xf32, #tpu.memory_space<vmem_shared>>)
        %dma_start3A_435 = arith.constant 4 : i32
        %dma_start3A_436 = arith.constant 0 : i32
        %dma_start3A_437 = tpu.memref_slice %arg7[%rem3A_343, %dma_start3A_435, %dma_start3A_436] : memref<2x8x128xi32, #tpu.memory_space<vmem>> -> memref<1x1x128xi32, #tpu.memory_space<vmem>>
        %dma_start3A_438 = tpu.memref_squeeze %dma_start3A_437 : memref<1x1x128xi32, #tpu.memory_space<vmem>> -> memref<128xi32, #tpu.memory_space<vmem>>
        %dma_start3A_439 = arith.constant 0 : i32
        %dma_start3A_440 = arith.constant 0 : i32
        %dma_start3A_441 = tpu.memref_slice %arg2[%dma_start3A_439, %dma_start3A_440] : memref<10000x128xf32, #tpu.memory_space<hbm>> -> memref<10000x128xf32, #tpu.memory_space<hbm>>
        tpu.enqueue_indirect_dma source(%dma_start3A_441 : memref<10000x128xf32, #tpu.memory_space<hbm>>) target(%arg9 : memref<128x128xf32, #tpu.memory_space<vmem>>) offsets(%dma_start3A_438 : memref<128xi32, #tpu.memory_space<vmem>>) semaphore(%arg11 : memref<!tpu.dma_semaphore, #tpu.memory_space<semaphore_mem>>)
        %dma_wait3A_442 = arith.constant 3 : i32
        %dma_wait3A_443 = arith.constant 0 : i32
        %dma_wait3A_444 = tpu.memref_slice %arg8[%rem3A_343, %dma_wait3A_442, %dma_wait3A_443] : memref<2x8x128xi32, #tpu.memory_space<vmem>> -> memref<1x1x128xi32, #tpu.memory_space<vmem>>
        %dma_wait3A_445 = tpu.memref_squeeze %dma_wait3A_444 : memref<1x1x128xi32, #tpu.memory_space<vmem>> -> memref<128xi32, #tpu.memory_space<vmem>>
        %dma_wait3A_446 = arith.constant 0 : i32
        %dma_wait3A_447 = arith.constant 0 : i32
        %dma_wait3A_448 = tpu.memref_slice %arg17[%dma_wait3A_446, %dma_wait3A_447] : memref<10112x128xf32, #tpu.memory_space<vmem_shared>> -> memref<10112x128xf32, #tpu.memory_space<vmem_shared>>
        tpu.wait_indirect_dma semaphore(%arg14 : memref<!tpu.dma_semaphore, #tpu.memory_space<semaphore_mem>>) src(%arg10 : memref<128x128xf32, #tpu.memory_space<vmem>>) dst(%dma_wait3A_448 : memref<10112x128xf32, #tpu.memory_space<vmem_shared>>)
        %dma_start3A_449 = arith.constant 5 : i32
        %dma_start3A_450 = arith.constant 0 : i32
        %dma_start3A_451 = tpu.memref_slice %arg7[%rem3A_343, %dma_start3A_449, %dma_start3A_450] : memref<2x8x128xi32, #tpu.memory_space<vmem>> -> memref<1x1x128xi32, #tpu.memory_space<vmem>>
        %dma_start3A_452 = tpu.memref_squeeze %dma_start3A_451 : memref<1x1x128xi32, #tpu.memory_space<vmem>> -> memref<128xi32, #tpu.memory_space<vmem>>
        %dma_start3A_453 = arith.constant 0 : i32
        %dma_start3A_454 = arith.constant 0 : i32
        %dma_start3A_455 = tpu.memref_slice %arg2[%dma_start3A_453, %dma_start3A_454] : memref<10000x128xf32, #tpu.memory_space<hbm>> -> memref<10000x128xf32, #tpu.memory_space<hbm>>
        tpu.enqueue_indirect_dma source(%dma_start3A_455 : memref<10000x128xf32, #tpu.memory_space<hbm>>) target(%arg10 : memref<128x128xf32, #tpu.memory_space<vmem>>) offsets(%dma_start3A_452 : memref<128xi32, #tpu.memory_space<vmem>>) semaphore(%arg12 : memref<!tpu.dma_semaphore, #tpu.memory_space<semaphore_mem>>)
        %dma_wait3A_456 = arith.constant 4 : i32
        %dma_wait3A_457 = arith.constant 0 : i32
        %dma_wait3A_458 = tpu.memref_slice %arg7[%rem3A_343, %dma_wait3A_456, %dma_wait3A_457] : memref<2x8x128xi32, #tpu.memory_space<vmem>> -> memref<1x1x128xi32, #tpu.memory_space<vmem>>
        %dma_wait3A_459 = tpu.memref_squeeze %dma_wait3A_458 : memref<1x1x128xi32, #tpu.memory_space<vmem>> -> memref<128xi32, #tpu.memory_space<vmem>>
        %dma_wait3A_460 = arith.constant 0 : i32
        %dma_wait3A_461 = arith.constant 0 : i32
        %dma_wait3A_462 = tpu.memref_slice %arg2[%dma_wait3A_460, %dma_wait3A_461] : memref<10000x128xf32, #tpu.memory_space<hbm>> -> memref<10000x128xf32, #tpu.memory_space<hbm>>
        tpu.wait_indirect_dma semaphore(%arg11 : memref<!tpu.dma_semaphore, #tpu.memory_space<semaphore_mem>>) src(%dma_wait3A_462 : memref<10000x128xf32, #tpu.memory_space<hbm>>) dst(%arg9 : memref<128x128xf32, #tpu.memory_space<vmem>>)
        %dma_start3A_463 = arith.constant 4 : i32
        %dma_start3A_464 = arith.constant 0 : i32
        %dma_start3A_465 = tpu.memref_slice %arg8[%rem3A_343, %dma_start3A_463, %dma_start3A_464] : memref<2x8x128xi32, #tpu.memory_space<vmem>> -> memref<1x1x128xi32, #tpu.memory_space<vmem>>
        %dma_start3A_466 = tpu.memref_squeeze %dma_start3A_465 : memref<1x1x128xi32, #tpu.memory_space<vmem>> -> memref<128xi32, #tpu.memory_space<vmem>>
        %dma_start3A_467 = arith.constant 0 : i32
        %dma_start3A_468 = arith.constant 0 : i32
        %dma_start3A_469 = tpu.memref_slice %arg17[%dma_start3A_467, %dma_start3A_468] : memref<10112x128xf32, #tpu.memory_space<vmem_shared>> -> memref<10112x128xf32, #tpu.memory_space<vmem_shared>>
        tpu.enqueue_indirect_dma source(%arg9 : memref<128x128xf32, #tpu.memory_space<vmem>>) target(%dma_start3A_469 : memref<10112x128xf32, #tpu.memory_space<vmem_shared>>) offsets(%dma_start3A_466 : memref<128xi32, #tpu.memory_space<vmem>>) semaphore(%arg13 : memref<!tpu.dma_semaphore, #tpu.memory_space<semaphore_mem>>) {add = true}
        %dma_wait3A_470 = arith.constant 5 : i32
        %dma_wait3A_471 = arith.constant 0 : i32
        %dma_wait3A_472 = tpu.memref_slice %arg7[%rem3A_343, %dma_wait3A_470, %dma_wait3A_471] : memref<2x8x128xi32, #tpu.memory_space<vmem>> -> memref<1x1x128xi32, #tpu.memory_space<vmem>>
        %dma_wait3A_473 = tpu.memref_squeeze %dma_wait3A_472 : memref<1x1x128xi32, #tpu.memory_space<vmem>> -> memref<128xi32, #tpu.memory_space<vmem>>
        %dma_wait3A_474 = arith.constant 0 : i32
        %dma_wait3A_475 = arith.constant 0 : i32
        %dma_wait3A_476 = tpu.memref_slice %arg2[%dma_wait3A_474, %dma_wait3A_475] : memref<10000x128xf32, #tpu.memory_space<hbm>> -> memref<10000x128xf32, #tpu.memory_space<hbm>>
        tpu.wait_indirect_dma semaphore(%arg12 : memref<!tpu.dma_semaphore, #tpu.memory_space<semaphore_mem>>) src(%dma_wait3A_476 : memref<10000x128xf32, #tpu.memory_space<hbm>>) dst(%arg10 : memref<128x128xf32, #tpu.memory_space<vmem>>)
        %dma_start3A_477 = arith.constant 5 : i32
        %dma_start3A_478 = arith.constant 0 : i32
        %dma_start3A_479 = tpu.memref_slice %arg8[%rem3A_343, %dma_start3A_477, %dma_start3A_478] : memref<2x8x128xi32, #tpu.memory_space<vmem>> -> memref<1x1x128xi32, #tpu.memory_space<vmem>>
        %dma_start3A_480 = tpu.memref_squeeze %dma_start3A_479 : memref<1x1x128xi32, #tpu.memory_space<vmem>> -> memref<128xi32, #tpu.memory_space<vmem>>
        %dma_start3A_481 = arith.constant 0 : i32
        %dma_start3A_482 = arith.constant 0 : i32
        %dma_start3A_483 = tpu.memref_slice %arg17[%dma_start3A_481, %dma_start3A_482] : memref<10112x128xf32, #tpu.memory_space<vmem_shared>> -> memref<10112x128xf32, #tpu.memory_space<vmem_shared>>
        tpu.enqueue_indirect_dma source(%arg10 : memref<128x128xf32, #tpu.memory_space<vmem>>) target(%dma_start3A_483 : memref<10112x128xf32, #tpu.memory_space<vmem_shared>>) offsets(%dma_start3A_480 : memref<128xi32, #tpu.memory_space<vmem>>) semaphore(%arg14 : memref<!tpu.dma_semaphore, #tpu.memory_space<semaphore_mem>>) {add = true}
        %dma_wait3A_484 = arith.constant 4 : i32
        %dma_wait3A_485 = arith.constant 0 : i32
        %dma_wait3A_486 = tpu.memref_slice %arg8[%rem3A_343, %dma_wait3A_484, %dma_wait3A_485] : memref<2x8x128xi32, #tpu.memory_space<vmem>> -> memref<1x1x128xi32, #tpu.memory_space<vmem>>
        %dma_wait3A_487 = tpu.memref_squeeze %dma_wait3A_486 : memref<1x1x128xi32, #tpu.memory_space<vmem>> -> memref<128xi32, #tpu.memory_space<vmem>>
        %dma_wait3A_488 = arith.constant 0 : i32
        %dma_wait3A_489 = arith.constant 0 : i32
        %dma_wait3A_490 = tpu.memref_slice %arg17[%dma_wait3A_488, %dma_wait3A_489] : memref<10112x128xf32, #tpu.memory_space<vmem_shared>> -> memref<10112x128xf32, #tpu.memory_space<vmem_shared>>
        tpu.wait_indirect_dma semaphore(%arg13 : memref<!tpu.dma_semaphore, #tpu.memory_space<semaphore_mem>>) src(%arg9 : memref<128x128xf32, #tpu.memory_space<vmem>>) dst(%dma_wait3A_490 : memref<10112x128xf32, #tpu.memory_space<vmem_shared>>)
        %dma_start3A_491 = arith.constant 6 : i32
        %dma_start3A_492 = arith.constant 0 : i32
        %dma_start3A_493 = tpu.memref_slice %arg7[%rem3A_343, %dma_start3A_491, %dma_start3A_492] : memref<2x8x128xi32, #tpu.memory_space<vmem>> -> memref<1x1x128xi32, #tpu.memory_space<vmem>>
        %dma_start3A_494 = tpu.memref_squeeze %dma_start3A_493 : memref<1x1x128xi32, #tpu.memory_space<vmem>> -> memref<128xi32, #tpu.memory_space<vmem>>
        %dma_start3A_495 = arith.constant 0 : i32
        %dma_start3A_496 = arith.constant 0 : i32
        %dma_start3A_497 = tpu.memref_slice %arg2[%dma_start3A_495, %dma_start3A_496] : memref<10000x128xf32, #tpu.memory_space<hbm>> -> memref<10000x128xf32, #tpu.memory_space<hbm>>
        tpu.enqueue_indirect_dma source(%dma_start3A_497 : memref<10000x128xf32, #tpu.memory_space<hbm>>) target(%arg9 : memref<128x128xf32, #tpu.memory_space<vmem>>) offsets(%dma_start3A_494 : memref<128xi32, #tpu.memory_space<vmem>>) semaphore(%arg11 : memref<!tpu.dma_semaphore, #tpu.memory_space<semaphore_mem>>)
        %dma_wait3A_498 = arith.constant 5 : i32
        %dma_wait3A_499 = arith.constant 0 : i32
        %dma_wait3A_500 = tpu.memref_slice %arg8[%rem3A_343, %dma_wait3A_498, %dma_wait3A_499] : memref<2x8x128xi32, #tpu.memory_space<vmem>> -> memref<1x1x128xi32, #tpu.memory_space<vmem>>
        %dma_wait3A_501 = tpu.memref_squeeze %dma_wait3A_500 : memref<1x1x128xi32, #tpu.memory_space<vmem>> -> memref<128xi32, #tpu.memory_space<vmem>>
        %dma_wait3A_502 = arith.constant 0 : i32
        %dma_wait3A_503 = arith.constant 0 : i32
        %dma_wait3A_504 = tpu.memref_slice %arg17[%dma_wait3A_502, %dma_wait3A_503] : memref<10112x128xf32, #tpu.memory_space<vmem_shared>> -> memref<10112x128xf32, #tpu.memory_space<vmem_shared>>
        tpu.wait_indirect_dma semaphore(%arg14 : memref<!tpu.dma_semaphore, #tpu.memory_space<semaphore_mem>>) src(%arg10 : memref<128x128xf32, #tpu.memory_space<vmem>>) dst(%dma_wait3A_504 : memref<10112x128xf32, #tpu.memory_space<vmem_shared>>)
        %dma_start3A_505 = arith.constant 7 : i32
        %dma_start3A_506 = arith.constant 0 : i32
        %dma_start3A_507 = tpu.memref_slice %arg7[%rem3A_343, %dma_start3A_505, %dma_start3A_506] : memref<2x8x128xi32, #tpu.memory_space<vmem>> -> memref<1x1x128xi32, #tpu.memory_space<vmem>>
        %dma_start3A_508 = tpu.memref_squeeze %dma_start3A_507 : memref<1x1x128xi32, #tpu.memory_space<vmem>> -> memref<128xi32, #tpu.memory_space<vmem>>
        %dma_start3A_509 = arith.constant 0 : i32
        %dma_start3A_510 = arith.constant 0 : i32
        %dma_start3A_511 = tpu.memref_slice %arg2[%dma_start3A_509, %dma_start3A_510] : memref<10000x128xf32, #tpu.memory_space<hbm>> -> memref<10000x128xf32, #tpu.memory_space<hbm>>
        tpu.enqueue_indirect_dma source(%dma_start3A_511 : memref<10000x128xf32, #tpu.memory_space<hbm>>) target(%arg10 : memref<128x128xf32, #tpu.memory_space<vmem>>) offsets(%dma_start3A_508 : memref<128xi32, #tpu.memory_space<vmem>>) semaphore(%arg12 : memref<!tpu.dma_semaphore, #tpu.memory_space<semaphore_mem>>)
        %dma_wait3A_512 = arith.constant 6 : i32
        %dma_wait3A_513 = arith.constant 0 : i32
        %dma_wait3A_514 = tpu.memref_slice %arg7[%rem3A_343, %dma_wait3A_512, %dma_wait3A_513] : memref<2x8x128xi32, #tpu.memory_space<vmem>> -> memref<1x1x128xi32, #tpu.memory_space<vmem>>
        %dma_wait3A_515 = tpu.memref_squeeze %dma_wait3A_514 : memref<1x1x128xi32, #tpu.memory_space<vmem>> -> memref<128xi32, #tpu.memory_space<vmem>>
        %dma_wait3A_516 = arith.constant 0 : i32
        %dma_wait3A_517 = arith.constant 0 : i32
        %dma_wait3A_518 = tpu.memref_slice %arg2[%dma_wait3A_516, %dma_wait3A_517] : memref<10000x128xf32, #tpu.memory_space<hbm>> -> memref<10000x128xf32, #tpu.memory_space<hbm>>
        tpu.wait_indirect_dma semaphore(%arg11 : memref<!tpu.dma_semaphore, #tpu.memory_space<semaphore_mem>>) src(%dma_wait3A_518 : memref<10000x128xf32, #tpu.memory_space<hbm>>) dst(%arg9 : memref<128x128xf32, #tpu.memory_space<vmem>>)
        %dma_start3A_519 = arith.constant 6 : i32
        %dma_start3A_520 = arith.constant 0 : i32
        %dma_start3A_521 = tpu.memref_slice %arg8[%rem3A_343, %dma_start3A_519, %dma_start3A_520] : memref<2x8x128xi32, #tpu.memory_space<vmem>> -> memref<1x1x128xi32, #tpu.memory_space<vmem>>
        %dma_start3A_522 = tpu.memref_squeeze %dma_start3A_521 : memref<1x1x128xi32, #tpu.memory_space<vmem>> -> memref<128xi32, #tpu.memory_space<vmem>>
        %dma_start3A_523 = arith.constant 0 : i32
        %dma_start3A_524 = arith.constant 0 : i32
        %dma_start3A_525 = tpu.memref_slice %arg17[%dma_start3A_523, %dma_start3A_524] : memref<10112x128xf32, #tpu.memory_space<vmem_shared>> -> memref<10112x128xf32, #tpu.memory_space<vmem_shared>>
        tpu.enqueue_indirect_dma source(%arg9 : memref<128x128xf32, #tpu.memory_space<vmem>>) target(%dma_start3A_525 : memref<10112x128xf32, #tpu.memory_space<vmem_shared>>) offsets(%dma_start3A_522 : memref<128xi32, #tpu.memory_space<vmem>>) semaphore(%arg13 : memref<!tpu.dma_semaphore, #tpu.memory_space<semaphore_mem>>) {add = true}
        %dma_wait3A_526 = arith.constant 7 : i32
        %dma_wait3A_527 = arith.constant 0 : i32
        %dma_wait3A_528 = tpu.memref_slice %arg7[%rem3A_343, %dma_wait3A_526, %dma_wait3A_527] : memref<2x8x128xi32, #tpu.memory_space<vmem>> -> memref<1x1x128xi32, #tpu.memory_space<vmem>>
        %dma_wait3A_529 = tpu.memref_squeeze %dma_wait3A_528 : memref<1x1x128xi32, #tpu.memory_space<vmem>> -> memref<128xi32, #tpu.memory_space<vmem>>
        %dma_wait3A_530 = arith.constant 0 : i32
        %dma_wait3A_531 = arith.constant 0 : i32
        %dma_wait3A_532 = tpu.memref_slice %arg2[%dma_wait3A_530, %dma_wait3A_531] : memref<10000x128xf32, #tpu.memory_space<hbm>> -> memref<10000x128xf32, #tpu.memory_space<hbm>>
        tpu.wait_indirect_dma semaphore(%arg12 : memref<!tpu.dma_semaphore, #tpu.memory_space<semaphore_mem>>) src(%dma_wait3A_532 : memref<10000x128xf32, #tpu.memory_space<hbm>>) dst(%arg10 : memref<128x128xf32, #tpu.memory_space<vmem>>)
        %dma_start3A_533 = arith.constant 7 : i32
        %dma_start3A_534 = arith.constant 0 : i32
        %dma_start3A_535 = tpu.memref_slice %arg8[%rem3A_343, %dma_start3A_533, %dma_start3A_534] : memref<2x8x128xi32, #tpu.memory_space<vmem>> -> memref<1x1x128xi32, #tpu.memory_space<vmem>>
        %dma_start3A_536 = tpu.memref_squeeze %dma_start3A_535 : memref<1x1x128xi32, #tpu.memory_space<vmem>> -> memref<128xi32, #tpu.memory_space<vmem>>
        %dma_start3A_537 = arith.constant 0 : i32
        %dma_start3A_538 = arith.constant 0 : i32
        %dma_start3A_539 = tpu.memref_slice %arg17[%dma_start3A_537, %dma_start3A_538] : memref<10112x128xf32, #tpu.memory_space<vmem_shared>> -> memref<10112x128xf32, #tpu.memory_space<vmem_shared>>
        tpu.enqueue_indirect_dma source(%arg10 : memref<128x128xf32, #tpu.memory_space<vmem>>) target(%dma_start3A_539 : memref<10112x128xf32, #tpu.memory_space<vmem_shared>>) offsets(%dma_start3A_536 : memref<128xi32, #tpu.memory_space<vmem>>) semaphore(%arg14 : memref<!tpu.dma_semaphore, #tpu.memory_space<semaphore_mem>>) {add = true}
        %sub3A_540 = arith.constant 1 : i32
        %sub3A_541 = arith.subi %sub3A_540, %rem3A_343 : i32
        %dma_wait3A_542 = arith.constant 0 : i32
        %dma_wait3A_543 = arith.constant 0 : i32
        %dma_wait3A_544 = tpu.memref_slice %arg7[%sub3A_541, %dma_wait3A_542, %dma_wait3A_543] : memref<2x8x128xi32, #tpu.memory_space<vmem>> -> memref<1x8x128xi32, #tpu.memory_space<vmem>>
        %dma_wait3A_545 = tpu.memref_squeeze %dma_wait3A_544 : memref<1x8x128xi32, #tpu.memory_space<vmem>> -> memref<8x128xi32, #tpu.memory_space<vmem>>
        %dma_wait3A_546 = arith.constant 0 : i32
        %dma_wait3A_547 = tpu.memref_slice %arg3[%select_n3A_8, %dma_wait3A_546] : memref<2560x128xi32, #tpu.memory_space<hbm>> -> memref<8x128xi32, #tpu.memory_space<hbm>>
        %dma_wait3A_548 = arith.constant 0 : i32
        %dma_wait3A_549 = arith.constant 0 : i32
        %dma_wait3A_550 = tpu.memref_slice %arg7[%sub3A_541, %dma_wait3A_548, %dma_wait3A_549] : memref<2x8x128xi32, #tpu.memory_space<vmem>> -> memref<1x8x128xi32, #tpu.memory_space<vmem>>
        %dma_wait3A_551 = tpu.memref_squeeze %dma_wait3A_550 : memref<1x8x128xi32, #tpu.memory_space<vmem>> -> memref<8x128xi32, #tpu.memory_space<vmem>>
        %dma_wait3A_552 = arith.constant 0 : i32
        %dma_wait3A_553 = tpu.memref_slice %arg3[%select_n3A_8, %dma_wait3A_552] : memref<2560x128xi32, #tpu.memory_space<hbm>> -> memref<8x128xi32, #tpu.memory_space<hbm>>
        tpu.wait_dma2 semaphore(%arg15 : memref<!tpu.dma_semaphore, #tpu.memory_space<semaphore_mem>>) src(%dma_wait3A_553 : memref<8x128xi32, #tpu.memory_space<hbm>>) dst(%dma_wait3A_551 : memref<8x128xi32, #tpu.memory_space<vmem>>)
        %sub3A_554 = arith.constant 1 : i32
        %sub3A_555 = arith.subi %sub3A_554, %rem3A_343 : i32
        %dma_wait3A_556 = arith.constant 0 : i32
        %dma_wait3A_557 = arith.constant 0 : i32
        %dma_wait3A_558 = tpu.memref_slice %arg8[%sub3A_555, %dma_wait3A_556, %dma_wait3A_557] : memref<2x8x128xi32, #tpu.memory_space<vmem>> -> memref<1x8x128xi32, #tpu.memory_space<vmem>>
        %dma_wait3A_559 = tpu.memref_squeeze %dma_wait3A_558 : memref<1x8x128xi32, #tpu.memory_space<vmem>> -> memref<8x128xi32, #tpu.memory_space<vmem>>
        %dma_wait3A_560 = arith.constant 0 : i32
        %dma_wait3A_561 = tpu.memref_slice %arg4[%select_n3A_8, %dma_wait3A_560] : memref<2560x128xi32, #tpu.memory_space<hbm>> -> memref<8x128xi32, #tpu.memory_space<hbm>>
        %dma_wait3A_562 = arith.constant 0 : i32
        %dma_wait3A_563 = arith.constant 0 : i32
        %dma_wait3A_564 = tpu.memref_slice %arg8[%sub3A_555, %dma_wait3A_562, %dma_wait3A_563] : memref<2x8x128xi32, #tpu.memory_space<vmem>> -> memref<1x8x128xi32, #tpu.memory_space<vmem>>
        %dma_wait3A_565 = tpu.memref_squeeze %dma_wait3A_564 : memref<1x8x128xi32, #tpu.memory_space<vmem>> -> memref<8x128xi32, #tpu.memory_space<vmem>>
        %dma_wait3A_566 = arith.constant 0 : i32
        %dma_wait3A_567 = tpu.memref_slice %arg4[%select_n3A_8, %dma_wait3A_566] : memref<2560x128xi32, #tpu.memory_space<hbm>> -> memref<8x128xi32, #tpu.memory_space<hbm>>
        tpu.wait_dma2 semaphore(%arg16 : memref<!tpu.dma_semaphore, #tpu.memory_space<semaphore_mem>>) src(%dma_wait3A_567 : memref<8x128xi32, #tpu.memory_space<hbm>>) dst(%dma_wait3A_565 : memref<8x128xi32, #tpu.memory_space<vmem>>)
        %dma_wait3A_568 = arith.constant 6 : i32
        %dma_wait3A_569 = arith.constant 0 : i32
        %dma_wait3A_570 = tpu.memref_slice %arg8[%rem3A_343, %dma_wait3A_568, %dma_wait3A_569] : memref<2x8x128xi32, #tpu.memory_space<vmem>> -> memref<1x1x128xi32, #tpu.memory_space<vmem>>
        %dma_wait3A_571 = tpu.memref_squeeze %dma_wait3A_570 : memref<1x1x128xi32, #tpu.memory_space<vmem>> -> memref<128xi32, #tpu.memory_space<vmem>>
        %dma_wait3A_572 = arith.constant 0 : i32
        %dma_wait3A_573 = arith.constant 0 : i32
        %dma_wait3A_574 = tpu.memref_slice %arg17[%dma_wait3A_572, %dma_wait3A_573] : memref<10112x128xf32, #tpu.memory_space<vmem_shared>> -> memref<10112x128xf32, #tpu.memory_space<vmem_shared>>
        tpu.wait_indirect_dma semaphore(%arg13 : memref<!tpu.dma_semaphore, #tpu.memory_space<semaphore_mem>>) src(%arg9 : memref<128x128xf32, #tpu.memory_space<vmem>>) dst(%dma_wait3A_574 : memref<10112x128xf32, #tpu.memory_space<vmem_shared>>)
        %sub3A_575 = arith.constant 1 : i32
        %sub3A_576 = arith.subi %sub3A_575, %rem3A_343 : i32
        %dma_start3A_577 = arith.constant 0 : i32
        %dma_start3A_578 = arith.constant 0 : i32
        %dma_start3A_579 = tpu.memref_slice %arg7[%sub3A_576, %dma_start3A_577, %dma_start3A_578] : memref<2x8x128xi32, #tpu.memory_space<vmem>> -> memref<1x1x128xi32, #tpu.memory_space<vmem>>
        %dma_start3A_580 = tpu.memref_squeeze %dma_start3A_579 : memref<1x1x128xi32, #tpu.memory_space<vmem>> -> memref<128xi32, #tpu.memory_space<vmem>>
        %dma_start3A_581 = arith.constant 0 : i32
        %dma_start3A_582 = arith.constant 0 : i32
        %dma_start3A_583 = tpu.memref_slice %arg2[%dma_start3A_581, %dma_start3A_582] : memref<10000x128xf32, #tpu.memory_space<hbm>> -> memref<10000x128xf32, #tpu.memory_space<hbm>>
        tpu.enqueue_indirect_dma source(%dma_start3A_583 : memref<10000x128xf32, #tpu.memory_space<hbm>>) target(%arg9 : memref<128x128xf32, #tpu.memory_space<vmem>>) offsets(%dma_start3A_580 : memref<128xi32, #tpu.memory_space<vmem>>) semaphore(%arg11 : memref<!tpu.dma_semaphore, #tpu.memory_space<semaphore_mem>>)
        %dma_wait3A_584 = arith.constant 7 : i32
        %dma_wait3A_585 = arith.constant 0 : i32
        %dma_wait3A_586 = tpu.memref_slice %arg8[%rem3A_343, %dma_wait3A_584, %dma_wait3A_585] : memref<2x8x128xi32, #tpu.memory_space<vmem>> -> memref<1x1x128xi32, #tpu.memory_space<vmem>>
        %dma_wait3A_587 = tpu.memref_squeeze %dma_wait3A_586 : memref<1x1x128xi32, #tpu.memory_space<vmem>> -> memref<128xi32, #tpu.memory_space<vmem>>
        %dma_wait3A_588 = arith.constant 0 : i32
        %dma_wait3A_589 = arith.constant 0 : i32
        %dma_wait3A_590 = tpu.memref_slice %arg17[%dma_wait3A_588, %dma_wait3A_589] : memref<10112x128xf32, #tpu.memory_space<vmem_shared>> -> memref<10112x128xf32, #tpu.memory_space<vmem_shared>>
        tpu.wait_indirect_dma semaphore(%arg14 : memref<!tpu.dma_semaphore, #tpu.memory_space<semaphore_mem>>) src(%arg10 : memref<128x128xf32, #tpu.memory_space<vmem>>) dst(%dma_wait3A_590 : memref<10112x128xf32, #tpu.memory_space<vmem_shared>>)
        %sub3A_591 = arith.constant 1 : i32
        %sub3A_592 = arith.subi %sub3A_591, %rem3A_343 : i32
        %dma_start3A_593 = arith.constant 1 : i32
        %dma_start3A_594 = arith.constant 0 : i32
        %dma_start3A_595 = tpu.memref_slice %arg7[%sub3A_592, %dma_start3A_593, %dma_start3A_594] : memref<2x8x128xi32, #tpu.memory_space<vmem>> -> memref<1x1x128xi32, #tpu.memory_space<vmem>>
        %dma_start3A_596 = tpu.memref_squeeze %dma_start3A_595 : memref<1x1x128xi32, #tpu.memory_space<vmem>> -> memref<128xi32, #tpu.memory_space<vmem>>
        %dma_start3A_597 = arith.constant 0 : i32
        %dma_start3A_598 = arith.constant 0 : i32
        %dma_start3A_599 = tpu.memref_slice %arg2[%dma_start3A_597, %dma_start3A_598] : memref<10000x128xf32, #tpu.memory_space<hbm>> -> memref<10000x128xf32, #tpu.memory_space<hbm>>
        tpu.enqueue_indirect_dma source(%dma_start3A_599 : memref<10000x128xf32, #tpu.memory_space<hbm>>) target(%arg10 : memref<128x128xf32, #tpu.memory_space<vmem>>) offsets(%dma_start3A_596 : memref<128xi32, #tpu.memory_space<vmem>>) semaphore(%arg12 : memref<!tpu.dma_semaphore, #tpu.memory_space<semaphore_mem>>)
        %add3A_600 = arith.constant 2 : i32
        %add3A_601 = arith.addi %while3A_342, %add3A_600 : i32
        %sub3A_602 = arith.constant 1 : i32
        %sub3A_603 = arith.subi %select_n3A, %sub3A_602 : i32
        %min3A = arith.minsi %add3A_601, %sub3A_603 : i32
        %mul3A_604 = arith.constant 8 : i32
        %mul3A_605 = arith.muli %min3A, %mul3A_604 : i32
        %add3A_606 = arith.addi %select_n3A_8, %mul3A_605 : i32
        %dma_start3A_607 = arith.constant 0 : i32
        %dma_start3A_608 = arith.constant 0 : i32
        %dma_start3A_609 = tpu.memref_slice %arg7[%rem3A_343, %dma_start3A_607, %dma_start3A_608] : memref<2x8x128xi32, #tpu.memory_space<vmem>> -> memref<1x8x128xi32, #tpu.memory_space<vmem>>
        %dma_start3A_610 = tpu.memref_squeeze %dma_start3A_609 : memref<1x8x128xi32, #tpu.memory_space<vmem>> -> memref<8x128xi32, #tpu.memory_space<vmem>>
        %dma_start3A_611 = arith.constant 0 : i32
        %dma_start3A_612 = tpu.memref_slice %arg3[%add3A_606, %dma_start3A_611] : memref<2560x128xi32, #tpu.memory_space<hbm>> -> memref<8x128xi32, #tpu.memory_space<hbm>>
        %dma_start3A_613 = arith.constant 0 : i32
        %dma_start3A_614 = arith.constant 0 : i32
        %dma_start3A_615 = tpu.memref_slice %arg7[%rem3A_343, %dma_start3A_613, %dma_start3A_614] : memref<2x8x128xi32, #tpu.memory_space<vmem>> -> memref<1x8x128xi32, #tpu.memory_space<vmem>>
        %dma_start3A_616 = tpu.memref_squeeze %dma_start3A_615 : memref<1x8x128xi32, #tpu.memory_space<vmem>> -> memref<8x128xi32, #tpu.memory_space<vmem>>
        %dma_start3A_617 = arith.constant 0 : i32
        %dma_start3A_618 = tpu.memref_slice %arg3[%add3A_606, %dma_start3A_617] : memref<2560x128xi32, #tpu.memory_space<hbm>> -> memref<8x128xi32, #tpu.memory_space<hbm>>
        tpu.enqueue_dma source(%dma_start3A_618 : memref<8x128xi32, #tpu.memory_space<hbm>>) target(%dma_start3A_616 : memref<8x128xi32, #tpu.memory_space<vmem>>) target_semaphore(%arg15 : memref<!tpu.dma_semaphore, #tpu.memory_space<semaphore_mem>>)
        %dma_start3A_619 = arith.constant 0 : i32
        %dma_start3A_620 = arith.constant 0 : i32
        %dma_start3A_621 = tpu.memref_slice %arg8[%rem3A_343, %dma_start3A_619, %dma_start3A_620] : memref<2x8x128xi32, #tpu.memory_space<vmem>> -> memref<1x8x128xi32, #tpu.memory_space<vmem>>
        %dma_start3A_622 = tpu.memref_squeeze %dma_start3A_621 : memref<1x8x128xi32, #tpu.memory_space<vmem>> -> memref<8x128xi32, #tpu.memory_space<vmem>>
        %dma_start3A_623 = arith.constant 0 : i32
        %dma_start3A_624 = tpu.memref_slice %arg4[%add3A_606, %dma_start3A_623] : memref<2560x128xi32, #tpu.memory_space<hbm>> -> memref<8x128xi32, #tpu.memory_space<hbm>>
        %dma_start3A_625 = arith.constant 0 : i32
        %dma_start3A_626 = arith.constant 0 : i32
        %dma_start3A_627 = tpu.memref_slice %arg8[%rem3A_343, %dma_start3A_625, %dma_start3A_626] : memref<2x8x128xi32, #tpu.memory_space<vmem>> -> memref<1x8x128xi32, #tpu.memory_space<vmem>>
        %dma_start3A_628 = tpu.memref_squeeze %dma_start3A_627 : memref<1x8x128xi32, #tpu.memory_space<vmem>> -> memref<8x128xi32, #tpu.memory_space<vmem>>
        %dma_start3A_629 = arith.constant 0 : i32
        %dma_start3A_630 = tpu.memref_slice %arg4[%add3A_606, %dma_start3A_629] : memref<2560x128xi32, #tpu.memory_space<hbm>> -> memref<8x128xi32, #tpu.memory_space<hbm>>
        tpu.enqueue_dma source(%dma_start3A_630 : memref<8x128xi32, #tpu.memory_space<hbm>>) target(%dma_start3A_628 : memref<8x128xi32, #tpu.memory_space<vmem>>) target_semaphore(%arg16 : memref<!tpu.dma_semaphore, #tpu.memory_space<semaphore_mem>>)
      }
      %while3A_76 = arith.constant 1 : i32
      scf.for %while3A_342 = %while3A_74 to %while3A_70 step %while3A_76  : i32 {
        %rem3A = arith.constant 2 : i32
        %rem3A_343 = arith.remsi %while3A_342, %rem3A : i32
        %dma_wait3A_344 = arith.constant 0 : i32
        %dma_wait3A_345 = arith.constant 0 : i32
        %dma_wait3A_346 = tpu.memref_slice %arg7[%rem3A_343, %dma_wait3A_344, %dma_wait3A_345] : memref<2x8x128xi32, #tpu.memory_space<vmem>> -> memref<1x1x128xi32, #tpu.memory_space<vmem>>
        %dma_wait3A_347 = tpu.memref_squeeze %dma_wait3A_346 : memref<1x1x128xi32, #tpu.memory_space<vmem>> -> memref<128xi32, #tpu.memory_space<vmem>>
        %dma_wait3A_348 = arith.constant 0 : i32
        %dma_wait3A_349 = arith.constant 0 : i32
        %dma_wait3A_350 = tpu.memref_slice %arg2[%dma_wait3A_348, %dma_wait3A_349] : memref<10000x128xf32, #tpu.memory_space<hbm>> -> memref<10000x128xf32, #tpu.memory_space<hbm>>
        tpu.wait_indirect_dma semaphore(%arg11 : memref<!tpu.dma_semaphore, #tpu.memory_space<semaphore_mem>>) src(%dma_wait3A_350 : memref<10000x128xf32, #tpu.memory_space<hbm>>) dst(%arg9 : memref<128x128xf32, #tpu.memory_space<vmem>>)
        %dma_start3A_351 = arith.constant 0 : i32
        %dma_start3A_352 = arith.constant 0 : i32
        %dma_start3A_353 = tpu.memref_slice %arg8[%rem3A_343, %dma_start3A_351, %dma_start3A_352] : memref<2x8x128xi32, #tpu.memory_space<vmem>> -> memref<1x1x128xi32, #tpu.memory_space<vmem>>
        %dma_start3A_354 = tpu.memref_squeeze %dma_start3A_353 : memref<1x1x128xi32, #tpu.memory_space<vmem>> -> memref<128xi32, #tpu.memory_space<vmem>>
        %dma_start3A_355 = arith.constant 0 : i32
        %dma_start3A_356 = arith.constant 0 : i32
        %dma_start3A_357 = tpu.memref_slice %arg17[%dma_start3A_355, %dma_start3A_356] : memref<10112x128xf32, #tpu.memory_space<vmem_shared>> -> memref<10112x128xf32, #tpu.memory_space<vmem_shared>>
        tpu.enqueue_indirect_dma source(%arg9 : memref<128x128xf32, #tpu.memory_space<vmem>>) target(%dma_start3A_357 : memref<10112x128xf32, #tpu.memory_space<vmem_shared>>) offsets(%dma_start3A_354 : memref<128xi32, #tpu.memory_space<vmem>>) semaphore(%arg13 : memref<!tpu.dma_semaphore, #tpu.memory_space<semaphore_mem>>) {add = true}
        %dma_wait3A_358 = arith.constant 1 : i32
        %dma_wait3A_359 = arith.constant 0 : i32
        %dma_wait3A_360 = tpu.memref_slice %arg7[%rem3A_343, %dma_wait3A_358, %dma_wait3A_359] : memref<2x8x128xi32, #tpu.memory_space<vmem>> -> memref<1x1x128xi32, #tpu.memory_space<vmem>>
        %dma_wait3A_361 = tpu.memref_squeeze %dma_wait3A_360 : memref<1x1x128xi32, #tpu.memory_space<vmem>> -> memref<128xi32, #tpu.memory_space<vmem>>
        %dma_wait3A_362 = arith.constant 0 : i32
        %dma_wait3A_363 = arith.constant 0 : i32
        %dma_wait3A_364 = tpu.memref_slice %arg2[%dma_wait3A_362, %dma_wait3A_363] : memref<10000x128xf32, #tpu.memory_space<hbm>> -> memref<10000x128xf32, #tpu.memory_space<hbm>>
        tpu.wait_indirect_dma semaphore(%arg12 : memref<!tpu.dma_semaphore, #tpu.memory_space<semaphore_mem>>) src(%dma_wait3A_364 : memref<10000x128xf32, #tpu.memory_space<hbm>>) dst(%arg10 : memref<128x128xf32, #tpu.memory_space<vmem>>)
        %dma_start3A_365 = arith.constant 1 : i32
        %dma_start3A_366 = arith.constant 0 : i32
        %dma_start3A_367 = tpu.memref_slice %arg8[%rem3A_343, %dma_start3A_365, %dma_start3A_366] : memref<2x8x128xi32, #tpu.memory_space<vmem>> -> memref<1x1x128xi32, #tpu.memory_space<vmem>>
        %dma_start3A_368 = tpu.memref_squeeze %dma_start3A_367 : memref<1x1x128xi32, #tpu.memory_space<vmem>> -> memref<128xi32, #tpu.memory_space<vmem>>
        %dma_start3A_369 = arith.constant 0 : i32
        %dma_start3A_370 = arith.constant 0 : i32
        %dma_start3A_371 = tpu.memref_slice %arg17[%dma_start3A_369, %dma_start3A_370] : memref<10112x128xf32, #tpu.memory_space<vmem_shared>> -> memref<10112x128xf32, #tpu.memory_space<vmem_shared>>
        tpu.enqueue_indirect_dma source(%arg10 : memref<128x128xf32, #tpu.memory_space<vmem>>) target(%dma_start3A_371 : memref<10112x128xf32, #tpu.memory_space<vmem_shared>>) offsets(%dma_start3A_368 : memref<128xi32, #tpu.memory_space<vmem>>) semaphore(%arg14 : memref<!tpu.dma_semaphore, #tpu.memory_space<semaphore_mem>>) {add = true}
        %dma_wait3A_372 = arith.constant 0 : i32
        %dma_wait3A_373 = arith.constant 0 : i32
        %dma_wait3A_374 = tpu.memref_slice %arg8[%rem3A_343, %dma_wait3A_372, %dma_wait3A_373] : memref<2x8x128xi32, #tpu.memory_space<vmem>> -> memref<1x1x128xi32, #tpu.memory_space<vmem>>
        %dma_wait3A_375 = tpu.memref_squeeze %dma_wait3A_374 : memref<1x1x128xi32, #tpu.memory_space<vmem>> -> memref<128xi32, #tpu.memory_space<vmem>>
        %dma_wait3A_376 = arith.constant 0 : i32
        %dma_wait3A_377 = arith.constant 0 : i32
        %dma_wait3A_378 = tpu.memref_slice %arg17[%dma_wait3A_376, %dma_wait3A_377] : memref<10112x128xf32, #tpu.memory_space<vmem_shared>> -> memref<10112x128xf32, #tpu.memory_space<vmem_shared>>
        tpu.wait_indirect_dma semaphore(%arg13 : memref<!tpu.dma_semaphore, #tpu.memory_space<semaphore_mem>>) src(%arg9 : memref<128x128xf32, #tpu.memory_space<vmem>>) dst(%dma_wait3A_378 : memref<10112x128xf32, #tpu.memory_space<vmem_shared>>)
        %dma_start3A_379 = arith.constant 2 : i32
        %dma_start3A_380 = arith.constant 0 : i32
        %dma_start3A_381 = tpu.memref_slice %arg7[%rem3A_343, %dma_start3A_379, %dma_start3A_380] : memref<2x8x128xi32, #tpu.memory_space<vmem>> -> memref<1x1x128xi32, #tpu.memory_space<vmem>>
        %dma_start3A_382 = tpu.memref_squeeze %dma_start3A_381 : memref<1x1x128xi32, #tpu.memory_space<vmem>> -> memref<128xi32, #tpu.memory_space<vmem>>
        %dma_start3A_383 = arith.constant 0 : i32
        %dma_start3A_384 = arith.constant 0 : i32
        %dma_start3A_385 = tpu.memref_slice %arg2[%dma_start3A_383, %dma_start3A_384] : memref<10000x128xf32, #tpu.memory_space<hbm>> -> memref<10000x128xf32, #tpu.memory_space<hbm>>
        tpu.enqueue_indirect_dma source(%dma_start3A_385 : memref<10000x128xf32, #tpu.memory_space<hbm>>) target(%arg9 : memref<128x128xf32, #tpu.memory_space<vmem>>) offsets(%dma_start3A_382 : memref<128xi32, #tpu.memory_space<vmem>>) semaphore(%arg11 : memref<!tpu.dma_semaphore, #tpu.memory_space<semaphore_mem>>)
        %dma_wait3A_386 = arith.constant 1 : i32
        %dma_wait3A_387 = arith.constant 0 : i32
        %dma_wait3A_388 = tpu.memref_slice %arg8[%rem3A_343, %dma_wait3A_386, %dma_wait3A_387] : memref<2x8x128xi32, #tpu.memory_space<vmem>> -> memref<1x1x128xi32, #tpu.memory_space<vmem>>
        %dma_wait3A_389 = tpu.memref_squeeze %dma_wait3A_388 : memref<1x1x128xi32, #tpu.memory_space<vmem>> -> memref<128xi32, #tpu.memory_space<vmem>>
        %dma_wait3A_390 = arith.constant 0 : i32
        %dma_wait3A_391 = arith.constant 0 : i32
        %dma_wait3A_392 = tpu.memref_slice %arg17[%dma_wait3A_390, %dma_wait3A_391] : memref<10112x128xf32, #tpu.memory_space<vmem_shared>> -> memref<10112x128xf32, #tpu.memory_space<vmem_shared>>
        tpu.wait_indirect_dma semaphore(%arg14 : memref<!tpu.dma_semaphore, #tpu.memory_space<semaphore_mem>>) src(%arg10 : memref<128x128xf32, #tpu.memory_space<vmem>>) dst(%dma_wait3A_392 : memref<10112x128xf32, #tpu.memory_space<vmem_shared>>)
        %dma_start3A_393 = arith.constant 3 : i32
        %dma_start3A_394 = arith.constant 0 : i32
        %dma_start3A_395 = tpu.memref_slice %arg7[%rem3A_343, %dma_start3A_393, %dma_start3A_394] : memref<2x8x128xi32, #tpu.memory_space<vmem>> -> memref<1x1x128xi32, #tpu.memory_space<vmem>>
        %dma_start3A_396 = tpu.memref_squeeze %dma_start3A_395 : memref<1x1x128xi32, #tpu.memory_space<vmem>> -> memref<128xi32, #tpu.memory_space<vmem>>
        %dma_start3A_397 = arith.constant 0 : i32
        %dma_start3A_398 = arith.constant 0 : i32
        %dma_start3A_399 = tpu.memref_slice %arg2[%dma_start3A_397, %dma_start3A_398] : memref<10000x128xf32, #tpu.memory_space<hbm>> -> memref<10000x128xf32, #tpu.memory_space<hbm>>
        tpu.enqueue_indirect_dma source(%dma_start3A_399 : memref<10000x128xf32, #tpu.memory_space<hbm>>) target(%arg10 : memref<128x128xf32, #tpu.memory_space<vmem>>) offsets(%dma_start3A_396 : memref<128xi32, #tpu.memory_space<vmem>>) semaphore(%arg12 : memref<!tpu.dma_semaphore, #tpu.memory_space<semaphore_mem>>)
        %dma_wait3A_400 = arith.constant 2 : i32
        %dma_wait3A_401 = arith.constant 0 : i32
        %dma_wait3A_402 = tpu.memref_slice %arg7[%rem3A_343, %dma_wait3A_400, %dma_wait3A_401] : memref<2x8x128xi32, #tpu.memory_space<vmem>> -> memref<1x1x128xi32, #tpu.memory_space<vmem>>
        %dma_wait3A_403 = tpu.memref_squeeze %dma_wait3A_402 : memref<1x1x128xi32, #tpu.memory_space<vmem>> -> memref<128xi32, #tpu.memory_space<vmem>>
        %dma_wait3A_404 = arith.constant 0 : i32
        %dma_wait3A_405 = arith.constant 0 : i32
        %dma_wait3A_406 = tpu.memref_slice %arg2[%dma_wait3A_404, %dma_wait3A_405] : memref<10000x128xf32, #tpu.memory_space<hbm>> -> memref<10000x128xf32, #tpu.memory_space<hbm>>
        tpu.wait_indirect_dma semaphore(%arg11 : memref<!tpu.dma_semaphore, #tpu.memory_space<semaphore_mem>>) src(%dma_wait3A_406 : memref<10000x128xf32, #tpu.memory_space<hbm>>) dst(%arg9 : memref<128x128xf32, #tpu.memory_space<vmem>>)
        %dma_start3A_407 = arith.constant 2 : i32
        %dma_start3A_408 = arith.constant 0 : i32
        %dma_start3A_409 = tpu.memref_slice %arg8[%rem3A_343, %dma_start3A_407, %dma_start3A_408] : memref<2x8x128xi32, #tpu.memory_space<vmem>> -> memref<1x1x128xi32, #tpu.memory_space<vmem>>
        %dma_start3A_410 = tpu.memref_squeeze %dma_start3A_409 : memref<1x1x128xi32, #tpu.memory_space<vmem>> -> memref<128xi32, #tpu.memory_space<vmem>>
        %dma_start3A_411 = arith.constant 0 : i32
        %dma_start3A_412 = arith.constant 0 : i32
        %dma_start3A_413 = tpu.memref_slice %arg17[%dma_start3A_411, %dma_start3A_412] : memref<10112x128xf32, #tpu.memory_space<vmem_shared>> -> memref<10112x128xf32, #tpu.memory_space<vmem_shared>>
        tpu.enqueue_indirect_dma source(%arg9 : memref<128x128xf32, #tpu.memory_space<vmem>>) target(%dma_start3A_413 : memref<10112x128xf32, #tpu.memory_space<vmem_shared>>) offsets(%dma_start3A_410 : memref<128xi32, #tpu.memory_space<vmem>>) semaphore(%arg13 : memref<!tpu.dma_semaphore, #tpu.memory_space<semaphore_mem>>) {add = true}
        %dma_wait3A_414 = arith.constant 3 : i32
        %dma_wait3A_415 = arith.constant 0 : i32
        %dma_wait3A_416 = tpu.memref_slice %arg7[%rem3A_343, %dma_wait3A_414, %dma_wait3A_415] : memref<2x8x128xi32, #tpu.memory_space<vmem>> -> memref<1x1x128xi32, #tpu.memory_space<vmem>>
        %dma_wait3A_417 = tpu.memref_squeeze %dma_wait3A_416 : memref<1x1x128xi32, #tpu.memory_space<vmem>> -> memref<128xi32, #tpu.memory_space<vmem>>
        %dma_wait3A_418 = arith.constant 0 : i32
        %dma_wait3A_419 = arith.constant 0 : i32
        %dma_wait3A_420 = tpu.memref_slice %arg2[%dma_wait3A_418, %dma_wait3A_419] : memref<10000x128xf32, #tpu.memory_space<hbm>> -> memref<10000x128xf32, #tpu.memory_space<hbm>>
        tpu.wait_indirect_dma semaphore(%arg12 : memref<!tpu.dma_semaphore, #tpu.memory_space<semaphore_mem>>) src(%dma_wait3A_420 : memref<10000x128xf32, #tpu.memory_space<hbm>>) dst(%arg10 : memref<128x128xf32, #tpu.memory_space<vmem>>)
        %dma_start3A_421 = arith.constant 3 : i32
        %dma_start3A_422 = arith.constant 0 : i32
        %dma_start3A_423 = tpu.memref_slice %arg8[%rem3A_343, %dma_start3A_421, %dma_start3A_422] : memref<2x8x128xi32, #tpu.memory_space<vmem>> -> memref<1x1x128xi32, #tpu.memory_space<vmem>>
        %dma_start3A_424 = tpu.memref_squeeze %dma_start3A_423 : memref<1x1x128xi32, #tpu.memory_space<vmem>> -> memref<128xi32, #tpu.memory_space<vmem>>
        %dma_start3A_425 = arith.constant 0 : i32
        %dma_start3A_426 = arith.constant 0 : i32
        %dma_start3A_427 = tpu.memref_slice %arg17[%dma_start3A_425, %dma_start3A_426] : memref<10112x128xf32, #tpu.memory_space<vmem_shared>> -> memref<10112x128xf32, #tpu.memory_space<vmem_shared>>
        tpu.enqueue_indirect_dma source(%arg10 : memref<128x128xf32, #tpu.memory_space<vmem>>) target(%dma_start3A_427 : memref<10112x128xf32, #tpu.memory_space<vmem_shared>>) offsets(%dma_start3A_424 : memref<128xi32, #tpu.memory_space<vmem>>) semaphore(%arg14 : memref<!tpu.dma_semaphore, #tpu.memory_space<semaphore_mem>>) {add = true}
        %dma_wait3A_428 = arith.constant 2 : i32
        %dma_wait3A_429 = arith.constant 0 : i32
        %dma_wait3A_430 = tpu.memref_slice %arg8[%rem3A_343, %dma_wait3A_428, %dma_wait3A_429] : memref<2x8x128xi32, #tpu.memory_space<vmem>> -> memref<1x1x128xi32, #tpu.memory_space<vmem>>
        %dma_wait3A_431 = tpu.memref_squeeze %dma_wait3A_430 : memref<1x1x128xi32, #tpu.memory_space<vmem>> -> memref<128xi32, #tpu.memory_space<vmem>>
        %dma_wait3A_432 = arith.constant 0 : i32
        %dma_wait3A_433 = arith.constant 0 : i32
        %dma_wait3A_434 = tpu.memref_slice %arg17[%dma_wait3A_432, %dma_wait3A_433] : memref<10112x128xf32, #tpu.memory_space<vmem_shared>> -> memref<10112x128xf32, #tpu.memory_space<vmem_shared>>
        tpu.wait_indirect_dma semaphore(%arg13 : memref<!tpu.dma_semaphore, #tpu.memory_space<semaphore_mem>>) src(%arg9 : memref<128x128xf32, #tpu.memory_space<vmem>>) dst(%dma_wait3A_434 : memref<10112x128xf32, #tpu.memory_space<vmem_shared>>)
        %dma_start3A_435 = arith.constant 4 : i32
        %dma_start3A_436 = arith.constant 0 : i32
        %dma_start3A_437 = tpu.memref_slice %arg7[%rem3A_343, %dma_start3A_435, %dma_start3A_436] : memref<2x8x128xi32, #tpu.memory_space<vmem>> -> memref<1x1x128xi32, #tpu.memory_space<vmem>>
        %dma_start3A_438 = tpu.memref_squeeze %dma_start3A_437 : memref<1x1x128xi32, #tpu.memory_space<vmem>> -> memref<128xi32, #tpu.memory_space<vmem>>
        %dma_start3A_439 = arith.constant 0 : i32
        %dma_start3A_440 = arith.constant 0 : i32
        %dma_start3A_441 = tpu.memref_slice %arg2[%dma_start3A_439, %dma_start3A_440] : memref<10000x128xf32, #tpu.memory_space<hbm>> -> memref<10000x128xf32, #tpu.memory_space<hbm>>
        tpu.enqueue_indirect_dma source(%dma_start3A_441 : memref<10000x128xf32, #tpu.memory_space<hbm>>) target(%arg9 : memref<128x128xf32, #tpu.memory_space<vmem>>) offsets(%dma_start3A_438 : memref<128xi32, #tpu.memory_space<vmem>>) semaphore(%arg11 : memref<!tpu.dma_semaphore, #tpu.memory_space<semaphore_mem>>)
        %dma_wait3A_442 = arith.constant 3 : i32
        %dma_wait3A_443 = arith.constant 0 : i32
        %dma_wait3A_444 = tpu.memref_slice %arg8[%rem3A_343, %dma_wait3A_442, %dma_wait3A_443] : memref<2x8x128xi32, #tpu.memory_space<vmem>> -> memref<1x1x128xi32, #tpu.memory_space<vmem>>
        %dma_wait3A_445 = tpu.memref_squeeze %dma_wait3A_444 : memref<1x1x128xi32, #tpu.memory_space<vmem>> -> memref<128xi32, #tpu.memory_space<vmem>>
        %dma_wait3A_446 = arith.constant 0 : i32
        %dma_wait3A_447 = arith.constant 0 : i32
        %dma_wait3A_448 = tpu.memref_slice %arg17[%dma_wait3A_446, %dma_wait3A_447] : memref<10112x128xf32, #tpu.memory_space<vmem_shared>> -> memref<10112x128xf32, #tpu.memory_space<vmem_shared>>
        tpu.wait_indirect_dma semaphore(%arg14 : memref<!tpu.dma_semaphore, #tpu.memory_space<semaphore_mem>>) src(%arg10 : memref<128x128xf32, #tpu.memory_space<vmem>>) dst(%dma_wait3A_448 : memref<10112x128xf32, #tpu.memory_space<vmem_shared>>)
        %dma_start3A_449 = arith.constant 5 : i32
        %dma_start3A_450 = arith.constant 0 : i32
        %dma_start3A_451 = tpu.memref_slice %arg7[%rem3A_343, %dma_start3A_449, %dma_start3A_450] : memref<2x8x128xi32, #tpu.memory_space<vmem>> -> memref<1x1x128xi32, #tpu.memory_space<vmem>>
        %dma_start3A_452 = tpu.memref_squeeze %dma_start3A_451 : memref<1x1x128xi32, #tpu.memory_space<vmem>> -> memref<128xi32, #tpu.memory_space<vmem>>
        %dma_start3A_453 = arith.constant 0 : i32
        %dma_start3A_454 = arith.constant 0 : i32
        %dma_start3A_455 = tpu.memref_slice %arg2[%dma_start3A_453, %dma_start3A_454] : memref<10000x128xf32, #tpu.memory_space<hbm>> -> memref<10000x128xf32, #tpu.memory_space<hbm>>
        tpu.enqueue_indirect_dma source(%dma_start3A_455 : memref<10000x128xf32, #tpu.memory_space<hbm>>) target(%arg10 : memref<128x128xf32, #tpu.memory_space<vmem>>) offsets(%dma_start3A_452 : memref<128xi32, #tpu.memory_space<vmem>>) semaphore(%arg12 : memref<!tpu.dma_semaphore, #tpu.memory_space<semaphore_mem>>)
        %dma_wait3A_456 = arith.constant 4 : i32
        %dma_wait3A_457 = arith.constant 0 : i32
        %dma_wait3A_458 = tpu.memref_slice %arg7[%rem3A_343, %dma_wait3A_456, %dma_wait3A_457] : memref<2x8x128xi32, #tpu.memory_space<vmem>> -> memref<1x1x128xi32, #tpu.memory_space<vmem>>
        %dma_wait3A_459 = tpu.memref_squeeze %dma_wait3A_458 : memref<1x1x128xi32, #tpu.memory_space<vmem>> -> memref<128xi32, #tpu.memory_space<vmem>>
        %dma_wait3A_460 = arith.constant 0 : i32
        %dma_wait3A_461 = arith.constant 0 : i32
        %dma_wait3A_462 = tpu.memref_slice %arg2[%dma_wait3A_460, %dma_wait3A_461] : memref<10000x128xf32, #tpu.memory_space<hbm>> -> memref<10000x128xf32, #tpu.memory_space<hbm>>
        tpu.wait_indirect_dma semaphore(%arg11 : memref<!tpu.dma_semaphore, #tpu.memory_space<semaphore_mem>>) src(%dma_wait3A_462 : memref<10000x128xf32, #tpu.memory_space<hbm>>) dst(%arg9 : memref<128x128xf32, #tpu.memory_space<vmem>>)
        %dma_start3A_463 = arith.constant 4 : i32
        %dma_start3A_464 = arith.constant 0 : i32
        %dma_start3A_465 = tpu.memref_slice %arg8[%rem3A_343, %dma_start3A_463, %dma_start3A_464] : memref<2x8x128xi32, #tpu.memory_space<vmem>> -> memref<1x1x128xi32, #tpu.memory_space<vmem>>
        %dma_start3A_466 = tpu.memref_squeeze %dma_start3A_465 : memref<1x1x128xi32, #tpu.memory_space<vmem>> -> memref<128xi32, #tpu.memory_space<vmem>>
        %dma_start3A_467 = arith.constant 0 : i32
        %dma_start3A_468 = arith.constant 0 : i32
        %dma_start3A_469 = tpu.memref_slice %arg17[%dma_start3A_467, %dma_start3A_468] : memref<10112x128xf32, #tpu.memory_space<vmem_shared>> -> memref<10112x128xf32, #tpu.memory_space<vmem_shared>>
        tpu.enqueue_indirect_dma source(%arg9 : memref<128x128xf32, #tpu.memory_space<vmem>>) target(%dma_start3A_469 : memref<10112x128xf32, #tpu.memory_space<vmem_shared>>) offsets(%dma_start3A_466 : memref<128xi32, #tpu.memory_space<vmem>>) semaphore(%arg13 : memref<!tpu.dma_semaphore, #tpu.memory_space<semaphore_mem>>) {add = true}
        %dma_wait3A_470 = arith.constant 5 : i32
        %dma_wait3A_471 = arith.constant 0 : i32
        %dma_wait3A_472 = tpu.memref_slice %arg7[%rem3A_343, %dma_wait3A_470, %dma_wait3A_471] : memref<2x8x128xi32, #tpu.memory_space<vmem>> -> memref<1x1x128xi32, #tpu.memory_space<vmem>>
        %dma_wait3A_473 = tpu.memref_squeeze %dma_wait3A_472 : memref<1x1x128xi32, #tpu.memory_space<vmem>> -> memref<128xi32, #tpu.memory_space<vmem>>
        %dma_wait3A_474 = arith.constant 0 : i32
        %dma_wait3A_475 = arith.constant 0 : i32
        %dma_wait3A_476 = tpu.memref_slice %arg2[%dma_wait3A_474, %dma_wait3A_475] : memref<10000x128xf32, #tpu.memory_space<hbm>> -> memref<10000x128xf32, #tpu.memory_space<hbm>>
        tpu.wait_indirect_dma semaphore(%arg12 : memref<!tpu.dma_semaphore, #tpu.memory_space<semaphore_mem>>) src(%dma_wait3A_476 : memref<10000x128xf32, #tpu.memory_space<hbm>>) dst(%arg10 : memref<128x128xf32, #tpu.memory_space<vmem>>)
        %dma_start3A_477 = arith.constant 5 : i32
        %dma_start3A_478 = arith.constant 0 : i32
        %dma_start3A_479 = tpu.memref_slice %arg8[%rem3A_343, %dma_start3A_477, %dma_start3A_478] : memref<2x8x128xi32, #tpu.memory_space<vmem>> -> memref<1x1x128xi32, #tpu.memory_space<vmem>>
        %dma_start3A_480 = tpu.memref_squeeze %dma_start3A_479 : memref<1x1x128xi32, #tpu.memory_space<vmem>> -> memref<128xi32, #tpu.memory_space<vmem>>
        %dma_start3A_481 = arith.constant 0 : i32
        %dma_start3A_482 = arith.constant 0 : i32
        %dma_start3A_483 = tpu.memref_slice %arg17[%dma_start3A_481, %dma_start3A_482] : memref<10112x128xf32, #tpu.memory_space<vmem_shared>> -> memref<10112x128xf32, #tpu.memory_space<vmem_shared>>
        tpu.enqueue_indirect_dma source(%arg10 : memref<128x128xf32, #tpu.memory_space<vmem>>) target(%dma_start3A_483 : memref<10112x128xf32, #tpu.memory_space<vmem_shared>>) offsets(%dma_start3A_480 : memref<128xi32, #tpu.memory_space<vmem>>) semaphore(%arg14 : memref<!tpu.dma_semaphore, #tpu.memory_space<semaphore_mem>>) {add = true}
        %dma_wait3A_484 = arith.constant 4 : i32
        %dma_wait3A_485 = arith.constant 0 : i32
        %dma_wait3A_486 = tpu.memref_slice %arg8[%rem3A_343, %dma_wait3A_484, %dma_wait3A_485] : memref<2x8x128xi32, #tpu.memory_space<vmem>> -> memref<1x1x128xi32, #tpu.memory_space<vmem>>
        %dma_wait3A_487 = tpu.memref_squeeze %dma_wait3A_486 : memref<1x1x128xi32, #tpu.memory_space<vmem>> -> memref<128xi32, #tpu.memory_space<vmem>>
        %dma_wait3A_488 = arith.constant 0 : i32
        %dma_wait3A_489 = arith.constant 0 : i32
        %dma_wait3A_490 = tpu.memref_slice %arg17[%dma_wait3A_488, %dma_wait3A_489] : memref<10112x128xf32, #tpu.memory_space<vmem_shared>> -> memref<10112x128xf32, #tpu.memory_space<vmem_shared>>
        tpu.wait_indirect_dma semaphore(%arg13 : memref<!tpu.dma_semaphore, #tpu.memory_space<semaphore_mem>>) src(%arg9 : memref<128x128xf32, #tpu.memory_space<vmem>>) dst(%dma_wait3A_490 : memref<10112x128xf32, #tpu.memory_space<vmem_shared>>)
        %dma_start3A_491 = arith.constant 6 : i32
        %dma_start3A_492 = arith.constant 0 : i32
        %dma_start3A_493 = tpu.memref_slice %arg7[%rem3A_343, %dma_start3A_491, %dma_start3A_492] : memref<2x8x128xi32, #tpu.memory_space<vmem>> -> memref<1x1x128xi32, #tpu.memory_space<vmem>>
        %dma_start3A_494 = tpu.memref_squeeze %dma_start3A_493 : memref<1x1x128xi32, #tpu.memory_space<vmem>> -> memref<128xi32, #tpu.memory_space<vmem>>
        %dma_start3A_495 = arith.constant 0 : i32
        %dma_start3A_496 = arith.constant 0 : i32
        %dma_start3A_497 = tpu.memref_slice %arg2[%dma_start3A_495, %dma_start3A_496] : memref<10000x128xf32, #tpu.memory_space<hbm>> -> memref<10000x128xf32, #tpu.memory_space<hbm>>
        tpu.enqueue_indirect_dma source(%dma_start3A_497 : memref<10000x128xf32, #tpu.memory_space<hbm>>) target(%arg9 : memref<128x128xf32, #tpu.memory_space<vmem>>) offsets(%dma_start3A_494 : memref<128xi32, #tpu.memory_space<vmem>>) semaphore(%arg11 : memref<!tpu.dma_semaphore, #tpu.memory_space<semaphore_mem>>)
        %dma_wait3A_498 = arith.constant 5 : i32
        %dma_wait3A_499 = arith.constant 0 : i32
        %dma_wait3A_500 = tpu.memref_slice %arg8[%rem3A_343, %dma_wait3A_498, %dma_wait3A_499] : memref<2x8x128xi32, #tpu.memory_space<vmem>> -> memref<1x1x128xi32, #tpu.memory_space<vmem>>
        %dma_wait3A_501 = tpu.memref_squeeze %dma_wait3A_500 : memref<1x1x128xi32, #tpu.memory_space<vmem>> -> memref<128xi32, #tpu.memory_space<vmem>>
        %dma_wait3A_502 = arith.constant 0 : i32
        %dma_wait3A_503 = arith.constant 0 : i32
        %dma_wait3A_504 = tpu.memref_slice %arg17[%dma_wait3A_502, %dma_wait3A_503] : memref<10112x128xf32, #tpu.memory_space<vmem_shared>> -> memref<10112x128xf32, #tpu.memory_space<vmem_shared>>
        tpu.wait_indirect_dma semaphore(%arg14 : memref<!tpu.dma_semaphore, #tpu.memory_space<semaphore_mem>>) src(%arg10 : memref<128x128xf32, #tpu.memory_space<vmem>>) dst(%dma_wait3A_504 : memref<10112x128xf32, #tpu.memory_space<vmem_shared>>)
        %dma_start3A_505 = arith.constant 7 : i32
        %dma_start3A_506 = arith.constant 0 : i32
        %dma_start3A_507 = tpu.memref_slice %arg7[%rem3A_343, %dma_start3A_505, %dma_start3A_506] : memref<2x8x128xi32, #tpu.memory_space<vmem>> -> memref<1x1x128xi32, #tpu.memory_space<vmem>>
        %dma_start3A_508 = tpu.memref_squeeze %dma_start3A_507 : memref<1x1x128xi32, #tpu.memory_space<vmem>> -> memref<128xi32, #tpu.memory_space<vmem>>
        %dma_start3A_509 = arith.constant 0 : i32
        %dma_start3A_510 = arith.constant 0 : i32
        %dma_start3A_511 = tpu.memref_slice %arg2[%dma_start3A_509, %dma_start3A_510] : memref<10000x128xf32, #tpu.memory_space<hbm>> -> memref<10000x128xf32, #tpu.memory_space<hbm>>
        tpu.enqueue_indirect_dma source(%dma_start3A_511 : memref<10000x128xf32, #tpu.memory_space<hbm>>) target(%arg10 : memref<128x128xf32, #tpu.memory_space<vmem>>) offsets(%dma_start3A_508 : memref<128xi32, #tpu.memory_space<vmem>>) semaphore(%arg12 : memref<!tpu.dma_semaphore, #tpu.memory_space<semaphore_mem>>)
        %dma_wait3A_512 = arith.constant 6 : i32
        %dma_wait3A_513 = arith.constant 0 : i32
        %dma_wait3A_514 = tpu.memref_slice %arg7[%rem3A_343, %dma_wait3A_512, %dma_wait3A_513] : memref<2x8x128xi32, #tpu.memory_space<vmem>> -> memref<1x1x128xi32, #tpu.memory_space<vmem>>
        %dma_wait3A_515 = tpu.memref_squeeze %dma_wait3A_514 : memref<1x1x128xi32, #tpu.memory_space<vmem>> -> memref<128xi32, #tpu.memory_space<vmem>>
        %dma_wait3A_516 = arith.constant 0 : i32
        %dma_wait3A_517 = arith.constant 0 : i32
        %dma_wait3A_518 = tpu.memref_slice %arg2[%dma_wait3A_516, %dma_wait3A_517] : memref<10000x128xf32, #tpu.memory_space<hbm>> -> memref<10000x128xf32, #tpu.memory_space<hbm>>
        tpu.wait_indirect_dma semaphore(%arg11 : memref<!tpu.dma_semaphore, #tpu.memory_space<semaphore_mem>>) src(%dma_wait3A_518 : memref<10000x128xf32, #tpu.memory_space<hbm>>) dst(%arg9 : memref<128x128xf32, #tpu.memory_space<vmem>>)
        %dma_start3A_519 = arith.constant 6 : i32
        %dma_start3A_520 = arith.constant 0 : i32
        %dma_start3A_521 = tpu.memref_slice %arg8[%rem3A_343, %dma_start3A_519, %dma_start3A_520] : memref<2x8x128xi32, #tpu.memory_space<vmem>> -> memref<1x1x128xi32, #tpu.memory_space<vmem>>
        %dma_start3A_522 = tpu.memref_squeeze %dma_start3A_521 : memref<1x1x128xi32, #tpu.memory_space<vmem>> -> memref<128xi32, #tpu.memory_space<vmem>>
        %dma_start3A_523 = arith.constant 0 : i32
        %dma_start3A_524 = arith.constant 0 : i32
        %dma_start3A_525 = tpu.memref_slice %arg17[%dma_start3A_523, %dma_start3A_524] : memref<10112x128xf32, #tpu.memory_space<vmem_shared>> -> memref<10112x128xf32, #tpu.memory_space<vmem_shared>>
        tpu.enqueue_indirect_dma source(%arg9 : memref<128x128xf32, #tpu.memory_space<vmem>>) target(%dma_start3A_525 : memref<10112x128xf32, #tpu.memory_space<vmem_shared>>) offsets(%dma_start3A_522 : memref<128xi32, #tpu.memory_space<vmem>>) semaphore(%arg13 : memref<!tpu.dma_semaphore, #tpu.memory_space<semaphore_mem>>) {add = true}
        %dma_wait3A_526 = arith.constant 7 : i32
        %dma_wait3A_527 = arith.constant 0 : i32
        %dma_wait3A_528 = tpu.memref_slice %arg7[%rem3A_343, %dma_wait3A_526, %dma_wait3A_527] : memref<2x8x128xi32, #tpu.memory_space<vmem>> -> memref<1x1x128xi32, #tpu.memory_space<vmem>>
        %dma_wait3A_529 = tpu.memref_squeeze %dma_wait3A_528 : memref<1x1x128xi32, #tpu.memory_space<vmem>> -> memref<128xi32, #tpu.memory_space<vmem>>
        %dma_wait3A_530 = arith.constant 0 : i32
        %dma_wait3A_531 = arith.constant 0 : i32
        %dma_wait3A_532 = tpu.memref_slice %arg2[%dma_wait3A_530, %dma_wait3A_531] : memref<10000x128xf32, #tpu.memory_space<hbm>> -> memref<10000x128xf32, #tpu.memory_space<hbm>>
        tpu.wait_indirect_dma semaphore(%arg12 : memref<!tpu.dma_semaphore, #tpu.memory_space<semaphore_mem>>) src(%dma_wait3A_532 : memref<10000x128xf32, #tpu.memory_space<hbm>>) dst(%arg10 : memref<128x128xf32, #tpu.memory_space<vmem>>)
        %dma_start3A_533 = arith.constant 7 : i32
        %dma_start3A_534 = arith.constant 0 : i32
        %dma_start3A_535 = tpu.memref_slice %arg8[%rem3A_343, %dma_start3A_533, %dma_start3A_534] : memref<2x8x128xi32, #tpu.memory_space<vmem>> -> memref<1x1x128xi32, #tpu.memory_space<vmem>>
        %dma_start3A_536 = tpu.memref_squeeze %dma_start3A_535 : memref<1x1x128xi32, #tpu.memory_space<vmem>> -> memref<128xi32, #tpu.memory_space<vmem>>
        %dma_start3A_537 = arith.constant 0 : i32
        %dma_start3A_538 = arith.constant 0 : i32
        %dma_start3A_539 = tpu.memref_slice %arg17[%dma_start3A_537, %dma_start3A_538] : memref<10112x128xf32, #tpu.memory_space<vmem_shared>> -> memref<10112x128xf32, #tpu.memory_space<vmem_shared>>
        tpu.enqueue_indirect_dma source(%arg10 : memref<128x128xf32, #tpu.memory_space<vmem>>) target(%dma_start3A_539 : memref<10112x128xf32, #tpu.memory_space<vmem_shared>>) offsets(%dma_start3A_536 : memref<128xi32, #tpu.memory_space<vmem>>) semaphore(%arg14 : memref<!tpu.dma_semaphore, #tpu.memory_space<semaphore_mem>>) {add = true}
        %sub3A_540 = arith.constant 1 : i32
        %sub3A_541 = arith.subi %sub3A_540, %rem3A_343 : i32
        %dma_wait3A_542 = arith.constant 0 : i32
        %dma_wait3A_543 = arith.constant 0 : i32
        %dma_wait3A_544 = tpu.memref_slice %arg7[%sub3A_541, %dma_wait3A_542, %dma_wait3A_543] : memref<2x8x128xi32, #tpu.memory_space<vmem>> -> memref<1x8x128xi32, #tpu.memory_space<vmem>>
        %dma_wait3A_545 = tpu.memref_squeeze %dma_wait3A_544 : memref<1x8x128xi32, #tpu.memory_space<vmem>> -> memref<8x128xi32, #tpu.memory_space<vmem>>
        %dma_wait3A_546 = arith.constant 0 : i32
        %dma_wait3A_547 = tpu.memref_slice %arg3[%select_n3A_8, %dma_wait3A_546] : memref<2560x128xi32, #tpu.memory_space<hbm>> -> memref<8x128xi32, #tpu.memory_space<hbm>>
        %dma_wait3A_548 = arith.constant 0 : i32
        %dma_wait3A_549 = arith.constant 0 : i32
        %dma_wait3A_550 = tpu.memref_slice %arg7[%sub3A_541, %dma_wait3A_548, %dma_wait3A_549] : memref<2x8x128xi32, #tpu.memory_space<vmem>> -> memref<1x8x128xi32, #tpu.memory_space<vmem>>
        %dma_wait3A_551 = tpu.memref_squeeze %dma_wait3A_550 : memref<1x8x128xi32, #tpu.memory_space<vmem>> -> memref<8x128xi32, #tpu.memory_space<vmem>>
        %dma_wait3A_552 = arith.constant 0 : i32
        %dma_wait3A_553 = tpu.memref_slice %arg3[%select_n3A_8, %dma_wait3A_552] : memref<2560x128xi32, #tpu.memory_space<hbm>> -> memref<8x128xi32, #tpu.memory_space<hbm>>
        tpu.wait_dma2 semaphore(%arg15 : memref<!tpu.dma_semaphore, #tpu.memory_space<semaphore_mem>>) src(%dma_wait3A_553 : memref<8x128xi32, #tpu.memory_space<hbm>>) dst(%dma_wait3A_551 : memref<8x128xi32, #tpu.memory_space<vmem>>)
        %sub3A_554 = arith.constant 1 : i32
        %sub3A_555 = arith.subi %sub3A_554, %rem3A_343 : i32
        %dma_wait3A_556 = arith.constant 0 : i32
        %dma_wait3A_557 = arith.constant 0 : i32
        %dma_wait3A_558 = tpu.memref_slice %arg8[%sub3A_555, %dma_wait3A_556, %dma_wait3A_557] : memref<2x8x128xi32, #tpu.memory_space<vmem>> -> memref<1x8x128xi32, #tpu.memory_space<vmem>>
        %dma_wait3A_559 = tpu.memref_squeeze %dma_wait3A_558 : memref<1x8x128xi32, #tpu.memory_space<vmem>> -> memref<8x128xi32, #tpu.memory_space<vmem>>
        %dma_wait3A_560 = arith.constant 0 : i32
        %dma_wait3A_561 = tpu.memref_slice %arg4[%select_n3A_8, %dma_wait3A_560] : memref<2560x128xi32, #tpu.memory_space<hbm>> -> memref<8x128xi32, #tpu.memory_space<hbm>>
        %dma_wait3A_562 = arith.constant 0 : i32
        %dma_wait3A_563 = arith.constant 0 : i32
        %dma_wait3A_564 = tpu.memref_slice %arg8[%sub3A_555, %dma_wait3A_562, %dma_wait3A_563] : memref<2x8x128xi32, #tpu.memory_space<vmem>> -> memref<1x8x128xi32, #tpu.memory_space<vmem>>
        %dma_wait3A_565 = tpu.memref_squeeze %dma_wait3A_564 : memref<1x8x128xi32, #tpu.memory_space<vmem>> -> memref<8x128xi32, #tpu.memory_space<vmem>>
        %dma_wait3A_566 = arith.constant 0 : i32
        %dma_wait3A_567 = tpu.memref_slice %arg4[%select_n3A_8, %dma_wait3A_566] : memref<2560x128xi32, #tpu.memory_space<hbm>> -> memref<8x128xi32, #tpu.memory_space<hbm>>
        tpu.wait_dma2 semaphore(%arg16 : memref<!tpu.dma_semaphore, #tpu.memory_space<semaphore_mem>>) src(%dma_wait3A_567 : memref<8x128xi32, #tpu.memory_space<hbm>>) dst(%dma_wait3A_565 : memref<8x128xi32, #tpu.memory_space<vmem>>)
        %dma_wait3A_568 = arith.constant 6 : i32
        %dma_wait3A_569 = arith.constant 0 : i32
        %dma_wait3A_570 = tpu.memref_slice %arg8[%rem3A_343, %dma_wait3A_568, %dma_wait3A_569] : memref<2x8x128xi32, #tpu.memory_space<vmem>> -> memref<1x1x128xi32, #tpu.memory_space<vmem>>
        %dma_wait3A_571 = tpu.memref_squeeze %dma_wait3A_570 : memref<1x1x128xi32, #tpu.memory_space<vmem>> -> memref<128xi32, #tpu.memory_space<vmem>>
        %dma_wait3A_572 = arith.constant 0 : i32
        %dma_wait3A_573 = arith.constant 0 : i32
        %dma_wait3A_574 = tpu.memref_slice %arg17[%dma_wait3A_572, %dma_wait3A_573] : memref<10112x128xf32, #tpu.memory_space<vmem_shared>> -> memref<10112x128xf32, #tpu.memory_space<vmem_shared>>
        tpu.wait_indirect_dma semaphore(%arg13 : memref<!tpu.dma_semaphore, #tpu.memory_space<semaphore_mem>>) src(%arg9 : memref<128x128xf32, #tpu.memory_space<vmem>>) dst(%dma_wait3A_574 : memref<10112x128xf32, #tpu.memory_space<vmem_shared>>)
        %sub3A_575 = arith.constant 1 : i32
        %sub3A_576 = arith.subi %sub3A_575, %rem3A_343 : i32
        %dma_start3A_577 = arith.constant 0 : i32
        %dma_start3A_578 = arith.constant 0 : i32
        %dma_start3A_579 = tpu.memref_slice %arg7[%sub3A_576, %dma_start3A_577, %dma_start3A_578] : memref<2x8x128xi32, #tpu.memory_space<vmem>> -> memref<1x1x128xi32, #tpu.memory_space<vmem>>
        %dma_start3A_580 = tpu.memref_squeeze %dma_start3A_579 : memref<1x1x128xi32, #tpu.memory_space<vmem>> -> memref<128xi32, #tpu.memory_space<vmem>>
        %dma_start3A_581 = arith.constant 0 : i32
        %dma_start3A_582 = arith.constant 0 : i32
        %dma_start3A_583 = tpu.memref_slice %arg2[%dma_start3A_581, %dma_start3A_582] : memref<10000x128xf32, #tpu.memory_space<hbm>> -> memref<10000x128xf32, #tpu.memory_space<hbm>>
        tpu.enqueue_indirect_dma source(%dma_start3A_583 : memref<10000x128xf32, #tpu.memory_space<hbm>>) target(%arg9 : memref<128x128xf32, #tpu.memory_space<vmem>>) offsets(%dma_start3A_580 : memref<128xi32, #tpu.memory_space<vmem>>) semaphore(%arg11 : memref<!tpu.dma_semaphore, #tpu.memory_space<semaphore_mem>>)
        %dma_wait3A_584 = arith.constant 7 : i32
        %dma_wait3A_585 = arith.constant 0 : i32
        %dma_wait3A_586 = tpu.memref_slice %arg8[%rem3A_343, %dma_wait3A_584, %dma_wait3A_585] : memref<2x8x128xi32, #tpu.memory_space<vmem>> -> memref<1x1x128xi32, #tpu.memory_space<vmem>>
        %dma_wait3A_587 = tpu.memref_squeeze %dma_wait3A_586 : memref<1x1x128xi32, #tpu.memory_space<vmem>> -> memref<128xi32, #tpu.memory_space<vmem>>
        %dma_wait3A_588 = arith.constant 0 : i32
        %dma_wait3A_589 = arith.constant 0 : i32
        %dma_wait3A_590 = tpu.memref_slice %arg17[%dma_wait3A_588, %dma_wait3A_589] : memref<10112x128xf32, #tpu.memory_space<vmem_shared>> -> memref<10112x128xf32, #tpu.memory_space<vmem_shared>>
        tpu.wait_indirect_dma semaphore(%arg14 : memref<!tpu.dma_semaphore, #tpu.memory_space<semaphore_mem>>) src(%arg10 : memref<128x128xf32, #tpu.memory_space<vmem>>) dst(%dma_wait3A_590 : memref<10112x128xf32, #tpu.memory_space<vmem_shared>>)
        %sub3A_591 = arith.constant 1 : i32
        %sub3A_592 = arith.subi %sub3A_591, %rem3A_343 : i32
        %dma_start3A_593 = arith.constant 1 : i32
        %dma_start3A_594 = arith.constant 0 : i32
        %dma_start3A_595 = tpu.memref_slice %arg7[%sub3A_592, %dma_start3A_593, %dma_start3A_594] : memref<2x8x128xi32, #tpu.memory_space<vmem>> -> memref<1x1x128xi32, #tpu.memory_space<vmem>>
        %dma_start3A_596 = tpu.memref_squeeze %dma_start3A_595 : memref<1x1x128xi32, #tpu.memory_space<vmem>> -> memref<128xi32, #tpu.memory_space<vmem>>
        %dma_start3A_597 = arith.constant 0 : i32
        %dma_start3A_598 = arith.constant 0 : i32
        %dma_start3A_599 = tpu.memref_slice %arg2[%dma_start3A_597, %dma_start3A_598] : memref<10000x128xf32, #tpu.memory_space<hbm>> -> memref<10000x128xf32, #tpu.memory_space<hbm>>
        tpu.enqueue_indirect_dma source(%dma_start3A_599 : memref<10000x128xf32, #tpu.memory_space<hbm>>) target(%arg10 : memref<128x128xf32, #tpu.memory_space<vmem>>) offsets(%dma_start3A_596 : memref<128xi32, #tpu.memory_space<vmem>>) semaphore(%arg12 : memref<!tpu.dma_semaphore, #tpu.memory_space<semaphore_mem>>)
        %add3A_600 = arith.constant 2 : i32
        %add3A_601 = arith.addi %while3A_342, %add3A_600 : i32
        %sub3A_602 = arith.constant 1 : i32
        %sub3A_603 = arith.subi %select_n3A, %sub3A_602 : i32
        %min3A = arith.minsi %add3A_601, %sub3A_603 : i32
        %mul3A_604 = arith.constant 8 : i32
        %mul3A_605 = arith.muli %min3A, %mul3A_604 : i32
        %add3A_606 = arith.addi %select_n3A_8, %mul3A_605 : i32
        %dma_start3A_607 = arith.constant 0 : i32
        %dma_start3A_608 = arith.constant 0 : i32
        %dma_start3A_609 = tpu.memref_slice %arg7[%rem3A_343, %dma_start3A_607, %dma_start3A_608] : memref<2x8x128xi32, #tpu.memory_space<vmem>> -> memref<1x8x128xi32, #tpu.memory_space<vmem>>
        %dma_start3A_610 = tpu.memref_squeeze %dma_start3A_609 : memref<1x8x128xi32, #tpu.memory_space<vmem>> -> memref<8x128xi32, #tpu.memory_space<vmem>>
        %dma_start3A_611 = arith.constant 0 : i32
        %dma_start3A_612 = tpu.memref_slice %arg3[%add3A_606, %dma_start3A_611] : memref<2560x128xi32, #tpu.memory_space<hbm>> -> memref<8x128xi32, #tpu.memory_space<hbm>>
        %dma_start3A_613 = arith.constant 0 : i32
        %dma_start3A_614 = arith.constant 0 : i32
        %dma_start3A_615 = tpu.memref_slice %arg7[%rem3A_343, %dma_start3A_613, %dma_start3A_614] : memref<2x8x128xi32, #tpu.memory_space<vmem>> -> memref<1x8x128xi32, #tpu.memory_space<vmem>>
        %dma_start3A_616 = tpu.memref_squeeze %dma_start3A_615 : memref<1x8x128xi32, #tpu.memory_space<vmem>> -> memref<8x128xi32, #tpu.memory_space<vmem>>
        %dma_start3A_617 = arith.constant 0 : i32
        %dma_start3A_618 = tpu.memref_slice %arg3[%add3A_606, %dma_start3A_617] : memref<2560x128xi32, #tpu.memory_space<hbm>> -> memref<8x128xi32, #tpu.memory_space<hbm>>
        tpu.enqueue_dma source(%dma_start3A_618 : memref<8x128xi32, #tpu.memory_space<hbm>>) target(%dma_start3A_616 : memref<8x128xi32, #tpu.memory_space<vmem>>) target_semaphore(%arg15 : memref<!tpu.dma_semaphore, #tpu.memory_space<semaphore_mem>>)
        %dma_start3A_619 = arith.constant 0 : i32
        %dma_start3A_620 = arith.constant 0 : i32
        %dma_start3A_621 = tpu.memref_slice %arg8[%rem3A_343, %dma_start3A_619, %dma_start3A_620] : memref<2x8x128xi32, #tpu.memory_space<vmem>> -> memref<1x8x128xi32, #tpu.memory_space<vmem>>
        %dma_start3A_622 = tpu.memref_squeeze %dma_start3A_621 : memref<1x8x128xi32, #tpu.memory_space<vmem>> -> memref<8x128xi32, #tpu.memory_space<vmem>>
        %dma_start3A_623 = arith.constant 0 : i32
        %dma_start3A_624 = tpu.memref_slice %arg4[%add3A_606, %dma_start3A_623] : memref<2560x128xi32, #tpu.memory_space<hbm>> -> memref<8x128xi32, #tpu.memory_space<hbm>>
        %dma_start3A_625 = arith.constant 0 : i32
        %dma_start3A_626 = arith.constant 0 : i32
        %dma_start3A_627 = tpu.memref_slice %arg8[%rem3A_343, %dma_start3A_625, %dma_start3A_626] : memref<2x8x128xi32, #tpu.memory_space<vmem>> -> memref<1x8x128xi32, #tpu.memory_space<vmem>>
        %dma_start3A_628 = tpu.memref_squeeze %dma_start3A_627 : memref<1x8x128xi32, #tpu.memory_space<vmem>> -> memref<8x128xi32, #tpu.memory_space<vmem>>
        %dma_start3A_629 = arith.constant 0 : i32
        %dma_start3A_630 = tpu.memref_slice %arg4[%add3A_606, %dma_start3A_629] : memref<2560x128xi32, #tpu.memory_space<hbm>> -> memref<8x128xi32, #tpu.memory_space<hbm>>
        tpu.enqueue_dma source(%dma_start3A_630 : memref<8x128xi32, #tpu.memory_space<hbm>>) target(%dma_start3A_628 : memref<8x128xi32, #tpu.memory_space<vmem>>) target_semaphore(%arg16 : memref<!tpu.dma_semaphore, #tpu.memory_space<semaphore_mem>>)
      }
      %dma_wait3A = arith.constant 0 : i32
      %dma_wait3A_77 = arith.constant 0 : i32
      %dma_wait3A_78 = arith.constant 0 : i32
      %dma_wait3A_79 = tpu.memref_slice %arg7[%dma_wait3A, %dma_wait3A_77, %dma_wait3A_78] : memref<2x8x128xi32, #tpu.memory_space<vmem>> -> memref<1x8x128xi32, #tpu.memory_space<vmem>>
      %dma_wait3A_80 = tpu.memref_squeeze %dma_wait3A_79 : memref<1x8x128xi32, #tpu.memory_space<vmem>> -> memref<8x128xi32, #tpu.memory_space<vmem>>
      %dma_wait3A_81 = arith.constant 0 : i32
      %dma_wait3A_82 = tpu.memref_slice %arg3[%select_n3A_8, %dma_wait3A_81] : memref<2560x128xi32, #tpu.memory_space<hbm>> -> memref<8x128xi32, #tpu.memory_space<hbm>>
      %dma_wait3A_83 = arith.constant 0 : i32
      %dma_wait3A_84 = arith.constant 0 : i32
      %dma_wait3A_85 = tpu.memref_slice %arg7[%dma_wait3A, %dma_wait3A_83, %dma_wait3A_84] : memref<2x8x128xi32, #tpu.memory_space<vmem>> -> memref<1x8x128xi32, #tpu.memory_space<vmem>>
      %dma_wait3A_86 = tpu.memref_squeeze %dma_wait3A_85 : memref<1x8x128xi32, #tpu.memory_space<vmem>> -> memref<8x128xi32, #tpu.memory_space<vmem>>
      %dma_wait3A_87 = arith.constant 0 : i32
      %dma_wait3A_88 = tpu.memref_slice %arg3[%select_n3A_8, %dma_wait3A_87] : memref<2560x128xi32, #tpu.memory_space<hbm>> -> memref<8x128xi32, #tpu.memory_space<hbm>>
      tpu.wait_dma2 semaphore(%arg15 : memref<!tpu.dma_semaphore, #tpu.memory_space<semaphore_mem>>) src(%dma_wait3A_88 : memref<8x128xi32, #tpu.memory_space<hbm>>) dst(%dma_wait3A_86 : memref<8x128xi32, #tpu.memory_space<vmem>>)
      %dma_wait3A_89 = arith.constant 0 : i32
      %dma_wait3A_90 = arith.constant 0 : i32
      %dma_wait3A_91 = arith.constant 0 : i32
      %dma_wait3A_92 = tpu.memref_slice %arg8[%dma_wait3A_89, %dma_wait3A_90, %dma_wait3A_91] : memref<2x8x128xi32, #tpu.memory_space<vmem>> -> memref<1x8x128xi32, #tpu.memory_space<vmem>>
      %dma_wait3A_93 = tpu.memref_squeeze %dma_wait3A_92 : memref<1x8x128xi32, #tpu.memory_space<vmem>> -> memref<8x128xi32, #tpu.memory_space<vmem>>
      %dma_wait3A_94 = arith.constant 0 : i32
      %dma_wait3A_95 = tpu.memref_slice %arg4[%select_n3A_8, %dma_wait3A_94] : memref<2560x128xi32, #tpu.memory_space<hbm>> -> memref<8x128xi32, #tpu.memory_space<hbm>>
      %dma_wait3A_96 = arith.constant 0 : i32
      %dma_wait3A_97 = arith.constant 0 : i32
      %dma_wait3A_98 = tpu.memref_slice %arg8[%dma_wait3A_89, %dma_wait3A_96, %dma_wait3A_97] : memref<2x8x128xi32, #tpu.memory_space<vmem>> -> memref<1x8x128xi32, #tpu.memory_space<vmem>>
      %dma_wait3A_99 = tpu.memref_squeeze %dma_wait3A_98 : memref<1x8x128xi32, #tpu.memory_space<vmem>> -> memref<8x128xi32, #tpu.memory_space<vmem>>
      %dma_wait3A_100 = arith.constant 0 : i32
      %dma_wait3A_101 = tpu.memref_slice %arg4[%select_n3A_8, %dma_wait3A_100] : memref<2560x128xi32, #tpu.memory_space<hbm>> -> memref<8x128xi32, #tpu.memory_space<hbm>>
      tpu.wait_dma2 semaphore(%arg16 : memref<!tpu.dma_semaphore, #tpu.memory_space<semaphore_mem>>) src(%dma_wait3A_101 : memref<8x128xi32, #tpu.memory_space<hbm>>) dst(%dma_wait3A_99 : memref<8x128xi32, #tpu.memory_space<vmem>>)
      %dma_wait3A_102 = arith.constant 1 : i32
      %dma_wait3A_103 = arith.constant 0 : i32
      %dma_wait3A_104 = arith.constant 0 : i32
      %dma_wait3A_105 = tpu.memref_slice %arg7[%dma_wait3A_102, %dma_wait3A_103, %dma_wait3A_104] : memref<2x8x128xi32, #tpu.memory_space<vmem>> -> memref<1x1x128xi32, #tpu.memory_space<vmem>>
      %dma_wait3A_106 = tpu.memref_squeeze %dma_wait3A_105 : memref<1x1x128xi32, #tpu.memory_space<vmem>> -> memref<128xi32, #tpu.memory_space<vmem>>
      %dma_wait3A_107 = arith.constant 0 : i32
      %dma_wait3A_108 = arith.constant 0 : i32
      %dma_wait3A_109 = tpu.memref_slice %arg2[%dma_wait3A_107, %dma_wait3A_108] : memref<10000x128xf32, #tpu.memory_space<hbm>> -> memref<10000x128xf32, #tpu.memory_space<hbm>>
      tpu.wait_indirect_dma semaphore(%arg11 : memref<!tpu.dma_semaphore, #tpu.memory_space<semaphore_mem>>) src(%dma_wait3A_109 : memref<10000x128xf32, #tpu.memory_space<hbm>>) dst(%arg9 : memref<128x128xf32, #tpu.memory_space<vmem>>)
      %dma_start3A_110 = arith.constant 1 : i32
      %dma_start3A_111 = arith.constant 0 : i32
      %dma_start3A_112 = arith.constant 0 : i32
      %dma_start3A_113 = tpu.memref_slice %arg8[%dma_start3A_110, %dma_start3A_111, %dma_start3A_112] : memref<2x8x128xi32, #tpu.memory_space<vmem>> -> memref<1x1x128xi32, #tpu.memory_space<vmem>>
      %dma_start3A_114 = tpu.memref_squeeze %dma_start3A_113 : memref<1x1x128xi32, #tpu.memory_space<vmem>> -> memref<128xi32, #tpu.memory_space<vmem>>
      %dma_start3A_115 = arith.constant 0 : i32
      %dma_start3A_116 = arith.constant 0 : i32
      %dma_start3A_117 = tpu.memref_slice %arg17[%dma_start3A_115, %dma_start3A_116] : memref<10112x128xf32, #tpu.memory_space<vmem_shared>> -> memref<10112x128xf32, #tpu.memory_space<vmem_shared>>
      tpu.enqueue_indirect_dma source(%arg9 : memref<128x128xf32, #tpu.memory_space<vmem>>) target(%dma_start3A_117 : memref<10112x128xf32, #tpu.memory_space<vmem_shared>>) offsets(%dma_start3A_114 : memref<128xi32, #tpu.memory_space<vmem>>) semaphore(%arg13 : memref<!tpu.dma_semaphore, #tpu.memory_space<semaphore_mem>>) {add = true}
      %dma_wait3A_118 = arith.constant 1 : i32
      %dma_wait3A_119 = arith.constant 1 : i32
      %dma_wait3A_120 = arith.constant 0 : i32
      %dma_wait3A_121 = tpu.memref_slice %arg7[%dma_wait3A_118, %dma_wait3A_119, %dma_wait3A_120] : memref<2x8x128xi32, #tpu.memory_space<vmem>> -> memref<1x1x128xi32, #tpu.memory_space<vmem>>
      %dma_wait3A_122 = tpu.memref_squeeze %dma_wait3A_121 : memref<1x1x128xi32, #tpu.memory_space<vmem>> -> memref<128xi32, #tpu.memory_space<vmem>>
      %dma_wait3A_123 = arith.constant 0 : i32
      %dma_wait3A_124 = arith.constant 0 : i32
      %dma_wait3A_125 = tpu.memref_slice %arg2[%dma_wait3A_123, %dma_wait3A_124] : memref<10000x128xf32, #tpu.memory_space<hbm>> -> memref<10000x128xf32, #tpu.memory_space<hbm>>
      tpu.wait_indirect_dma semaphore(%arg12 : memref<!tpu.dma_semaphore, #tpu.memory_space<semaphore_mem>>) src(%dma_wait3A_125 : memref<10000x128xf32, #tpu.memory_space<hbm>>) dst(%arg10 : memref<128x128xf32, #tpu.memory_space<vmem>>)
      %dma_start3A_126 = arith.constant 1 : i32
      %dma_start3A_127 = arith.constant 1 : i32
      %dma_start3A_128 = arith.constant 0 : i32
      %dma_start3A_129 = tpu.memref_slice %arg8[%dma_start3A_126, %dma_start3A_127, %dma_start3A_128] : memref<2x8x128xi32, #tpu.memory_space<vmem>> -> memref<1x1x128xi32, #tpu.memory_space<vmem>>
      %dma_start3A_130 = tpu.memref_squeeze %dma_start3A_129 : memref<1x1x128xi32, #tpu.memory_space<vmem>> -> memref<128xi32, #tpu.memory_space<vmem>>
      %dma_start3A_131 = arith.constant 0 : i32
      %dma_start3A_132 = arith.constant 0 : i32
      %dma_start3A_133 = tpu.memref_slice %arg17[%dma_start3A_131, %dma_start3A_132] : memref<10112x128xf32, #tpu.memory_space<vmem_shared>> -> memref<10112x128xf32, #tpu.memory_space<vmem_shared>>
      tpu.enqueue_indirect_dma source(%arg10 : memref<128x128xf32, #tpu.memory_space<vmem>>) target(%dma_start3A_133 : memref<10112x128xf32, #tpu.memory_space<vmem_shared>>) offsets(%dma_start3A_130 : memref<128xi32, #tpu.memory_space<vmem>>) semaphore(%arg14 : memref<!tpu.dma_semaphore, #tpu.memory_space<semaphore_mem>>) {add = true}
      %dma_wait3A_134 = arith.constant 1 : i32
      %dma_wait3A_135 = arith.constant 0 : i32
      %dma_wait3A_136 = arith.constant 0 : i32
      %dma_wait3A_137 = tpu.memref_slice %arg8[%dma_wait3A_134, %dma_wait3A_135, %dma_wait3A_136] : memref<2x8x128xi32, #tpu.memory_space<vmem>> -> memref<1x1x128xi32, #tpu.memory_space<vmem>>
      %dma_wait3A_138 = tpu.memref_squeeze %dma_wait3A_137 : memref<1x1x128xi32, #tpu.memory_space<vmem>> -> memref<128xi32, #tpu.memory_space<vmem>>
      %dma_wait3A_139 = arith.constant 0 : i32
      %dma_wait3A_140 = arith.constant 0 : i32
      %dma_wait3A_141 = tpu.memref_slice %arg17[%dma_wait3A_139, %dma_wait3A_140] : memref<10112x128xf32, #tpu.memory_space<vmem_shared>> -> memref<10112x128xf32, #tpu.memory_space<vmem_shared>>
      tpu.wait_indirect_dma semaphore(%arg13 : memref<!tpu.dma_semaphore, #tpu.memory_space<semaphore_mem>>) src(%arg9 : memref<128x128xf32, #tpu.memory_space<vmem>>) dst(%dma_wait3A_141 : memref<10112x128xf32, #tpu.memory_space<vmem_shared>>)
      %dma_start3A_142 = arith.constant 1 : i32
      %dma_start3A_143 = arith.constant 2 : i32
      %dma_start3A_144 = arith.constant 0 : i32
      %dma_start3A_145 = tpu.memref_slice %arg7[%dma_start3A_142, %dma_start3A_143, %dma_start3A_144] : memref<2x8x128xi32, #tpu.memory_space<vmem>> -> memref<1x1x128xi32, #tpu.memory_space<vmem>>
      %dma_start3A_146 = tpu.memref_squeeze %dma_start3A_145 : memref<1x1x128xi32, #tpu.memory_space<vmem>> -> memref<128xi32, #tpu.memory_space<vmem>>
      %dma_start3A_147 = arith.constant 0 : i32
      %dma_start3A_148 = arith.constant 0 : i32
      %dma_start3A_149 = tpu.memref_slice %arg2[%dma_start3A_147, %dma_start3A_148] : memref<10000x128xf32, #tpu.memory_space<hbm>> -> memref<10000x128xf32, #tpu.memory_space<hbm>>
      tpu.enqueue_indirect_dma source(%dma_start3A_149 : memref<10000x128xf32, #tpu.memory_space<hbm>>) target(%arg9 : memref<128x128xf32, #tpu.memory_space<vmem>>) offsets(%dma_start3A_146 : memref<128xi32, #tpu.memory_space<vmem>>) semaphore(%arg11 : memref<!tpu.dma_semaphore, #tpu.memory_space<semaphore_mem>>)
      %dma_wait3A_150 = arith.constant 1 : i32
      %dma_wait3A_151 = arith.constant 1 : i32
      %dma_wait3A_152 = arith.constant 0 : i32
      %dma_wait3A_153 = tpu.memref_slice %arg8[%dma_wait3A_150, %dma_wait3A_151, %dma_wait3A_152] : memref<2x8x128xi32, #tpu.memory_space<vmem>> -> memref<1x1x128xi32, #tpu.memory_space<vmem>>
      %dma_wait3A_154 = tpu.memref_squeeze %dma_wait3A_153 : memref<1x1x128xi32, #tpu.memory_space<vmem>> -> memref<128xi32, #tpu.memory_space<vmem>>
      %dma_wait3A_155 = arith.constant 0 : i32
      %dma_wait3A_156 = arith.constant 0 : i32
      %dma_wait3A_157 = tpu.memref_slice %arg17[%dma_wait3A_155, %dma_wait3A_156] : memref<10112x128xf32, #tpu.memory_space<vmem_shared>> -> memref<10112x128xf32, #tpu.memory_space<vmem_shared>>
      tpu.wait_indirect_dma semaphore(%arg14 : memref<!tpu.dma_semaphore, #tpu.memory_space<semaphore_mem>>) src(%arg10 : memref<128x128xf32, #tpu.memory_space<vmem>>) dst(%dma_wait3A_157 : memref<10112x128xf32, #tpu.memory_space<vmem_shared>>)
      %dma_start3A_158 = arith.constant 1 : i32
      %dma_start3A_159 = arith.constant 3 : i32
      %dma_start3A_160 = arith.constant 0 : i32
      %dma_start3A_161 = tpu.memref_slice %arg7[%dma_start3A_158, %dma_start3A_159, %dma_start3A_160] : memref<2x8x128xi32, #tpu.memory_space<vmem>> -> memref<1x1x128xi32, #tpu.memory_space<vmem>>
      %dma_start3A_162 = tpu.memref_squeeze %dma_start3A_161 : memref<1x1x128xi32, #tpu.memory_space<vmem>> -> memref<128xi32, #tpu.memory_space<vmem>>
      %dma_start3A_163 = arith.constant 0 : i32
      %dma_start3A_164 = arith.constant 0 : i32
      %dma_start3A_165 = tpu.memref_slice %arg2[%dma_start3A_163, %dma_start3A_164] : memref<10000x128xf32, #tpu.memory_space<hbm>> -> memref<10000x128xf32, #tpu.memory_space<hbm>>
      tpu.enqueue_indirect_dma source(%dma_start3A_165 : memref<10000x128xf32, #tpu.memory_space<hbm>>) target(%arg10 : memref<128x128xf32, #tpu.memory_space<vmem>>) offsets(%dma_start3A_162 : memref<128xi32, #tpu.memory_space<vmem>>) semaphore(%arg12 : memref<!tpu.dma_semaphore, #tpu.memory_space<semaphore_mem>>)
      %dma_wait3A_166 = arith.constant 1 : i32
      %dma_wait3A_167 = arith.constant 2 : i32
      %dma_wait3A_168 = arith.constant 0 : i32
      %dma_wait3A_169 = tpu.memref_slice %arg7[%dma_wait3A_166, %dma_wait3A_167, %dma_wait3A_168] : memref<2x8x128xi32, #tpu.memory_space<vmem>> -> memref<1x1x128xi32, #tpu.memory_space<vmem>>
      %dma_wait3A_170 = tpu.memref_squeeze %dma_wait3A_169 : memref<1x1x128xi32, #tpu.memory_space<vmem>> -> memref<128xi32, #tpu.memory_space<vmem>>
      %dma_wait3A_171 = arith.constant 0 : i32
      %dma_wait3A_172 = arith.constant 0 : i32
      %dma_wait3A_173 = tpu.memref_slice %arg2[%dma_wait3A_171, %dma_wait3A_172] : memref<10000x128xf32, #tpu.memory_space<hbm>> -> memref<10000x128xf32, #tpu.memory_space<hbm>>
      tpu.wait_indirect_dma semaphore(%arg11 : memref<!tpu.dma_semaphore, #tpu.memory_space<semaphore_mem>>) src(%dma_wait3A_173 : memref<10000x128xf32, #tpu.memory_space<hbm>>) dst(%arg9 : memref<128x128xf32, #tpu.memory_space<vmem>>)
      %dma_start3A_174 = arith.constant 1 : i32
      %dma_start3A_175 = arith.constant 2 : i32
      %dma_start3A_176 = arith.constant 0 : i32
      %dma_start3A_177 = tpu.memref_slice %arg8[%dma_start3A_174, %dma_start3A_175, %dma_start3A_176] : memref<2x8x128xi32, #tpu.memory_space<vmem>> -> memref<1x1x128xi32, #tpu.memory_space<vmem>>
      %dma_start3A_178 = tpu.memref_squeeze %dma_start3A_177 : memref<1x1x128xi32, #tpu.memory_space<vmem>> -> memref<128xi32, #tpu.memory_space<vmem>>
      %dma_start3A_179 = arith.constant 0 : i32
      %dma_start3A_180 = arith.constant 0 : i32
      %dma_start3A_181 = tpu.memref_slice %arg17[%dma_start3A_179, %dma_start3A_180] : memref<10112x128xf32, #tpu.memory_space<vmem_shared>> -> memref<10112x128xf32, #tpu.memory_space<vmem_shared>>
      tpu.enqueue_indirect_dma source(%arg9 : memref<128x128xf32, #tpu.memory_space<vmem>>) target(%dma_start3A_181 : memref<10112x128xf32, #tpu.memory_space<vmem_shared>>) offsets(%dma_start3A_178 : memref<128xi32, #tpu.memory_space<vmem>>) semaphore(%arg13 : memref<!tpu.dma_semaphore, #tpu.memory_space<semaphore_mem>>) {add = true}
      %dma_wait3A_182 = arith.constant 1 : i32
      %dma_wait3A_183 = arith.constant 3 : i32
      %dma_wait3A_184 = arith.constant 0 : i32
      %dma_wait3A_185 = tpu.memref_slice %arg7[%dma_wait3A_182, %dma_wait3A_183, %dma_wait3A_184] : memref<2x8x128xi32, #tpu.memory_space<vmem>> -> memref<1x1x128xi32, #tpu.memory_space<vmem>>
      %dma_wait3A_186 = tpu.memref_squeeze %dma_wait3A_185 : memref<1x1x128xi32, #tpu.memory_space<vmem>> -> memref<128xi32, #tpu.memory_space<vmem>>
      %dma_wait3A_187 = arith.constant 0 : i32
      %dma_wait3A_188 = arith.constant 0 : i32
      %dma_wait3A_189 = tpu.memref_slice %arg2[%dma_wait3A_187, %dma_wait3A_188] : memref<10000x128xf32, #tpu.memory_space<hbm>> -> memref<10000x128xf32, #tpu.memory_space<hbm>>
      tpu.wait_indirect_dma semaphore(%arg12 : memref<!tpu.dma_semaphore, #tpu.memory_space<semaphore_mem>>) src(%dma_wait3A_189 : memref<10000x128xf32, #tpu.memory_space<hbm>>) dst(%arg10 : memref<128x128xf32, #tpu.memory_space<vmem>>)
      %dma_start3A_190 = arith.constant 1 : i32
      %dma_start3A_191 = arith.constant 3 : i32
      %dma_start3A_192 = arith.constant 0 : i32
      %dma_start3A_193 = tpu.memref_slice %arg8[%dma_start3A_190, %dma_start3A_191, %dma_start3A_192] : memref<2x8x128xi32, #tpu.memory_space<vmem>> -> memref<1x1x128xi32, #tpu.memory_space<vmem>>
      %dma_start3A_194 = tpu.memref_squeeze %dma_start3A_193 : memref<1x1x128xi32, #tpu.memory_space<vmem>> -> memref<128xi32, #tpu.memory_space<vmem>>
      %dma_start3A_195 = arith.constant 0 : i32
      %dma_start3A_196 = arith.constant 0 : i32
      %dma_start3A_197 = tpu.memref_slice %arg17[%dma_start3A_195, %dma_start3A_196] : memref<10112x128xf32, #tpu.memory_space<vmem_shared>> -> memref<10112x128xf32, #tpu.memory_space<vmem_shared>>
      tpu.enqueue_indirect_dma source(%arg10 : memref<128x128xf32, #tpu.memory_space<vmem>>) target(%dma_start3A_197 : memref<10112x128xf32, #tpu.memory_space<vmem_shared>>) offsets(%dma_start3A_194 : memref<128xi32, #tpu.memory_space<vmem>>) semaphore(%arg14 : memref<!tpu.dma_semaphore, #tpu.memory_space<semaphore_mem>>) {add = true}
      %dma_wait3A_198 = arith.constant 1 : i32
      %dma_wait3A_199 = arith.constant 2 : i32
      %dma_wait3A_200 = arith.constant 0 : i32
      %dma_wait3A_201 = tpu.memref_slice %arg8[%dma_wait3A_198, %dma_wait3A_199, %dma_wait3A_200] : memref<2x8x128xi32, #tpu.memory_space<vmem>> -> memref<1x1x128xi32, #tpu.memory_space<vmem>>
      %dma_wait3A_202 = tpu.memref_squeeze %dma_wait3A_201 : memref<1x1x128xi32, #tpu.memory_space<vmem>> -> memref<128xi32, #tpu.memory_space<vmem>>
      %dma_wait3A_203 = arith.constant 0 : i32
      %dma_wait3A_204 = arith.constant 0 : i32
      %dma_wait3A_205 = tpu.memref_slice %arg17[%dma_wait3A_203, %dma_wait3A_204] : memref<10112x128xf32, #tpu.memory_space<vmem_shared>> -> memref<10112x128xf32, #tpu.memory_space<vmem_shared>>
      tpu.wait_indirect_dma semaphore(%arg13 : memref<!tpu.dma_semaphore, #tpu.memory_space<semaphore_mem>>) src(%arg9 : memref<128x128xf32, #tpu.memory_space<vmem>>) dst(%dma_wait3A_205 : memref<10112x128xf32, #tpu.memory_space<vmem_shared>>)
      %dma_start3A_206 = arith.constant 1 : i32
      %dma_start3A_207 = arith.constant 4 : i32
      %dma_start3A_208 = arith.constant 0 : i32
      %dma_start3A_209 = tpu.memref_slice %arg7[%dma_start3A_206, %dma_start3A_207, %dma_start3A_208] : memref<2x8x128xi32, #tpu.memory_space<vmem>> -> memref<1x1x128xi32, #tpu.memory_space<vmem>>
      %dma_start3A_210 = tpu.memref_squeeze %dma_start3A_209 : memref<1x1x128xi32, #tpu.memory_space<vmem>> -> memref<128xi32, #tpu.memory_space<vmem>>
      %dma_start3A_211 = arith.constant 0 : i32
      %dma_start3A_212 = arith.constant 0 : i32
      %dma_start3A_213 = tpu.memref_slice %arg2[%dma_start3A_211, %dma_start3A_212] : memref<10000x128xf32, #tpu.memory_space<hbm>> -> memref<10000x128xf32, #tpu.memory_space<hbm>>
      tpu.enqueue_indirect_dma source(%dma_start3A_213 : memref<10000x128xf32, #tpu.memory_space<hbm>>) target(%arg9 : memref<128x128xf32, #tpu.memory_space<vmem>>) offsets(%dma_start3A_210 : memref<128xi32, #tpu.memory_space<vmem>>) semaphore(%arg11 : memref<!tpu.dma_semaphore, #tpu.memory_space<semaphore_mem>>)
      %dma_wait3A_214 = arith.constant 1 : i32
      %dma_wait3A_215 = arith.constant 3 : i32
      %dma_wait3A_216 = arith.constant 0 : i32
      %dma_wait3A_217 = tpu.memref_slice %arg8[%dma_wait3A_214, %dma_wait3A_215, %dma_wait3A_216] : memref<2x8x128xi32, #tpu.memory_space<vmem>> -> memref<1x1x128xi32, #tpu.memory_space<vmem>>
      %dma_wait3A_218 = tpu.memref_squeeze %dma_wait3A_217 : memref<1x1x128xi32, #tpu.memory_space<vmem>> -> memref<128xi32, #tpu.memory_space<vmem>>
      %dma_wait3A_219 = arith.constant 0 : i32
      %dma_wait3A_220 = arith.constant 0 : i32
      %dma_wait3A_221 = tpu.memref_slice %arg17[%dma_wait3A_219, %dma_wait3A_220] : memref<10112x128xf32, #tpu.memory_space<vmem_shared>> -> memref<10112x128xf32, #tpu.memory_space<vmem_shared>>
      tpu.wait_indirect_dma semaphore(%arg14 : memref<!tpu.dma_semaphore, #tpu.memory_space<semaphore_mem>>) src(%arg10 : memref<128x128xf32, #tpu.memory_space<vmem>>) dst(%dma_wait3A_221 : memref<10112x128xf32, #tpu.memory_space<vmem_shared>>)
      %dma_start3A_222 = arith.constant 1 : i32
      %dma_start3A_223 = arith.constant 5 : i32
      %dma_start3A_224 = arith.constant 0 : i32
      %dma_start3A_225 = tpu.memref_slice %arg7[%dma_start3A_222, %dma_start3A_223, %dma_start3A_224] : memref<2x8x128xi32, #tpu.memory_space<vmem>> -> memref<1x1x128xi32, #tpu.memory_space<vmem>>
      %dma_start3A_226 = tpu.memref_squeeze %dma_start3A_225 : memref<1x1x128xi32, #tpu.memory_space<vmem>> -> memref<128xi32, #tpu.memory_space<vmem>>
      %dma_start3A_227 = arith.constant 0 : i32
      %dma_start3A_228 = arith.constant 0 : i32
      %dma_start3A_229 = tpu.memref_slice %arg2[%dma_start3A_227, %dma_start3A_228] : memref<10000x128xf32, #tpu.memory_space<hbm>> -> memref<10000x128xf32, #tpu.memory_space<hbm>>
      tpu.enqueue_indirect_dma source(%dma_start3A_229 : memref<10000x128xf32, #tpu.memory_space<hbm>>) target(%arg10 : memref<128x128xf32, #tpu.memory_space<vmem>>) offsets(%dma_start3A_226 : memref<128xi32, #tpu.memory_space<vmem>>) semaphore(%arg12 : memref<!tpu.dma_semaphore, #tpu.memory_space<semaphore_mem>>)
      %dma_wait3A_230 = arith.constant 1 : i32
      %dma_wait3A_231 = arith.constant 4 : i32
      %dma_wait3A_232 = arith.constant 0 : i32
      %dma_wait3A_233 = tpu.memref_slice %arg7[%dma_wait3A_230, %dma_wait3A_231, %dma_wait3A_232] : memref<2x8x128xi32, #tpu.memory_space<vmem>> -> memref<1x1x128xi32, #tpu.memory_space<vmem>>
      %dma_wait3A_234 = tpu.memref_squeeze %dma_wait3A_233 : memref<1x1x128xi32, #tpu.memory_space<vmem>> -> memref<128xi32, #tpu.memory_space<vmem>>
      %dma_wait3A_235 = arith.constant 0 : i32
      %dma_wait3A_236 = arith.constant 0 : i32
      %dma_wait3A_237 = tpu.memref_slice %arg2[%dma_wait3A_235, %dma_wait3A_236] : memref<10000x128xf32, #tpu.memory_space<hbm>> -> memref<10000x128xf32, #tpu.memory_space<hbm>>
      tpu.wait_indirect_dma semaphore(%arg11 : memref<!tpu.dma_semaphore, #tpu.memory_space<semaphore_mem>>) src(%dma_wait3A_237 : memref<10000x128xf32, #tpu.memory_space<hbm>>) dst(%arg9 : memref<128x128xf32, #tpu.memory_space<vmem>>)
      %dma_start3A_238 = arith.constant 1 : i32
      %dma_start3A_239 = arith.constant 4 : i32
      %dma_start3A_240 = arith.constant 0 : i32
      %dma_start3A_241 = tpu.memref_slice %arg8[%dma_start3A_238, %dma_start3A_239, %dma_start3A_240] : memref<2x8x128xi32, #tpu.memory_space<vmem>> -> memref<1x1x128xi32, #tpu.memory_space<vmem>>
      %dma_start3A_242 = tpu.memref_squeeze %dma_start3A_241 : memref<1x1x128xi32, #tpu.memory_space<vmem>> -> memref<128xi32, #tpu.memory_space<vmem>>
      %dma_start3A_243 = arith.constant 0 : i32
      %dma_start3A_244 = arith.constant 0 : i32
      %dma_start3A_245 = tpu.memref_slice %arg17[%dma_start3A_243, %dma_start3A_244] : memref<10112x128xf32, #tpu.memory_space<vmem_shared>> -> memref<10112x128xf32, #tpu.memory_space<vmem_shared>>
      tpu.enqueue_indirect_dma source(%arg9 : memref<128x128xf32, #tpu.memory_space<vmem>>) target(%dma_start3A_245 : memref<10112x128xf32, #tpu.memory_space<vmem_shared>>) offsets(%dma_start3A_242 : memref<128xi32, #tpu.memory_space<vmem>>) semaphore(%arg13 : memref<!tpu.dma_semaphore, #tpu.memory_space<semaphore_mem>>) {add = true}
      %dma_wait3A_246 = arith.constant 1 : i32
      %dma_wait3A_247 = arith.constant 5 : i32
      %dma_wait3A_248 = arith.constant 0 : i32
      %dma_wait3A_249 = tpu.memref_slice %arg7[%dma_wait3A_246, %dma_wait3A_247, %dma_wait3A_248] : memref<2x8x128xi32, #tpu.memory_space<vmem>> -> memref<1x1x128xi32, #tpu.memory_space<vmem>>
      %dma_wait3A_250 = tpu.memref_squeeze %dma_wait3A_249 : memref<1x1x128xi32, #tpu.memory_space<vmem>> -> memref<128xi32, #tpu.memory_space<vmem>>
      %dma_wait3A_251 = arith.constant 0 : i32
      %dma_wait3A_252 = arith.constant 0 : i32
      %dma_wait3A_253 = tpu.memref_slice %arg2[%dma_wait3A_251, %dma_wait3A_252] : memref<10000x128xf32, #tpu.memory_space<hbm>> -> memref<10000x128xf32, #tpu.memory_space<hbm>>
      tpu.wait_indirect_dma semaphore(%arg12 : memref<!tpu.dma_semaphore, #tpu.memory_space<semaphore_mem>>) src(%dma_wait3A_253 : memref<10000x128xf32, #tpu.memory_space<hbm>>) dst(%arg10 : memref<128x128xf32, #tpu.memory_space<vmem>>)
      %dma_start3A_254 = arith.constant 1 : i32
      %dma_start3A_255 = arith.constant 5 : i32
      %dma_start3A_256 = arith.constant 0 : i32
      %dma_start3A_257 = tpu.memref_slice %arg8[%dma_start3A_254, %dma_start3A_255, %dma_start3A_256] : memref<2x8x128xi32, #tpu.memory_space<vmem>> -> memref<1x1x128xi32, #tpu.memory_space<vmem>>
      %dma_start3A_258 = tpu.memref_squeeze %dma_start3A_257 : memref<1x1x128xi32, #tpu.memory_space<vmem>> -> memref<128xi32, #tpu.memory_space<vmem>>
      %dma_start3A_259 = arith.constant 0 : i32
      %dma_start3A_260 = arith.constant 0 : i32
      %dma_start3A_261 = tpu.memref_slice %arg17[%dma_start3A_259, %dma_start3A_260] : memref<10112x128xf32, #tpu.memory_space<vmem_shared>> -> memref<10112x128xf32, #tpu.memory_space<vmem_shared>>
      tpu.enqueue_indirect_dma source(%arg10 : memref<128x128xf32, #tpu.memory_space<vmem>>) target(%dma_start3A_261 : memref<10112x128xf32, #tpu.memory_space<vmem_shared>>) offsets(%dma_start3A_258 : memref<128xi32, #tpu.memory_space<vmem>>) semaphore(%arg14 : memref<!tpu.dma_semaphore, #tpu.memory_space<semaphore_mem>>) {add = true}
      %dma_wait3A_262 = arith.constant 1 : i32
      %dma_wait3A_263 = arith.constant 4 : i32
      %dma_wait3A_264 = arith.constant 0 : i32
      %dma_wait3A_265 = tpu.memref_slice %arg8[%dma_wait3A_262, %dma_wait3A_263, %dma_wait3A_264] : memref<2x8x128xi32, #tpu.memory_space<vmem>> -> memref<1x1x128xi32, #tpu.memory_space<vmem>>
      %dma_wait3A_266 = tpu.memref_squeeze %dma_wait3A_265 : memref<1x1x128xi32, #tpu.memory_space<vmem>> -> memref<128xi32, #tpu.memory_space<vmem>>
      %dma_wait3A_267 = arith.constant 0 : i32
      %dma_wait3A_268 = arith.constant 0 : i32
      %dma_wait3A_269 = tpu.memref_slice %arg17[%dma_wait3A_267, %dma_wait3A_268] : memref<10112x128xf32, #tpu.memory_space<vmem_shared>> -> memref<10112x128xf32, #tpu.memory_space<vmem_shared>>
      tpu.wait_indirect_dma semaphore(%arg13 : memref<!tpu.dma_semaphore, #tpu.memory_space<semaphore_mem>>) src(%arg9 : memref<128x128xf32, #tpu.memory_space<vmem>>) dst(%dma_wait3A_269 : memref<10112x128xf32, #tpu.memory_space<vmem_shared>>)
      %dma_start3A_270 = arith.constant 1 : i32
      %dma_start3A_271 = arith.constant 6 : i32
      %dma_start3A_272 = arith.constant 0 : i32
      %dma_start3A_273 = tpu.memref_slice %arg7[%dma_start3A_270, %dma_start3A_271, %dma_start3A_272] : memref<2x8x128xi32, #tpu.memory_space<vmem>> -> memref<1x1x128xi32, #tpu.memory_space<vmem>>
      %dma_start3A_274 = tpu.memref_squeeze %dma_start3A_273 : memref<1x1x128xi32, #tpu.memory_space<vmem>> -> memref<128xi32, #tpu.memory_space<vmem>>
      %dma_start3A_275 = arith.constant 0 : i32
      %dma_start3A_276 = arith.constant 0 : i32
      %dma_start3A_277 = tpu.memref_slice %arg2[%dma_start3A_275, %dma_start3A_276] : memref<10000x128xf32, #tpu.memory_space<hbm>> -> memref<10000x128xf32, #tpu.memory_space<hbm>>
      tpu.enqueue_indirect_dma source(%dma_start3A_277 : memref<10000x128xf32, #tpu.memory_space<hbm>>) target(%arg9 : memref<128x128xf32, #tpu.memory_space<vmem>>) offsets(%dma_start3A_274 : memref<128xi32, #tpu.memory_space<vmem>>) semaphore(%arg11 : memref<!tpu.dma_semaphore, #tpu.memory_space<semaphore_mem>>)
      %dma_wait3A_278 = arith.constant 1 : i32
      %dma_wait3A_279 = arith.constant 5 : i32
      %dma_wait3A_280 = arith.constant 0 : i32
      %dma_wait3A_281 = tpu.memref_slice %arg8[%dma_wait3A_278, %dma_wait3A_279, %dma_wait3A_280] : memref<2x8x128xi32, #tpu.memory_space<vmem>> -> memref<1x1x128xi32, #tpu.memory_space<vmem>>
      %dma_wait3A_282 = tpu.memref_squeeze %dma_wait3A_281 : memref<1x1x128xi32, #tpu.memory_space<vmem>> -> memref<128xi32, #tpu.memory_space<vmem>>
      %dma_wait3A_283 = arith.constant 0 : i32
      %dma_wait3A_284 = arith.constant 0 : i32
      %dma_wait3A_285 = tpu.memref_slice %arg17[%dma_wait3A_283, %dma_wait3A_284] : memref<10112x128xf32, #tpu.memory_space<vmem_shared>> -> memref<10112x128xf32, #tpu.memory_space<vmem_shared>>
      tpu.wait_indirect_dma semaphore(%arg14 : memref<!tpu.dma_semaphore, #tpu.memory_space<semaphore_mem>>) src(%arg10 : memref<128x128xf32, #tpu.memory_space<vmem>>) dst(%dma_wait3A_285 : memref<10112x128xf32, #tpu.memory_space<vmem_shared>>)
      %dma_start3A_286 = arith.constant 1 : i32
      %dma_start3A_287 = arith.constant 7 : i32
      %dma_start3A_288 = arith.constant 0 : i32
      %dma_start3A_289 = tpu.memref_slice %arg7[%dma_start3A_286, %dma_start3A_287, %dma_start3A_288] : memref<2x8x128xi32, #tpu.memory_space<vmem>> -> memref<1x1x128xi32, #tpu.memory_space<vmem>>
      %dma_start3A_290 = tpu.memref_squeeze %dma_start3A_289 : memref<1x1x128xi32, #tpu.memory_space<vmem>> -> memref<128xi32, #tpu.memory_space<vmem>>
      %dma_start3A_291 = arith.constant 0 : i32
      %dma_start3A_292 = arith.constant 0 : i32
      %dma_start3A_293 = tpu.memref_slice %arg2[%dma_start3A_291, %dma_start3A_292] : memref<10000x128xf32, #tpu.memory_space<hbm>> -> memref<10000x128xf32, #tpu.memory_space<hbm>>
      tpu.enqueue_indirect_dma source(%dma_start3A_293 : memref<10000x128xf32, #tpu.memory_space<hbm>>) target(%arg10 : memref<128x128xf32, #tpu.memory_space<vmem>>) offsets(%dma_start3A_290 : memref<128xi32, #tpu.memory_space<vmem>>) semaphore(%arg12 : memref<!tpu.dma_semaphore, #tpu.memory_space<semaphore_mem>>)
      %dma_wait3A_294 = arith.constant 1 : i32
      %dma_wait3A_295 = arith.constant 6 : i32
      %dma_wait3A_296 = arith.constant 0 : i32
      %dma_wait3A_297 = tpu.memref_slice %arg7[%dma_wait3A_294, %dma_wait3A_295, %dma_wait3A_296] : memref<2x8x128xi32, #tpu.memory_space<vmem>> -> memref<1x1x128xi32, #tpu.memory_space<vmem>>
      %dma_wait3A_298 = tpu.memref_squeeze %dma_wait3A_297 : memref<1x1x128xi32, #tpu.memory_space<vmem>> -> memref<128xi32, #tpu.memory_space<vmem>>
      %dma_wait3A_299 = arith.constant 0 : i32
      %dma_wait3A_300 = arith.constant 0 : i32
      %dma_wait3A_301 = tpu.memref_slice %arg2[%dma_wait3A_299, %dma_wait3A_300] : memref<10000x128xf32, #tpu.memory_space<hbm>> -> memref<10000x128xf32, #tpu.memory_space<hbm>>
      tpu.wait_indirect_dma semaphore(%arg11 : memref<!tpu.dma_semaphore, #tpu.memory_space<semaphore_mem>>) src(%dma_wait3A_301 : memref<10000x128xf32, #tpu.memory_space<hbm>>) dst(%arg9 : memref<128x128xf32, #tpu.memory_space<vmem>>)
      %dma_start3A_302 = arith.constant 1 : i32
      %dma_start3A_303 = arith.constant 6 : i32
      %dma_start3A_304 = arith.constant 0 : i32
      %dma_start3A_305 = tpu.memref_slice %arg8[%dma_start3A_302, %dma_start3A_303, %dma_start3A_304] : memref<2x8x128xi32, #tpu.memory_space<vmem>> -> memref<1x1x128xi32, #tpu.memory_space<vmem>>
      %dma_start3A_306 = tpu.memref_squeeze %dma_start3A_305 : memref<1x1x128xi32, #tpu.memory_space<vmem>> -> memref<128xi32, #tpu.memory_space<vmem>>
      %dma_start3A_307 = arith.constant 0 : i32
      %dma_start3A_308 = arith.constant 0 : i32
      %dma_start3A_309 = tpu.memref_slice %arg17[%dma_start3A_307, %dma_start3A_308] : memref<10112x128xf32, #tpu.memory_space<vmem_shared>> -> memref<10112x128xf32, #tpu.memory_space<vmem_shared>>
      tpu.enqueue_indirect_dma source(%arg9 : memref<128x128xf32, #tpu.memory_space<vmem>>) target(%dma_start3A_309 : memref<10112x128xf32, #tpu.memory_space<vmem_shared>>) offsets(%dma_start3A_306 : memref<128xi32, #tpu.memory_space<vmem>>) semaphore(%arg13 : memref<!tpu.dma_semaphore, #tpu.memory_space<semaphore_mem>>) {add = true}
      %dma_wait3A_310 = arith.constant 1 : i32
      %dma_wait3A_311 = arith.constant 7 : i32
      %dma_wait3A_312 = arith.constant 0 : i32
      %dma_wait3A_313 = tpu.memref_slice %arg7[%dma_wait3A_310, %dma_wait3A_311, %dma_wait3A_312] : memref<2x8x128xi32, #tpu.memory_space<vmem>> -> memref<1x1x128xi32, #tpu.memory_space<vmem>>
      %dma_wait3A_314 = tpu.memref_squeeze %dma_wait3A_313 : memref<1x1x128xi32, #tpu.memory_space<vmem>> -> memref<128xi32, #tpu.memory_space<vmem>>
      %dma_wait3A_315 = arith.constant 0 : i32
      %dma_wait3A_316 = arith.constant 0 : i32
      %dma_wait3A_317 = tpu.memref_slice %arg2[%dma_wait3A_315, %dma_wait3A_316] : memref<10000x128xf32, #tpu.memory_space<hbm>> -> memref<10000x128xf32, #tpu.memory_space<hbm>>
      tpu.wait_indirect_dma semaphore(%arg12 : memref<!tpu.dma_semaphore, #tpu.memory_space<semaphore_mem>>) src(%dma_wait3A_317 : memref<10000x128xf32, #tpu.memory_space<hbm>>) dst(%arg10 : memref<128x128xf32, #tpu.memory_space<vmem>>)
      %dma_start3A_318 = arith.constant 1 : i32
      %dma_start3A_319 = arith.constant 7 : i32
      %dma_start3A_320 = arith.constant 0 : i32
      %dma_start3A_321 = tpu.memref_slice %arg8[%dma_start3A_318, %dma_start3A_319, %dma_start3A_320] : memref<2x8x128xi32, #tpu.memory_space<vmem>> -> memref<1x1x128xi32, #tpu.memory_space<vmem>>
      %dma_start3A_322 = tpu.memref_squeeze %dma_start3A_321 : memref<1x1x128xi32, #tpu.memory_space<vmem>> -> memref<128xi32, #tpu.memory_space<vmem>>
      %dma_start3A_323 = arith.constant 0 : i32
      %dma_start3A_324 = arith.constant 0 : i32
      %dma_start3A_325 = tpu.memref_slice %arg17[%dma_start3A_323, %dma_start3A_324] : memref<10112x128xf32, #tpu.memory_space<vmem_shared>> -> memref<10112x128xf32, #tpu.memory_space<vmem_shared>>
      tpu.enqueue_indirect_dma source(%arg10 : memref<128x128xf32, #tpu.memory_space<vmem>>) target(%dma_start3A_325 : memref<10112x128xf32, #tpu.memory_space<vmem_shared>>) offsets(%dma_start3A_322 : memref<128xi32, #tpu.memory_space<vmem>>) semaphore(%arg14 : memref<!tpu.dma_semaphore, #tpu.memory_space<semaphore_mem>>) {add = true}
      %dma_wait3A_326 = arith.constant 1 : i32
      %dma_wait3A_327 = arith.constant 6 : i32
      %dma_wait3A_328 = arith.constant 0 : i32
      %dma_wait3A_329 = tpu.memref_slice %arg8[%dma_wait3A_326, %dma_wait3A_327, %dma_wait3A_328] : memref<2x8x128xi32, #tpu.memory_space<vmem>> -> memref<1x1x128xi32, #tpu.memory_space<vmem>>
      %dma_wait3A_330 = tpu.memref_squeeze %dma_wait3A_329 : memref<1x1x128xi32, #tpu.memory_space<vmem>> -> memref<128xi32, #tpu.memory_space<vmem>>
      %dma_wait3A_331 = arith.constant 0 : i32
      %dma_wait3A_332 = arith.constant 0 : i32
      %dma_wait3A_333 = tpu.memref_slice %arg17[%dma_wait3A_331, %dma_wait3A_332] : memref<10112x128xf32, #tpu.memory_space<vmem_shared>> -> memref<10112x128xf32, #tpu.memory_space<vmem_shared>>
      tpu.wait_indirect_dma semaphore(%arg13 : memref<!tpu.dma_semaphore, #tpu.memory_space<semaphore_mem>>) src(%arg9 : memref<128x128xf32, #tpu.memory_space<vmem>>) dst(%dma_wait3A_333 : memref<10112x128xf32, #tpu.memory_space<vmem_shared>>)
      %dma_wait3A_334 = arith.constant 1 : i32
      %dma_wait3A_335 = arith.constant 7 : i32
      %dma_wait3A_336 = arith.constant 0 : i32
      %dma_wait3A_337 = tpu.memref_slice %arg8[%dma_wait3A_334, %dma_wait3A_335, %dma_wait3A_336] : memref<2x8x128xi32, #tpu.memory_space<vmem>> -> memref<1x1x128xi32, #tpu.memory_space<vmem>>
      %dma_wait3A_338 = tpu.memref_squeeze %dma_wait3A_337 : memref<1x1x128xi32, #tpu.memory_space<vmem>> -> memref<128xi32, #tpu.memory_space<vmem>>
      %dma_wait3A_339 = arith.constant 0 : i32
      %dma_wait3A_340 = arith.constant 0 : i32
      %dma_wait3A_341 = tpu.memref_slice %arg17[%dma_wait3A_339, %dma_wait3A_340] : memref<10112x128xf32, #tpu.memory_space<vmem_shared>> -> memref<10112x128xf32, #tpu.memory_space<vmem_shared>>
      tpu.wait_indirect_dma semaphore(%arg14 : memref<!tpu.dma_semaphore, #tpu.memory_space<semaphore_mem>>) src(%arg10 : memref<128x128xf32, #tpu.memory_space<vmem>>) dst(%dma_wait3A_341 : memref<10112x128xf32, #tpu.memory_space<vmem_shared>>)
    } else {
    }
    %barrier3A_13 = arith.constant 0 : index
    tpu.barrier barrier_id(%barrier3A_13)
    %mul3A_14 = arith.constant 632 : i32
    %mul3A_15 = arith.muli %arg1, %mul3A_14 : i32
    %mul3A_16 = arith.constant 10112 : i32
    %mul3A_17 = arith.muli %arg0, %mul3A_16 : i32
    %mul3A_18 = arith.constant 632 : i32
    %mul3A_19 = arith.muli %arg1, %mul3A_18 : i32
    %add3A_20 = arith.addi %mul3A_17, %mul3A_19 : i32
    "tpu.region"() ({
      %run_scoped3A = tpu.sem_alloc : memref<!tpu.dma_semaphore, #tpu.memory_space<semaphore_mem>>
      %dma_start3A = arith.constant 0 : i32
      %dma_start3A_21 = tpu.memref_slice %arg6[%add3A_20, %dma_start3A] : memref<20224x128xf32, #tpu.memory_space<hbm>> -> memref<632x128xf32, #tpu.memory_space<hbm>>
      %dma_start3A_22 = arith.constant 0 : i32
      %dma_start3A_23 = tpu.memref_slice %arg17[%mul3A_15, %dma_start3A_22] : memref<10112x128xf32, #tpu.memory_space<vmem_shared>> -> memref<632x128xf32, #tpu.memory_space<vmem_shared>>
      tpu.enqueue_dma source(%dma_start3A_23 : memref<632x128xf32, #tpu.memory_space<vmem_shared>>) target(%dma_start3A_21 : memref<632x128xf32, #tpu.memory_space<hbm>>) target_semaphore(%run_scoped3A : memref<!tpu.dma_semaphore, #tpu.memory_space<semaphore_mem>>)
      %dma_wait3A = arith.constant 0 : i32
      %dma_wait3A_24 = tpu.memref_slice %arg6[%add3A_20, %dma_wait3A] : memref<20224x128xf32, #tpu.memory_space<hbm>> -> memref<632x128xf32, #tpu.memory_space<hbm>>
      %dma_wait3A_25 = arith.constant 0 : i32
      %dma_wait3A_26 = tpu.memref_slice %arg17[%mul3A_15, %dma_wait3A_25] : memref<10112x128xf32, #tpu.memory_space<vmem_shared>> -> memref<632x128xf32, #tpu.memory_space<vmem_shared>>
      tpu.wait_dma2 semaphore(%run_scoped3A : memref<!tpu.dma_semaphore, #tpu.memory_space<semaphore_mem>>) src(%dma_wait3A_26 : memref<632x128xf32, #tpu.memory_space<vmem_shared>>) dst(%dma_wait3A_24 : memref<632x128xf32, #tpu.memory_space<hbm>>)
      tpu.yield
    }) : () -> ()
    return
  }
}

#map = affine_map<(d0, d1) -> (0, 0)>
module attributes {stable_mosaic.version = 14 : i64} {
  func.func @k(%arg0: i32, %arg1: i32, %arg2: memref<2560x128xi32, #tpu.memory_space<hbm>>, %arg3: memref<128x128xf32, #tpu.memory_space<hbm>>, %arg4: memref<632x128xf32, #tpu.memory_space<hbm>>, %arg5: memref<20224x128xf32, #tpu.memory_space<hbm>>, %arg6: memref<80x128xi32, #tpu.memory_space<vmem>>, %arg7: memref<128x128xf32, #tpu.memory_space<vmem>>, %arg8: memref<10112x128xf32, #tpu.memory_space<vmem_shared>>, %arg9: memref<!tpu.dma_semaphore, #tpu.memory_space<semaphore_mem>>) attributes {dimension_semantics = [#tpu.dimension_semantics<core_parallel>, #tpu.dimension_semantics<subcore_parallel>], iteration_bounds = array<i64: 2, 16>, scalar_prefetch = 0 : i64, scratch_operands = 4 : i64, tpu.core_type = #tpu.core_type<sc_vector_subcore>, window_params = [{transform_indices = #map}, {transform_indices = #map}, {transform_indices = #map}, {transform_indices = #map}]} {
    %mul3A = arith.constant 16 : i32
    %mul3A_0 = arith.muli %arg0, %mul3A : i32
    %add3A = arith.addi %mul3A_0, %arg1 : i32
    %mul3A_1 = arith.constant 632 : i32
    %mul3A_2 = arith.muli %arg1, %mul3A_1 : i32
    "tpu.region"() ({
      %run_scoped3A = tpu.sem_alloc : memref<!tpu.dma_semaphore, #tpu.memory_space<semaphore_mem>>
      %dma_start3A = arith.constant 0 : i32
      %dma_start3A_18 = tpu.memref_slice %arg8[%mul3A_2, %dma_start3A] : memref<10112x128xf32, #tpu.memory_space<vmem_shared>> -> memref<632x128xf32, #tpu.memory_space<vmem_shared>>
      tpu.enqueue_dma source(%arg4 : memref<632x128xf32, #tpu.memory_space<hbm>>) target(%dma_start3A_18 : memref<632x128xf32, #tpu.memory_space<vmem_shared>>) target_semaphore(%run_scoped3A : memref<!tpu.dma_semaphore, #tpu.memory_space<semaphore_mem>>)
      %dma_wait3A = arith.constant 0 : i32
      %dma_wait3A_19 = tpu.memref_slice %arg8[%mul3A_2, %dma_wait3A] : memref<10112x128xf32, #tpu.memory_space<vmem_shared>> -> memref<632x128xf32, #tpu.memory_space<vmem_shared>>
      tpu.wait_dma2 semaphore(%run_scoped3A : memref<!tpu.dma_semaphore, #tpu.memory_space<semaphore_mem>>) src(%arg4 : memref<632x128xf32, #tpu.memory_space<hbm>>) dst(%dma_wait3A_19 : memref<632x128xf32, #tpu.memory_space<vmem_shared>>)
      tpu.yield
    }) : () -> ()
    "tpu.region"() ({
      %run_scoped3A = tpu.sem_alloc : memref<!tpu.dma_semaphore, #tpu.memory_space<semaphore_mem>>
      tpu.enqueue_dma source(%arg3 : memref<128x128xf32, #tpu.memory_space<hbm>>) target(%arg7 : memref<128x128xf32, #tpu.memory_space<vmem>>) target_semaphore(%run_scoped3A : memref<!tpu.dma_semaphore, #tpu.memory_space<semaphore_mem>>)
      tpu.wait_dma2 semaphore(%run_scoped3A : memref<!tpu.dma_semaphore, #tpu.memory_space<semaphore_mem>>) src(%arg3 : memref<128x128xf32, #tpu.memory_space<hbm>>) dst(%arg7 : memref<128x128xf32, #tpu.memory_space<vmem>>)
      tpu.yield
    }) : () -> ()
    %mul3A_3 = arith.constant 80 : i32
    %mul3A_4 = arith.muli %add3A, %mul3A_3 : i32
    "tpu.region"() ({
      %run_scoped3A = tpu.sem_alloc : memref<!tpu.dma_semaphore, #tpu.memory_space<semaphore_mem>>
      %dma_start3A = arith.constant 0 : i32
      %dma_start3A_18 = tpu.memref_slice %arg2[%mul3A_4, %dma_start3A] : memref<2560x128xi32, #tpu.memory_space<hbm>> -> memref<80x128xi32, #tpu.memory_space<hbm>>
      %dma_start3A_19 = arith.constant 0 : i32
      %dma_start3A_20 = tpu.memref_slice %arg2[%mul3A_4, %dma_start3A_19] : memref<2560x128xi32, #tpu.memory_space<hbm>> -> memref<80x128xi32, #tpu.memory_space<hbm>>
      tpu.enqueue_dma source(%dma_start3A_20 : memref<80x128xi32, #tpu.memory_space<hbm>>) target(%arg6 : memref<80x128xi32, #tpu.memory_space<vmem>>) target_semaphore(%run_scoped3A : memref<!tpu.dma_semaphore, #tpu.memory_space<semaphore_mem>>)
      %dma_wait3A = arith.constant 0 : i32
      %dma_wait3A_21 = tpu.memref_slice %arg2[%mul3A_4, %dma_wait3A] : memref<2560x128xi32, #tpu.memory_space<hbm>> -> memref<80x128xi32, #tpu.memory_space<hbm>>
      %dma_wait3A_22 = arith.constant 0 : i32
      %dma_wait3A_23 = tpu.memref_slice %arg2[%mul3A_4, %dma_wait3A_22] : memref<2560x128xi32, #tpu.memory_space<hbm>> -> memref<80x128xi32, #tpu.memory_space<hbm>>
      tpu.wait_dma2 semaphore(%run_scoped3A : memref<!tpu.dma_semaphore, #tpu.memory_space<semaphore_mem>>) src(%dma_wait3A_23 : memref<80x128xi32, #tpu.memory_space<hbm>>) dst(%arg6 : memref<80x128xi32, #tpu.memory_space<vmem>>)
      tpu.yield
    }) : () -> ()
    %barrier3A = arith.constant 0 : index
    tpu.barrier barrier_id(%barrier3A)
    %scan3A = arith.constant 0 : i32
    %scan3A_5 = arith.constant 0 : i32
    %scan3A_6 = arith.constant 10 : i32
    %scan3A_7 = arith.addi %scan3A_5, %scan3A_6 : i32
    %scan3A_8 = arith.constant 1 : i32
    scf.for %scan3A_18 = %scan3A_5 to %scan3A_7 step %scan3A_8  : i32 {
      %mul3A_19 = arith.constant 8 : i32
      %mul3A_20 = arith.muli %scan3A_18, %mul3A_19 : i32
      %add3A_21 = arith.constant 0 : i32
      %add3A_22 = arith.addi %mul3A_20, %add3A_21 : i32
      %dma_start3A = arith.constant 0 : i32
      %dma_start3A_23 = tpu.memref_slice %arg6[%add3A_22, %dma_start3A] : memref<80x128xi32, #tpu.memory_space<vmem>> -> memref<1x128xi32, #tpu.memory_space<vmem>>
      %dma_start3A_24 = tpu.memref_squeeze %dma_start3A_23 : memref<1x128xi32, #tpu.memory_space<vmem>> -> memref<128xi32, #tpu.memory_space<vmem>>
      %dma_start3A_25 = arith.constant 0 : i32
      %dma_start3A_26 = arith.constant 0 : i32
      %dma_start3A_27 = tpu.memref_slice %arg8[%dma_start3A_25, %dma_start3A_26] : memref<10112x128xf32, #tpu.memory_space<vmem_shared>> -> memref<10112x128xf32, #tpu.memory_space<vmem_shared>>
      tpu.enqueue_indirect_dma source(%arg7 : memref<128x128xf32, #tpu.memory_space<vmem>>) target(%dma_start3A_27 : memref<10112x128xf32, #tpu.memory_space<vmem_shared>>) offsets(%dma_start3A_24 : memref<128xi32, #tpu.memory_space<vmem>>) semaphore(%arg9 : memref<!tpu.dma_semaphore, #tpu.memory_space<semaphore_mem>>) {add = true}
      %add3A_28 = arith.constant 1 : i32
      %add3A_29 = arith.addi %mul3A_20, %add3A_28 : i32
      %dma_start3A_30 = arith.constant 0 : i32
      %dma_start3A_31 = tpu.memref_slice %arg6[%add3A_29, %dma_start3A_30] : memref<80x128xi32, #tpu.memory_space<vmem>> -> memref<1x128xi32, #tpu.memory_space<vmem>>
      %dma_start3A_32 = tpu.memref_squeeze %dma_start3A_31 : memref<1x128xi32, #tpu.memory_space<vmem>> -> memref<128xi32, #tpu.memory_space<vmem>>
      %dma_start3A_33 = arith.constant 0 : i32
      %dma_start3A_34 = arith.constant 0 : i32
      %dma_start3A_35 = tpu.memref_slice %arg8[%dma_start3A_33, %dma_start3A_34] : memref<10112x128xf32, #tpu.memory_space<vmem_shared>> -> memref<10112x128xf32, #tpu.memory_space<vmem_shared>>
      tpu.enqueue_indirect_dma source(%arg7 : memref<128x128xf32, #tpu.memory_space<vmem>>) target(%dma_start3A_35 : memref<10112x128xf32, #tpu.memory_space<vmem_shared>>) offsets(%dma_start3A_32 : memref<128xi32, #tpu.memory_space<vmem>>) semaphore(%arg9 : memref<!tpu.dma_semaphore, #tpu.memory_space<semaphore_mem>>) {add = true}
      %add3A_36 = arith.constant 2 : i32
      %add3A_37 = arith.addi %mul3A_20, %add3A_36 : i32
      %dma_start3A_38 = arith.constant 0 : i32
      %dma_start3A_39 = tpu.memref_slice %arg6[%add3A_37, %dma_start3A_38] : memref<80x128xi32, #tpu.memory_space<vmem>> -> memref<1x128xi32, #tpu.memory_space<vmem>>
      %dma_start3A_40 = tpu.memref_squeeze %dma_start3A_39 : memref<1x128xi32, #tpu.memory_space<vmem>> -> memref<128xi32, #tpu.memory_space<vmem>>
      %dma_start3A_41 = arith.constant 0 : i32
      %dma_start3A_42 = arith.constant 0 : i32
      %dma_start3A_43 = tpu.memref_slice %arg8[%dma_start3A_41, %dma_start3A_42] : memref<10112x128xf32, #tpu.memory_space<vmem_shared>> -> memref<10112x128xf32, #tpu.memory_space<vmem_shared>>
      tpu.enqueue_indirect_dma source(%arg7 : memref<128x128xf32, #tpu.memory_space<vmem>>) target(%dma_start3A_43 : memref<10112x128xf32, #tpu.memory_space<vmem_shared>>) offsets(%dma_start3A_40 : memref<128xi32, #tpu.memory_space<vmem>>) semaphore(%arg9 : memref<!tpu.dma_semaphore, #tpu.memory_space<semaphore_mem>>) {add = true}
      %add3A_44 = arith.constant 3 : i32
      %add3A_45 = arith.addi %mul3A_20, %add3A_44 : i32
      %dma_start3A_46 = arith.constant 0 : i32
      %dma_start3A_47 = tpu.memref_slice %arg6[%add3A_45, %dma_start3A_46] : memref<80x128xi32, #tpu.memory_space<vmem>> -> memref<1x128xi32, #tpu.memory_space<vmem>>
      %dma_start3A_48 = tpu.memref_squeeze %dma_start3A_47 : memref<1x128xi32, #tpu.memory_space<vmem>> -> memref<128xi32, #tpu.memory_space<vmem>>
      %dma_start3A_49 = arith.constant 0 : i32
      %dma_start3A_50 = arith.constant 0 : i32
      %dma_start3A_51 = tpu.memref_slice %arg8[%dma_start3A_49, %dma_start3A_50] : memref<10112x128xf32, #tpu.memory_space<vmem_shared>> -> memref<10112x128xf32, #tpu.memory_space<vmem_shared>>
      tpu.enqueue_indirect_dma source(%arg7 : memref<128x128xf32, #tpu.memory_space<vmem>>) target(%dma_start3A_51 : memref<10112x128xf32, #tpu.memory_space<vmem_shared>>) offsets(%dma_start3A_48 : memref<128xi32, #tpu.memory_space<vmem>>) semaphore(%arg9 : memref<!tpu.dma_semaphore, #tpu.memory_space<semaphore_mem>>) {add = true}
      %add3A_52 = arith.constant 4 : i32
      %add3A_53 = arith.addi %mul3A_20, %add3A_52 : i32
      %dma_start3A_54 = arith.constant 0 : i32
      %dma_start3A_55 = tpu.memref_slice %arg6[%add3A_53, %dma_start3A_54] : memref<80x128xi32, #tpu.memory_space<vmem>> -> memref<1x128xi32, #tpu.memory_space<vmem>>
      %dma_start3A_56 = tpu.memref_squeeze %dma_start3A_55 : memref<1x128xi32, #tpu.memory_space<vmem>> -> memref<128xi32, #tpu.memory_space<vmem>>
      %dma_start3A_57 = arith.constant 0 : i32
      %dma_start3A_58 = arith.constant 0 : i32
      %dma_start3A_59 = tpu.memref_slice %arg8[%dma_start3A_57, %dma_start3A_58] : memref<10112x128xf32, #tpu.memory_space<vmem_shared>> -> memref<10112x128xf32, #tpu.memory_space<vmem_shared>>
      tpu.enqueue_indirect_dma source(%arg7 : memref<128x128xf32, #tpu.memory_space<vmem>>) target(%dma_start3A_59 : memref<10112x128xf32, #tpu.memory_space<vmem_shared>>) offsets(%dma_start3A_56 : memref<128xi32, #tpu.memory_space<vmem>>) semaphore(%arg9 : memref<!tpu.dma_semaphore, #tpu.memory_space<semaphore_mem>>) {add = true}
      %add3A_60 = arith.constant 5 : i32
      %add3A_61 = arith.addi %mul3A_20, %add3A_60 : i32
      %dma_start3A_62 = arith.constant 0 : i32
      %dma_start3A_63 = tpu.memref_slice %arg6[%add3A_61, %dma_start3A_62] : memref<80x128xi32, #tpu.memory_space<vmem>> -> memref<1x128xi32, #tpu.memory_space<vmem>>
      %dma_start3A_64 = tpu.memref_squeeze %dma_start3A_63 : memref<1x128xi32, #tpu.memory_space<vmem>> -> memref<128xi32, #tpu.memory_space<vmem>>
      %dma_start3A_65 = arith.constant 0 : i32
      %dma_start3A_66 = arith.constant 0 : i32
      %dma_start3A_67 = tpu.memref_slice %arg8[%dma_start3A_65, %dma_start3A_66] : memref<10112x128xf32, #tpu.memory_space<vmem_shared>> -> memref<10112x128xf32, #tpu.memory_space<vmem_shared>>
      tpu.enqueue_indirect_dma source(%arg7 : memref<128x128xf32, #tpu.memory_space<vmem>>) target(%dma_start3A_67 : memref<10112x128xf32, #tpu.memory_space<vmem_shared>>) offsets(%dma_start3A_64 : memref<128xi32, #tpu.memory_space<vmem>>) semaphore(%arg9 : memref<!tpu.dma_semaphore, #tpu.memory_space<semaphore_mem>>) {add = true}
      %add3A_68 = arith.constant 6 : i32
      %add3A_69 = arith.addi %mul3A_20, %add3A_68 : i32
      %dma_start3A_70 = arith.constant 0 : i32
      %dma_start3A_71 = tpu.memref_slice %arg6[%add3A_69, %dma_start3A_70] : memref<80x128xi32, #tpu.memory_space<vmem>> -> memref<1x128xi32, #tpu.memory_space<vmem>>
      %dma_start3A_72 = tpu.memref_squeeze %dma_start3A_71 : memref<1x128xi32, #tpu.memory_space<vmem>> -> memref<128xi32, #tpu.memory_space<vmem>>
      %dma_start3A_73 = arith.constant 0 : i32
      %dma_start3A_74 = arith.constant 0 : i32
      %dma_start3A_75 = tpu.memref_slice %arg8[%dma_start3A_73, %dma_start3A_74] : memref<10112x128xf32, #tpu.memory_space<vmem_shared>> -> memref<10112x128xf32, #tpu.memory_space<vmem_shared>>
      tpu.enqueue_indirect_dma source(%arg7 : memref<128x128xf32, #tpu.memory_space<vmem>>) target(%dma_start3A_75 : memref<10112x128xf32, #tpu.memory_space<vmem_shared>>) offsets(%dma_start3A_72 : memref<128xi32, #tpu.memory_space<vmem>>) semaphore(%arg9 : memref<!tpu.dma_semaphore, #tpu.memory_space<semaphore_mem>>) {add = true}
      %add3A_76 = arith.constant 7 : i32
      %add3A_77 = arith.addi %mul3A_20, %add3A_76 : i32
      %dma_start3A_78 = arith.constant 0 : i32
      %dma_start3A_79 = tpu.memref_slice %arg6[%add3A_77, %dma_start3A_78] : memref<80x128xi32, #tpu.memory_space<vmem>> -> memref<1x128xi32, #tpu.memory_space<vmem>>
      %dma_start3A_80 = tpu.memref_squeeze %dma_start3A_79 : memref<1x128xi32, #tpu.memory_space<vmem>> -> memref<128xi32, #tpu.memory_space<vmem>>
      %dma_start3A_81 = arith.constant 0 : i32
      %dma_start3A_82 = arith.constant 0 : i32
      %dma_start3A_83 = tpu.memref_slice %arg8[%dma_start3A_81, %dma_start3A_82] : memref<10112x128xf32, #tpu.memory_space<vmem_shared>> -> memref<10112x128xf32, #tpu.memory_space<vmem_shared>>
      tpu.enqueue_indirect_dma source(%arg7 : memref<128x128xf32, #tpu.memory_space<vmem>>) target(%dma_start3A_83 : memref<10112x128xf32, #tpu.memory_space<vmem_shared>>) offsets(%dma_start3A_80 : memref<128xi32, #tpu.memory_space<vmem>>) semaphore(%arg9 : memref<!tpu.dma_semaphore, #tpu.memory_space<semaphore_mem>>) {add = true}
      %add3A_84 = arith.constant 0 : i32
      %add3A_85 = arith.addi %mul3A_20, %add3A_84 : i32
      %dma_wait3A = arith.constant 0 : i32
      %dma_wait3A_86 = tpu.memref_slice %arg6[%add3A_85, %dma_wait3A] : memref<80x128xi32, #tpu.memory_space<vmem>> -> memref<1x128xi32, #tpu.memory_space<vmem>>
      %dma_wait3A_87 = tpu.memref_squeeze %dma_wait3A_86 : memref<1x128xi32, #tpu.memory_space<vmem>> -> memref<128xi32, #tpu.memory_space<vmem>>
      %dma_wait3A_88 = arith.constant 0 : i32
      %dma_wait3A_89 = arith.constant 0 : i32
      %dma_wait3A_90 = tpu.memref_slice %arg8[%dma_wait3A_88, %dma_wait3A_89] : memref<10112x128xf32, #tpu.memory_space<vmem_shared>> -> memref<10112x128xf32, #tpu.memory_space<vmem_shared>>
      tpu.wait_indirect_dma semaphore(%arg9 : memref<!tpu.dma_semaphore, #tpu.memory_space<semaphore_mem>>) src(%arg7 : memref<128x128xf32, #tpu.memory_space<vmem>>) dst(%dma_wait3A_90 : memref<10112x128xf32, #tpu.memory_space<vmem_shared>>)
      %add3A_91 = arith.constant 1 : i32
      %add3A_92 = arith.addi %mul3A_20, %add3A_91 : i32
      %dma_wait3A_93 = arith.constant 0 : i32
      %dma_wait3A_94 = tpu.memref_slice %arg6[%add3A_92, %dma_wait3A_93] : memref<80x128xi32, #tpu.memory_space<vmem>> -> memref<1x128xi32, #tpu.memory_space<vmem>>
      %dma_wait3A_95 = tpu.memref_squeeze %dma_wait3A_94 : memref<1x128xi32, #tpu.memory_space<vmem>> -> memref<128xi32, #tpu.memory_space<vmem>>
      %dma_wait3A_96 = arith.constant 0 : i32
      %dma_wait3A_97 = arith.constant 0 : i32
      %dma_wait3A_98 = tpu.memref_slice %arg8[%dma_wait3A_96, %dma_wait3A_97] : memref<10112x128xf32, #tpu.memory_space<vmem_shared>> -> memref<10112x128xf32, #tpu.memory_space<vmem_shared>>
      tpu.wait_indirect_dma semaphore(%arg9 : memref<!tpu.dma_semaphore, #tpu.memory_space<semaphore_mem>>) src(%arg7 : memref<128x128xf32, #tpu.memory_space<vmem>>) dst(%dma_wait3A_98 : memref<10112x128xf32, #tpu.memory_space<vmem_shared>>)
      %add3A_99 = arith.constant 2 : i32
      %add3A_100 = arith.addi %mul3A_20, %add3A_99 : i32
      %dma_wait3A_101 = arith.constant 0 : i32
      %dma_wait3A_102 = tpu.memref_slice %arg6[%add3A_100, %dma_wait3A_101] : memref<80x128xi32, #tpu.memory_space<vmem>> -> memref<1x128xi32, #tpu.memory_space<vmem>>
      %dma_wait3A_103 = tpu.memref_squeeze %dma_wait3A_102 : memref<1x128xi32, #tpu.memory_space<vmem>> -> memref<128xi32, #tpu.memory_space<vmem>>
      %dma_wait3A_104 = arith.constant 0 : i32
      %dma_wait3A_105 = arith.constant 0 : i32
      %dma_wait3A_106 = tpu.memref_slice %arg8[%dma_wait3A_104, %dma_wait3A_105] : memref<10112x128xf32, #tpu.memory_space<vmem_shared>> -> memref<10112x128xf32, #tpu.memory_space<vmem_shared>>
      tpu.wait_indirect_dma semaphore(%arg9 : memref<!tpu.dma_semaphore, #tpu.memory_space<semaphore_mem>>) src(%arg7 : memref<128x128xf32, #tpu.memory_space<vmem>>) dst(%dma_wait3A_106 : memref<10112x128xf32, #tpu.memory_space<vmem_shared>>)
      %add3A_107 = arith.constant 3 : i32
      %add3A_108 = arith.addi %mul3A_20, %add3A_107 : i32
      %dma_wait3A_109 = arith.constant 0 : i32
      %dma_wait3A_110 = tpu.memref_slice %arg6[%add3A_108, %dma_wait3A_109] : memref<80x128xi32, #tpu.memory_space<vmem>> -> memref<1x128xi32, #tpu.memory_space<vmem>>
      %dma_wait3A_111 = tpu.memref_squeeze %dma_wait3A_110 : memref<1x128xi32, #tpu.memory_space<vmem>> -> memref<128xi32, #tpu.memory_space<vmem>>
      %dma_wait3A_112 = arith.constant 0 : i32
      %dma_wait3A_113 = arith.constant 0 : i32
      %dma_wait3A_114 = tpu.memref_slice %arg8[%dma_wait3A_112, %dma_wait3A_113] : memref<10112x128xf32, #tpu.memory_space<vmem_shared>> -> memref<10112x128xf32, #tpu.memory_space<vmem_shared>>
      tpu.wait_indirect_dma semaphore(%arg9 : memref<!tpu.dma_semaphore, #tpu.memory_space<semaphore_mem>>) src(%arg7 : memref<128x128xf32, #tpu.memory_space<vmem>>) dst(%dma_wait3A_114 : memref<10112x128xf32, #tpu.memory_space<vmem_shared>>)
      %add3A_115 = arith.constant 4 : i32
      %add3A_116 = arith.addi %mul3A_20, %add3A_115 : i32
      %dma_wait3A_117 = arith.constant 0 : i32
      %dma_wait3A_118 = tpu.memref_slice %arg6[%add3A_116, %dma_wait3A_117] : memref<80x128xi32, #tpu.memory_space<vmem>> -> memref<1x128xi32, #tpu.memory_space<vmem>>
      %dma_wait3A_119 = tpu.memref_squeeze %dma_wait3A_118 : memref<1x128xi32, #tpu.memory_space<vmem>> -> memref<128xi32, #tpu.memory_space<vmem>>
      %dma_wait3A_120 = arith.constant 0 : i32
      %dma_wait3A_121 = arith.constant 0 : i32
      %dma_wait3A_122 = tpu.memref_slice %arg8[%dma_wait3A_120, %dma_wait3A_121] : memref<10112x128xf32, #tpu.memory_space<vmem_shared>> -> memref<10112x128xf32, #tpu.memory_space<vmem_shared>>
      tpu.wait_indirect_dma semaphore(%arg9 : memref<!tpu.dma_semaphore, #tpu.memory_space<semaphore_mem>>) src(%arg7 : memref<128x128xf32, #tpu.memory_space<vmem>>) dst(%dma_wait3A_122 : memref<10112x128xf32, #tpu.memory_space<vmem_shared>>)
      %add3A_123 = arith.constant 5 : i32
      %add3A_124 = arith.addi %mul3A_20, %add3A_123 : i32
      %dma_wait3A_125 = arith.constant 0 : i32
      %dma_wait3A_126 = tpu.memref_slice %arg6[%add3A_124, %dma_wait3A_125] : memref<80x128xi32, #tpu.memory_space<vmem>> -> memref<1x128xi32, #tpu.memory_space<vmem>>
      %dma_wait3A_127 = tpu.memref_squeeze %dma_wait3A_126 : memref<1x128xi32, #tpu.memory_space<vmem>> -> memref<128xi32, #tpu.memory_space<vmem>>
      %dma_wait3A_128 = arith.constant 0 : i32
      %dma_wait3A_129 = arith.constant 0 : i32
      %dma_wait3A_130 = tpu.memref_slice %arg8[%dma_wait3A_128, %dma_wait3A_129] : memref<10112x128xf32, #tpu.memory_space<vmem_shared>> -> memref<10112x128xf32, #tpu.memory_space<vmem_shared>>
      tpu.wait_indirect_dma semaphore(%arg9 : memref<!tpu.dma_semaphore, #tpu.memory_space<semaphore_mem>>) src(%arg7 : memref<128x128xf32, #tpu.memory_space<vmem>>) dst(%dma_wait3A_130 : memref<10112x128xf32, #tpu.memory_space<vmem_shared>>)
      %add3A_131 = arith.constant 6 : i32
      %add3A_132 = arith.addi %mul3A_20, %add3A_131 : i32
      %dma_wait3A_133 = arith.constant 0 : i32
      %dma_wait3A_134 = tpu.memref_slice %arg6[%add3A_132, %dma_wait3A_133] : memref<80x128xi32, #tpu.memory_space<vmem>> -> memref<1x128xi32, #tpu.memory_space<vmem>>
      %dma_wait3A_135 = tpu.memref_squeeze %dma_wait3A_134 : memref<1x128xi32, #tpu.memory_space<vmem>> -> memref<128xi32, #tpu.memory_space<vmem>>
      %dma_wait3A_136 = arith.constant 0 : i32
      %dma_wait3A_137 = arith.constant 0 : i32
      %dma_wait3A_138 = tpu.memref_slice %arg8[%dma_wait3A_136, %dma_wait3A_137] : memref<10112x128xf32, #tpu.memory_space<vmem_shared>> -> memref<10112x128xf32, #tpu.memory_space<vmem_shared>>
      tpu.wait_indirect_dma semaphore(%arg9 : memref<!tpu.dma_semaphore, #tpu.memory_space<semaphore_mem>>) src(%arg7 : memref<128x128xf32, #tpu.memory_space<vmem>>) dst(%dma_wait3A_138 : memref<10112x128xf32, #tpu.memory_space<vmem_shared>>)
      %add3A_139 = arith.constant 7 : i32
      %add3A_140 = arith.addi %mul3A_20, %add3A_139 : i32
      %dma_wait3A_141 = arith.constant 0 : i32
      %dma_wait3A_142 = tpu.memref_slice %arg6[%add3A_140, %dma_wait3A_141] : memref<80x128xi32, #tpu.memory_space<vmem>> -> memref<1x128xi32, #tpu.memory_space<vmem>>
      %dma_wait3A_143 = tpu.memref_squeeze %dma_wait3A_142 : memref<1x128xi32, #tpu.memory_space<vmem>> -> memref<128xi32, #tpu.memory_space<vmem>>
      %dma_wait3A_144 = arith.constant 0 : i32
      %dma_wait3A_145 = arith.constant 0 : i32
      %dma_wait3A_146 = tpu.memref_slice %arg8[%dma_wait3A_144, %dma_wait3A_145] : memref<10112x128xf32, #tpu.memory_space<vmem_shared>> -> memref<10112x128xf32, #tpu.memory_space<vmem_shared>>
      tpu.wait_indirect_dma semaphore(%arg9 : memref<!tpu.dma_semaphore, #tpu.memory_space<semaphore_mem>>) src(%arg7 : memref<128x128xf32, #tpu.memory_space<vmem>>) dst(%dma_wait3A_146 : memref<10112x128xf32, #tpu.memory_space<vmem_shared>>)
    }
    %scan3A_9 = arith.constant 10 : i32
    %barrier3A_10 = arith.constant 0 : index
    tpu.barrier barrier_id(%barrier3A_10)
    %mul3A_11 = arith.constant 632 : i32
    %mul3A_12 = arith.muli %arg1, %mul3A_11 : i32
    %mul3A_13 = arith.constant 10112 : i32
    %mul3A_14 = arith.muli %arg0, %mul3A_13 : i32
    %mul3A_15 = arith.constant 632 : i32
    %mul3A_16 = arith.muli %arg1, %mul3A_15 : i32
    %add3A_17 = arith.addi %mul3A_14, %mul3A_16 : i32
    "tpu.region"() ({
      %run_scoped3A = tpu.sem_alloc : memref<!tpu.dma_semaphore, #tpu.memory_space<semaphore_mem>>
      %dma_start3A = arith.constant 0 : i32
      %dma_start3A_18 = tpu.memref_slice %arg5[%add3A_17, %dma_start3A] : memref<20224x128xf32, #tpu.memory_space<hbm>> -> memref<632x128xf32, #tpu.memory_space<hbm>>
      %dma_start3A_19 = arith.constant 0 : i32
      %dma_start3A_20 = tpu.memref_slice %arg8[%mul3A_12, %dma_start3A_19] : memref<10112x128xf32, #tpu.memory_space<vmem_shared>> -> memref<632x128xf32, #tpu.memory_space<vmem_shared>>
      tpu.enqueue_dma source(%dma_start3A_20 : memref<632x128xf32, #tpu.memory_space<vmem_shared>>) target(%dma_start3A_18 : memref<632x128xf32, #tpu.memory_space<hbm>>) target_semaphore(%run_scoped3A : memref<!tpu.dma_semaphore, #tpu.memory_space<semaphore_mem>>)
      %dma_wait3A = arith.constant 0 : i32
      %dma_wait3A_21 = tpu.memref_slice %arg5[%add3A_17, %dma_wait3A] : memref<20224x128xf32, #tpu.memory_space<hbm>> -> memref<632x128xf32, #tpu.memory_space<hbm>>
      %dma_wait3A_22 = arith.constant 0 : i32
      %dma_wait3A_23 = tpu.memref_slice %arg8[%mul3A_12, %dma_wait3A_22] : memref<10112x128xf32, #tpu.memory_space<vmem_shared>> -> memref<632x128xf32, #tpu.memory_space<vmem_shared>>
      tpu.wait_dma2 semaphore(%run_scoped3A : memref<!tpu.dma_semaphore, #tpu.memory_space<semaphore_mem>>) src(%dma_wait3A_23 : memref<632x128xf32, #tpu.memory_space<vmem_shared>>) dst(%dma_wait3A_21 : memref<632x128xf32, #tpu.memory_space<hbm>>)
      tpu.yield
    }) : () -> ()
    return
  }
}

#map = affine_map<(d0, d1) -> (0, 0)>
module attributes {stable_mosaic.version = 14 : i64} {
  func.func @k(%arg0: i32, %arg1: i32, %arg2: memref<10000x128xf32, #tpu.memory_space<hbm>>, %arg3: memref<2560x128xi32, #tpu.memory_space<hbm>>, %arg4: memref<2560x128xi32, #tpu.memory_space<hbm>>, %arg5: memref<632x128xf32, #tpu.memory_space<hbm>>, %arg6: memref<20224x128xf32, #tpu.memory_space<hbm>>, %arg7: memref<2x8x128xi32, #tpu.memory_space<vmem>>, %arg8: memref<2x8x128xi32, #tpu.memory_space<vmem>>, %arg9: memref<128x128xf32, #tpu.memory_space<vmem>>, %arg10: memref<128x128xf32, #tpu.memory_space<vmem>>, %arg11: memref<!tpu.dma_semaphore, #tpu.memory_space<semaphore_mem>>, %arg12: memref<!tpu.dma_semaphore, #tpu.memory_space<semaphore_mem>>, %arg13: memref<!tpu.dma_semaphore, #tpu.memory_space<semaphore_mem>>, %arg14: memref<!tpu.dma_semaphore, #tpu.memory_space<semaphore_mem>>, %arg15: memref<!tpu.dma_semaphore, #tpu.memory_space<semaphore_mem>>, %arg16: memref<!tpu.dma_semaphore, #tpu.memory_space<semaphore_mem>>, %arg17: memref<10112x128xf32, #tpu.memory_space<vmem_shared>>) attributes {dimension_semantics = [#tpu.dimension_semantics<core_parallel>, #tpu.dimension_semantics<subcore_parallel>], iteration_bounds = array<i64: 2, 16>, scalar_prefetch = 0 : i64, scratch_operands = 11 : i64, tpu.core_type = #tpu.core_type<sc_vector_subcore>, window_params = [{transform_indices = #map}, {transform_indices = #map}, {transform_indices = #map}, {transform_indices = #map}, {transform_indices = #map}]} {
    %eq3A = arith.constant 0 : i32
    %eq3A_0 = arith.cmpi eq, %arg0, %eq3A : i32
    %jit3A = arith.constant 18 : i32
    %jit3A_1 = arith.constant 2 : i32
    %select_n3A = arith.select %eq3A_0, %jit3A, %jit3A_1 : i32
    %eq3A_2 = arith.constant 0 : i32
    %eq3A_3 = arith.cmpi eq, %arg0, %eq3A_2 : i32
    %mul3A = arith.constant 144 : i32
    %mul3A_4 = arith.muli %arg1, %mul3A : i32
    %mul3A_5 = arith.constant 16 : i32
    %mul3A_6 = arith.muli %arg1, %mul3A_5 : i32
    %add3A = arith.constant 2304 : i32
    %add3A_7 = arith.addi %add3A, %mul3A_6 : i32
    %select_n3A_8 = arith.select %eq3A_3, %mul3A_4, %add3A_7 : i32
    %mul3A_9 = arith.constant 632 : i32
    %mul3A_10 = arith.muli %arg1, %mul3A_9 : i32
    "tpu.region"() ({
      %run_scoped3A = tpu.sem_alloc : memref<!tpu.dma_semaphore, #tpu.memory_space<semaphore_mem>>
      %dma_start3A = arith.constant 0 : i32
      %dma_start3A_21 = tpu.memref_slice %arg17[%mul3A_10, %dma_start3A] : memref<10112x128xf32, #tpu.memory_space<vmem_shared>> -> memref<632x128xf32, #tpu.memory_space<vmem_shared>>
      tpu.enqueue_dma source(%arg5 : memref<632x128xf32, #tpu.memory_space<hbm>>) target(%dma_start3A_21 : memref<632x128xf32, #tpu.memory_space<vmem_shared>>) target_semaphore(%run_scoped3A : memref<!tpu.dma_semaphore, #tpu.memory_space<semaphore_mem>>)
      %dma_wait3A = arith.constant 0 : i32
      %dma_wait3A_22 = tpu.memref_slice %arg17[%mul3A_10, %dma_wait3A] : memref<10112x128xf32, #tpu.memory_space<vmem_shared>> -> memref<632x128xf32, #tpu.memory_space<vmem_shared>>
      tpu.wait_dma2 semaphore(%run_scoped3A : memref<!tpu.dma_semaphore, #tpu.memory_space<semaphore_mem>>) src(%arg5 : memref<632x128xf32, #tpu.memory_space<hbm>>) dst(%dma_wait3A_22 : memref<632x128xf32, #tpu.memory_space<vmem_shared>>)
      tpu.yield
    }) : () -> ()
    %barrier3A = arith.constant 0 : index
    tpu.barrier barrier_id(%barrier3A)
    %gt3A = arith.constant 0 : i32
    %gt3A_11 = arith.cmpi sgt, %select_n3A, %gt3A : i32
    %convert_element_type3A = arith.extui %gt3A_11 : i1 to i32
    %cond3A = arith.constant 0 : i32
    %cond3A_12 = arith.cmpi ne, %convert_element_type3A, %cond3A : i32
    scf.if %cond3A_12 {
      %run_scoped3A = arith.constant 0 : i32
      "tpu.region"() ({
        %run_scoped3A_342 = tpu.sem_alloc : memref<!tpu.dma_semaphore, #tpu.memory_space<semaphore_mem>>
        %dma_start3A_343 = arith.constant 0 : i32
        %dma_start3A_344 = arith.constant 0 : i32
        %dma_start3A_345 = tpu.memref_slice %arg7[%run_scoped3A, %dma_start3A_343, %dma_start3A_344] : memref<2x8x128xi32, #tpu.memory_space<vmem>> -> memref<1x8x128xi32, #tpu.memory_space<vmem>>
        %dma_start3A_346 = tpu.memref_squeeze %dma_start3A_345 : memref<1x8x128xi32, #tpu.memory_space<vmem>> -> memref<8x128xi32, #tpu.memory_space<vmem>>
        %dma_start3A_347 = arith.constant 0 : i32
        %dma_start3A_348 = tpu.memref_slice %arg3[%select_n3A_8, %dma_start3A_347] : memref<2560x128xi32, #tpu.memory_space<hbm>> -> memref<8x128xi32, #tpu.memory_space<hbm>>
        %dma_start3A_349 = arith.constant 0 : i32
        %dma_start3A_350 = arith.constant 0 : i32
        %dma_start3A_351 = tpu.memref_slice %arg7[%run_scoped3A, %dma_start3A_349, %dma_start3A_350] : memref<2x8x128xi32, #tpu.memory_space<vmem>> -> memref<1x8x128xi32, #tpu.memory_space<vmem>>
        %dma_start3A_352 = tpu.memref_squeeze %dma_start3A_351 : memref<1x8x128xi32, #tpu.memory_space<vmem>> -> memref<8x128xi32, #tpu.memory_space<vmem>>
        %dma_start3A_353 = arith.constant 0 : i32
        %dma_start3A_354 = tpu.memref_slice %arg3[%select_n3A_8, %dma_start3A_353] : memref<2560x128xi32, #tpu.memory_space<hbm>> -> memref<8x128xi32, #tpu.memory_space<hbm>>
        tpu.enqueue_dma source(%dma_start3A_354 : memref<8x128xi32, #tpu.memory_space<hbm>>) target(%dma_start3A_352 : memref<8x128xi32, #tpu.memory_space<vmem>>) target_semaphore(%run_scoped3A_342 : memref<!tpu.dma_semaphore, #tpu.memory_space<semaphore_mem>>)
        %dma_wait3A_355 = arith.constant 0 : i32
        %dma_wait3A_356 = arith.constant 0 : i32
        %dma_wait3A_357 = tpu.memref_slice %arg7[%run_scoped3A, %dma_wait3A_355, %dma_wait3A_356] : memref<2x8x128xi32, #tpu.memory_space<vmem>> -> memref<1x8x128xi32, #tpu.memory_space<vmem>>
        %dma_wait3A_358 = tpu.memref_squeeze %dma_wait3A_357 : memref<1x8x128xi32, #tpu.memory_space<vmem>> -> memref<8x128xi32, #tpu.memory_space<vmem>>
        %dma_wait3A_359 = arith.constant 0 : i32
        %dma_wait3A_360 = tpu.memref_slice %arg3[%select_n3A_8, %dma_wait3A_359] : memref<2560x128xi32, #tpu.memory_space<hbm>> -> memref<8x128xi32, #tpu.memory_space<hbm>>
        %dma_wait3A_361 = arith.constant 0 : i32
        %dma_wait3A_362 = arith.constant 0 : i32
        %dma_wait3A_363 = tpu.memref_slice %arg7[%run_scoped3A, %dma_wait3A_361, %dma_wait3A_362] : memref<2x8x128xi32, #tpu.memory_space<vmem>> -> memref<1x8x128xi32, #tpu.memory_space<vmem>>
        %dma_wait3A_364 = tpu.memref_squeeze %dma_wait3A_363 : memref<1x8x128xi32, #tpu.memory_space<vmem>> -> memref<8x128xi32, #tpu.memory_space<vmem>>
        %dma_wait3A_365 = arith.constant 0 : i32
        %dma_wait3A_366 = tpu.memref_slice %arg3[%select_n3A_8, %dma_wait3A_365] : memref<2560x128xi32, #tpu.memory_space<hbm>> -> memref<8x128xi32, #tpu.memory_space<hbm>>
        tpu.wait_dma2 semaphore(%run_scoped3A_342 : memref<!tpu.dma_semaphore, #tpu.memory_space<semaphore_mem>>) src(%dma_wait3A_366 : memref<8x128xi32, #tpu.memory_space<hbm>>) dst(%dma_wait3A_364 : memref<8x128xi32, #tpu.memory_space<vmem>>)
        tpu.yield
      }) : () -> ()
      %run_scoped3A_21 = arith.constant 0 : i32
      "tpu.region"() ({
        %run_scoped3A_342 = tpu.sem_alloc : memref<!tpu.dma_semaphore, #tpu.memory_space<semaphore_mem>>
        %dma_start3A_343 = arith.constant 0 : i32
        %dma_start3A_344 = arith.constant 0 : i32
        %dma_start3A_345 = tpu.memref_slice %arg8[%run_scoped3A_21, %dma_start3A_343, %dma_start3A_344] : memref<2x8x128xi32, #tpu.memory_space<vmem>> -> memref<1x8x128xi32, #tpu.memory_space<vmem>>
        %dma_start3A_346 = tpu.memref_squeeze %dma_start3A_345 : memref<1x8x128xi32, #tpu.memory_space<vmem>> -> memref<8x128xi32, #tpu.memory_space<vmem>>
        %dma_start3A_347 = arith.constant 0 : i32
        %dma_start3A_348 = tpu.memref_slice %arg4[%select_n3A_8, %dma_start3A_347] : memref<2560x128xi32, #tpu.memory_space<hbm>> -> memref<8x128xi32, #tpu.memory_space<hbm>>
        %dma_start3A_349 = arith.constant 0 : i32
        %dma_start3A_350 = arith.constant 0 : i32
        %dma_start3A_351 = tpu.memref_slice %arg8[%run_scoped3A_21, %dma_start3A_349, %dma_start3A_350] : memref<2x8x128xi32, #tpu.memory_space<vmem>> -> memref<1x8x128xi32, #tpu.memory_space<vmem>>
        %dma_start3A_352 = tpu.memref_squeeze %dma_start3A_351 : memref<1x8x128xi32, #tpu.memory_space<vmem>> -> memref<8x128xi32, #tpu.memory_space<vmem>>
        %dma_start3A_353 = arith.constant 0 : i32
        %dma_start3A_354 = tpu.memref_slice %arg4[%select_n3A_8, %dma_start3A_353] : memref<2560x128xi32, #tpu.memory_space<hbm>> -> memref<8x128xi32, #tpu.memory_space<hbm>>
        tpu.enqueue_dma source(%dma_start3A_354 : memref<8x128xi32, #tpu.memory_space<hbm>>) target(%dma_start3A_352 : memref<8x128xi32, #tpu.memory_space<vmem>>) target_semaphore(%run_scoped3A_342 : memref<!tpu.dma_semaphore, #tpu.memory_space<semaphore_mem>>)
        %dma_wait3A_355 = arith.constant 0 : i32
        %dma_wait3A_356 = arith.constant 0 : i32
        %dma_wait3A_357 = tpu.memref_slice %arg8[%run_scoped3A_21, %dma_wait3A_355, %dma_wait3A_356] : memref<2x8x128xi32, #tpu.memory_space<vmem>> -> memref<1x8x128xi32, #tpu.memory_space<vmem>>
        %dma_wait3A_358 = tpu.memref_squeeze %dma_wait3A_357 : memref<1x8x128xi32, #tpu.memory_space<vmem>> -> memref<8x128xi32, #tpu.memory_space<vmem>>
        %dma_wait3A_359 = arith.constant 0 : i32
        %dma_wait3A_360 = tpu.memref_slice %arg4[%select_n3A_8, %dma_wait3A_359] : memref<2560x128xi32, #tpu.memory_space<hbm>> -> memref<8x128xi32, #tpu.memory_space<hbm>>
        %dma_wait3A_361 = arith.constant 0 : i32
        %dma_wait3A_362 = arith.constant 0 : i32
        %dma_wait3A_363 = tpu.memref_slice %arg8[%run_scoped3A_21, %dma_wait3A_361, %dma_wait3A_362] : memref<2x8x128xi32, #tpu.memory_space<vmem>> -> memref<1x8x128xi32, #tpu.memory_space<vmem>>
        %dma_wait3A_364 = tpu.memref_squeeze %dma_wait3A_363 : memref<1x8x128xi32, #tpu.memory_space<vmem>> -> memref<8x128xi32, #tpu.memory_space<vmem>>
        %dma_wait3A_365 = arith.constant 0 : i32
        %dma_wait3A_366 = tpu.memref_slice %arg4[%select_n3A_8, %dma_wait3A_365] : memref<2560x128xi32, #tpu.memory_space<hbm>> -> memref<8x128xi32, #tpu.memory_space<hbm>>
        tpu.wait_dma2 semaphore(%run_scoped3A_342 : memref<!tpu.dma_semaphore, #tpu.memory_space<semaphore_mem>>) src(%dma_wait3A_366 : memref<8x128xi32, #tpu.memory_space<hbm>>) dst(%dma_wait3A_364 : memref<8x128xi32, #tpu.memory_space<vmem>>)
        tpu.yield
      }) : () -> ()
      %add3A_22 = arith.constant 8 : i32
      %add3A_23 = arith.addi %select_n3A_8, %add3A_22 : i32
      %dma_start3A = arith.constant 1 : i32
      %dma_start3A_24 = arith.constant 0 : i32
      %dma_start3A_25 = arith.constant 0 : i32
      %dma_start3A_26 = tpu.memref_slice %arg7[%dma_start3A, %dma_start3A_24, %dma_start3A_25] : memref<2x8x128xi32, #tpu.memory_space<vmem>> -> memref<1x8x128xi32, #tpu.memory_space<vmem>>
      %dma_start3A_27 = tpu.memref_squeeze %dma_start3A_26 : memref<1x8x128xi32, #tpu.memory_space<vmem>> -> memref<8x128xi32, #tpu.memory_space<vmem>>
      %dma_start3A_28 = arith.constant 0 : i32
      %dma_start3A_29 = tpu.memref_slice %arg3[%add3A_23, %dma_start3A_28] : memref<2560x128xi32, #tpu.memory_space<hbm>> -> memref<8x128xi32, #tpu.memory_space<hbm>>
      %dma_start3A_30 = arith.constant 0 : i32
      %dma_start3A_31 = arith.constant 0 : i32
      %dma_start3A_32 = tpu.memref_slice %arg7[%dma_start3A, %dma_start3A_30, %dma_start3A_31] : memref<2x8x128xi32, #tpu.memory_space<vmem>> -> memref<1x8x128xi32, #tpu.memory_space<vmem>>
      %dma_start3A_33 = tpu.memref_squeeze %dma_start3A_32 : memref<1x8x128xi32, #tpu.memory_space<vmem>> -> memref<8x128xi32, #tpu.memory_space<vmem>>
      %dma_start3A_34 = arith.constant 0 : i32
      %dma_start3A_35 = tpu.memref_slice %arg3[%add3A_23, %dma_start3A_34] : memref<2560x128xi32, #tpu.memory_space<hbm>> -> memref<8x128xi32, #tpu.memory_space<hbm>>
      tpu.enqueue_dma source(%dma_start3A_35 : memref<8x128xi32, #tpu.memory_space<hbm>>) target(%dma_start3A_33 : memref<8x128xi32, #tpu.memory_space<vmem>>) target_semaphore(%arg15 : memref<!tpu.dma_semaphore, #tpu.memory_space<semaphore_mem>>)
      %add3A_36 = arith.constant 8 : i32
      %add3A_37 = arith.addi %select_n3A_8, %add3A_36 : i32
      %dma_start3A_38 = arith.constant 1 : i32
      %dma_start3A_39 = arith.constant 0 : i32
      %dma_start3A_40 = arith.constant 0 : i32
      %dma_start3A_41 = tpu.memref_slice %arg8[%dma_start3A_38, %dma_start3A_39, %dma_start3A_40] : memref<2x8x128xi32, #tpu.memory_space<vmem>> -> memref<1x8x128xi32, #tpu.memory_space<vmem>>
      %dma_start3A_42 = tpu.memref_squeeze %dma_start3A_41 : memref<1x8x128xi32, #tpu.memory_space<vmem>> -> memref<8x128xi32, #tpu.memory_space<vmem>>
      %dma_start3A_43 = arith.constant 0 : i32
      %dma_start3A_44 = tpu.memref_slice %arg4[%add3A_37, %dma_start3A_43] : memref<2560x128xi32, #tpu.memory_space<hbm>> -> memref<8x128xi32, #tpu.memory_space<hbm>>
      %dma_start3A_45 = arith.constant 0 : i32
      %dma_start3A_46 = arith.constant 0 : i32
      %dma_start3A_47 = tpu.memref_slice %arg8[%dma_start3A_38, %dma_start3A_45, %dma_start3A_46] : memref<2x8x128xi32, #tpu.memory_space<vmem>> -> memref<1x8x128xi32, #tpu.memory_space<vmem>>
      %dma_start3A_48 = tpu.memref_squeeze %dma_start3A_47 : memref<1x8x128xi32, #tpu.memory_space<vmem>> -> memref<8x128xi32, #tpu.memory_space<vmem>>
      %dma_start3A_49 = arith.constant 0 : i32
      %dma_start3A_50 = tpu.memref_slice %arg4[%add3A_37, %dma_start3A_49] : memref<2560x128xi32, #tpu.memory_space<hbm>> -> memref<8x128xi32, #tpu.memory_space<hbm>>
      tpu.enqueue_dma source(%dma_start3A_50 : memref<8x128xi32, #tpu.memory_space<hbm>>) target(%dma_start3A_48 : memref<8x128xi32, #tpu.memory_space<vmem>>) target_semaphore(%arg16 : memref<!tpu.dma_semaphore, #tpu.memory_space<semaphore_mem>>)
      %dma_start3A_51 = arith.constant 0 : i32
      %dma_start3A_52 = arith.constant 0 : i32
      %dma_start3A_53 = arith.constant 0 : i32
      %dma_start3A_54 = tpu.memref_slice %arg7[%dma_start3A_51, %dma_start3A_52, %dma_start3A_53] : memref<2x8x128xi32, #tpu.memory_space<vmem>> -> memref<1x1x128xi32, #tpu.memory_space<vmem>>
      %dma_start3A_55 = tpu.memref_squeeze %dma_start3A_54 : memref<1x1x128xi32, #tpu.memory_space<vmem>> -> memref<128xi32, #tpu.memory_space<vmem>>
      %dma_start3A_56 = arith.constant 0 : i32
      %dma_start3A_57 = arith.constant 0 : i32
      %dma_start3A_58 = tpu.memref_slice %arg2[%dma_start3A_56, %dma_start3A_57] : memref<10000x128xf32, #tpu.memory_space<hbm>> -> memref<10000x128xf32, #tpu.memory_space<hbm>>
      tpu.enqueue_indirect_dma source(%dma_start3A_58 : memref<10000x128xf32, #tpu.memory_space<hbm>>) target(%arg9 : memref<128x128xf32, #tpu.memory_space<vmem>>) offsets(%dma_start3A_55 : memref<128xi32, #tpu.memory_space<vmem>>) semaphore(%arg11 : memref<!tpu.dma_semaphore, #tpu.memory_space<semaphore_mem>>)
      %dma_start3A_59 = arith.constant 0 : i32
      %dma_start3A_60 = arith.constant 1 : i32
      %dma_start3A_61 = arith.constant 0 : i32
      %dma_start3A_62 = tpu.memref_slice %arg7[%dma_start3A_59, %dma_start3A_60, %dma_start3A_61] : memref<2x8x128xi32, #tpu.memory_space<vmem>> -> memref<1x1x128xi32, #tpu.memory_space<vmem>>
      %dma_start3A_63 = tpu.memref_squeeze %dma_start3A_62 : memref<1x1x128xi32, #tpu.memory_space<vmem>> -> memref<128xi32, #tpu.memory_space<vmem>>
      %dma_start3A_64 = arith.constant 0 : i32
      %dma_start3A_65 = arith.constant 0 : i32
      %dma_start3A_66 = tpu.memref_slice %arg2[%dma_start3A_64, %dma_start3A_65] : memref<10000x128xf32, #tpu.memory_space<hbm>> -> memref<10000x128xf32, #tpu.memory_space<hbm>>
      tpu.enqueue_indirect_dma source(%dma_start3A_66 : memref<10000x128xf32, #tpu.memory_space<hbm>>) target(%arg10 : memref<128x128xf32, #tpu.memory_space<vmem>>) offsets(%dma_start3A_63 : memref<128xi32, #tpu.memory_space<vmem>>) semaphore(%arg12 : memref<!tpu.dma_semaphore, #tpu.memory_space<semaphore_mem>>)
      %sub3A = arith.constant 1 : i32
      %sub3A_67 = arith.subi %select_n3A, %sub3A : i32
      %while3A = arith.constant 0 : i32
      %while3A_68 = arith.constant 0 : i32
      %while3A_69 = arith.subi %sub3A_67, %while3A_68 : i32
      %while3A_70 = arith.addi %while3A_68, %while3A_69 : i32
      %while3A_71 = arith.constant 1 : i32
      %while3A_72 = arith.divsi %while3A_69, %while3A_71 : i32
      %while3A_73 = arith.muli %while3A_72, %while3A_71 : i32
      %while3A_74 = arith.addi %while3A_68, %while3A_73 : i32
      %while3A_75 = arith.constant 1 : i32
      scf.for %while3A_342 = %while3A_68 to %while3A_74 step %while3A_75  : i32 {
        %rem3A = arith.constant 2 : i32
        %rem3A_343 = arith.remsi %while3A_342, %rem3A : i32
        %dma_wait3A_344 = arith.constant 0 : i32
        %dma_wait3A_345 = arith.constant 0 : i32
        %dma_wait3A_346 = tpu.memref_slice %arg7[%rem3A_343, %dma_wait3A_344, %dma_wait3A_345] : memref<2x8x128xi32, #tpu.memory_space<vmem>> -> memref<1x1x128xi32, #tpu.memory_space<vmem>>
        %dma_wait3A_347 = tpu.memref_squeeze %dma_wait3A_346 : memref<1x1x128xi32, #tpu.memory_space<vmem>> -> memref<128xi32, #tpu.memory_space<vmem>>
        %dma_wait3A_348 = arith.constant 0 : i32
        %dma_wait3A_349 = arith.constant 0 : i32
        %dma_wait3A_350 = tpu.memref_slice %arg2[%dma_wait3A_348, %dma_wait3A_349] : memref<10000x128xf32, #tpu.memory_space<hbm>> -> memref<10000x128xf32, #tpu.memory_space<hbm>>
        tpu.wait_indirect_dma semaphore(%arg11 : memref<!tpu.dma_semaphore, #tpu.memory_space<semaphore_mem>>) src(%dma_wait3A_350 : memref<10000x128xf32, #tpu.memory_space<hbm>>) dst(%arg9 : memref<128x128xf32, #tpu.memory_space<vmem>>)
        %dma_start3A_351 = arith.constant 0 : i32
        %dma_start3A_352 = arith.constant 0 : i32
        %dma_start3A_353 = tpu.memref_slice %arg8[%rem3A_343, %dma_start3A_351, %dma_start3A_352] : memref<2x8x128xi32, #tpu.memory_space<vmem>> -> memref<1x1x128xi32, #tpu.memory_space<vmem>>
        %dma_start3A_354 = tpu.memref_squeeze %dma_start3A_353 : memref<1x1x128xi32, #tpu.memory_space<vmem>> -> memref<128xi32, #tpu.memory_space<vmem>>
        %dma_start3A_355 = arith.constant 0 : i32
        %dma_start3A_356 = arith.constant 0 : i32
        %dma_start3A_357 = tpu.memref_slice %arg17[%dma_start3A_355, %dma_start3A_356] : memref<10112x128xf32, #tpu.memory_space<vmem_shared>> -> memref<10112x128xf32, #tpu.memory_space<vmem_shared>>
        tpu.enqueue_indirect_dma source(%arg9 : memref<128x128xf32, #tpu.memory_space<vmem>>) target(%dma_start3A_357 : memref<10112x128xf32, #tpu.memory_space<vmem_shared>>) offsets(%dma_start3A_354 : memref<128xi32, #tpu.memory_space<vmem>>) semaphore(%arg13 : memref<!tpu.dma_semaphore, #tpu.memory_space<semaphore_mem>>) {add = true}
        %dma_wait3A_358 = arith.constant 1 : i32
        %dma_wait3A_359 = arith.constant 0 : i32
        %dma_wait3A_360 = tpu.memref_slice %arg7[%rem3A_343, %dma_wait3A_358, %dma_wait3A_359] : memref<2x8x128xi32, #tpu.memory_space<vmem>> -> memref<1x1x128xi32, #tpu.memory_space<vmem>>
        %dma_wait3A_361 = tpu.memref_squeeze %dma_wait3A_360 : memref<1x1x128xi32, #tpu.memory_space<vmem>> -> memref<128xi32, #tpu.memory_space<vmem>>
        %dma_wait3A_362 = arith.constant 0 : i32
        %dma_wait3A_363 = arith.constant 0 : i32
        %dma_wait3A_364 = tpu.memref_slice %arg2[%dma_wait3A_362, %dma_wait3A_363] : memref<10000x128xf32, #tpu.memory_space<hbm>> -> memref<10000x128xf32, #tpu.memory_space<hbm>>
        tpu.wait_indirect_dma semaphore(%arg12 : memref<!tpu.dma_semaphore, #tpu.memory_space<semaphore_mem>>) src(%dma_wait3A_364 : memref<10000x128xf32, #tpu.memory_space<hbm>>) dst(%arg10 : memref<128x128xf32, #tpu.memory_space<vmem>>)
        %dma_start3A_365 = arith.constant 1 : i32
        %dma_start3A_366 = arith.constant 0 : i32
        %dma_start3A_367 = tpu.memref_slice %arg8[%rem3A_343, %dma_start3A_365, %dma_start3A_366] : memref<2x8x128xi32, #tpu.memory_space<vmem>> -> memref<1x1x128xi32, #tpu.memory_space<vmem>>
        %dma_start3A_368 = tpu.memref_squeeze %dma_start3A_367 : memref<1x1x128xi32, #tpu.memory_space<vmem>> -> memref<128xi32, #tpu.memory_space<vmem>>
        %dma_start3A_369 = arith.constant 0 : i32
        %dma_start3A_370 = arith.constant 0 : i32
        %dma_start3A_371 = tpu.memref_slice %arg17[%dma_start3A_369, %dma_start3A_370] : memref<10112x128xf32, #tpu.memory_space<vmem_shared>> -> memref<10112x128xf32, #tpu.memory_space<vmem_shared>>
        tpu.enqueue_indirect_dma source(%arg10 : memref<128x128xf32, #tpu.memory_space<vmem>>) target(%dma_start3A_371 : memref<10112x128xf32, #tpu.memory_space<vmem_shared>>) offsets(%dma_start3A_368 : memref<128xi32, #tpu.memory_space<vmem>>) semaphore(%arg14 : memref<!tpu.dma_semaphore, #tpu.memory_space<semaphore_mem>>) {add = true}
        %dma_wait3A_372 = arith.constant 0 : i32
        %dma_wait3A_373 = arith.constant 0 : i32
        %dma_wait3A_374 = tpu.memref_slice %arg8[%rem3A_343, %dma_wait3A_372, %dma_wait3A_373] : memref<2x8x128xi32, #tpu.memory_space<vmem>> -> memref<1x1x128xi32, #tpu.memory_space<vmem>>
        %dma_wait3A_375 = tpu.memref_squeeze %dma_wait3A_374 : memref<1x1x128xi32, #tpu.memory_space<vmem>> -> memref<128xi32, #tpu.memory_space<vmem>>
        %dma_wait3A_376 = arith.constant 0 : i32
        %dma_wait3A_377 = arith.constant 0 : i32
        %dma_wait3A_378 = tpu.memref_slice %arg17[%dma_wait3A_376, %dma_wait3A_377] : memref<10112x128xf32, #tpu.memory_space<vmem_shared>> -> memref<10112x128xf32, #tpu.memory_space<vmem_shared>>
        tpu.wait_indirect_dma semaphore(%arg13 : memref<!tpu.dma_semaphore, #tpu.memory_space<semaphore_mem>>) src(%arg9 : memref<128x128xf32, #tpu.memory_space<vmem>>) dst(%dma_wait3A_378 : memref<10112x128xf32, #tpu.memory_space<vmem_shared>>)
        %dma_start3A_379 = arith.constant 2 : i32
        %dma_start3A_380 = arith.constant 0 : i32
        %dma_start3A_381 = tpu.memref_slice %arg7[%rem3A_343, %dma_start3A_379, %dma_start3A_380] : memref<2x8x128xi32, #tpu.memory_space<vmem>> -> memref<1x1x128xi32, #tpu.memory_space<vmem>>
        %dma_start3A_382 = tpu.memref_squeeze %dma_start3A_381 : memref<1x1x128xi32, #tpu.memory_space<vmem>> -> memref<128xi32, #tpu.memory_space<vmem>>
        %dma_start3A_383 = arith.constant 0 : i32
        %dma_start3A_384 = arith.constant 0 : i32
        %dma_start3A_385 = tpu.memref_slice %arg2[%dma_start3A_383, %dma_start3A_384] : memref<10000x128xf32, #tpu.memory_space<hbm>> -> memref<10000x128xf32, #tpu.memory_space<hbm>>
        tpu.enqueue_indirect_dma source(%dma_start3A_385 : memref<10000x128xf32, #tpu.memory_space<hbm>>) target(%arg9 : memref<128x128xf32, #tpu.memory_space<vmem>>) offsets(%dma_start3A_382 : memref<128xi32, #tpu.memory_space<vmem>>) semaphore(%arg11 : memref<!tpu.dma_semaphore, #tpu.memory_space<semaphore_mem>>)
        %dma_wait3A_386 = arith.constant 1 : i32
        %dma_wait3A_387 = arith.constant 0 : i32
        %dma_wait3A_388 = tpu.memref_slice %arg8[%rem3A_343, %dma_wait3A_386, %dma_wait3A_387] : memref<2x8x128xi32, #tpu.memory_space<vmem>> -> memref<1x1x128xi32, #tpu.memory_space<vmem>>
        %dma_wait3A_389 = tpu.memref_squeeze %dma_wait3A_388 : memref<1x1x128xi32, #tpu.memory_space<vmem>> -> memref<128xi32, #tpu.memory_space<vmem>>
        %dma_wait3A_390 = arith.constant 0 : i32
        %dma_wait3A_391 = arith.constant 0 : i32
        %dma_wait3A_392 = tpu.memref_slice %arg17[%dma_wait3A_390, %dma_wait3A_391] : memref<10112x128xf32, #tpu.memory_space<vmem_shared>> -> memref<10112x128xf32, #tpu.memory_space<vmem_shared>>
        tpu.wait_indirect_dma semaphore(%arg14 : memref<!tpu.dma_semaphore, #tpu.memory_space<semaphore_mem>>) src(%arg10 : memref<128x128xf32, #tpu.memory_space<vmem>>) dst(%dma_wait3A_392 : memref<10112x128xf32, #tpu.memory_space<vmem_shared>>)
        %dma_start3A_393 = arith.constant 3 : i32
        %dma_start3A_394 = arith.constant 0 : i32
        %dma_start3A_395 = tpu.memref_slice %arg7[%rem3A_343, %dma_start3A_393, %dma_start3A_394] : memref<2x8x128xi32, #tpu.memory_space<vmem>> -> memref<1x1x128xi32, #tpu.memory_space<vmem>>
        %dma_start3A_396 = tpu.memref_squeeze %dma_start3A_395 : memref<1x1x128xi32, #tpu.memory_space<vmem>> -> memref<128xi32, #tpu.memory_space<vmem>>
        %dma_start3A_397 = arith.constant 0 : i32
        %dma_start3A_398 = arith.constant 0 : i32
        %dma_start3A_399 = tpu.memref_slice %arg2[%dma_start3A_397, %dma_start3A_398] : memref<10000x128xf32, #tpu.memory_space<hbm>> -> memref<10000x128xf32, #tpu.memory_space<hbm>>
        tpu.enqueue_indirect_dma source(%dma_start3A_399 : memref<10000x128xf32, #tpu.memory_space<hbm>>) target(%arg10 : memref<128x128xf32, #tpu.memory_space<vmem>>) offsets(%dma_start3A_396 : memref<128xi32, #tpu.memory_space<vmem>>) semaphore(%arg12 : memref<!tpu.dma_semaphore, #tpu.memory_space<semaphore_mem>>)
        %dma_wait3A_400 = arith.constant 2 : i32
        %dma_wait3A_401 = arith.constant 0 : i32
        %dma_wait3A_402 = tpu.memref_slice %arg7[%rem3A_343, %dma_wait3A_400, %dma_wait3A_401] : memref<2x8x128xi32, #tpu.memory_space<vmem>> -> memref<1x1x128xi32, #tpu.memory_space<vmem>>
        %dma_wait3A_403 = tpu.memref_squeeze %dma_wait3A_402 : memref<1x1x128xi32, #tpu.memory_space<vmem>> -> memref<128xi32, #tpu.memory_space<vmem>>
        %dma_wait3A_404 = arith.constant 0 : i32
        %dma_wait3A_405 = arith.constant 0 : i32
        %dma_wait3A_406 = tpu.memref_slice %arg2[%dma_wait3A_404, %dma_wait3A_405] : memref<10000x128xf32, #tpu.memory_space<hbm>> -> memref<10000x128xf32, #tpu.memory_space<hbm>>
        tpu.wait_indirect_dma semaphore(%arg11 : memref<!tpu.dma_semaphore, #tpu.memory_space<semaphore_mem>>) src(%dma_wait3A_406 : memref<10000x128xf32, #tpu.memory_space<hbm>>) dst(%arg9 : memref<128x128xf32, #tpu.memory_space<vmem>>)
        %dma_start3A_407 = arith.constant 2 : i32
        %dma_start3A_408 = arith.constant 0 : i32
        %dma_start3A_409 = tpu.memref_slice %arg8[%rem3A_343, %dma_start3A_407, %dma_start3A_408] : memref<2x8x128xi32, #tpu.memory_space<vmem>> -> memref<1x1x128xi32, #tpu.memory_space<vmem>>
        %dma_start3A_410 = tpu.memref_squeeze %dma_start3A_409 : memref<1x1x128xi32, #tpu.memory_space<vmem>> -> memref<128xi32, #tpu.memory_space<vmem>>
        %dma_start3A_411 = arith.constant 0 : i32
        %dma_start3A_412 = arith.constant 0 : i32
        %dma_start3A_413 = tpu.memref_slice %arg17[%dma_start3A_411, %dma_start3A_412] : memref<10112x128xf32, #tpu.memory_space<vmem_shared>> -> memref<10112x128xf32, #tpu.memory_space<vmem_shared>>
        tpu.enqueue_indirect_dma source(%arg9 : memref<128x128xf32, #tpu.memory_space<vmem>>) target(%dma_start3A_413 : memref<10112x128xf32, #tpu.memory_space<vmem_shared>>) offsets(%dma_start3A_410 : memref<128xi32, #tpu.memory_space<vmem>>) semaphore(%arg13 : memref<!tpu.dma_semaphore, #tpu.memory_space<semaphore_mem>>) {add = true}
        %dma_wait3A_414 = arith.constant 3 : i32
        %dma_wait3A_415 = arith.constant 0 : i32
        %dma_wait3A_416 = tpu.memref_slice %arg7[%rem3A_343, %dma_wait3A_414, %dma_wait3A_415] : memref<2x8x128xi32, #tpu.memory_space<vmem>> -> memref<1x1x128xi32, #tpu.memory_space<vmem>>
        %dma_wait3A_417 = tpu.memref_squeeze %dma_wait3A_416 : memref<1x1x128xi32, #tpu.memory_space<vmem>> -> memref<128xi32, #tpu.memory_space<vmem>>
        %dma_wait3A_418 = arith.constant 0 : i32
        %dma_wait3A_419 = arith.constant 0 : i32
        %dma_wait3A_420 = tpu.memref_slice %arg2[%dma_wait3A_418, %dma_wait3A_419] : memref<10000x128xf32, #tpu.memory_space<hbm>> -> memref<10000x128xf32, #tpu.memory_space<hbm>>
        tpu.wait_indirect_dma semaphore(%arg12 : memref<!tpu.dma_semaphore, #tpu.memory_space<semaphore_mem>>) src(%dma_wait3A_420 : memref<10000x128xf32, #tpu.memory_space<hbm>>) dst(%arg10 : memref<128x128xf32, #tpu.memory_space<vmem>>)
        %dma_start3A_421 = arith.constant 3 : i32
        %dma_start3A_422 = arith.constant 0 : i32
        %dma_start3A_423 = tpu.memref_slice %arg8[%rem3A_343, %dma_start3A_421, %dma_start3A_422] : memref<2x8x128xi32, #tpu.memory_space<vmem>> -> memref<1x1x128xi32, #tpu.memory_space<vmem>>
        %dma_start3A_424 = tpu.memref_squeeze %dma_start3A_423 : memref<1x1x128xi32, #tpu.memory_space<vmem>> -> memref<128xi32, #tpu.memory_space<vmem>>
        %dma_start3A_425 = arith.constant 0 : i32
        %dma_start3A_426 = arith.constant 0 : i32
        %dma_start3A_427 = tpu.memref_slice %arg17[%dma_start3A_425, %dma_start3A_426] : memref<10112x128xf32, #tpu.memory_space<vmem_shared>> -> memref<10112x128xf32, #tpu.memory_space<vmem_shared>>
        tpu.enqueue_indirect_dma source(%arg10 : memref<128x128xf32, #tpu.memory_space<vmem>>) target(%dma_start3A_427 : memref<10112x128xf32, #tpu.memory_space<vmem_shared>>) offsets(%dma_start3A_424 : memref<128xi32, #tpu.memory_space<vmem>>) semaphore(%arg14 : memref<!tpu.dma_semaphore, #tpu.memory_space<semaphore_mem>>) {add = true}
        %dma_wait3A_428 = arith.constant 2 : i32
        %dma_wait3A_429 = arith.constant 0 : i32
        %dma_wait3A_430 = tpu.memref_slice %arg8[%rem3A_343, %dma_wait3A_428, %dma_wait3A_429] : memref<2x8x128xi32, #tpu.memory_space<vmem>> -> memref<1x1x128xi32, #tpu.memory_space<vmem>>
        %dma_wait3A_431 = tpu.memref_squeeze %dma_wait3A_430 : memref<1x1x128xi32, #tpu.memory_space<vmem>> -> memref<128xi32, #tpu.memory_space<vmem>>
        %dma_wait3A_432 = arith.constant 0 : i32
        %dma_wait3A_433 = arith.constant 0 : i32
        %dma_wait3A_434 = tpu.memref_slice %arg17[%dma_wait3A_432, %dma_wait3A_433] : memref<10112x128xf32, #tpu.memory_space<vmem_shared>> -> memref<10112x128xf32, #tpu.memory_space<vmem_shared>>
        tpu.wait_indirect_dma semaphore(%arg13 : memref<!tpu.dma_semaphore, #tpu.memory_space<semaphore_mem>>) src(%arg9 : memref<128x128xf32, #tpu.memory_space<vmem>>) dst(%dma_wait3A_434 : memref<10112x128xf32, #tpu.memory_space<vmem_shared>>)
        %dma_start3A_435 = arith.constant 4 : i32
        %dma_start3A_436 = arith.constant 0 : i32
        %dma_start3A_437 = tpu.memref_slice %arg7[%rem3A_343, %dma_start3A_435, %dma_start3A_436] : memref<2x8x128xi32, #tpu.memory_space<vmem>> -> memref<1x1x128xi32, #tpu.memory_space<vmem>>
        %dma_start3A_438 = tpu.memref_squeeze %dma_start3A_437 : memref<1x1x128xi32, #tpu.memory_space<vmem>> -> memref<128xi32, #tpu.memory_space<vmem>>
        %dma_start3A_439 = arith.constant 0 : i32
        %dma_start3A_440 = arith.constant 0 : i32
        %dma_start3A_441 = tpu.memref_slice %arg2[%dma_start3A_439, %dma_start3A_440] : memref<10000x128xf32, #tpu.memory_space<hbm>> -> memref<10000x128xf32, #tpu.memory_space<hbm>>
        tpu.enqueue_indirect_dma source(%dma_start3A_441 : memref<10000x128xf32, #tpu.memory_space<hbm>>) target(%arg9 : memref<128x128xf32, #tpu.memory_space<vmem>>) offsets(%dma_start3A_438 : memref<128xi32, #tpu.memory_space<vmem>>) semaphore(%arg11 : memref<!tpu.dma_semaphore, #tpu.memory_space<semaphore_mem>>)
        %dma_wait3A_442 = arith.constant 3 : i32
        %dma_wait3A_443 = arith.constant 0 : i32
        %dma_wait3A_444 = tpu.memref_slice %arg8[%rem3A_343, %dma_wait3A_442, %dma_wait3A_443] : memref<2x8x128xi32, #tpu.memory_space<vmem>> -> memref<1x1x128xi32, #tpu.memory_space<vmem>>
        %dma_wait3A_445 = tpu.memref_squeeze %dma_wait3A_444 : memref<1x1x128xi32, #tpu.memory_space<vmem>> -> memref<128xi32, #tpu.memory_space<vmem>>
        %dma_wait3A_446 = arith.constant 0 : i32
        %dma_wait3A_447 = arith.constant 0 : i32
        %dma_wait3A_448 = tpu.memref_slice %arg17[%dma_wait3A_446, %dma_wait3A_447] : memref<10112x128xf32, #tpu.memory_space<vmem_shared>> -> memref<10112x128xf32, #tpu.memory_space<vmem_shared>>
        tpu.wait_indirect_dma semaphore(%arg14 : memref<!tpu.dma_semaphore, #tpu.memory_space<semaphore_mem>>) src(%arg10 : memref<128x128xf32, #tpu.memory_space<vmem>>) dst(%dma_wait3A_448 : memref<10112x128xf32, #tpu.memory_space<vmem_shared>>)
        %dma_start3A_449 = arith.constant 5 : i32
        %dma_start3A_450 = arith.constant 0 : i32
        %dma_start3A_451 = tpu.memref_slice %arg7[%rem3A_343, %dma_start3A_449, %dma_start3A_450] : memref<2x8x128xi32, #tpu.memory_space<vmem>> -> memref<1x1x128xi32, #tpu.memory_space<vmem>>
        %dma_start3A_452 = tpu.memref_squeeze %dma_start3A_451 : memref<1x1x128xi32, #tpu.memory_space<vmem>> -> memref<128xi32, #tpu.memory_space<vmem>>
        %dma_start3A_453 = arith.constant 0 : i32
        %dma_start3A_454 = arith.constant 0 : i32
        %dma_start3A_455 = tpu.memref_slice %arg2[%dma_start3A_453, %dma_start3A_454] : memref<10000x128xf32, #tpu.memory_space<hbm>> -> memref<10000x128xf32, #tpu.memory_space<hbm>>
        tpu.enqueue_indirect_dma source(%dma_start3A_455 : memref<10000x128xf32, #tpu.memory_space<hbm>>) target(%arg10 : memref<128x128xf32, #tpu.memory_space<vmem>>) offsets(%dma_start3A_452 : memref<128xi32, #tpu.memory_space<vmem>>) semaphore(%arg12 : memref<!tpu.dma_semaphore, #tpu.memory_space<semaphore_mem>>)
        %dma_wait3A_456 = arith.constant 4 : i32
        %dma_wait3A_457 = arith.constant 0 : i32
        %dma_wait3A_458 = tpu.memref_slice %arg7[%rem3A_343, %dma_wait3A_456, %dma_wait3A_457] : memref<2x8x128xi32, #tpu.memory_space<vmem>> -> memref<1x1x128xi32, #tpu.memory_space<vmem>>
        %dma_wait3A_459 = tpu.memref_squeeze %dma_wait3A_458 : memref<1x1x128xi32, #tpu.memory_space<vmem>> -> memref<128xi32, #tpu.memory_space<vmem>>
        %dma_wait3A_460 = arith.constant 0 : i32
        %dma_wait3A_461 = arith.constant 0 : i32
        %dma_wait3A_462 = tpu.memref_slice %arg2[%dma_wait3A_460, %dma_wait3A_461] : memref<10000x128xf32, #tpu.memory_space<hbm>> -> memref<10000x128xf32, #tpu.memory_space<hbm>>
        tpu.wait_indirect_dma semaphore(%arg11 : memref<!tpu.dma_semaphore, #tpu.memory_space<semaphore_mem>>) src(%dma_wait3A_462 : memref<10000x128xf32, #tpu.memory_space<hbm>>) dst(%arg9 : memref<128x128xf32, #tpu.memory_space<vmem>>)
        %dma_start3A_463 = arith.constant 4 : i32
        %dma_start3A_464 = arith.constant 0 : i32
        %dma_start3A_465 = tpu.memref_slice %arg8[%rem3A_343, %dma_start3A_463, %dma_start3A_464] : memref<2x8x128xi32, #tpu.memory_space<vmem>> -> memref<1x1x128xi32, #tpu.memory_space<vmem>>
        %dma_start3A_466 = tpu.memref_squeeze %dma_start3A_465 : memref<1x1x128xi32, #tpu.memory_space<vmem>> -> memref<128xi32, #tpu.memory_space<vmem>>
        %dma_start3A_467 = arith.constant 0 : i32
        %dma_start3A_468 = arith.constant 0 : i32
        %dma_start3A_469 = tpu.memref_slice %arg17[%dma_start3A_467, %dma_start3A_468] : memref<10112x128xf32, #tpu.memory_space<vmem_shared>> -> memref<10112x128xf32, #tpu.memory_space<vmem_shared>>
        tpu.enqueue_indirect_dma source(%arg9 : memref<128x128xf32, #tpu.memory_space<vmem>>) target(%dma_start3A_469 : memref<10112x128xf32, #tpu.memory_space<vmem_shared>>) offsets(%dma_start3A_466 : memref<128xi32, #tpu.memory_space<vmem>>) semaphore(%arg13 : memref<!tpu.dma_semaphore, #tpu.memory_space<semaphore_mem>>) {add = true}
        %dma_wait3A_470 = arith.constant 5 : i32
        %dma_wait3A_471 = arith.constant 0 : i32
        %dma_wait3A_472 = tpu.memref_slice %arg7[%rem3A_343, %dma_wait3A_470, %dma_wait3A_471] : memref<2x8x128xi32, #tpu.memory_space<vmem>> -> memref<1x1x128xi32, #tpu.memory_space<vmem>>
        %dma_wait3A_473 = tpu.memref_squeeze %dma_wait3A_472 : memref<1x1x128xi32, #tpu.memory_space<vmem>> -> memref<128xi32, #tpu.memory_space<vmem>>
        %dma_wait3A_474 = arith.constant 0 : i32
        %dma_wait3A_475 = arith.constant 0 : i32
        %dma_wait3A_476 = tpu.memref_slice %arg2[%dma_wait3A_474, %dma_wait3A_475] : memref<10000x128xf32, #tpu.memory_space<hbm>> -> memref<10000x128xf32, #tpu.memory_space<hbm>>
        tpu.wait_indirect_dma semaphore(%arg12 : memref<!tpu.dma_semaphore, #tpu.memory_space<semaphore_mem>>) src(%dma_wait3A_476 : memref<10000x128xf32, #tpu.memory_space<hbm>>) dst(%arg10 : memref<128x128xf32, #tpu.memory_space<vmem>>)
        %dma_start3A_477 = arith.constant 5 : i32
        %dma_start3A_478 = arith.constant 0 : i32
        %dma_start3A_479 = tpu.memref_slice %arg8[%rem3A_343, %dma_start3A_477, %dma_start3A_478] : memref<2x8x128xi32, #tpu.memory_space<vmem>> -> memref<1x1x128xi32, #tpu.memory_space<vmem>>
        %dma_start3A_480 = tpu.memref_squeeze %dma_start3A_479 : memref<1x1x128xi32, #tpu.memory_space<vmem>> -> memref<128xi32, #tpu.memory_space<vmem>>
        %dma_start3A_481 = arith.constant 0 : i32
        %dma_start3A_482 = arith.constant 0 : i32
        %dma_start3A_483 = tpu.memref_slice %arg17[%dma_start3A_481, %dma_start3A_482] : memref<10112x128xf32, #tpu.memory_space<vmem_shared>> -> memref<10112x128xf32, #tpu.memory_space<vmem_shared>>
        tpu.enqueue_indirect_dma source(%arg10 : memref<128x128xf32, #tpu.memory_space<vmem>>) target(%dma_start3A_483 : memref<10112x128xf32, #tpu.memory_space<vmem_shared>>) offsets(%dma_start3A_480 : memref<128xi32, #tpu.memory_space<vmem>>) semaphore(%arg14 : memref<!tpu.dma_semaphore, #tpu.memory_space<semaphore_mem>>) {add = true}
        %dma_wait3A_484 = arith.constant 4 : i32
        %dma_wait3A_485 = arith.constant 0 : i32
        %dma_wait3A_486 = tpu.memref_slice %arg8[%rem3A_343, %dma_wait3A_484, %dma_wait3A_485] : memref<2x8x128xi32, #tpu.memory_space<vmem>> -> memref<1x1x128xi32, #tpu.memory_space<vmem>>
        %dma_wait3A_487 = tpu.memref_squeeze %dma_wait3A_486 : memref<1x1x128xi32, #tpu.memory_space<vmem>> -> memref<128xi32, #tpu.memory_space<vmem>>
        %dma_wait3A_488 = arith.constant 0 : i32
        %dma_wait3A_489 = arith.constant 0 : i32
        %dma_wait3A_490 = tpu.memref_slice %arg17[%dma_wait3A_488, %dma_wait3A_489] : memref<10112x128xf32, #tpu.memory_space<vmem_shared>> -> memref<10112x128xf32, #tpu.memory_space<vmem_shared>>
        tpu.wait_indirect_dma semaphore(%arg13 : memref<!tpu.dma_semaphore, #tpu.memory_space<semaphore_mem>>) src(%arg9 : memref<128x128xf32, #tpu.memory_space<vmem>>) dst(%dma_wait3A_490 : memref<10112x128xf32, #tpu.memory_space<vmem_shared>>)
        %dma_start3A_491 = arith.constant 6 : i32
        %dma_start3A_492 = arith.constant 0 : i32
        %dma_start3A_493 = tpu.memref_slice %arg7[%rem3A_343, %dma_start3A_491, %dma_start3A_492] : memref<2x8x128xi32, #tpu.memory_space<vmem>> -> memref<1x1x128xi32, #tpu.memory_space<vmem>>
        %dma_start3A_494 = tpu.memref_squeeze %dma_start3A_493 : memref<1x1x128xi32, #tpu.memory_space<vmem>> -> memref<128xi32, #tpu.memory_space<vmem>>
        %dma_start3A_495 = arith.constant 0 : i32
        %dma_start3A_496 = arith.constant 0 : i32
        %dma_start3A_497 = tpu.memref_slice %arg2[%dma_start3A_495, %dma_start3A_496] : memref<10000x128xf32, #tpu.memory_space<hbm>> -> memref<10000x128xf32, #tpu.memory_space<hbm>>
        tpu.enqueue_indirect_dma source(%dma_start3A_497 : memref<10000x128xf32, #tpu.memory_space<hbm>>) target(%arg9 : memref<128x128xf32, #tpu.memory_space<vmem>>) offsets(%dma_start3A_494 : memref<128xi32, #tpu.memory_space<vmem>>) semaphore(%arg11 : memref<!tpu.dma_semaphore, #tpu.memory_space<semaphore_mem>>)
        %dma_wait3A_498 = arith.constant 5 : i32
        %dma_wait3A_499 = arith.constant 0 : i32
        %dma_wait3A_500 = tpu.memref_slice %arg8[%rem3A_343, %dma_wait3A_498, %dma_wait3A_499] : memref<2x8x128xi32, #tpu.memory_space<vmem>> -> memref<1x1x128xi32, #tpu.memory_space<vmem>>
        %dma_wait3A_501 = tpu.memref_squeeze %dma_wait3A_500 : memref<1x1x128xi32, #tpu.memory_space<vmem>> -> memref<128xi32, #tpu.memory_space<vmem>>
        %dma_wait3A_502 = arith.constant 0 : i32
        %dma_wait3A_503 = arith.constant 0 : i32
        %dma_wait3A_504 = tpu.memref_slice %arg17[%dma_wait3A_502, %dma_wait3A_503] : memref<10112x128xf32, #tpu.memory_space<vmem_shared>> -> memref<10112x128xf32, #tpu.memory_space<vmem_shared>>
        tpu.wait_indirect_dma semaphore(%arg14 : memref<!tpu.dma_semaphore, #tpu.memory_space<semaphore_mem>>) src(%arg10 : memref<128x128xf32, #tpu.memory_space<vmem>>) dst(%dma_wait3A_504 : memref<10112x128xf32, #tpu.memory_space<vmem_shared>>)
        %dma_start3A_505 = arith.constant 7 : i32
        %dma_start3A_506 = arith.constant 0 : i32
        %dma_start3A_507 = tpu.memref_slice %arg7[%rem3A_343, %dma_start3A_505, %dma_start3A_506] : memref<2x8x128xi32, #tpu.memory_space<vmem>> -> memref<1x1x128xi32, #tpu.memory_space<vmem>>
        %dma_start3A_508 = tpu.memref_squeeze %dma_start3A_507 : memref<1x1x128xi32, #tpu.memory_space<vmem>> -> memref<128xi32, #tpu.memory_space<vmem>>
        %dma_start3A_509 = arith.constant 0 : i32
        %dma_start3A_510 = arith.constant 0 : i32
        %dma_start3A_511 = tpu.memref_slice %arg2[%dma_start3A_509, %dma_start3A_510] : memref<10000x128xf32, #tpu.memory_space<hbm>> -> memref<10000x128xf32, #tpu.memory_space<hbm>>
        tpu.enqueue_indirect_dma source(%dma_start3A_511 : memref<10000x128xf32, #tpu.memory_space<hbm>>) target(%arg10 : memref<128x128xf32, #tpu.memory_space<vmem>>) offsets(%dma_start3A_508 : memref<128xi32, #tpu.memory_space<vmem>>) semaphore(%arg12 : memref<!tpu.dma_semaphore, #tpu.memory_space<semaphore_mem>>)
        %dma_wait3A_512 = arith.constant 6 : i32
        %dma_wait3A_513 = arith.constant 0 : i32
        %dma_wait3A_514 = tpu.memref_slice %arg7[%rem3A_343, %dma_wait3A_512, %dma_wait3A_513] : memref<2x8x128xi32, #tpu.memory_space<vmem>> -> memref<1x1x128xi32, #tpu.memory_space<vmem>>
        %dma_wait3A_515 = tpu.memref_squeeze %dma_wait3A_514 : memref<1x1x128xi32, #tpu.memory_space<vmem>> -> memref<128xi32, #tpu.memory_space<vmem>>
        %dma_wait3A_516 = arith.constant 0 : i32
        %dma_wait3A_517 = arith.constant 0 : i32
        %dma_wait3A_518 = tpu.memref_slice %arg2[%dma_wait3A_516, %dma_wait3A_517] : memref<10000x128xf32, #tpu.memory_space<hbm>> -> memref<10000x128xf32, #tpu.memory_space<hbm>>
        tpu.wait_indirect_dma semaphore(%arg11 : memref<!tpu.dma_semaphore, #tpu.memory_space<semaphore_mem>>) src(%dma_wait3A_518 : memref<10000x128xf32, #tpu.memory_space<hbm>>) dst(%arg9 : memref<128x128xf32, #tpu.memory_space<vmem>>)
        %dma_start3A_519 = arith.constant 6 : i32
        %dma_start3A_520 = arith.constant 0 : i32
        %dma_start3A_521 = tpu.memref_slice %arg8[%rem3A_343, %dma_start3A_519, %dma_start3A_520] : memref<2x8x128xi32, #tpu.memory_space<vmem>> -> memref<1x1x128xi32, #tpu.memory_space<vmem>>
        %dma_start3A_522 = tpu.memref_squeeze %dma_start3A_521 : memref<1x1x128xi32, #tpu.memory_space<vmem>> -> memref<128xi32, #tpu.memory_space<vmem>>
        %dma_start3A_523 = arith.constant 0 : i32
        %dma_start3A_524 = arith.constant 0 : i32
        %dma_start3A_525 = tpu.memref_slice %arg17[%dma_start3A_523, %dma_start3A_524] : memref<10112x128xf32, #tpu.memory_space<vmem_shared>> -> memref<10112x128xf32, #tpu.memory_space<vmem_shared>>
        tpu.enqueue_indirect_dma source(%arg9 : memref<128x128xf32, #tpu.memory_space<vmem>>) target(%dma_start3A_525 : memref<10112x128xf32, #tpu.memory_space<vmem_shared>>) offsets(%dma_start3A_522 : memref<128xi32, #tpu.memory_space<vmem>>) semaphore(%arg13 : memref<!tpu.dma_semaphore, #tpu.memory_space<semaphore_mem>>) {add = true}
        %dma_wait3A_526 = arith.constant 7 : i32
        %dma_wait3A_527 = arith.constant 0 : i32
        %dma_wait3A_528 = tpu.memref_slice %arg7[%rem3A_343, %dma_wait3A_526, %dma_wait3A_527] : memref<2x8x128xi32, #tpu.memory_space<vmem>> -> memref<1x1x128xi32, #tpu.memory_space<vmem>>
        %dma_wait3A_529 = tpu.memref_squeeze %dma_wait3A_528 : memref<1x1x128xi32, #tpu.memory_space<vmem>> -> memref<128xi32, #tpu.memory_space<vmem>>
        %dma_wait3A_530 = arith.constant 0 : i32
        %dma_wait3A_531 = arith.constant 0 : i32
        %dma_wait3A_532 = tpu.memref_slice %arg2[%dma_wait3A_530, %dma_wait3A_531] : memref<10000x128xf32, #tpu.memory_space<hbm>> -> memref<10000x128xf32, #tpu.memory_space<hbm>>
        tpu.wait_indirect_dma semaphore(%arg12 : memref<!tpu.dma_semaphore, #tpu.memory_space<semaphore_mem>>) src(%dma_wait3A_532 : memref<10000x128xf32, #tpu.memory_space<hbm>>) dst(%arg10 : memref<128x128xf32, #tpu.memory_space<vmem>>)
        %dma_start3A_533 = arith.constant 7 : i32
        %dma_start3A_534 = arith.constant 0 : i32
        %dma_start3A_535 = tpu.memref_slice %arg8[%rem3A_343, %dma_start3A_533, %dma_start3A_534] : memref<2x8x128xi32, #tpu.memory_space<vmem>> -> memref<1x1x128xi32, #tpu.memory_space<vmem>>
        %dma_start3A_536 = tpu.memref_squeeze %dma_start3A_535 : memref<1x1x128xi32, #tpu.memory_space<vmem>> -> memref<128xi32, #tpu.memory_space<vmem>>
        %dma_start3A_537 = arith.constant 0 : i32
        %dma_start3A_538 = arith.constant 0 : i32
        %dma_start3A_539 = tpu.memref_slice %arg17[%dma_start3A_537, %dma_start3A_538] : memref<10112x128xf32, #tpu.memory_space<vmem_shared>> -> memref<10112x128xf32, #tpu.memory_space<vmem_shared>>
        tpu.enqueue_indirect_dma source(%arg10 : memref<128x128xf32, #tpu.memory_space<vmem>>) target(%dma_start3A_539 : memref<10112x128xf32, #tpu.memory_space<vmem_shared>>) offsets(%dma_start3A_536 : memref<128xi32, #tpu.memory_space<vmem>>) semaphore(%arg14 : memref<!tpu.dma_semaphore, #tpu.memory_space<semaphore_mem>>) {add = true}
        %sub3A_540 = arith.constant 1 : i32
        %sub3A_541 = arith.subi %sub3A_540, %rem3A_343 : i32
        %dma_wait3A_542 = arith.constant 0 : i32
        %dma_wait3A_543 = arith.constant 0 : i32
        %dma_wait3A_544 = tpu.memref_slice %arg7[%sub3A_541, %dma_wait3A_542, %dma_wait3A_543] : memref<2x8x128xi32, #tpu.memory_space<vmem>> -> memref<1x8x128xi32, #tpu.memory_space<vmem>>
        %dma_wait3A_545 = tpu.memref_squeeze %dma_wait3A_544 : memref<1x8x128xi32, #tpu.memory_space<vmem>> -> memref<8x128xi32, #tpu.memory_space<vmem>>
        %dma_wait3A_546 = arith.constant 0 : i32
        %dma_wait3A_547 = tpu.memref_slice %arg3[%select_n3A_8, %dma_wait3A_546] : memref<2560x128xi32, #tpu.memory_space<hbm>> -> memref<8x128xi32, #tpu.memory_space<hbm>>
        %dma_wait3A_548 = arith.constant 0 : i32
        %dma_wait3A_549 = arith.constant 0 : i32
        %dma_wait3A_550 = tpu.memref_slice %arg7[%sub3A_541, %dma_wait3A_548, %dma_wait3A_549] : memref<2x8x128xi32, #tpu.memory_space<vmem>> -> memref<1x8x128xi32, #tpu.memory_space<vmem>>
        %dma_wait3A_551 = tpu.memref_squeeze %dma_wait3A_550 : memref<1x8x128xi32, #tpu.memory_space<vmem>> -> memref<8x128xi32, #tpu.memory_space<vmem>>
        %dma_wait3A_552 = arith.constant 0 : i32
        %dma_wait3A_553 = tpu.memref_slice %arg3[%select_n3A_8, %dma_wait3A_552] : memref<2560x128xi32, #tpu.memory_space<hbm>> -> memref<8x128xi32, #tpu.memory_space<hbm>>
        tpu.wait_dma2 semaphore(%arg15 : memref<!tpu.dma_semaphore, #tpu.memory_space<semaphore_mem>>) src(%dma_wait3A_553 : memref<8x128xi32, #tpu.memory_space<hbm>>) dst(%dma_wait3A_551 : memref<8x128xi32, #tpu.memory_space<vmem>>)
        %sub3A_554 = arith.constant 1 : i32
        %sub3A_555 = arith.subi %sub3A_554, %rem3A_343 : i32
        %dma_wait3A_556 = arith.constant 0 : i32
        %dma_wait3A_557 = arith.constant 0 : i32
        %dma_wait3A_558 = tpu.memref_slice %arg8[%sub3A_555, %dma_wait3A_556, %dma_wait3A_557] : memref<2x8x128xi32, #tpu.memory_space<vmem>> -> memref<1x8x128xi32, #tpu.memory_space<vmem>>
        %dma_wait3A_559 = tpu.memref_squeeze %dma_wait3A_558 : memref<1x8x128xi32, #tpu.memory_space<vmem>> -> memref<8x128xi32, #tpu.memory_space<vmem>>
        %dma_wait3A_560 = arith.constant 0 : i32
        %dma_wait3A_561 = tpu.memref_slice %arg4[%select_n3A_8, %dma_wait3A_560] : memref<2560x128xi32, #tpu.memory_space<hbm>> -> memref<8x128xi32, #tpu.memory_space<hbm>>
        %dma_wait3A_562 = arith.constant 0 : i32
        %dma_wait3A_563 = arith.constant 0 : i32
        %dma_wait3A_564 = tpu.memref_slice %arg8[%sub3A_555, %dma_wait3A_562, %dma_wait3A_563] : memref<2x8x128xi32, #tpu.memory_space<vmem>> -> memref<1x8x128xi32, #tpu.memory_space<vmem>>
        %dma_wait3A_565 = tpu.memref_squeeze %dma_wait3A_564 : memref<1x8x128xi32, #tpu.memory_space<vmem>> -> memref<8x128xi32, #tpu.memory_space<vmem>>
        %dma_wait3A_566 = arith.constant 0 : i32
        %dma_wait3A_567 = tpu.memref_slice %arg4[%select_n3A_8, %dma_wait3A_566] : memref<2560x128xi32, #tpu.memory_space<hbm>> -> memref<8x128xi32, #tpu.memory_space<hbm>>
        tpu.wait_dma2 semaphore(%arg16 : memref<!tpu.dma_semaphore, #tpu.memory_space<semaphore_mem>>) src(%dma_wait3A_567 : memref<8x128xi32, #tpu.memory_space<hbm>>) dst(%dma_wait3A_565 : memref<8x128xi32, #tpu.memory_space<vmem>>)
        %dma_wait3A_568 = arith.constant 6 : i32
        %dma_wait3A_569 = arith.constant 0 : i32
        %dma_wait3A_570 = tpu.memref_slice %arg8[%rem3A_343, %dma_wait3A_568, %dma_wait3A_569] : memref<2x8x128xi32, #tpu.memory_space<vmem>> -> memref<1x1x128xi32, #tpu.memory_space<vmem>>
        %dma_wait3A_571 = tpu.memref_squeeze %dma_wait3A_570 : memref<1x1x128xi32, #tpu.memory_space<vmem>> -> memref<128xi32, #tpu.memory_space<vmem>>
        %dma_wait3A_572 = arith.constant 0 : i32
        %dma_wait3A_573 = arith.constant 0 : i32
        %dma_wait3A_574 = tpu.memref_slice %arg17[%dma_wait3A_572, %dma_wait3A_573] : memref<10112x128xf32, #tpu.memory_space<vmem_shared>> -> memref<10112x128xf32, #tpu.memory_space<vmem_shared>>
        tpu.wait_indirect_dma semaphore(%arg13 : memref<!tpu.dma_semaphore, #tpu.memory_space<semaphore_mem>>) src(%arg9 : memref<128x128xf32, #tpu.memory_space<vmem>>) dst(%dma_wait3A_574 : memref<10112x128xf32, #tpu.memory_space<vmem_shared>>)
        %sub3A_575 = arith.constant 1 : i32
        %sub3A_576 = arith.subi %sub3A_575, %rem3A_343 : i32
        %dma_start3A_577 = arith.constant 0 : i32
        %dma_start3A_578 = arith.constant 0 : i32
        %dma_start3A_579 = tpu.memref_slice %arg7[%sub3A_576, %dma_start3A_577, %dma_start3A_578] : memref<2x8x128xi32, #tpu.memory_space<vmem>> -> memref<1x1x128xi32, #tpu.memory_space<vmem>>
        %dma_start3A_580 = tpu.memref_squeeze %dma_start3A_579 : memref<1x1x128xi32, #tpu.memory_space<vmem>> -> memref<128xi32, #tpu.memory_space<vmem>>
        %dma_start3A_581 = arith.constant 0 : i32
        %dma_start3A_582 = arith.constant 0 : i32
        %dma_start3A_583 = tpu.memref_slice %arg2[%dma_start3A_581, %dma_start3A_582] : memref<10000x128xf32, #tpu.memory_space<hbm>> -> memref<10000x128xf32, #tpu.memory_space<hbm>>
        tpu.enqueue_indirect_dma source(%dma_start3A_583 : memref<10000x128xf32, #tpu.memory_space<hbm>>) target(%arg9 : memref<128x128xf32, #tpu.memory_space<vmem>>) offsets(%dma_start3A_580 : memref<128xi32, #tpu.memory_space<vmem>>) semaphore(%arg11 : memref<!tpu.dma_semaphore, #tpu.memory_space<semaphore_mem>>)
        %dma_wait3A_584 = arith.constant 7 : i32
        %dma_wait3A_585 = arith.constant 0 : i32
        %dma_wait3A_586 = tpu.memref_slice %arg8[%rem3A_343, %dma_wait3A_584, %dma_wait3A_585] : memref<2x8x128xi32, #tpu.memory_space<vmem>> -> memref<1x1x128xi32, #tpu.memory_space<vmem>>
        %dma_wait3A_587 = tpu.memref_squeeze %dma_wait3A_586 : memref<1x1x128xi32, #tpu.memory_space<vmem>> -> memref<128xi32, #tpu.memory_space<vmem>>
        %dma_wait3A_588 = arith.constant 0 : i32
        %dma_wait3A_589 = arith.constant 0 : i32
        %dma_wait3A_590 = tpu.memref_slice %arg17[%dma_wait3A_588, %dma_wait3A_589] : memref<10112x128xf32, #tpu.memory_space<vmem_shared>> -> memref<10112x128xf32, #tpu.memory_space<vmem_shared>>
        tpu.wait_indirect_dma semaphore(%arg14 : memref<!tpu.dma_semaphore, #tpu.memory_space<semaphore_mem>>) src(%arg10 : memref<128x128xf32, #tpu.memory_space<vmem>>) dst(%dma_wait3A_590 : memref<10112x128xf32, #tpu.memory_space<vmem_shared>>)
        %sub3A_591 = arith.constant 1 : i32
        %sub3A_592 = arith.subi %sub3A_591, %rem3A_343 : i32
        %dma_start3A_593 = arith.constant 1 : i32
        %dma_start3A_594 = arith.constant 0 : i32
        %dma_start3A_595 = tpu.memref_slice %arg7[%sub3A_592, %dma_start3A_593, %dma_start3A_594] : memref<2x8x128xi32, #tpu.memory_space<vmem>> -> memref<1x1x128xi32, #tpu.memory_space<vmem>>
        %dma_start3A_596 = tpu.memref_squeeze %dma_start3A_595 : memref<1x1x128xi32, #tpu.memory_space<vmem>> -> memref<128xi32, #tpu.memory_space<vmem>>
        %dma_start3A_597 = arith.constant 0 : i32
        %dma_start3A_598 = arith.constant 0 : i32
        %dma_start3A_599 = tpu.memref_slice %arg2[%dma_start3A_597, %dma_start3A_598] : memref<10000x128xf32, #tpu.memory_space<hbm>> -> memref<10000x128xf32, #tpu.memory_space<hbm>>
        tpu.enqueue_indirect_dma source(%dma_start3A_599 : memref<10000x128xf32, #tpu.memory_space<hbm>>) target(%arg10 : memref<128x128xf32, #tpu.memory_space<vmem>>) offsets(%dma_start3A_596 : memref<128xi32, #tpu.memory_space<vmem>>) semaphore(%arg12 : memref<!tpu.dma_semaphore, #tpu.memory_space<semaphore_mem>>)
        %add3A_600 = arith.constant 2 : i32
        %add3A_601 = arith.addi %while3A_342, %add3A_600 : i32
        %sub3A_602 = arith.constant 1 : i32
        %sub3A_603 = arith.subi %select_n3A, %sub3A_602 : i32
        %min3A = arith.minsi %add3A_601, %sub3A_603 : i32
        %mul3A_604 = arith.constant 8 : i32
        %mul3A_605 = arith.muli %min3A, %mul3A_604 : i32
        %add3A_606 = arith.addi %select_n3A_8, %mul3A_605 : i32
        %dma_start3A_607 = arith.constant 0 : i32
        %dma_start3A_608 = arith.constant 0 : i32
        %dma_start3A_609 = tpu.memref_slice %arg7[%rem3A_343, %dma_start3A_607, %dma_start3A_608] : memref<2x8x128xi32, #tpu.memory_space<vmem>> -> memref<1x8x128xi32, #tpu.memory_space<vmem>>
        %dma_start3A_610 = tpu.memref_squeeze %dma_start3A_609 : memref<1x8x128xi32, #tpu.memory_space<vmem>> -> memref<8x128xi32, #tpu.memory_space<vmem>>
        %dma_start3A_611 = arith.constant 0 : i32
        %dma_start3A_612 = tpu.memref_slice %arg3[%add3A_606, %dma_start3A_611] : memref<2560x128xi32, #tpu.memory_space<hbm>> -> memref<8x128xi32, #tpu.memory_space<hbm>>
        %dma_start3A_613 = arith.constant 0 : i32
        %dma_start3A_614 = arith.constant 0 : i32
        %dma_start3A_615 = tpu.memref_slice %arg7[%rem3A_343, %dma_start3A_613, %dma_start3A_614] : memref<2x8x128xi32, #tpu.memory_space<vmem>> -> memref<1x8x128xi32, #tpu.memory_space<vmem>>
        %dma_start3A_616 = tpu.memref_squeeze %dma_start3A_615 : memref<1x8x128xi32, #tpu.memory_space<vmem>> -> memref<8x128xi32, #tpu.memory_space<vmem>>
        %dma_start3A_617 = arith.constant 0 : i32
        %dma_start3A_618 = tpu.memref_slice %arg3[%add3A_606, %dma_start3A_617] : memref<2560x128xi32, #tpu.memory_space<hbm>> -> memref<8x128xi32, #tpu.memory_space<hbm>>
        tpu.enqueue_dma source(%dma_start3A_618 : memref<8x128xi32, #tpu.memory_space<hbm>>) target(%dma_start3A_616 : memref<8x128xi32, #tpu.memory_space<vmem>>) target_semaphore(%arg15 : memref<!tpu.dma_semaphore, #tpu.memory_space<semaphore_mem>>)
        %dma_start3A_619 = arith.constant 0 : i32
        %dma_start3A_620 = arith.constant 0 : i32
        %dma_start3A_621 = tpu.memref_slice %arg8[%rem3A_343, %dma_start3A_619, %dma_start3A_620] : memref<2x8x128xi32, #tpu.memory_space<vmem>> -> memref<1x8x128xi32, #tpu.memory_space<vmem>>
        %dma_start3A_622 = tpu.memref_squeeze %dma_start3A_621 : memref<1x8x128xi32, #tpu.memory_space<vmem>> -> memref<8x128xi32, #tpu.memory_space<vmem>>
        %dma_start3A_623 = arith.constant 0 : i32
        %dma_start3A_624 = tpu.memref_slice %arg4[%add3A_606, %dma_start3A_623] : memref<2560x128xi32, #tpu.memory_space<hbm>> -> memref<8x128xi32, #tpu.memory_space<hbm>>
        %dma_start3A_625 = arith.constant 0 : i32
        %dma_start3A_626 = arith.constant 0 : i32
        %dma_start3A_627 = tpu.memref_slice %arg8[%rem3A_343, %dma_start3A_625, %dma_start3A_626] : memref<2x8x128xi32, #tpu.memory_space<vmem>> -> memref<1x8x128xi32, #tpu.memory_space<vmem>>
        %dma_start3A_628 = tpu.memref_squeeze %dma_start3A_627 : memref<1x8x128xi32, #tpu.memory_space<vmem>> -> memref<8x128xi32, #tpu.memory_space<vmem>>
        %dma_start3A_629 = arith.constant 0 : i32
        %dma_start3A_630 = tpu.memref_slice %arg4[%add3A_606, %dma_start3A_629] : memref<2560x128xi32, #tpu.memory_space<hbm>> -> memref<8x128xi32, #tpu.memory_space<hbm>>
        tpu.enqueue_dma source(%dma_start3A_630 : memref<8x128xi32, #tpu.memory_space<hbm>>) target(%dma_start3A_628 : memref<8x128xi32, #tpu.memory_space<vmem>>) target_semaphore(%arg16 : memref<!tpu.dma_semaphore, #tpu.memory_space<semaphore_mem>>)
      }
      %while3A_76 = arith.constant 1 : i32
      scf.for %while3A_342 = %while3A_74 to %while3A_70 step %while3A_76  : i32 {
        %rem3A = arith.constant 2 : i32
        %rem3A_343 = arith.remsi %while3A_342, %rem3A : i32
        %dma_wait3A_344 = arith.constant 0 : i32
        %dma_wait3A_345 = arith.constant 0 : i32
        %dma_wait3A_346 = tpu.memref_slice %arg7[%rem3A_343, %dma_wait3A_344, %dma_wait3A_345] : memref<2x8x128xi32, #tpu.memory_space<vmem>> -> memref<1x1x128xi32, #tpu.memory_space<vmem>>
        %dma_wait3A_347 = tpu.memref_squeeze %dma_wait3A_346 : memref<1x1x128xi32, #tpu.memory_space<vmem>> -> memref<128xi32, #tpu.memory_space<vmem>>
        %dma_wait3A_348 = arith.constant 0 : i32
        %dma_wait3A_349 = arith.constant 0 : i32
        %dma_wait3A_350 = tpu.memref_slice %arg2[%dma_wait3A_348, %dma_wait3A_349] : memref<10000x128xf32, #tpu.memory_space<hbm>> -> memref<10000x128xf32, #tpu.memory_space<hbm>>
        tpu.wait_indirect_dma semaphore(%arg11 : memref<!tpu.dma_semaphore, #tpu.memory_space<semaphore_mem>>) src(%dma_wait3A_350 : memref<10000x128xf32, #tpu.memory_space<hbm>>) dst(%arg9 : memref<128x128xf32, #tpu.memory_space<vmem>>)
        %dma_start3A_351 = arith.constant 0 : i32
        %dma_start3A_352 = arith.constant 0 : i32
        %dma_start3A_353 = tpu.memref_slice %arg8[%rem3A_343, %dma_start3A_351, %dma_start3A_352] : memref<2x8x128xi32, #tpu.memory_space<vmem>> -> memref<1x1x128xi32, #tpu.memory_space<vmem>>
        %dma_start3A_354 = tpu.memref_squeeze %dma_start3A_353 : memref<1x1x128xi32, #tpu.memory_space<vmem>> -> memref<128xi32, #tpu.memory_space<vmem>>
        %dma_start3A_355 = arith.constant 0 : i32
        %dma_start3A_356 = arith.constant 0 : i32
        %dma_start3A_357 = tpu.memref_slice %arg17[%dma_start3A_355, %dma_start3A_356] : memref<10112x128xf32, #tpu.memory_space<vmem_shared>> -> memref<10112x128xf32, #tpu.memory_space<vmem_shared>>
        tpu.enqueue_indirect_dma source(%arg9 : memref<128x128xf32, #tpu.memory_space<vmem>>) target(%dma_start3A_357 : memref<10112x128xf32, #tpu.memory_space<vmem_shared>>) offsets(%dma_start3A_354 : memref<128xi32, #tpu.memory_space<vmem>>) semaphore(%arg13 : memref<!tpu.dma_semaphore, #tpu.memory_space<semaphore_mem>>) {add = true}
        %dma_wait3A_358 = arith.constant 1 : i32
        %dma_wait3A_359 = arith.constant 0 : i32
        %dma_wait3A_360 = tpu.memref_slice %arg7[%rem3A_343, %dma_wait3A_358, %dma_wait3A_359] : memref<2x8x128xi32, #tpu.memory_space<vmem>> -> memref<1x1x128xi32, #tpu.memory_space<vmem>>
        %dma_wait3A_361 = tpu.memref_squeeze %dma_wait3A_360 : memref<1x1x128xi32, #tpu.memory_space<vmem>> -> memref<128xi32, #tpu.memory_space<vmem>>
        %dma_wait3A_362 = arith.constant 0 : i32
        %dma_wait3A_363 = arith.constant 0 : i32
        %dma_wait3A_364 = tpu.memref_slice %arg2[%dma_wait3A_362, %dma_wait3A_363] : memref<10000x128xf32, #tpu.memory_space<hbm>> -> memref<10000x128xf32, #tpu.memory_space<hbm>>
        tpu.wait_indirect_dma semaphore(%arg12 : memref<!tpu.dma_semaphore, #tpu.memory_space<semaphore_mem>>) src(%dma_wait3A_364 : memref<10000x128xf32, #tpu.memory_space<hbm>>) dst(%arg10 : memref<128x128xf32, #tpu.memory_space<vmem>>)
        %dma_start3A_365 = arith.constant 1 : i32
        %dma_start3A_366 = arith.constant 0 : i32
        %dma_start3A_367 = tpu.memref_slice %arg8[%rem3A_343, %dma_start3A_365, %dma_start3A_366] : memref<2x8x128xi32, #tpu.memory_space<vmem>> -> memref<1x1x128xi32, #tpu.memory_space<vmem>>
        %dma_start3A_368 = tpu.memref_squeeze %dma_start3A_367 : memref<1x1x128xi32, #tpu.memory_space<vmem>> -> memref<128xi32, #tpu.memory_space<vmem>>
        %dma_start3A_369 = arith.constant 0 : i32
        %dma_start3A_370 = arith.constant 0 : i32
        %dma_start3A_371 = tpu.memref_slice %arg17[%dma_start3A_369, %dma_start3A_370] : memref<10112x128xf32, #tpu.memory_space<vmem_shared>> -> memref<10112x128xf32, #tpu.memory_space<vmem_shared>>
        tpu.enqueue_indirect_dma source(%arg10 : memref<128x128xf32, #tpu.memory_space<vmem>>) target(%dma_start3A_371 : memref<10112x128xf32, #tpu.memory_space<vmem_shared>>) offsets(%dma_start3A_368 : memref<128xi32, #tpu.memory_space<vmem>>) semaphore(%arg14 : memref<!tpu.dma_semaphore, #tpu.memory_space<semaphore_mem>>) {add = true}
        %dma_wait3A_372 = arith.constant 0 : i32
        %dma_wait3A_373 = arith.constant 0 : i32
        %dma_wait3A_374 = tpu.memref_slice %arg8[%rem3A_343, %dma_wait3A_372, %dma_wait3A_373] : memref<2x8x128xi32, #tpu.memory_space<vmem>> -> memref<1x1x128xi32, #tpu.memory_space<vmem>>
        %dma_wait3A_375 = tpu.memref_squeeze %dma_wait3A_374 : memref<1x1x128xi32, #tpu.memory_space<vmem>> -> memref<128xi32, #tpu.memory_space<vmem>>
        %dma_wait3A_376 = arith.constant 0 : i32
        %dma_wait3A_377 = arith.constant 0 : i32
        %dma_wait3A_378 = tpu.memref_slice %arg17[%dma_wait3A_376, %dma_wait3A_377] : memref<10112x128xf32, #tpu.memory_space<vmem_shared>> -> memref<10112x128xf32, #tpu.memory_space<vmem_shared>>
        tpu.wait_indirect_dma semaphore(%arg13 : memref<!tpu.dma_semaphore, #tpu.memory_space<semaphore_mem>>) src(%arg9 : memref<128x128xf32, #tpu.memory_space<vmem>>) dst(%dma_wait3A_378 : memref<10112x128xf32, #tpu.memory_space<vmem_shared>>)
        %dma_start3A_379 = arith.constant 2 : i32
        %dma_start3A_380 = arith.constant 0 : i32
        %dma_start3A_381 = tpu.memref_slice %arg7[%rem3A_343, %dma_start3A_379, %dma_start3A_380] : memref<2x8x128xi32, #tpu.memory_space<vmem>> -> memref<1x1x128xi32, #tpu.memory_space<vmem>>
        %dma_start3A_382 = tpu.memref_squeeze %dma_start3A_381 : memref<1x1x128xi32, #tpu.memory_space<vmem>> -> memref<128xi32, #tpu.memory_space<vmem>>
        %dma_start3A_383 = arith.constant 0 : i32
        %dma_start3A_384 = arith.constant 0 : i32
        %dma_start3A_385 = tpu.memref_slice %arg2[%dma_start3A_383, %dma_start3A_384] : memref<10000x128xf32, #tpu.memory_space<hbm>> -> memref<10000x128xf32, #tpu.memory_space<hbm>>
        tpu.enqueue_indirect_dma source(%dma_start3A_385 : memref<10000x128xf32, #tpu.memory_space<hbm>>) target(%arg9 : memref<128x128xf32, #tpu.memory_space<vmem>>) offsets(%dma_start3A_382 : memref<128xi32, #tpu.memory_space<vmem>>) semaphore(%arg11 : memref<!tpu.dma_semaphore, #tpu.memory_space<semaphore_mem>>)
        %dma_wait3A_386 = arith.constant 1 : i32
        %dma_wait3A_387 = arith.constant 0 : i32
        %dma_wait3A_388 = tpu.memref_slice %arg8[%rem3A_343, %dma_wait3A_386, %dma_wait3A_387] : memref<2x8x128xi32, #tpu.memory_space<vmem>> -> memref<1x1x128xi32, #tpu.memory_space<vmem>>
        %dma_wait3A_389 = tpu.memref_squeeze %dma_wait3A_388 : memref<1x1x128xi32, #tpu.memory_space<vmem>> -> memref<128xi32, #tpu.memory_space<vmem>>
        %dma_wait3A_390 = arith.constant 0 : i32
        %dma_wait3A_391 = arith.constant 0 : i32
        %dma_wait3A_392 = tpu.memref_slice %arg17[%dma_wait3A_390, %dma_wait3A_391] : memref<10112x128xf32, #tpu.memory_space<vmem_shared>> -> memref<10112x128xf32, #tpu.memory_space<vmem_shared>>
        tpu.wait_indirect_dma semaphore(%arg14 : memref<!tpu.dma_semaphore, #tpu.memory_space<semaphore_mem>>) src(%arg10 : memref<128x128xf32, #tpu.memory_space<vmem>>) dst(%dma_wait3A_392 : memref<10112x128xf32, #tpu.memory_space<vmem_shared>>)
        %dma_start3A_393 = arith.constant 3 : i32
        %dma_start3A_394 = arith.constant 0 : i32
        %dma_start3A_395 = tpu.memref_slice %arg7[%rem3A_343, %dma_start3A_393, %dma_start3A_394] : memref<2x8x128xi32, #tpu.memory_space<vmem>> -> memref<1x1x128xi32, #tpu.memory_space<vmem>>
        %dma_start3A_396 = tpu.memref_squeeze %dma_start3A_395 : memref<1x1x128xi32, #tpu.memory_space<vmem>> -> memref<128xi32, #tpu.memory_space<vmem>>
        %dma_start3A_397 = arith.constant 0 : i32
        %dma_start3A_398 = arith.constant 0 : i32
        %dma_start3A_399 = tpu.memref_slice %arg2[%dma_start3A_397, %dma_start3A_398] : memref<10000x128xf32, #tpu.memory_space<hbm>> -> memref<10000x128xf32, #tpu.memory_space<hbm>>
        tpu.enqueue_indirect_dma source(%dma_start3A_399 : memref<10000x128xf32, #tpu.memory_space<hbm>>) target(%arg10 : memref<128x128xf32, #tpu.memory_space<vmem>>) offsets(%dma_start3A_396 : memref<128xi32, #tpu.memory_space<vmem>>) semaphore(%arg12 : memref<!tpu.dma_semaphore, #tpu.memory_space<semaphore_mem>>)
        %dma_wait3A_400 = arith.constant 2 : i32
        %dma_wait3A_401 = arith.constant 0 : i32
        %dma_wait3A_402 = tpu.memref_slice %arg7[%rem3A_343, %dma_wait3A_400, %dma_wait3A_401] : memref<2x8x128xi32, #tpu.memory_space<vmem>> -> memref<1x1x128xi32, #tpu.memory_space<vmem>>
        %dma_wait3A_403 = tpu.memref_squeeze %dma_wait3A_402 : memref<1x1x128xi32, #tpu.memory_space<vmem>> -> memref<128xi32, #tpu.memory_space<vmem>>
        %dma_wait3A_404 = arith.constant 0 : i32
        %dma_wait3A_405 = arith.constant 0 : i32
        %dma_wait3A_406 = tpu.memref_slice %arg2[%dma_wait3A_404, %dma_wait3A_405] : memref<10000x128xf32, #tpu.memory_space<hbm>> -> memref<10000x128xf32, #tpu.memory_space<hbm>>
        tpu.wait_indirect_dma semaphore(%arg11 : memref<!tpu.dma_semaphore, #tpu.memory_space<semaphore_mem>>) src(%dma_wait3A_406 : memref<10000x128xf32, #tpu.memory_space<hbm>>) dst(%arg9 : memref<128x128xf32, #tpu.memory_space<vmem>>)
        %dma_start3A_407 = arith.constant 2 : i32
        %dma_start3A_408 = arith.constant 0 : i32
        %dma_start3A_409 = tpu.memref_slice %arg8[%rem3A_343, %dma_start3A_407, %dma_start3A_408] : memref<2x8x128xi32, #tpu.memory_space<vmem>> -> memref<1x1x128xi32, #tpu.memory_space<vmem>>
        %dma_start3A_410 = tpu.memref_squeeze %dma_start3A_409 : memref<1x1x128xi32, #tpu.memory_space<vmem>> -> memref<128xi32, #tpu.memory_space<vmem>>
        %dma_start3A_411 = arith.constant 0 : i32
        %dma_start3A_412 = arith.constant 0 : i32
        %dma_start3A_413 = tpu.memref_slice %arg17[%dma_start3A_411, %dma_start3A_412] : memref<10112x128xf32, #tpu.memory_space<vmem_shared>> -> memref<10112x128xf32, #tpu.memory_space<vmem_shared>>
        tpu.enqueue_indirect_dma source(%arg9 : memref<128x128xf32, #tpu.memory_space<vmem>>) target(%dma_start3A_413 : memref<10112x128xf32, #tpu.memory_space<vmem_shared>>) offsets(%dma_start3A_410 : memref<128xi32, #tpu.memory_space<vmem>>) semaphore(%arg13 : memref<!tpu.dma_semaphore, #tpu.memory_space<semaphore_mem>>) {add = true}
        %dma_wait3A_414 = arith.constant 3 : i32
        %dma_wait3A_415 = arith.constant 0 : i32
        %dma_wait3A_416 = tpu.memref_slice %arg7[%rem3A_343, %dma_wait3A_414, %dma_wait3A_415] : memref<2x8x128xi32, #tpu.memory_space<vmem>> -> memref<1x1x128xi32, #tpu.memory_space<vmem>>
        %dma_wait3A_417 = tpu.memref_squeeze %dma_wait3A_416 : memref<1x1x128xi32, #tpu.memory_space<vmem>> -> memref<128xi32, #tpu.memory_space<vmem>>
        %dma_wait3A_418 = arith.constant 0 : i32
        %dma_wait3A_419 = arith.constant 0 : i32
        %dma_wait3A_420 = tpu.memref_slice %arg2[%dma_wait3A_418, %dma_wait3A_419] : memref<10000x128xf32, #tpu.memory_space<hbm>> -> memref<10000x128xf32, #tpu.memory_space<hbm>>
        tpu.wait_indirect_dma semaphore(%arg12 : memref<!tpu.dma_semaphore, #tpu.memory_space<semaphore_mem>>) src(%dma_wait3A_420 : memref<10000x128xf32, #tpu.memory_space<hbm>>) dst(%arg10 : memref<128x128xf32, #tpu.memory_space<vmem>>)
        %dma_start3A_421 = arith.constant 3 : i32
        %dma_start3A_422 = arith.constant 0 : i32
        %dma_start3A_423 = tpu.memref_slice %arg8[%rem3A_343, %dma_start3A_421, %dma_start3A_422] : memref<2x8x128xi32, #tpu.memory_space<vmem>> -> memref<1x1x128xi32, #tpu.memory_space<vmem>>
        %dma_start3A_424 = tpu.memref_squeeze %dma_start3A_423 : memref<1x1x128xi32, #tpu.memory_space<vmem>> -> memref<128xi32, #tpu.memory_space<vmem>>
        %dma_start3A_425 = arith.constant 0 : i32
        %dma_start3A_426 = arith.constant 0 : i32
        %dma_start3A_427 = tpu.memref_slice %arg17[%dma_start3A_425, %dma_start3A_426] : memref<10112x128xf32, #tpu.memory_space<vmem_shared>> -> memref<10112x128xf32, #tpu.memory_space<vmem_shared>>
        tpu.enqueue_indirect_dma source(%arg10 : memref<128x128xf32, #tpu.memory_space<vmem>>) target(%dma_start3A_427 : memref<10112x128xf32, #tpu.memory_space<vmem_shared>>) offsets(%dma_start3A_424 : memref<128xi32, #tpu.memory_space<vmem>>) semaphore(%arg14 : memref<!tpu.dma_semaphore, #tpu.memory_space<semaphore_mem>>) {add = true}
        %dma_wait3A_428 = arith.constant 2 : i32
        %dma_wait3A_429 = arith.constant 0 : i32
        %dma_wait3A_430 = tpu.memref_slice %arg8[%rem3A_343, %dma_wait3A_428, %dma_wait3A_429] : memref<2x8x128xi32, #tpu.memory_space<vmem>> -> memref<1x1x128xi32, #tpu.memory_space<vmem>>
        %dma_wait3A_431 = tpu.memref_squeeze %dma_wait3A_430 : memref<1x1x128xi32, #tpu.memory_space<vmem>> -> memref<128xi32, #tpu.memory_space<vmem>>
        %dma_wait3A_432 = arith.constant 0 : i32
        %dma_wait3A_433 = arith.constant 0 : i32
        %dma_wait3A_434 = tpu.memref_slice %arg17[%dma_wait3A_432, %dma_wait3A_433] : memref<10112x128xf32, #tpu.memory_space<vmem_shared>> -> memref<10112x128xf32, #tpu.memory_space<vmem_shared>>
        tpu.wait_indirect_dma semaphore(%arg13 : memref<!tpu.dma_semaphore, #tpu.memory_space<semaphore_mem>>) src(%arg9 : memref<128x128xf32, #tpu.memory_space<vmem>>) dst(%dma_wait3A_434 : memref<10112x128xf32, #tpu.memory_space<vmem_shared>>)
        %dma_start3A_435 = arith.constant 4 : i32
        %dma_start3A_436 = arith.constant 0 : i32
        %dma_start3A_437 = tpu.memref_slice %arg7[%rem3A_343, %dma_start3A_435, %dma_start3A_436] : memref<2x8x128xi32, #tpu.memory_space<vmem>> -> memref<1x1x128xi32, #tpu.memory_space<vmem>>
        %dma_start3A_438 = tpu.memref_squeeze %dma_start3A_437 : memref<1x1x128xi32, #tpu.memory_space<vmem>> -> memref<128xi32, #tpu.memory_space<vmem>>
        %dma_start3A_439 = arith.constant 0 : i32
        %dma_start3A_440 = arith.constant 0 : i32
        %dma_start3A_441 = tpu.memref_slice %arg2[%dma_start3A_439, %dma_start3A_440] : memref<10000x128xf32, #tpu.memory_space<hbm>> -> memref<10000x128xf32, #tpu.memory_space<hbm>>
        tpu.enqueue_indirect_dma source(%dma_start3A_441 : memref<10000x128xf32, #tpu.memory_space<hbm>>) target(%arg9 : memref<128x128xf32, #tpu.memory_space<vmem>>) offsets(%dma_start3A_438 : memref<128xi32, #tpu.memory_space<vmem>>) semaphore(%arg11 : memref<!tpu.dma_semaphore, #tpu.memory_space<semaphore_mem>>)
        %dma_wait3A_442 = arith.constant 3 : i32
        %dma_wait3A_443 = arith.constant 0 : i32
        %dma_wait3A_444 = tpu.memref_slice %arg8[%rem3A_343, %dma_wait3A_442, %dma_wait3A_443] : memref<2x8x128xi32, #tpu.memory_space<vmem>> -> memref<1x1x128xi32, #tpu.memory_space<vmem>>
        %dma_wait3A_445 = tpu.memref_squeeze %dma_wait3A_444 : memref<1x1x128xi32, #tpu.memory_space<vmem>> -> memref<128xi32, #tpu.memory_space<vmem>>
        %dma_wait3A_446 = arith.constant 0 : i32
        %dma_wait3A_447 = arith.constant 0 : i32
        %dma_wait3A_448 = tpu.memref_slice %arg17[%dma_wait3A_446, %dma_wait3A_447] : memref<10112x128xf32, #tpu.memory_space<vmem_shared>> -> memref<10112x128xf32, #tpu.memory_space<vmem_shared>>
        tpu.wait_indirect_dma semaphore(%arg14 : memref<!tpu.dma_semaphore, #tpu.memory_space<semaphore_mem>>) src(%arg10 : memref<128x128xf32, #tpu.memory_space<vmem>>) dst(%dma_wait3A_448 : memref<10112x128xf32, #tpu.memory_space<vmem_shared>>)
        %dma_start3A_449 = arith.constant 5 : i32
        %dma_start3A_450 = arith.constant 0 : i32
        %dma_start3A_451 = tpu.memref_slice %arg7[%rem3A_343, %dma_start3A_449, %dma_start3A_450] : memref<2x8x128xi32, #tpu.memory_space<vmem>> -> memref<1x1x128xi32, #tpu.memory_space<vmem>>
        %dma_start3A_452 = tpu.memref_squeeze %dma_start3A_451 : memref<1x1x128xi32, #tpu.memory_space<vmem>> -> memref<128xi32, #tpu.memory_space<vmem>>
        %dma_start3A_453 = arith.constant 0 : i32
        %dma_start3A_454 = arith.constant 0 : i32
        %dma_start3A_455 = tpu.memref_slice %arg2[%dma_start3A_453, %dma_start3A_454] : memref<10000x128xf32, #tpu.memory_space<hbm>> -> memref<10000x128xf32, #tpu.memory_space<hbm>>
        tpu.enqueue_indirect_dma source(%dma_start3A_455 : memref<10000x128xf32, #tpu.memory_space<hbm>>) target(%arg10 : memref<128x128xf32, #tpu.memory_space<vmem>>) offsets(%dma_start3A_452 : memref<128xi32, #tpu.memory_space<vmem>>) semaphore(%arg12 : memref<!tpu.dma_semaphore, #tpu.memory_space<semaphore_mem>>)
        %dma_wait3A_456 = arith.constant 4 : i32
        %dma_wait3A_457 = arith.constant 0 : i32
        %dma_wait3A_458 = tpu.memref_slice %arg7[%rem3A_343, %dma_wait3A_456, %dma_wait3A_457] : memref<2x8x128xi32, #tpu.memory_space<vmem>> -> memref<1x1x128xi32, #tpu.memory_space<vmem>>
        %dma_wait3A_459 = tpu.memref_squeeze %dma_wait3A_458 : memref<1x1x128xi32, #tpu.memory_space<vmem>> -> memref<128xi32, #tpu.memory_space<vmem>>
        %dma_wait3A_460 = arith.constant 0 : i32
        %dma_wait3A_461 = arith.constant 0 : i32
        %dma_wait3A_462 = tpu.memref_slice %arg2[%dma_wait3A_460, %dma_wait3A_461] : memref<10000x128xf32, #tpu.memory_space<hbm>> -> memref<10000x128xf32, #tpu.memory_space<hbm>>
        tpu.wait_indirect_dma semaphore(%arg11 : memref<!tpu.dma_semaphore, #tpu.memory_space<semaphore_mem>>) src(%dma_wait3A_462 : memref<10000x128xf32, #tpu.memory_space<hbm>>) dst(%arg9 : memref<128x128xf32, #tpu.memory_space<vmem>>)
        %dma_start3A_463 = arith.constant 4 : i32
        %dma_start3A_464 = arith.constant 0 : i32
        %dma_start3A_465 = tpu.memref_slice %arg8[%rem3A_343, %dma_start3A_463, %dma_start3A_464] : memref<2x8x128xi32, #tpu.memory_space<vmem>> -> memref<1x1x128xi32, #tpu.memory_space<vmem>>
        %dma_start3A_466 = tpu.memref_squeeze %dma_start3A_465 : memref<1x1x128xi32, #tpu.memory_space<vmem>> -> memref<128xi32, #tpu.memory_space<vmem>>
        %dma_start3A_467 = arith.constant 0 : i32
        %dma_start3A_468 = arith.constant 0 : i32
        %dma_start3A_469 = tpu.memref_slice %arg17[%dma_start3A_467, %dma_start3A_468] : memref<10112x128xf32, #tpu.memory_space<vmem_shared>> -> memref<10112x128xf32, #tpu.memory_space<vmem_shared>>
        tpu.enqueue_indirect_dma source(%arg9 : memref<128x128xf32, #tpu.memory_space<vmem>>) target(%dma_start3A_469 : memref<10112x128xf32, #tpu.memory_space<vmem_shared>>) offsets(%dma_start3A_466 : memref<128xi32, #tpu.memory_space<vmem>>) semaphore(%arg13 : memref<!tpu.dma_semaphore, #tpu.memory_space<semaphore_mem>>) {add = true}
        %dma_wait3A_470 = arith.constant 5 : i32
        %dma_wait3A_471 = arith.constant 0 : i32
        %dma_wait3A_472 = tpu.memref_slice %arg7[%rem3A_343, %dma_wait3A_470, %dma_wait3A_471] : memref<2x8x128xi32, #tpu.memory_space<vmem>> -> memref<1x1x128xi32, #tpu.memory_space<vmem>>
        %dma_wait3A_473 = tpu.memref_squeeze %dma_wait3A_472 : memref<1x1x128xi32, #tpu.memory_space<vmem>> -> memref<128xi32, #tpu.memory_space<vmem>>
        %dma_wait3A_474 = arith.constant 0 : i32
        %dma_wait3A_475 = arith.constant 0 : i32
        %dma_wait3A_476 = tpu.memref_slice %arg2[%dma_wait3A_474, %dma_wait3A_475] : memref<10000x128xf32, #tpu.memory_space<hbm>> -> memref<10000x128xf32, #tpu.memory_space<hbm>>
        tpu.wait_indirect_dma semaphore(%arg12 : memref<!tpu.dma_semaphore, #tpu.memory_space<semaphore_mem>>) src(%dma_wait3A_476 : memref<10000x128xf32, #tpu.memory_space<hbm>>) dst(%arg10 : memref<128x128xf32, #tpu.memory_space<vmem>>)
        %dma_start3A_477 = arith.constant 5 : i32
        %dma_start3A_478 = arith.constant 0 : i32
        %dma_start3A_479 = tpu.memref_slice %arg8[%rem3A_343, %dma_start3A_477, %dma_start3A_478] : memref<2x8x128xi32, #tpu.memory_space<vmem>> -> memref<1x1x128xi32, #tpu.memory_space<vmem>>
        %dma_start3A_480 = tpu.memref_squeeze %dma_start3A_479 : memref<1x1x128xi32, #tpu.memory_space<vmem>> -> memref<128xi32, #tpu.memory_space<vmem>>
        %dma_start3A_481 = arith.constant 0 : i32
        %dma_start3A_482 = arith.constant 0 : i32
        %dma_start3A_483 = tpu.memref_slice %arg17[%dma_start3A_481, %dma_start3A_482] : memref<10112x128xf32, #tpu.memory_space<vmem_shared>> -> memref<10112x128xf32, #tpu.memory_space<vmem_shared>>
        tpu.enqueue_indirect_dma source(%arg10 : memref<128x128xf32, #tpu.memory_space<vmem>>) target(%dma_start3A_483 : memref<10112x128xf32, #tpu.memory_space<vmem_shared>>) offsets(%dma_start3A_480 : memref<128xi32, #tpu.memory_space<vmem>>) semaphore(%arg14 : memref<!tpu.dma_semaphore, #tpu.memory_space<semaphore_mem>>) {add = true}
        %dma_wait3A_484 = arith.constant 4 : i32
        %dma_wait3A_485 = arith.constant 0 : i32
        %dma_wait3A_486 = tpu.memref_slice %arg8[%rem3A_343, %dma_wait3A_484, %dma_wait3A_485] : memref<2x8x128xi32, #tpu.memory_space<vmem>> -> memref<1x1x128xi32, #tpu.memory_space<vmem>>
        %dma_wait3A_487 = tpu.memref_squeeze %dma_wait3A_486 : memref<1x1x128xi32, #tpu.memory_space<vmem>> -> memref<128xi32, #tpu.memory_space<vmem>>
        %dma_wait3A_488 = arith.constant 0 : i32
        %dma_wait3A_489 = arith.constant 0 : i32
        %dma_wait3A_490 = tpu.memref_slice %arg17[%dma_wait3A_488, %dma_wait3A_489] : memref<10112x128xf32, #tpu.memory_space<vmem_shared>> -> memref<10112x128xf32, #tpu.memory_space<vmem_shared>>
        tpu.wait_indirect_dma semaphore(%arg13 : memref<!tpu.dma_semaphore, #tpu.memory_space<semaphore_mem>>) src(%arg9 : memref<128x128xf32, #tpu.memory_space<vmem>>) dst(%dma_wait3A_490 : memref<10112x128xf32, #tpu.memory_space<vmem_shared>>)
        %dma_start3A_491 = arith.constant 6 : i32
        %dma_start3A_492 = arith.constant 0 : i32
        %dma_start3A_493 = tpu.memref_slice %arg7[%rem3A_343, %dma_start3A_491, %dma_start3A_492] : memref<2x8x128xi32, #tpu.memory_space<vmem>> -> memref<1x1x128xi32, #tpu.memory_space<vmem>>
        %dma_start3A_494 = tpu.memref_squeeze %dma_start3A_493 : memref<1x1x128xi32, #tpu.memory_space<vmem>> -> memref<128xi32, #tpu.memory_space<vmem>>
        %dma_start3A_495 = arith.constant 0 : i32
        %dma_start3A_496 = arith.constant 0 : i32
        %dma_start3A_497 = tpu.memref_slice %arg2[%dma_start3A_495, %dma_start3A_496] : memref<10000x128xf32, #tpu.memory_space<hbm>> -> memref<10000x128xf32, #tpu.memory_space<hbm>>
        tpu.enqueue_indirect_dma source(%dma_start3A_497 : memref<10000x128xf32, #tpu.memory_space<hbm>>) target(%arg9 : memref<128x128xf32, #tpu.memory_space<vmem>>) offsets(%dma_start3A_494 : memref<128xi32, #tpu.memory_space<vmem>>) semaphore(%arg11 : memref<!tpu.dma_semaphore, #tpu.memory_space<semaphore_mem>>)
        %dma_wait3A_498 = arith.constant 5 : i32
        %dma_wait3A_499 = arith.constant 0 : i32
        %dma_wait3A_500 = tpu.memref_slice %arg8[%rem3A_343, %dma_wait3A_498, %dma_wait3A_499] : memref<2x8x128xi32, #tpu.memory_space<vmem>> -> memref<1x1x128xi32, #tpu.memory_space<vmem>>
        %dma_wait3A_501 = tpu.memref_squeeze %dma_wait3A_500 : memref<1x1x128xi32, #tpu.memory_space<vmem>> -> memref<128xi32, #tpu.memory_space<vmem>>
        %dma_wait3A_502 = arith.constant 0 : i32
        %dma_wait3A_503 = arith.constant 0 : i32
        %dma_wait3A_504 = tpu.memref_slice %arg17[%dma_wait3A_502, %dma_wait3A_503] : memref<10112x128xf32, #tpu.memory_space<vmem_shared>> -> memref<10112x128xf32, #tpu.memory_space<vmem_shared>>
        tpu.wait_indirect_dma semaphore(%arg14 : memref<!tpu.dma_semaphore, #tpu.memory_space<semaphore_mem>>) src(%arg10 : memref<128x128xf32, #tpu.memory_space<vmem>>) dst(%dma_wait3A_504 : memref<10112x128xf32, #tpu.memory_space<vmem_shared>>)
        %dma_start3A_505 = arith.constant 7 : i32
        %dma_start3A_506 = arith.constant 0 : i32
        %dma_start3A_507 = tpu.memref_slice %arg7[%rem3A_343, %dma_start3A_505, %dma_start3A_506] : memref<2x8x128xi32, #tpu.memory_space<vmem>> -> memref<1x1x128xi32, #tpu.memory_space<vmem>>
        %dma_start3A_508 = tpu.memref_squeeze %dma_start3A_507 : memref<1x1x128xi32, #tpu.memory_space<vmem>> -> memref<128xi32, #tpu.memory_space<vmem>>
        %dma_start3A_509 = arith.constant 0 : i32
        %dma_start3A_510 = arith.constant 0 : i32
        %dma_start3A_511 = tpu.memref_slice %arg2[%dma_start3A_509, %dma_start3A_510] : memref<10000x128xf32, #tpu.memory_space<hbm>> -> memref<10000x128xf32, #tpu.memory_space<hbm>>
        tpu.enqueue_indirect_dma source(%dma_start3A_511 : memref<10000x128xf32, #tpu.memory_space<hbm>>) target(%arg10 : memref<128x128xf32, #tpu.memory_space<vmem>>) offsets(%dma_start3A_508 : memref<128xi32, #tpu.memory_space<vmem>>) semaphore(%arg12 : memref<!tpu.dma_semaphore, #tpu.memory_space<semaphore_mem>>)
        %dma_wait3A_512 = arith.constant 6 : i32
        %dma_wait3A_513 = arith.constant 0 : i32
        %dma_wait3A_514 = tpu.memref_slice %arg7[%rem3A_343, %dma_wait3A_512, %dma_wait3A_513] : memref<2x8x128xi32, #tpu.memory_space<vmem>> -> memref<1x1x128xi32, #tpu.memory_space<vmem>>
        %dma_wait3A_515 = tpu.memref_squeeze %dma_wait3A_514 : memref<1x1x128xi32, #tpu.memory_space<vmem>> -> memref<128xi32, #tpu.memory_space<vmem>>
        %dma_wait3A_516 = arith.constant 0 : i32
        %dma_wait3A_517 = arith.constant 0 : i32
        %dma_wait3A_518 = tpu.memref_slice %arg2[%dma_wait3A_516, %dma_wait3A_517] : memref<10000x128xf32, #tpu.memory_space<hbm>> -> memref<10000x128xf32, #tpu.memory_space<hbm>>
        tpu.wait_indirect_dma semaphore(%arg11 : memref<!tpu.dma_semaphore, #tpu.memory_space<semaphore_mem>>) src(%dma_wait3A_518 : memref<10000x128xf32, #tpu.memory_space<hbm>>) dst(%arg9 : memref<128x128xf32, #tpu.memory_space<vmem>>)
        %dma_start3A_519 = arith.constant 6 : i32
        %dma_start3A_520 = arith.constant 0 : i32
        %dma_start3A_521 = tpu.memref_slice %arg8[%rem3A_343, %dma_start3A_519, %dma_start3A_520] : memref<2x8x128xi32, #tpu.memory_space<vmem>> -> memref<1x1x128xi32, #tpu.memory_space<vmem>>
        %dma_start3A_522 = tpu.memref_squeeze %dma_start3A_521 : memref<1x1x128xi32, #tpu.memory_space<vmem>> -> memref<128xi32, #tpu.memory_space<vmem>>
        %dma_start3A_523 = arith.constant 0 : i32
        %dma_start3A_524 = arith.constant 0 : i32
        %dma_start3A_525 = tpu.memref_slice %arg17[%dma_start3A_523, %dma_start3A_524] : memref<10112x128xf32, #tpu.memory_space<vmem_shared>> -> memref<10112x128xf32, #tpu.memory_space<vmem_shared>>
        tpu.enqueue_indirect_dma source(%arg9 : memref<128x128xf32, #tpu.memory_space<vmem>>) target(%dma_start3A_525 : memref<10112x128xf32, #tpu.memory_space<vmem_shared>>) offsets(%dma_start3A_522 : memref<128xi32, #tpu.memory_space<vmem>>) semaphore(%arg13 : memref<!tpu.dma_semaphore, #tpu.memory_space<semaphore_mem>>) {add = true}
        %dma_wait3A_526 = arith.constant 7 : i32
        %dma_wait3A_527 = arith.constant 0 : i32
        %dma_wait3A_528 = tpu.memref_slice %arg7[%rem3A_343, %dma_wait3A_526, %dma_wait3A_527] : memref<2x8x128xi32, #tpu.memory_space<vmem>> -> memref<1x1x128xi32, #tpu.memory_space<vmem>>
        %dma_wait3A_529 = tpu.memref_squeeze %dma_wait3A_528 : memref<1x1x128xi32, #tpu.memory_space<vmem>> -> memref<128xi32, #tpu.memory_space<vmem>>
        %dma_wait3A_530 = arith.constant 0 : i32
        %dma_wait3A_531 = arith.constant 0 : i32
        %dma_wait3A_532 = tpu.memref_slice %arg2[%dma_wait3A_530, %dma_wait3A_531] : memref<10000x128xf32, #tpu.memory_space<hbm>> -> memref<10000x128xf32, #tpu.memory_space<hbm>>
        tpu.wait_indirect_dma semaphore(%arg12 : memref<!tpu.dma_semaphore, #tpu.memory_space<semaphore_mem>>) src(%dma_wait3A_532 : memref<10000x128xf32, #tpu.memory_space<hbm>>) dst(%arg10 : memref<128x128xf32, #tpu.memory_space<vmem>>)
        %dma_start3A_533 = arith.constant 7 : i32
        %dma_start3A_534 = arith.constant 0 : i32
        %dma_start3A_535 = tpu.memref_slice %arg8[%rem3A_343, %dma_start3A_533, %dma_start3A_534] : memref<2x8x128xi32, #tpu.memory_space<vmem>> -> memref<1x1x128xi32, #tpu.memory_space<vmem>>
        %dma_start3A_536 = tpu.memref_squeeze %dma_start3A_535 : memref<1x1x128xi32, #tpu.memory_space<vmem>> -> memref<128xi32, #tpu.memory_space<vmem>>
        %dma_start3A_537 = arith.constant 0 : i32
        %dma_start3A_538 = arith.constant 0 : i32
        %dma_start3A_539 = tpu.memref_slice %arg17[%dma_start3A_537, %dma_start3A_538] : memref<10112x128xf32, #tpu.memory_space<vmem_shared>> -> memref<10112x128xf32, #tpu.memory_space<vmem_shared>>
        tpu.enqueue_indirect_dma source(%arg10 : memref<128x128xf32, #tpu.memory_space<vmem>>) target(%dma_start3A_539 : memref<10112x128xf32, #tpu.memory_space<vmem_shared>>) offsets(%dma_start3A_536 : memref<128xi32, #tpu.memory_space<vmem>>) semaphore(%arg14 : memref<!tpu.dma_semaphore, #tpu.memory_space<semaphore_mem>>) {add = true}
        %sub3A_540 = arith.constant 1 : i32
        %sub3A_541 = arith.subi %sub3A_540, %rem3A_343 : i32
        %dma_wait3A_542 = arith.constant 0 : i32
        %dma_wait3A_543 = arith.constant 0 : i32
        %dma_wait3A_544 = tpu.memref_slice %arg7[%sub3A_541, %dma_wait3A_542, %dma_wait3A_543] : memref<2x8x128xi32, #tpu.memory_space<vmem>> -> memref<1x8x128xi32, #tpu.memory_space<vmem>>
        %dma_wait3A_545 = tpu.memref_squeeze %dma_wait3A_544 : memref<1x8x128xi32, #tpu.memory_space<vmem>> -> memref<8x128xi32, #tpu.memory_space<vmem>>
        %dma_wait3A_546 = arith.constant 0 : i32
        %dma_wait3A_547 = tpu.memref_slice %arg3[%select_n3A_8, %dma_wait3A_546] : memref<2560x128xi32, #tpu.memory_space<hbm>> -> memref<8x128xi32, #tpu.memory_space<hbm>>
        %dma_wait3A_548 = arith.constant 0 : i32
        %dma_wait3A_549 = arith.constant 0 : i32
        %dma_wait3A_550 = tpu.memref_slice %arg7[%sub3A_541, %dma_wait3A_548, %dma_wait3A_549] : memref<2x8x128xi32, #tpu.memory_space<vmem>> -> memref<1x8x128xi32, #tpu.memory_space<vmem>>
        %dma_wait3A_551 = tpu.memref_squeeze %dma_wait3A_550 : memref<1x8x128xi32, #tpu.memory_space<vmem>> -> memref<8x128xi32, #tpu.memory_space<vmem>>
        %dma_wait3A_552 = arith.constant 0 : i32
        %dma_wait3A_553 = tpu.memref_slice %arg3[%select_n3A_8, %dma_wait3A_552] : memref<2560x128xi32, #tpu.memory_space<hbm>> -> memref<8x128xi32, #tpu.memory_space<hbm>>
        tpu.wait_dma2 semaphore(%arg15 : memref<!tpu.dma_semaphore, #tpu.memory_space<semaphore_mem>>) src(%dma_wait3A_553 : memref<8x128xi32, #tpu.memory_space<hbm>>) dst(%dma_wait3A_551 : memref<8x128xi32, #tpu.memory_space<vmem>>)
        %sub3A_554 = arith.constant 1 : i32
        %sub3A_555 = arith.subi %sub3A_554, %rem3A_343 : i32
        %dma_wait3A_556 = arith.constant 0 : i32
        %dma_wait3A_557 = arith.constant 0 : i32
        %dma_wait3A_558 = tpu.memref_slice %arg8[%sub3A_555, %dma_wait3A_556, %dma_wait3A_557] : memref<2x8x128xi32, #tpu.memory_space<vmem>> -> memref<1x8x128xi32, #tpu.memory_space<vmem>>
        %dma_wait3A_559 = tpu.memref_squeeze %dma_wait3A_558 : memref<1x8x128xi32, #tpu.memory_space<vmem>> -> memref<8x128xi32, #tpu.memory_space<vmem>>
        %dma_wait3A_560 = arith.constant 0 : i32
        %dma_wait3A_561 = tpu.memref_slice %arg4[%select_n3A_8, %dma_wait3A_560] : memref<2560x128xi32, #tpu.memory_space<hbm>> -> memref<8x128xi32, #tpu.memory_space<hbm>>
        %dma_wait3A_562 = arith.constant 0 : i32
        %dma_wait3A_563 = arith.constant 0 : i32
        %dma_wait3A_564 = tpu.memref_slice %arg8[%sub3A_555, %dma_wait3A_562, %dma_wait3A_563] : memref<2x8x128xi32, #tpu.memory_space<vmem>> -> memref<1x8x128xi32, #tpu.memory_space<vmem>>
        %dma_wait3A_565 = tpu.memref_squeeze %dma_wait3A_564 : memref<1x8x128xi32, #tpu.memory_space<vmem>> -> memref<8x128xi32, #tpu.memory_space<vmem>>
        %dma_wait3A_566 = arith.constant 0 : i32
        %dma_wait3A_567 = tpu.memref_slice %arg4[%select_n3A_8, %dma_wait3A_566] : memref<2560x128xi32, #tpu.memory_space<hbm>> -> memref<8x128xi32, #tpu.memory_space<hbm>>
        tpu.wait_dma2 semaphore(%arg16 : memref<!tpu.dma_semaphore, #tpu.memory_space<semaphore_mem>>) src(%dma_wait3A_567 : memref<8x128xi32, #tpu.memory_space<hbm>>) dst(%dma_wait3A_565 : memref<8x128xi32, #tpu.memory_space<vmem>>)
        %dma_wait3A_568 = arith.constant 6 : i32
        %dma_wait3A_569 = arith.constant 0 : i32
        %dma_wait3A_570 = tpu.memref_slice %arg8[%rem3A_343, %dma_wait3A_568, %dma_wait3A_569] : memref<2x8x128xi32, #tpu.memory_space<vmem>> -> memref<1x1x128xi32, #tpu.memory_space<vmem>>
        %dma_wait3A_571 = tpu.memref_squeeze %dma_wait3A_570 : memref<1x1x128xi32, #tpu.memory_space<vmem>> -> memref<128xi32, #tpu.memory_space<vmem>>
        %dma_wait3A_572 = arith.constant 0 : i32
        %dma_wait3A_573 = arith.constant 0 : i32
        %dma_wait3A_574 = tpu.memref_slice %arg17[%dma_wait3A_572, %dma_wait3A_573] : memref<10112x128xf32, #tpu.memory_space<vmem_shared>> -> memref<10112x128xf32, #tpu.memory_space<vmem_shared>>
        tpu.wait_indirect_dma semaphore(%arg13 : memref<!tpu.dma_semaphore, #tpu.memory_space<semaphore_mem>>) src(%arg9 : memref<128x128xf32, #tpu.memory_space<vmem>>) dst(%dma_wait3A_574 : memref<10112x128xf32, #tpu.memory_space<vmem_shared>>)
        %sub3A_575 = arith.constant 1 : i32
        %sub3A_576 = arith.subi %sub3A_575, %rem3A_343 : i32
        %dma_start3A_577 = arith.constant 0 : i32
        %dma_start3A_578 = arith.constant 0 : i32
        %dma_start3A_579 = tpu.memref_slice %arg7[%sub3A_576, %dma_start3A_577, %dma_start3A_578] : memref<2x8x128xi32, #tpu.memory_space<vmem>> -> memref<1x1x128xi32, #tpu.memory_space<vmem>>
        %dma_start3A_580 = tpu.memref_squeeze %dma_start3A_579 : memref<1x1x128xi32, #tpu.memory_space<vmem>> -> memref<128xi32, #tpu.memory_space<vmem>>
        %dma_start3A_581 = arith.constant 0 : i32
        %dma_start3A_582 = arith.constant 0 : i32
        %dma_start3A_583 = tpu.memref_slice %arg2[%dma_start3A_581, %dma_start3A_582] : memref<10000x128xf32, #tpu.memory_space<hbm>> -> memref<10000x128xf32, #tpu.memory_space<hbm>>
        tpu.enqueue_indirect_dma source(%dma_start3A_583 : memref<10000x128xf32, #tpu.memory_space<hbm>>) target(%arg9 : memref<128x128xf32, #tpu.memory_space<vmem>>) offsets(%dma_start3A_580 : memref<128xi32, #tpu.memory_space<vmem>>) semaphore(%arg11 : memref<!tpu.dma_semaphore, #tpu.memory_space<semaphore_mem>>)
        %dma_wait3A_584 = arith.constant 7 : i32
        %dma_wait3A_585 = arith.constant 0 : i32
        %dma_wait3A_586 = tpu.memref_slice %arg8[%rem3A_343, %dma_wait3A_584, %dma_wait3A_585] : memref<2x8x128xi32, #tpu.memory_space<vmem>> -> memref<1x1x128xi32, #tpu.memory_space<vmem>>
        %dma_wait3A_587 = tpu.memref_squeeze %dma_wait3A_586 : memref<1x1x128xi32, #tpu.memory_space<vmem>> -> memref<128xi32, #tpu.memory_space<vmem>>
        %dma_wait3A_588 = arith.constant 0 : i32
        %dma_wait3A_589 = arith.constant 0 : i32
        %dma_wait3A_590 = tpu.memref_slice %arg17[%dma_wait3A_588, %dma_wait3A_589] : memref<10112x128xf32, #tpu.memory_space<vmem_shared>> -> memref<10112x128xf32, #tpu.memory_space<vmem_shared>>
        tpu.wait_indirect_dma semaphore(%arg14 : memref<!tpu.dma_semaphore, #tpu.memory_space<semaphore_mem>>) src(%arg10 : memref<128x128xf32, #tpu.memory_space<vmem>>) dst(%dma_wait3A_590 : memref<10112x128xf32, #tpu.memory_space<vmem_shared>>)
        %sub3A_591 = arith.constant 1 : i32
        %sub3A_592 = arith.subi %sub3A_591, %rem3A_343 : i32
        %dma_start3A_593 = arith.constant 1 : i32
        %dma_start3A_594 = arith.constant 0 : i32
        %dma_start3A_595 = tpu.memref_slice %arg7[%sub3A_592, %dma_start3A_593, %dma_start3A_594] : memref<2x8x128xi32, #tpu.memory_space<vmem>> -> memref<1x1x128xi32, #tpu.memory_space<vmem>>
        %dma_start3A_596 = tpu.memref_squeeze %dma_start3A_595 : memref<1x1x128xi32, #tpu.memory_space<vmem>> -> memref<128xi32, #tpu.memory_space<vmem>>
        %dma_start3A_597 = arith.constant 0 : i32
        %dma_start3A_598 = arith.constant 0 : i32
        %dma_start3A_599 = tpu.memref_slice %arg2[%dma_start3A_597, %dma_start3A_598] : memref<10000x128xf32, #tpu.memory_space<hbm>> -> memref<10000x128xf32, #tpu.memory_space<hbm>>
        tpu.enqueue_indirect_dma source(%dma_start3A_599 : memref<10000x128xf32, #tpu.memory_space<hbm>>) target(%arg10 : memref<128x128xf32, #tpu.memory_space<vmem>>) offsets(%dma_start3A_596 : memref<128xi32, #tpu.memory_space<vmem>>) semaphore(%arg12 : memref<!tpu.dma_semaphore, #tpu.memory_space<semaphore_mem>>)
        %add3A_600 = arith.constant 2 : i32
        %add3A_601 = arith.addi %while3A_342, %add3A_600 : i32
        %sub3A_602 = arith.constant 1 : i32
        %sub3A_603 = arith.subi %select_n3A, %sub3A_602 : i32
        %min3A = arith.minsi %add3A_601, %sub3A_603 : i32
        %mul3A_604 = arith.constant 8 : i32
        %mul3A_605 = arith.muli %min3A, %mul3A_604 : i32
        %add3A_606 = arith.addi %select_n3A_8, %mul3A_605 : i32
        %dma_start3A_607 = arith.constant 0 : i32
        %dma_start3A_608 = arith.constant 0 : i32
        %dma_start3A_609 = tpu.memref_slice %arg7[%rem3A_343, %dma_start3A_607, %dma_start3A_608] : memref<2x8x128xi32, #tpu.memory_space<vmem>> -> memref<1x8x128xi32, #tpu.memory_space<vmem>>
        %dma_start3A_610 = tpu.memref_squeeze %dma_start3A_609 : memref<1x8x128xi32, #tpu.memory_space<vmem>> -> memref<8x128xi32, #tpu.memory_space<vmem>>
        %dma_start3A_611 = arith.constant 0 : i32
        %dma_start3A_612 = tpu.memref_slice %arg3[%add3A_606, %dma_start3A_611] : memref<2560x128xi32, #tpu.memory_space<hbm>> -> memref<8x128xi32, #tpu.memory_space<hbm>>
        %dma_start3A_613 = arith.constant 0 : i32
        %dma_start3A_614 = arith.constant 0 : i32
        %dma_start3A_615 = tpu.memref_slice %arg7[%rem3A_343, %dma_start3A_613, %dma_start3A_614] : memref<2x8x128xi32, #tpu.memory_space<vmem>> -> memref<1x8x128xi32, #tpu.memory_space<vmem>>
        %dma_start3A_616 = tpu.memref_squeeze %dma_start3A_615 : memref<1x8x128xi32, #tpu.memory_space<vmem>> -> memref<8x128xi32, #tpu.memory_space<vmem>>
        %dma_start3A_617 = arith.constant 0 : i32
        %dma_start3A_618 = tpu.memref_slice %arg3[%add3A_606, %dma_start3A_617] : memref<2560x128xi32, #tpu.memory_space<hbm>> -> memref<8x128xi32, #tpu.memory_space<hbm>>
        tpu.enqueue_dma source(%dma_start3A_618 : memref<8x128xi32, #tpu.memory_space<hbm>>) target(%dma_start3A_616 : memref<8x128xi32, #tpu.memory_space<vmem>>) target_semaphore(%arg15 : memref<!tpu.dma_semaphore, #tpu.memory_space<semaphore_mem>>)
        %dma_start3A_619 = arith.constant 0 : i32
        %dma_start3A_620 = arith.constant 0 : i32
        %dma_start3A_621 = tpu.memref_slice %arg8[%rem3A_343, %dma_start3A_619, %dma_start3A_620] : memref<2x8x128xi32, #tpu.memory_space<vmem>> -> memref<1x8x128xi32, #tpu.memory_space<vmem>>
        %dma_start3A_622 = tpu.memref_squeeze %dma_start3A_621 : memref<1x8x128xi32, #tpu.memory_space<vmem>> -> memref<8x128xi32, #tpu.memory_space<vmem>>
        %dma_start3A_623 = arith.constant 0 : i32
        %dma_start3A_624 = tpu.memref_slice %arg4[%add3A_606, %dma_start3A_623] : memref<2560x128xi32, #tpu.memory_space<hbm>> -> memref<8x128xi32, #tpu.memory_space<hbm>>
        %dma_start3A_625 = arith.constant 0 : i32
        %dma_start3A_626 = arith.constant 0 : i32
        %dma_start3A_627 = tpu.memref_slice %arg8[%rem3A_343, %dma_start3A_625, %dma_start3A_626] : memref<2x8x128xi32, #tpu.memory_space<vmem>> -> memref<1x8x128xi32, #tpu.memory_space<vmem>>
        %dma_start3A_628 = tpu.memref_squeeze %dma_start3A_627 : memref<1x8x128xi32, #tpu.memory_space<vmem>> -> memref<8x128xi32, #tpu.memory_space<vmem>>
        %dma_start3A_629 = arith.constant 0 : i32
        %dma_start3A_630 = tpu.memref_slice %arg4[%add3A_606, %dma_start3A_629] : memref<2560x128xi32, #tpu.memory_space<hbm>> -> memref<8x128xi32, #tpu.memory_space<hbm>>
        tpu.enqueue_dma source(%dma_start3A_630 : memref<8x128xi32, #tpu.memory_space<hbm>>) target(%dma_start3A_628 : memref<8x128xi32, #tpu.memory_space<vmem>>) target_semaphore(%arg16 : memref<!tpu.dma_semaphore, #tpu.memory_space<semaphore_mem>>)
      }
      %dma_wait3A = arith.constant 0 : i32
      %dma_wait3A_77 = arith.constant 0 : i32
      %dma_wait3A_78 = arith.constant 0 : i32
      %dma_wait3A_79 = tpu.memref_slice %arg7[%dma_wait3A, %dma_wait3A_77, %dma_wait3A_78] : memref<2x8x128xi32, #tpu.memory_space<vmem>> -> memref<1x8x128xi32, #tpu.memory_space<vmem>>
      %dma_wait3A_80 = tpu.memref_squeeze %dma_wait3A_79 : memref<1x8x128xi32, #tpu.memory_space<vmem>> -> memref<8x128xi32, #tpu.memory_space<vmem>>
      %dma_wait3A_81 = arith.constant 0 : i32
      %dma_wait3A_82 = tpu.memref_slice %arg3[%select_n3A_8, %dma_wait3A_81] : memref<2560x128xi32, #tpu.memory_space<hbm>> -> memref<8x128xi32, #tpu.memory_space<hbm>>
      %dma_wait3A_83 = arith.constant 0 : i32
      %dma_wait3A_84 = arith.constant 0 : i32
      %dma_wait3A_85 = tpu.memref_slice %arg7[%dma_wait3A, %dma_wait3A_83, %dma_wait3A_84] : memref<2x8x128xi32, #tpu.memory_space<vmem>> -> memref<1x8x128xi32, #tpu.memory_space<vmem>>
      %dma_wait3A_86 = tpu.memref_squeeze %dma_wait3A_85 : memref<1x8x128xi32, #tpu.memory_space<vmem>> -> memref<8x128xi32, #tpu.memory_space<vmem>>
      %dma_wait3A_87 = arith.constant 0 : i32
      %dma_wait3A_88 = tpu.memref_slice %arg3[%select_n3A_8, %dma_wait3A_87] : memref<2560x128xi32, #tpu.memory_space<hbm>> -> memref<8x128xi32, #tpu.memory_space<hbm>>
      tpu.wait_dma2 semaphore(%arg15 : memref<!tpu.dma_semaphore, #tpu.memory_space<semaphore_mem>>) src(%dma_wait3A_88 : memref<8x128xi32, #tpu.memory_space<hbm>>) dst(%dma_wait3A_86 : memref<8x128xi32, #tpu.memory_space<vmem>>)
      %dma_wait3A_89 = arith.constant 0 : i32
      %dma_wait3A_90 = arith.constant 0 : i32
      %dma_wait3A_91 = arith.constant 0 : i32
      %dma_wait3A_92 = tpu.memref_slice %arg8[%dma_wait3A_89, %dma_wait3A_90, %dma_wait3A_91] : memref<2x8x128xi32, #tpu.memory_space<vmem>> -> memref<1x8x128xi32, #tpu.memory_space<vmem>>
      %dma_wait3A_93 = tpu.memref_squeeze %dma_wait3A_92 : memref<1x8x128xi32, #tpu.memory_space<vmem>> -> memref<8x128xi32, #tpu.memory_space<vmem>>
      %dma_wait3A_94 = arith.constant 0 : i32
      %dma_wait3A_95 = tpu.memref_slice %arg4[%select_n3A_8, %dma_wait3A_94] : memref<2560x128xi32, #tpu.memory_space<hbm>> -> memref<8x128xi32, #tpu.memory_space<hbm>>
      %dma_wait3A_96 = arith.constant 0 : i32
      %dma_wait3A_97 = arith.constant 0 : i32
      %dma_wait3A_98 = tpu.memref_slice %arg8[%dma_wait3A_89, %dma_wait3A_96, %dma_wait3A_97] : memref<2x8x128xi32, #tpu.memory_space<vmem>> -> memref<1x8x128xi32, #tpu.memory_space<vmem>>
      %dma_wait3A_99 = tpu.memref_squeeze %dma_wait3A_98 : memref<1x8x128xi32, #tpu.memory_space<vmem>> -> memref<8x128xi32, #tpu.memory_space<vmem>>
      %dma_wait3A_100 = arith.constant 0 : i32
      %dma_wait3A_101 = tpu.memref_slice %arg4[%select_n3A_8, %dma_wait3A_100] : memref<2560x128xi32, #tpu.memory_space<hbm>> -> memref<8x128xi32, #tpu.memory_space<hbm>>
      tpu.wait_dma2 semaphore(%arg16 : memref<!tpu.dma_semaphore, #tpu.memory_space<semaphore_mem>>) src(%dma_wait3A_101 : memref<8x128xi32, #tpu.memory_space<hbm>>) dst(%dma_wait3A_99 : memref<8x128xi32, #tpu.memory_space<vmem>>)
      %dma_wait3A_102 = arith.constant 1 : i32
      %dma_wait3A_103 = arith.constant 0 : i32
      %dma_wait3A_104 = arith.constant 0 : i32
      %dma_wait3A_105 = tpu.memref_slice %arg7[%dma_wait3A_102, %dma_wait3A_103, %dma_wait3A_104] : memref<2x8x128xi32, #tpu.memory_space<vmem>> -> memref<1x1x128xi32, #tpu.memory_space<vmem>>
      %dma_wait3A_106 = tpu.memref_squeeze %dma_wait3A_105 : memref<1x1x128xi32, #tpu.memory_space<vmem>> -> memref<128xi32, #tpu.memory_space<vmem>>
      %dma_wait3A_107 = arith.constant 0 : i32
      %dma_wait3A_108 = arith.constant 0 : i32
      %dma_wait3A_109 = tpu.memref_slice %arg2[%dma_wait3A_107, %dma_wait3A_108] : memref<10000x128xf32, #tpu.memory_space<hbm>> -> memref<10000x128xf32, #tpu.memory_space<hbm>>
      tpu.wait_indirect_dma semaphore(%arg11 : memref<!tpu.dma_semaphore, #tpu.memory_space<semaphore_mem>>) src(%dma_wait3A_109 : memref<10000x128xf32, #tpu.memory_space<hbm>>) dst(%arg9 : memref<128x128xf32, #tpu.memory_space<vmem>>)
      %dma_start3A_110 = arith.constant 1 : i32
      %dma_start3A_111 = arith.constant 0 : i32
      %dma_start3A_112 = arith.constant 0 : i32
      %dma_start3A_113 = tpu.memref_slice %arg8[%dma_start3A_110, %dma_start3A_111, %dma_start3A_112] : memref<2x8x128xi32, #tpu.memory_space<vmem>> -> memref<1x1x128xi32, #tpu.memory_space<vmem>>
      %dma_start3A_114 = tpu.memref_squeeze %dma_start3A_113 : memref<1x1x128xi32, #tpu.memory_space<vmem>> -> memref<128xi32, #tpu.memory_space<vmem>>
      %dma_start3A_115 = arith.constant 0 : i32
      %dma_start3A_116 = arith.constant 0 : i32
      %dma_start3A_117 = tpu.memref_slice %arg17[%dma_start3A_115, %dma_start3A_116] : memref<10112x128xf32, #tpu.memory_space<vmem_shared>> -> memref<10112x128xf32, #tpu.memory_space<vmem_shared>>
      tpu.enqueue_indirect_dma source(%arg9 : memref<128x128xf32, #tpu.memory_space<vmem>>) target(%dma_start3A_117 : memref<10112x128xf32, #tpu.memory_space<vmem_shared>>) offsets(%dma_start3A_114 : memref<128xi32, #tpu.memory_space<vmem>>) semaphore(%arg13 : memref<!tpu.dma_semaphore, #tpu.memory_space<semaphore_mem>>) {add = true}
      %dma_wait3A_118 = arith.constant 1 : i32
      %dma_wait3A_119 = arith.constant 1 : i32
      %dma_wait3A_120 = arith.constant 0 : i32
      %dma_wait3A_121 = tpu.memref_slice %arg7[%dma_wait3A_118, %dma_wait3A_119, %dma_wait3A_120] : memref<2x8x128xi32, #tpu.memory_space<vmem>> -> memref<1x1x128xi32, #tpu.memory_space<vmem>>
      %dma_wait3A_122 = tpu.memref_squeeze %dma_wait3A_121 : memref<1x1x128xi32, #tpu.memory_space<vmem>> -> memref<128xi32, #tpu.memory_space<vmem>>
      %dma_wait3A_123 = arith.constant 0 : i32
      %dma_wait3A_124 = arith.constant 0 : i32
      %dma_wait3A_125 = tpu.memref_slice %arg2[%dma_wait3A_123, %dma_wait3A_124] : memref<10000x128xf32, #tpu.memory_space<hbm>> -> memref<10000x128xf32, #tpu.memory_space<hbm>>
      tpu.wait_indirect_dma semaphore(%arg12 : memref<!tpu.dma_semaphore, #tpu.memory_space<semaphore_mem>>) src(%dma_wait3A_125 : memref<10000x128xf32, #tpu.memory_space<hbm>>) dst(%arg10 : memref<128x128xf32, #tpu.memory_space<vmem>>)
      %dma_start3A_126 = arith.constant 1 : i32
      %dma_start3A_127 = arith.constant 1 : i32
      %dma_start3A_128 = arith.constant 0 : i32
      %dma_start3A_129 = tpu.memref_slice %arg8[%dma_start3A_126, %dma_start3A_127, %dma_start3A_128] : memref<2x8x128xi32, #tpu.memory_space<vmem>> -> memref<1x1x128xi32, #tpu.memory_space<vmem>>
      %dma_start3A_130 = tpu.memref_squeeze %dma_start3A_129 : memref<1x1x128xi32, #tpu.memory_space<vmem>> -> memref<128xi32, #tpu.memory_space<vmem>>
      %dma_start3A_131 = arith.constant 0 : i32
      %dma_start3A_132 = arith.constant 0 : i32
      %dma_start3A_133 = tpu.memref_slice %arg17[%dma_start3A_131, %dma_start3A_132] : memref<10112x128xf32, #tpu.memory_space<vmem_shared>> -> memref<10112x128xf32, #tpu.memory_space<vmem_shared>>
      tpu.enqueue_indirect_dma source(%arg10 : memref<128x128xf32, #tpu.memory_space<vmem>>) target(%dma_start3A_133 : memref<10112x128xf32, #tpu.memory_space<vmem_shared>>) offsets(%dma_start3A_130 : memref<128xi32, #tpu.memory_space<vmem>>) semaphore(%arg14 : memref<!tpu.dma_semaphore, #tpu.memory_space<semaphore_mem>>) {add = true}
      %dma_wait3A_134 = arith.constant 1 : i32
      %dma_wait3A_135 = arith.constant 0 : i32
      %dma_wait3A_136 = arith.constant 0 : i32
      %dma_wait3A_137 = tpu.memref_slice %arg8[%dma_wait3A_134, %dma_wait3A_135, %dma_wait3A_136] : memref<2x8x128xi32, #tpu.memory_space<vmem>> -> memref<1x1x128xi32, #tpu.memory_space<vmem>>
      %dma_wait3A_138 = tpu.memref_squeeze %dma_wait3A_137 : memref<1x1x128xi32, #tpu.memory_space<vmem>> -> memref<128xi32, #tpu.memory_space<vmem>>
      %dma_wait3A_139 = arith.constant 0 : i32
      %dma_wait3A_140 = arith.constant 0 : i32
      %dma_wait3A_141 = tpu.memref_slice %arg17[%dma_wait3A_139, %dma_wait3A_140] : memref<10112x128xf32, #tpu.memory_space<vmem_shared>> -> memref<10112x128xf32, #tpu.memory_space<vmem_shared>>
      tpu.wait_indirect_dma semaphore(%arg13 : memref<!tpu.dma_semaphore, #tpu.memory_space<semaphore_mem>>) src(%arg9 : memref<128x128xf32, #tpu.memory_space<vmem>>) dst(%dma_wait3A_141 : memref<10112x128xf32, #tpu.memory_space<vmem_shared>>)
      %dma_start3A_142 = arith.constant 1 : i32
      %dma_start3A_143 = arith.constant 2 : i32
      %dma_start3A_144 = arith.constant 0 : i32
      %dma_start3A_145 = tpu.memref_slice %arg7[%dma_start3A_142, %dma_start3A_143, %dma_start3A_144] : memref<2x8x128xi32, #tpu.memory_space<vmem>> -> memref<1x1x128xi32, #tpu.memory_space<vmem>>
      %dma_start3A_146 = tpu.memref_squeeze %dma_start3A_145 : memref<1x1x128xi32, #tpu.memory_space<vmem>> -> memref<128xi32, #tpu.memory_space<vmem>>
      %dma_start3A_147 = arith.constant 0 : i32
      %dma_start3A_148 = arith.constant 0 : i32
      %dma_start3A_149 = tpu.memref_slice %arg2[%dma_start3A_147, %dma_start3A_148] : memref<10000x128xf32, #tpu.memory_space<hbm>> -> memref<10000x128xf32, #tpu.memory_space<hbm>>
      tpu.enqueue_indirect_dma source(%dma_start3A_149 : memref<10000x128xf32, #tpu.memory_space<hbm>>) target(%arg9 : memref<128x128xf32, #tpu.memory_space<vmem>>) offsets(%dma_start3A_146 : memref<128xi32, #tpu.memory_space<vmem>>) semaphore(%arg11 : memref<!tpu.dma_semaphore, #tpu.memory_space<semaphore_mem>>)
      %dma_wait3A_150 = arith.constant 1 : i32
      %dma_wait3A_151 = arith.constant 1 : i32
      %dma_wait3A_152 = arith.constant 0 : i32
      %dma_wait3A_153 = tpu.memref_slice %arg8[%dma_wait3A_150, %dma_wait3A_151, %dma_wait3A_152] : memref<2x8x128xi32, #tpu.memory_space<vmem>> -> memref<1x1x128xi32, #tpu.memory_space<vmem>>
      %dma_wait3A_154 = tpu.memref_squeeze %dma_wait3A_153 : memref<1x1x128xi32, #tpu.memory_space<vmem>> -> memref<128xi32, #tpu.memory_space<vmem>>
      %dma_wait3A_155 = arith.constant 0 : i32
      %dma_wait3A_156 = arith.constant 0 : i32
      %dma_wait3A_157 = tpu.memref_slice %arg17[%dma_wait3A_155, %dma_wait3A_156] : memref<10112x128xf32, #tpu.memory_space<vmem_shared>> -> memref<10112x128xf32, #tpu.memory_space<vmem_shared>>
      tpu.wait_indirect_dma semaphore(%arg14 : memref<!tpu.dma_semaphore, #tpu.memory_space<semaphore_mem>>) src(%arg10 : memref<128x128xf32, #tpu.memory_space<vmem>>) dst(%dma_wait3A_157 : memref<10112x128xf32, #tpu.memory_space<vmem_shared>>)
      %dma_start3A_158 = arith.constant 1 : i32
      %dma_start3A_159 = arith.constant 3 : i32
      %dma_start3A_160 = arith.constant 0 : i32
      %dma_start3A_161 = tpu.memref_slice %arg7[%dma_start3A_158, %dma_start3A_159, %dma_start3A_160] : memref<2x8x128xi32, #tpu.memory_space<vmem>> -> memref<1x1x128xi32, #tpu.memory_space<vmem>>
      %dma_start3A_162 = tpu.memref_squeeze %dma_start3A_161 : memref<1x1x128xi32, #tpu.memory_space<vmem>> -> memref<128xi32, #tpu.memory_space<vmem>>
      %dma_start3A_163 = arith.constant 0 : i32
      %dma_start3A_164 = arith.constant 0 : i32
      %dma_start3A_165 = tpu.memref_slice %arg2[%dma_start3A_163, %dma_start3A_164] : memref<10000x128xf32, #tpu.memory_space<hbm>> -> memref<10000x128xf32, #tpu.memory_space<hbm>>
      tpu.enqueue_indirect_dma source(%dma_start3A_165 : memref<10000x128xf32, #tpu.memory_space<hbm>>) target(%arg10 : memref<128x128xf32, #tpu.memory_space<vmem>>) offsets(%dma_start3A_162 : memref<128xi32, #tpu.memory_space<vmem>>) semaphore(%arg12 : memref<!tpu.dma_semaphore, #tpu.memory_space<semaphore_mem>>)
      %dma_wait3A_166 = arith.constant 1 : i32
      %dma_wait3A_167 = arith.constant 2 : i32
      %dma_wait3A_168 = arith.constant 0 : i32
      %dma_wait3A_169 = tpu.memref_slice %arg7[%dma_wait3A_166, %dma_wait3A_167, %dma_wait3A_168] : memref<2x8x128xi32, #tpu.memory_space<vmem>> -> memref<1x1x128xi32, #tpu.memory_space<vmem>>
      %dma_wait3A_170 = tpu.memref_squeeze %dma_wait3A_169 : memref<1x1x128xi32, #tpu.memory_space<vmem>> -> memref<128xi32, #tpu.memory_space<vmem>>
      %dma_wait3A_171 = arith.constant 0 : i32
      %dma_wait3A_172 = arith.constant 0 : i32
      %dma_wait3A_173 = tpu.memref_slice %arg2[%dma_wait3A_171, %dma_wait3A_172] : memref<10000x128xf32, #tpu.memory_space<hbm>> -> memref<10000x128xf32, #tpu.memory_space<hbm>>
      tpu.wait_indirect_dma semaphore(%arg11 : memref<!tpu.dma_semaphore, #tpu.memory_space<semaphore_mem>>) src(%dma_wait3A_173 : memref<10000x128xf32, #tpu.memory_space<hbm>>) dst(%arg9 : memref<128x128xf32, #tpu.memory_space<vmem>>)
      %dma_start3A_174 = arith.constant 1 : i32
      %dma_start3A_175 = arith.constant 2 : i32
      %dma_start3A_176 = arith.constant 0 : i32
      %dma_start3A_177 = tpu.memref_slice %arg8[%dma_start3A_174, %dma_start3A_175, %dma_start3A_176] : memref<2x8x128xi32, #tpu.memory_space<vmem>> -> memref<1x1x128xi32, #tpu.memory_space<vmem>>
      %dma_start3A_178 = tpu.memref_squeeze %dma_start3A_177 : memref<1x1x128xi32, #tpu.memory_space<vmem>> -> memref<128xi32, #tpu.memory_space<vmem>>
      %dma_start3A_179 = arith.constant 0 : i32
      %dma_start3A_180 = arith.constant 0 : i32
      %dma_start3A_181 = tpu.memref_slice %arg17[%dma_start3A_179, %dma_start3A_180] : memref<10112x128xf32, #tpu.memory_space<vmem_shared>> -> memref<10112x128xf32, #tpu.memory_space<vmem_shared>>
      tpu.enqueue_indirect_dma source(%arg9 : memref<128x128xf32, #tpu.memory_space<vmem>>) target(%dma_start3A_181 : memref<10112x128xf32, #tpu.memory_space<vmem_shared>>) offsets(%dma_start3A_178 : memref<128xi32, #tpu.memory_space<vmem>>) semaphore(%arg13 : memref<!tpu.dma_semaphore, #tpu.memory_space<semaphore_mem>>) {add = true}
      %dma_wait3A_182 = arith.constant 1 : i32
      %dma_wait3A_183 = arith.constant 3 : i32
      %dma_wait3A_184 = arith.constant 0 : i32
      %dma_wait3A_185 = tpu.memref_slice %arg7[%dma_wait3A_182, %dma_wait3A_183, %dma_wait3A_184] : memref<2x8x128xi32, #tpu.memory_space<vmem>> -> memref<1x1x128xi32, #tpu.memory_space<vmem>>
      %dma_wait3A_186 = tpu.memref_squeeze %dma_wait3A_185 : memref<1x1x128xi32, #tpu.memory_space<vmem>> -> memref<128xi32, #tpu.memory_space<vmem>>
      %dma_wait3A_187 = arith.constant 0 : i32
      %dma_wait3A_188 = arith.constant 0 : i32
      %dma_wait3A_189 = tpu.memref_slice %arg2[%dma_wait3A_187, %dma_wait3A_188] : memref<10000x128xf32, #tpu.memory_space<hbm>> -> memref<10000x128xf32, #tpu.memory_space<hbm>>
      tpu.wait_indirect_dma semaphore(%arg12 : memref<!tpu.dma_semaphore, #tpu.memory_space<semaphore_mem>>) src(%dma_wait3A_189 : memref<10000x128xf32, #tpu.memory_space<hbm>>) dst(%arg10 : memref<128x128xf32, #tpu.memory_space<vmem>>)
      %dma_start3A_190 = arith.constant 1 : i32
      %dma_start3A_191 = arith.constant 3 : i32
      %dma_start3A_192 = arith.constant 0 : i32
      %dma_start3A_193 = tpu.memref_slice %arg8[%dma_start3A_190, %dma_start3A_191, %dma_start3A_192] : memref<2x8x128xi32, #tpu.memory_space<vmem>> -> memref<1x1x128xi32, #tpu.memory_space<vmem>>
      %dma_start3A_194 = tpu.memref_squeeze %dma_start3A_193 : memref<1x1x128xi32, #tpu.memory_space<vmem>> -> memref<128xi32, #tpu.memory_space<vmem>>
      %dma_start3A_195 = arith.constant 0 : i32
      %dma_start3A_196 = arith.constant 0 : i32
      %dma_start3A_197 = tpu.memref_slice %arg17[%dma_start3A_195, %dma_start3A_196] : memref<10112x128xf32, #tpu.memory_space<vmem_shared>> -> memref<10112x128xf32, #tpu.memory_space<vmem_shared>>
      tpu.enqueue_indirect_dma source(%arg10 : memref<128x128xf32, #tpu.memory_space<vmem>>) target(%dma_start3A_197 : memref<10112x128xf32, #tpu.memory_space<vmem_shared>>) offsets(%dma_start3A_194 : memref<128xi32, #tpu.memory_space<vmem>>) semaphore(%arg14 : memref<!tpu.dma_semaphore, #tpu.memory_space<semaphore_mem>>) {add = true}
      %dma_wait3A_198 = arith.constant 1 : i32
      %dma_wait3A_199 = arith.constant 2 : i32
      %dma_wait3A_200 = arith.constant 0 : i32
      %dma_wait3A_201 = tpu.memref_slice %arg8[%dma_wait3A_198, %dma_wait3A_199, %dma_wait3A_200] : memref<2x8x128xi32, #tpu.memory_space<vmem>> -> memref<1x1x128xi32, #tpu.memory_space<vmem>>
      %dma_wait3A_202 = tpu.memref_squeeze %dma_wait3A_201 : memref<1x1x128xi32, #tpu.memory_space<vmem>> -> memref<128xi32, #tpu.memory_space<vmem>>
      %dma_wait3A_203 = arith.constant 0 : i32
      %dma_wait3A_204 = arith.constant 0 : i32
      %dma_wait3A_205 = tpu.memref_slice %arg17[%dma_wait3A_203, %dma_wait3A_204] : memref<10112x128xf32, #tpu.memory_space<vmem_shared>> -> memref<10112x128xf32, #tpu.memory_space<vmem_shared>>
      tpu.wait_indirect_dma semaphore(%arg13 : memref<!tpu.dma_semaphore, #tpu.memory_space<semaphore_mem>>) src(%arg9 : memref<128x128xf32, #tpu.memory_space<vmem>>) dst(%dma_wait3A_205 : memref<10112x128xf32, #tpu.memory_space<vmem_shared>>)
      %dma_start3A_206 = arith.constant 1 : i32
      %dma_start3A_207 = arith.constant 4 : i32
      %dma_start3A_208 = arith.constant 0 : i32
      %dma_start3A_209 = tpu.memref_slice %arg7[%dma_start3A_206, %dma_start3A_207, %dma_start3A_208] : memref<2x8x128xi32, #tpu.memory_space<vmem>> -> memref<1x1x128xi32, #tpu.memory_space<vmem>>
      %dma_start3A_210 = tpu.memref_squeeze %dma_start3A_209 : memref<1x1x128xi32, #tpu.memory_space<vmem>> -> memref<128xi32, #tpu.memory_space<vmem>>
      %dma_start3A_211 = arith.constant 0 : i32
      %dma_start3A_212 = arith.constant 0 : i32
      %dma_start3A_213 = tpu.memref_slice %arg2[%dma_start3A_211, %dma_start3A_212] : memref<10000x128xf32, #tpu.memory_space<hbm>> -> memref<10000x128xf32, #tpu.memory_space<hbm>>
      tpu.enqueue_indirect_dma source(%dma_start3A_213 : memref<10000x128xf32, #tpu.memory_space<hbm>>) target(%arg9 : memref<128x128xf32, #tpu.memory_space<vmem>>) offsets(%dma_start3A_210 : memref<128xi32, #tpu.memory_space<vmem>>) semaphore(%arg11 : memref<!tpu.dma_semaphore, #tpu.memory_space<semaphore_mem>>)
      %dma_wait3A_214 = arith.constant 1 : i32
      %dma_wait3A_215 = arith.constant 3 : i32
      %dma_wait3A_216 = arith.constant 0 : i32
      %dma_wait3A_217 = tpu.memref_slice %arg8[%dma_wait3A_214, %dma_wait3A_215, %dma_wait3A_216] : memref<2x8x128xi32, #tpu.memory_space<vmem>> -> memref<1x1x128xi32, #tpu.memory_space<vmem>>
      %dma_wait3A_218 = tpu.memref_squeeze %dma_wait3A_217 : memref<1x1x128xi32, #tpu.memory_space<vmem>> -> memref<128xi32, #tpu.memory_space<vmem>>
      %dma_wait3A_219 = arith.constant 0 : i32
      %dma_wait3A_220 = arith.constant 0 : i32
      %dma_wait3A_221 = tpu.memref_slice %arg17[%dma_wait3A_219, %dma_wait3A_220] : memref<10112x128xf32, #tpu.memory_space<vmem_shared>> -> memref<10112x128xf32, #tpu.memory_space<vmem_shared>>
      tpu.wait_indirect_dma semaphore(%arg14 : memref<!tpu.dma_semaphore, #tpu.memory_space<semaphore_mem>>) src(%arg10 : memref<128x128xf32, #tpu.memory_space<vmem>>) dst(%dma_wait3A_221 : memref<10112x128xf32, #tpu.memory_space<vmem_shared>>)
      %dma_start3A_222 = arith.constant 1 : i32
      %dma_start3A_223 = arith.constant 5 : i32
      %dma_start3A_224 = arith.constant 0 : i32
      %dma_start3A_225 = tpu.memref_slice %arg7[%dma_start3A_222, %dma_start3A_223, %dma_start3A_224] : memref<2x8x128xi32, #tpu.memory_space<vmem>> -> memref<1x1x128xi32, #tpu.memory_space<vmem>>
      %dma_start3A_226 = tpu.memref_squeeze %dma_start3A_225 : memref<1x1x128xi32, #tpu.memory_space<vmem>> -> memref<128xi32, #tpu.memory_space<vmem>>
      %dma_start3A_227 = arith.constant 0 : i32
      %dma_start3A_228 = arith.constant 0 : i32
      %dma_start3A_229 = tpu.memref_slice %arg2[%dma_start3A_227, %dma_start3A_228] : memref<10000x128xf32, #tpu.memory_space<hbm>> -> memref<10000x128xf32, #tpu.memory_space<hbm>>
      tpu.enqueue_indirect_dma source(%dma_start3A_229 : memref<10000x128xf32, #tpu.memory_space<hbm>>) target(%arg10 : memref<128x128xf32, #tpu.memory_space<vmem>>) offsets(%dma_start3A_226 : memref<128xi32, #tpu.memory_space<vmem>>) semaphore(%arg12 : memref<!tpu.dma_semaphore, #tpu.memory_space<semaphore_mem>>)
      %dma_wait3A_230 = arith.constant 1 : i32
      %dma_wait3A_231 = arith.constant 4 : i32
      %dma_wait3A_232 = arith.constant 0 : i32
      %dma_wait3A_233 = tpu.memref_slice %arg7[%dma_wait3A_230, %dma_wait3A_231, %dma_wait3A_232] : memref<2x8x128xi32, #tpu.memory_space<vmem>> -> memref<1x1x128xi32, #tpu.memory_space<vmem>>
      %dma_wait3A_234 = tpu.memref_squeeze %dma_wait3A_233 : memref<1x1x128xi32, #tpu.memory_space<vmem>> -> memref<128xi32, #tpu.memory_space<vmem>>
      %dma_wait3A_235 = arith.constant 0 : i32
      %dma_wait3A_236 = arith.constant 0 : i32
      %dma_wait3A_237 = tpu.memref_slice %arg2[%dma_wait3A_235, %dma_wait3A_236] : memref<10000x128xf32, #tpu.memory_space<hbm>> -> memref<10000x128xf32, #tpu.memory_space<hbm>>
      tpu.wait_indirect_dma semaphore(%arg11 : memref<!tpu.dma_semaphore, #tpu.memory_space<semaphore_mem>>) src(%dma_wait3A_237 : memref<10000x128xf32, #tpu.memory_space<hbm>>) dst(%arg9 : memref<128x128xf32, #tpu.memory_space<vmem>>)
      %dma_start3A_238 = arith.constant 1 : i32
      %dma_start3A_239 = arith.constant 4 : i32
      %dma_start3A_240 = arith.constant 0 : i32
      %dma_start3A_241 = tpu.memref_slice %arg8[%dma_start3A_238, %dma_start3A_239, %dma_start3A_240] : memref<2x8x128xi32, #tpu.memory_space<vmem>> -> memref<1x1x128xi32, #tpu.memory_space<vmem>>
      %dma_start3A_242 = tpu.memref_squeeze %dma_start3A_241 : memref<1x1x128xi32, #tpu.memory_space<vmem>> -> memref<128xi32, #tpu.memory_space<vmem>>
      %dma_start3A_243 = arith.constant 0 : i32
      %dma_start3A_244 = arith.constant 0 : i32
      %dma_start3A_245 = tpu.memref_slice %arg17[%dma_start3A_243, %dma_start3A_244] : memref<10112x128xf32, #tpu.memory_space<vmem_shared>> -> memref<10112x128xf32, #tpu.memory_space<vmem_shared>>
      tpu.enqueue_indirect_dma source(%arg9 : memref<128x128xf32, #tpu.memory_space<vmem>>) target(%dma_start3A_245 : memref<10112x128xf32, #tpu.memory_space<vmem_shared>>) offsets(%dma_start3A_242 : memref<128xi32, #tpu.memory_space<vmem>>) semaphore(%arg13 : memref<!tpu.dma_semaphore, #tpu.memory_space<semaphore_mem>>) {add = true}
      %dma_wait3A_246 = arith.constant 1 : i32
      %dma_wait3A_247 = arith.constant 5 : i32
      %dma_wait3A_248 = arith.constant 0 : i32
      %dma_wait3A_249 = tpu.memref_slice %arg7[%dma_wait3A_246, %dma_wait3A_247, %dma_wait3A_248] : memref<2x8x128xi32, #tpu.memory_space<vmem>> -> memref<1x1x128xi32, #tpu.memory_space<vmem>>
      %dma_wait3A_250 = tpu.memref_squeeze %dma_wait3A_249 : memref<1x1x128xi32, #tpu.memory_space<vmem>> -> memref<128xi32, #tpu.memory_space<vmem>>
      %dma_wait3A_251 = arith.constant 0 : i32
      %dma_wait3A_252 = arith.constant 0 : i32
      %dma_wait3A_253 = tpu.memref_slice %arg2[%dma_wait3A_251, %dma_wait3A_252] : memref<10000x128xf32, #tpu.memory_space<hbm>> -> memref<10000x128xf32, #tpu.memory_space<hbm>>
      tpu.wait_indirect_dma semaphore(%arg12 : memref<!tpu.dma_semaphore, #tpu.memory_space<semaphore_mem>>) src(%dma_wait3A_253 : memref<10000x128xf32, #tpu.memory_space<hbm>>) dst(%arg10 : memref<128x128xf32, #tpu.memory_space<vmem>>)
      %dma_start3A_254 = arith.constant 1 : i32
      %dma_start3A_255 = arith.constant 5 : i32
      %dma_start3A_256 = arith.constant 0 : i32
      %dma_start3A_257 = tpu.memref_slice %arg8[%dma_start3A_254, %dma_start3A_255, %dma_start3A_256] : memref<2x8x128xi32, #tpu.memory_space<vmem>> -> memref<1x1x128xi32, #tpu.memory_space<vmem>>
      %dma_start3A_258 = tpu.memref_squeeze %dma_start3A_257 : memref<1x1x128xi32, #tpu.memory_space<vmem>> -> memref<128xi32, #tpu.memory_space<vmem>>
      %dma_start3A_259 = arith.constant 0 : i32
      %dma_start3A_260 = arith.constant 0 : i32
      %dma_start3A_261 = tpu.memref_slice %arg17[%dma_start3A_259, %dma_start3A_260] : memref<10112x128xf32, #tpu.memory_space<vmem_shared>> -> memref<10112x128xf32, #tpu.memory_space<vmem_shared>>
      tpu.enqueue_indirect_dma source(%arg10 : memref<128x128xf32, #tpu.memory_space<vmem>>) target(%dma_start3A_261 : memref<10112x128xf32, #tpu.memory_space<vmem_shared>>) offsets(%dma_start3A_258 : memref<128xi32, #tpu.memory_space<vmem>>) semaphore(%arg14 : memref<!tpu.dma_semaphore, #tpu.memory_space<semaphore_mem>>) {add = true}
      %dma_wait3A_262 = arith.constant 1 : i32
      %dma_wait3A_263 = arith.constant 4 : i32
      %dma_wait3A_264 = arith.constant 0 : i32
      %dma_wait3A_265 = tpu.memref_slice %arg8[%dma_wait3A_262, %dma_wait3A_263, %dma_wait3A_264] : memref<2x8x128xi32, #tpu.memory_space<vmem>> -> memref<1x1x128xi32, #tpu.memory_space<vmem>>
      %dma_wait3A_266 = tpu.memref_squeeze %dma_wait3A_265 : memref<1x1x128xi32, #tpu.memory_space<vmem>> -> memref<128xi32, #tpu.memory_space<vmem>>
      %dma_wait3A_267 = arith.constant 0 : i32
      %dma_wait3A_268 = arith.constant 0 : i32
      %dma_wait3A_269 = tpu.memref_slice %arg17[%dma_wait3A_267, %dma_wait3A_268] : memref<10112x128xf32, #tpu.memory_space<vmem_shared>> -> memref<10112x128xf32, #tpu.memory_space<vmem_shared>>
      tpu.wait_indirect_dma semaphore(%arg13 : memref<!tpu.dma_semaphore, #tpu.memory_space<semaphore_mem>>) src(%arg9 : memref<128x128xf32, #tpu.memory_space<vmem>>) dst(%dma_wait3A_269 : memref<10112x128xf32, #tpu.memory_space<vmem_shared>>)
      %dma_start3A_270 = arith.constant 1 : i32
      %dma_start3A_271 = arith.constant 6 : i32
      %dma_start3A_272 = arith.constant 0 : i32
      %dma_start3A_273 = tpu.memref_slice %arg7[%dma_start3A_270, %dma_start3A_271, %dma_start3A_272] : memref<2x8x128xi32, #tpu.memory_space<vmem>> -> memref<1x1x128xi32, #tpu.memory_space<vmem>>
      %dma_start3A_274 = tpu.memref_squeeze %dma_start3A_273 : memref<1x1x128xi32, #tpu.memory_space<vmem>> -> memref<128xi32, #tpu.memory_space<vmem>>
      %dma_start3A_275 = arith.constant 0 : i32
      %dma_start3A_276 = arith.constant 0 : i32
      %dma_start3A_277 = tpu.memref_slice %arg2[%dma_start3A_275, %dma_start3A_276] : memref<10000x128xf32, #tpu.memory_space<hbm>> -> memref<10000x128xf32, #tpu.memory_space<hbm>>
      tpu.enqueue_indirect_dma source(%dma_start3A_277 : memref<10000x128xf32, #tpu.memory_space<hbm>>) target(%arg9 : memref<128x128xf32, #tpu.memory_space<vmem>>) offsets(%dma_start3A_274 : memref<128xi32, #tpu.memory_space<vmem>>) semaphore(%arg11 : memref<!tpu.dma_semaphore, #tpu.memory_space<semaphore_mem>>)
      %dma_wait3A_278 = arith.constant 1 : i32
      %dma_wait3A_279 = arith.constant 5 : i32
      %dma_wait3A_280 = arith.constant 0 : i32
      %dma_wait3A_281 = tpu.memref_slice %arg8[%dma_wait3A_278, %dma_wait3A_279, %dma_wait3A_280] : memref<2x8x128xi32, #tpu.memory_space<vmem>> -> memref<1x1x128xi32, #tpu.memory_space<vmem>>
      %dma_wait3A_282 = tpu.memref_squeeze %dma_wait3A_281 : memref<1x1x128xi32, #tpu.memory_space<vmem>> -> memref<128xi32, #tpu.memory_space<vmem>>
      %dma_wait3A_283 = arith.constant 0 : i32
      %dma_wait3A_284 = arith.constant 0 : i32
      %dma_wait3A_285 = tpu.memref_slice %arg17[%dma_wait3A_283, %dma_wait3A_284] : memref<10112x128xf32, #tpu.memory_space<vmem_shared>> -> memref<10112x128xf32, #tpu.memory_space<vmem_shared>>
      tpu.wait_indirect_dma semaphore(%arg14 : memref<!tpu.dma_semaphore, #tpu.memory_space<semaphore_mem>>) src(%arg10 : memref<128x128xf32, #tpu.memory_space<vmem>>) dst(%dma_wait3A_285 : memref<10112x128xf32, #tpu.memory_space<vmem_shared>>)
      %dma_start3A_286 = arith.constant 1 : i32
      %dma_start3A_287 = arith.constant 7 : i32
      %dma_start3A_288 = arith.constant 0 : i32
      %dma_start3A_289 = tpu.memref_slice %arg7[%dma_start3A_286, %dma_start3A_287, %dma_start3A_288] : memref<2x8x128xi32, #tpu.memory_space<vmem>> -> memref<1x1x128xi32, #tpu.memory_space<vmem>>
      %dma_start3A_290 = tpu.memref_squeeze %dma_start3A_289 : memref<1x1x128xi32, #tpu.memory_space<vmem>> -> memref<128xi32, #tpu.memory_space<vmem>>
      %dma_start3A_291 = arith.constant 0 : i32
      %dma_start3A_292 = arith.constant 0 : i32
      %dma_start3A_293 = tpu.memref_slice %arg2[%dma_start3A_291, %dma_start3A_292] : memref<10000x128xf32, #tpu.memory_space<hbm>> -> memref<10000x128xf32, #tpu.memory_space<hbm>>
      tpu.enqueue_indirect_dma source(%dma_start3A_293 : memref<10000x128xf32, #tpu.memory_space<hbm>>) target(%arg10 : memref<128x128xf32, #tpu.memory_space<vmem>>) offsets(%dma_start3A_290 : memref<128xi32, #tpu.memory_space<vmem>>) semaphore(%arg12 : memref<!tpu.dma_semaphore, #tpu.memory_space<semaphore_mem>>)
      %dma_wait3A_294 = arith.constant 1 : i32
      %dma_wait3A_295 = arith.constant 6 : i32
      %dma_wait3A_296 = arith.constant 0 : i32
      %dma_wait3A_297 = tpu.memref_slice %arg7[%dma_wait3A_294, %dma_wait3A_295, %dma_wait3A_296] : memref<2x8x128xi32, #tpu.memory_space<vmem>> -> memref<1x1x128xi32, #tpu.memory_space<vmem>>
      %dma_wait3A_298 = tpu.memref_squeeze %dma_wait3A_297 : memref<1x1x128xi32, #tpu.memory_space<vmem>> -> memref<128xi32, #tpu.memory_space<vmem>>
      %dma_wait3A_299 = arith.constant 0 : i32
      %dma_wait3A_300 = arith.constant 0 : i32
      %dma_wait3A_301 = tpu.memref_slice %arg2[%dma_wait3A_299, %dma_wait3A_300] : memref<10000x128xf32, #tpu.memory_space<hbm>> -> memref<10000x128xf32, #tpu.memory_space<hbm>>
      tpu.wait_indirect_dma semaphore(%arg11 : memref<!tpu.dma_semaphore, #tpu.memory_space<semaphore_mem>>) src(%dma_wait3A_301 : memref<10000x128xf32, #tpu.memory_space<hbm>>) dst(%arg9 : memref<128x128xf32, #tpu.memory_space<vmem>>)
      %dma_start3A_302 = arith.constant 1 : i32
      %dma_start3A_303 = arith.constant 6 : i32
      %dma_start3A_304 = arith.constant 0 : i32
      %dma_start3A_305 = tpu.memref_slice %arg8[%dma_start3A_302, %dma_start3A_303, %dma_start3A_304] : memref<2x8x128xi32, #tpu.memory_space<vmem>> -> memref<1x1x128xi32, #tpu.memory_space<vmem>>
      %dma_start3A_306 = tpu.memref_squeeze %dma_start3A_305 : memref<1x1x128xi32, #tpu.memory_space<vmem>> -> memref<128xi32, #tpu.memory_space<vmem>>
      %dma_start3A_307 = arith.constant 0 : i32
      %dma_start3A_308 = arith.constant 0 : i32
      %dma_start3A_309 = tpu.memref_slice %arg17[%dma_start3A_307, %dma_start3A_308] : memref<10112x128xf32, #tpu.memory_space<vmem_shared>> -> memref<10112x128xf32, #tpu.memory_space<vmem_shared>>
      tpu.enqueue_indirect_dma source(%arg9 : memref<128x128xf32, #tpu.memory_space<vmem>>) target(%dma_start3A_309 : memref<10112x128xf32, #tpu.memory_space<vmem_shared>>) offsets(%dma_start3A_306 : memref<128xi32, #tpu.memory_space<vmem>>) semaphore(%arg13 : memref<!tpu.dma_semaphore, #tpu.memory_space<semaphore_mem>>) {add = true}
      %dma_wait3A_310 = arith.constant 1 : i32
      %dma_wait3A_311 = arith.constant 7 : i32
      %dma_wait3A_312 = arith.constant 0 : i32
      %dma_wait3A_313 = tpu.memref_slice %arg7[%dma_wait3A_310, %dma_wait3A_311, %dma_wait3A_312] : memref<2x8x128xi32, #tpu.memory_space<vmem>> -> memref<1x1x128xi32, #tpu.memory_space<vmem>>
      %dma_wait3A_314 = tpu.memref_squeeze %dma_wait3A_313 : memref<1x1x128xi32, #tpu.memory_space<vmem>> -> memref<128xi32, #tpu.memory_space<vmem>>
      %dma_wait3A_315 = arith.constant 0 : i32
      %dma_wait3A_316 = arith.constant 0 : i32
      %dma_wait3A_317 = tpu.memref_slice %arg2[%dma_wait3A_315, %dma_wait3A_316] : memref<10000x128xf32, #tpu.memory_space<hbm>> -> memref<10000x128xf32, #tpu.memory_space<hbm>>
      tpu.wait_indirect_dma semaphore(%arg12 : memref<!tpu.dma_semaphore, #tpu.memory_space<semaphore_mem>>) src(%dma_wait3A_317 : memref<10000x128xf32, #tpu.memory_space<hbm>>) dst(%arg10 : memref<128x128xf32, #tpu.memory_space<vmem>>)
      %dma_start3A_318 = arith.constant 1 : i32
      %dma_start3A_319 = arith.constant 7 : i32
      %dma_start3A_320 = arith.constant 0 : i32
      %dma_start3A_321 = tpu.memref_slice %arg8[%dma_start3A_318, %dma_start3A_319, %dma_start3A_320] : memref<2x8x128xi32, #tpu.memory_space<vmem>> -> memref<1x1x128xi32, #tpu.memory_space<vmem>>
      %dma_start3A_322 = tpu.memref_squeeze %dma_start3A_321 : memref<1x1x128xi32, #tpu.memory_space<vmem>> -> memref<128xi32, #tpu.memory_space<vmem>>
      %dma_start3A_323 = arith.constant 0 : i32
      %dma_start3A_324 = arith.constant 0 : i32
      %dma_start3A_325 = tpu.memref_slice %arg17[%dma_start3A_323, %dma_start3A_324] : memref<10112x128xf32, #tpu.memory_space<vmem_shared>> -> memref<10112x128xf32, #tpu.memory_space<vmem_shared>>
      tpu.enqueue_indirect_dma source(%arg10 : memref<128x128xf32, #tpu.memory_space<vmem>>) target(%dma_start3A_325 : memref<10112x128xf32, #tpu.memory_space<vmem_shared>>) offsets(%dma_start3A_322 : memref<128xi32, #tpu.memory_space<vmem>>) semaphore(%arg14 : memref<!tpu.dma_semaphore, #tpu.memory_space<semaphore_mem>>) {add = true}
      %dma_wait3A_326 = arith.constant 1 : i32
      %dma_wait3A_327 = arith.constant 6 : i32
      %dma_wait3A_328 = arith.constant 0 : i32
      %dma_wait3A_329 = tpu.memref_slice %arg8[%dma_wait3A_326, %dma_wait3A_327, %dma_wait3A_328] : memref<2x8x128xi32, #tpu.memory_space<vmem>> -> memref<1x1x128xi32, #tpu.memory_space<vmem>>
      %dma_wait3A_330 = tpu.memref_squeeze %dma_wait3A_329 : memref<1x1x128xi32, #tpu.memory_space<vmem>> -> memref<128xi32, #tpu.memory_space<vmem>>
      %dma_wait3A_331 = arith.constant 0 : i32
      %dma_wait3A_332 = arith.constant 0 : i32
      %dma_wait3A_333 = tpu.memref_slice %arg17[%dma_wait3A_331, %dma_wait3A_332] : memref<10112x128xf32, #tpu.memory_space<vmem_shared>> -> memref<10112x128xf32, #tpu.memory_space<vmem_shared>>
      tpu.wait_indirect_dma semaphore(%arg13 : memref<!tpu.dma_semaphore, #tpu.memory_space<semaphore_mem>>) src(%arg9 : memref<128x128xf32, #tpu.memory_space<vmem>>) dst(%dma_wait3A_333 : memref<10112x128xf32, #tpu.memory_space<vmem_shared>>)
      %dma_wait3A_334 = arith.constant 1 : i32
      %dma_wait3A_335 = arith.constant 7 : i32
      %dma_wait3A_336 = arith.constant 0 : i32
      %dma_wait3A_337 = tpu.memref_slice %arg8[%dma_wait3A_334, %dma_wait3A_335, %dma_wait3A_336] : memref<2x8x128xi32, #tpu.memory_space<vmem>> -> memref<1x1x128xi32, #tpu.memory_space<vmem>>
      %dma_wait3A_338 = tpu.memref_squeeze %dma_wait3A_337 : memref<1x1x128xi32, #tpu.memory_space<vmem>> -> memref<128xi32, #tpu.memory_space<vmem>>
      %dma_wait3A_339 = arith.constant 0 : i32
      %dma_wait3A_340 = arith.constant 0 : i32
      %dma_wait3A_341 = tpu.memref_slice %arg17[%dma_wait3A_339, %dma_wait3A_340] : memref<10112x128xf32, #tpu.memory_space<vmem_shared>> -> memref<10112x128xf32, #tpu.memory_space<vmem_shared>>
      tpu.wait_indirect_dma semaphore(%arg14 : memref<!tpu.dma_semaphore, #tpu.memory_space<semaphore_mem>>) src(%arg10 : memref<128x128xf32, #tpu.memory_space<vmem>>) dst(%dma_wait3A_341 : memref<10112x128xf32, #tpu.memory_space<vmem_shared>>)
    } else {
    }
    %barrier3A_13 = arith.constant 0 : index
    tpu.barrier barrier_id(%barrier3A_13)
    %mul3A_14 = arith.constant 632 : i32
    %mul3A_15 = arith.muli %arg1, %mul3A_14 : i32
    %mul3A_16 = arith.constant 10112 : i32
    %mul3A_17 = arith.muli %arg0, %mul3A_16 : i32
    %mul3A_18 = arith.constant 632 : i32
    %mul3A_19 = arith.muli %arg1, %mul3A_18 : i32
    %add3A_20 = arith.addi %mul3A_17, %mul3A_19 : i32
    "tpu.region"() ({
      %run_scoped3A = tpu.sem_alloc : memref<!tpu.dma_semaphore, #tpu.memory_space<semaphore_mem>>
      %dma_start3A = arith.constant 0 : i32
      %dma_start3A_21 = tpu.memref_slice %arg6[%add3A_20, %dma_start3A] : memref<20224x128xf32, #tpu.memory_space<hbm>> -> memref<632x128xf32, #tpu.memory_space<hbm>>
      %dma_start3A_22 = arith.constant 0 : i32
      %dma_start3A_23 = tpu.memref_slice %arg17[%mul3A_15, %dma_start3A_22] : memref<10112x128xf32, #tpu.memory_space<vmem_shared>> -> memref<632x128xf32, #tpu.memory_space<vmem_shared>>
      tpu.enqueue_dma source(%dma_start3A_23 : memref<632x128xf32, #tpu.memory_space<vmem_shared>>) target(%dma_start3A_21 : memref<632x128xf32, #tpu.memory_space<hbm>>) target_semaphore(%run_scoped3A : memref<!tpu.dma_semaphore, #tpu.memory_space<semaphore_mem>>)
      %dma_wait3A = arith.constant 0 : i32
      %dma_wait3A_24 = tpu.memref_slice %arg6[%add3A_20, %dma_wait3A] : memref<20224x128xf32, #tpu.memory_space<hbm>> -> memref<632x128xf32, #tpu.memory_space<hbm>>
      %dma_wait3A_25 = arith.constant 0 : i32
      %dma_wait3A_26 = tpu.memref_slice %arg17[%mul3A_15, %dma_wait3A_25] : memref<10112x128xf32, #tpu.memory_space<vmem_shared>> -> memref<632x128xf32, #tpu.memory_space<vmem_shared>>
      tpu.wait_dma2 semaphore(%run_scoped3A : memref<!tpu.dma_semaphore, #tpu.memory_space<semaphore_mem>>) src(%dma_wait3A_26 : memref<632x128xf32, #tpu.memory_space<vmem_shared>>) dst(%dma_wait3A_24 : memref<632x128xf32, #tpu.memory_space<hbm>>)
      tpu.yield
    }) : () -> ()
    return
  }
}

module attributes {stable_mosaic.version = 14 : i64} {
  func.func @body(%arg0: i32, %arg1: memref<1000x128xf32, #tpu.memory_space<vmem>>, %arg2: memref<128x128xf32, #tpu.memory_space<vmem>>, %arg3: memref<1000x1xf32, #tpu.memory_space<vmem>>, %arg4: memref<1000x128xf32, #tpu.memory_space<vmem>>) attributes {dimension_semantics = [#tpu.dimension_semantics<arbitrary>], iteration_bounds = array<i64: 10>, scalar_prefetch = 0 : i64, scratch_operands = 0 : i64, tpu.core_type = #tpu.core_type<tc>, window_params = [{transform_indices = @transform_0, window_bounds = array<i64: 1000, 128>}, {pipeline_mode = #tpu.pipeline_mode<synchronous>, transform_indices = @transform_1, window_bounds = array<i64: 128, 128>}, {transform_indices = @transform_2, window_bounds = array<i64: 1000, 1>}, {transform_indices = @transform_3, window_bounds = array<i64: 1000, 128>}]} {
    %get3A = arith.constant 0 : index
    %get3A_0 = arith.constant 0 : index
    %get3A_1 = vector.load %arg1[%get3A, %get3A_0] : memref<1000x128xf32, #tpu.memory_space<vmem>>, vector<1000x128xf32>
    %get3A_2 = arith.constant 0 : index
    %get3A_3 = arith.constant 0 : index
    %get3A_4 = vector.load %arg2[%get3A_2, %get3A_3] : memref<128x128xf32, #tpu.memory_space<vmem>>, vector<128x128xf32>
    %dot_general3A = arith.constant dense<0.000000e+00> : vector<1000x128xf32>
    %dot_general3A_5 = tpu.matmul %get3A_1, %get3A_4, %dot_general3A {dimension_numbers = #tpu.dot_dimension_numbers<[1], [0], [0], [1], [0, 0, 1, 1], [], []>, transpose_lhs_hint = false} : vector<1000x128xf32>, vector<128x128xf32>, vector<1000x128xf32> -> vector<1000x128xf32>
    %get3A_6 = arith.constant 0 : index
    %get3A_7 = arith.constant 0 : index
    %get3A_8 = vector.load %arg3[%get3A_6, %get3A_7] : memref<1000x1xf32, #tpu.memory_space<vmem>>, vector<1000x1xf32>
    %mul3A = vector.broadcast %get3A_8 : vector<1000x1xf32> to vector<1000x128xf32>
    %mul3A_9 = arith.mulf %dot_general3A_5, %mul3A : vector<1000x128xf32>
    %swap3A = arith.constant 0 : index
    %swap3A_10 = arith.constant 0 : index
    %swap3A_11 = vector.load %arg4[%swap3A, %swap3A_10] : memref<1000x128xf32, #tpu.memory_space<vmem>>, vector<1000x128xf32>
    tpu.vector_store %arg4[%swap3A, %swap3A_10], %mul3A_9 {strides = array<i32>} : memref<1000x128xf32, #tpu.memory_space<vmem>>, vector<1000x128xf32>,
    return
  }
  func.func @transform_0(%arg0: i32) -> (i32, i32) {
    %c0_i32 = arith.constant 0 : i32
    %c0_i32_0 = arith.constant 0 : i32
    return %arg0, %c0_i32 : i32, i32
  }
  func.func @transform_1(%arg0: i32) -> (i32, i32) {
    %c0_i32 = arith.constant 0 : i32
    %c0_i32_0 = arith.constant 0 : i32
    %c0_i32_1 = arith.constant 0 : i32
    return %c0_i32, %c0_i32_0 : i32, i32
  }
  func.func @transform_2(%arg0: i32) -> (i32, i32) {
    %c0_i32 = arith.constant 0 : i32
    %c0_i32_0 = arith.constant 0 : i32
    return %arg0, %c0_i32 : i32, i32
  }
  func.func @transform_3(%arg0: i32) -> (i32, i32) {
    %c0_i32 = arith.constant 0 : i32
    %c0_i32_0 = arith.constant 0 : i32
    return %arg0, %c0_i32 : i32, i32
  }
}

module attributes {stable_mosaic.version = 14 : i64} {
  func.func @body(%arg0: i32, %arg1: memref<2x1000x128xf32, #tpu.memory_space<vmem>>, %arg2: memref<1000x128xf32, #tpu.memory_space<vmem>>, %arg3: memref<1000x1xf32, #tpu.memory_space<vmem>>, %arg4: memref<1x128xf32, #tpu.memory_space<vmem>>, %arg5: memref<128x128xf32, #tpu.memory_space<vmem>>, %arg6: memref<1000x128xf32, #tpu.memory_space<vmem>>, %arg7: memref<1000x128xf32, #tpu.memory_space<vmem>>) attributes {dimension_semantics = [#tpu.dimension_semantics<arbitrary>], iteration_bounds = array<i64: 10>, scalar_prefetch = 0 : i64, scratch_operands = 0 : i64, tpu.core_type = #tpu.core_type<tc>, window_params = [{transform_indices = @transform_0, window_bounds = array<i64: 2, 1000, 128>}, {transform_indices = @transform_1, window_bounds = array<i64: 1000, 128>}, {transform_indices = @transform_2, window_bounds = array<i64: 1000, 1>}, {pipeline_mode = #tpu.pipeline_mode<synchronous>, transform_indices = @transform_3, window_bounds = array<i64: 1, 128>}, {pipeline_mode = #tpu.pipeline_mode<synchronous>, transform_indices = @transform_4, window_bounds = array<i64: 128, 128>}, {transform_indices = @transform_5, window_bounds = array<i64: 1000, 128>}, {transform_indices = @transform_6, window_bounds = array<i64: 1000, 128>}]} {
    %get3A = arith.constant 0 : index
    %get3A_0 = arith.constant 0 : index
    %get3A_1 = arith.constant 0 : index
    %get3A_2 = vector.load %arg1[%get3A, %get3A_0, %get3A_1] : memref<2x1000x128xf32, #tpu.memory_space<vmem>>, vector<2x1000x128xf32>
    %get3A_3 = arith.constant 0 : index
    %get3A_4 = arith.constant 0 : index
    %get3A_5 = vector.load %arg3[%get3A_3, %get3A_4] : memref<1000x1xf32, #tpu.memory_space<vmem>>, vector<1000x1xf32>
    %slice3A = vector.extract_strided_slice %get3A_2 {offsets = [0, 0, 0], sizes = [1, 1000, 128], strides = [1, 1, 1]} : vector<2x1000x128xf32> to vector<1x1000x128xf32>
    %squeeze3A = vector.shape_cast %slice3A : vector<1x1000x128xf32> to vector<1000x128xf32>
    %slice3A_6 = vector.extract_strided_slice %get3A_2 {offsets = [1, 0, 0], sizes = [1, 1000, 128], strides = [1, 1, 1]} : vector<2x1000x128xf32> to vector<1x1000x128xf32>
    %squeeze3A_7 = vector.shape_cast %slice3A_6 : vector<1x1000x128xf32> to vector<1000x128xf32>
    %add3A = arith.addf %squeeze3A, %squeeze3A_7 : vector<1000x128xf32>
    %get3A_8 = arith.constant 0 : index
    %get3A_9 = arith.constant 0 : index
    %get3A_10 = vector.load %arg2[%get3A_8, %get3A_9] : memref<1000x128xf32, #tpu.memory_space<vmem>>, vector<1000x128xf32>
    %add3A_11 = arith.addf %add3A, %get3A_10 : vector<1000x128xf32>
    %mul3A = vector.broadcast %get3A_5 : vector<1000x1xf32> to vector<1000x128xf32>
    %mul3A_12 = arith.mulf %mul3A, %add3A_11 : vector<1000x128xf32>
    %get3A_13 = arith.constant 0 : index
    %get3A_14 = arith.constant 0 : index
    %get3A_15 = vector.load %arg4[%get3A_13, %get3A_14] : memref<1x128xf32, #tpu.memory_space<vmem>>, vector<1x128xf32>
    %add3A_16 = vector.broadcast %get3A_15 : vector<1x128xf32> to vector<1000x128xf32>
    %add3A_17 = arith.addf %mul3A_12, %add3A_16 : vector<1000x128xf32>
    %max3A = arith.constant 0.000000e+00 : f32
    %max3A_18 = vector.broadcast %max3A : f32 to vector<1000x128xf32>
    %max3A_19 = arith.maximumf %add3A_17, %max3A_18 : vector<1000x128xf32>
    %swap3A = arith.constant 0 : index
    %swap3A_20 = arith.constant 0 : index
    %swap3A_21 = vector.load %arg6[%swap3A, %swap3A_20] : memref<1000x128xf32, #tpu.memory_space<vmem>>, vector<1000x128xf32>
    tpu.vector_store %arg6[%swap3A, %swap3A_20], %max3A_19 {strides = array<i32>} : memref<1000x128xf32, #tpu.memory_space<vmem>>, vector<1000x128xf32>,
    %get3A_22 = arith.constant 0 : index
    %get3A_23 = arith.constant 0 : index
    %get3A_24 = vector.load %arg5[%get3A_22, %get3A_23] : memref<128x128xf32, #tpu.memory_space<vmem>>, vector<128x128xf32>
    %dot_general3A = arith.constant dense<0.000000e+00> : vector<1000x128xf32>
    %dot_general3A_25 = tpu.matmul %max3A_19, %get3A_24, %dot_general3A {dimension_numbers = #tpu.dot_dimension_numbers<[1], [0], [0], [1], [0, 0, 1, 1], [], []>, transpose_lhs_hint = false} : vector<1000x128xf32>, vector<128x128xf32>, vector<1000x128xf32> -> vector<1000x128xf32>
    %mul3A_26 = vector.broadcast %get3A_5 : vector<1000x1xf32> to vector<1000x128xf32>
    %mul3A_27 = arith.mulf %dot_general3A_25, %mul3A_26 : vector<1000x128xf32>
    %swap3A_28 = arith.constant 0 : index
    %swap3A_29 = arith.constant 0 : index
    %swap3A_30 = vector.load %arg7[%swap3A_28, %swap3A_29] : memref<1000x128xf32, #tpu.memory_space<vmem>>, vector<1000x128xf32>
    tpu.vector_store %arg7[%swap3A_28, %swap3A_29], %mul3A_27 {strides = array<i32>} : memref<1000x128xf32, #tpu.memory_space<vmem>>, vector<1000x128xf32>,
    return
  }
  func.func @transform_0(%arg0: i32) -> (i32, i32, i32) {
    %c0_i32 = arith.constant 0 : i32
    %c0_i32_0 = arith.constant 0 : i32
    %c0_i32_1 = arith.constant 0 : i32
    return %c0_i32, %arg0, %c0_i32_0 : i32, i32, i32
  }
  func.func @transform_1(%arg0: i32) -> (i32, i32) {
    %c0_i32 = arith.constant 0 : i32
    %c0_i32_0 = arith.constant 0 : i32
    return %arg0, %c0_i32 : i32, i32
  }
  func.func @transform_2(%arg0: i32) -> (i32, i32) {
    %c0_i32 = arith.constant 0 : i32
    %c0_i32_0 = arith.constant 0 : i32
    return %arg0, %c0_i32 : i32, i32
  }
  func.func @transform_3(%arg0: i32) -> (i32, i32) {
    %c0_i32 = arith.constant 0 : i32
    %c0_i32_0 = arith.constant 0 : i32
    %c0_i32_1 = arith.constant 0 : i32
    return %c0_i32, %c0_i32_0 : i32, i32
  }
  func.func @transform_4(%arg0: i32) -> (i32, i32) {
    %c0_i32 = arith.constant 0 : i32
    %c0_i32_0 = arith.constant 0 : i32
    %c0_i32_1 = arith.constant 0 : i32
    return %c0_i32, %c0_i32_0 : i32, i32
  }
  func.func @transform_5(%arg0: i32) -> (i32, i32) {
    %c0_i32 = arith.constant 0 : i32
    %c0_i32_0 = arith.constant 0 : i32
    return %arg0, %c0_i32 : i32, i32
  }
  func.func @transform_6(%arg0: i32) -> (i32, i32) {
    %c0_i32 = arith.constant 0 : i32
    %c0_i32_0 = arith.constant 0 : i32
    return %arg0, %c0_i32 : i32, i32
  }
}

module attributes {stable_mosaic.version = 14 : i64} {
  func.func @body(%arg0: i32, %arg1: memref<2x1000x128xf32, #tpu.memory_space<vmem>>, %arg2: memref<1000x128xf32, #tpu.memory_space<vmem>>, %arg3: memref<1000x1xf32, #tpu.memory_space<vmem>>, %arg4: memref<1x128xf32, #tpu.memory_space<vmem>>, %arg5: memref<1000x128xf32, #tpu.memory_space<vmem>>, %arg6: memref<128x128xf32, #tpu.memory_space<vmem>>, %arg7: memref<1x128xf32, #tpu.memory_space<vmem>>, %arg8: memref<1000x128xf32, #tpu.memory_space<vmem>>) attributes {dimension_semantics = [#tpu.dimension_semantics<arbitrary>], iteration_bounds = array<i64: 10>, scalar_prefetch = 0 : i64, scratch_operands = 0 : i64, tpu.core_type = #tpu.core_type<tc>, window_params = [{transform_indices = @transform_0, window_bounds = array<i64: 2, 1000, 128>}, {transform_indices = @transform_1, window_bounds = array<i64: 1000, 128>}, {transform_indices = @transform_2, window_bounds = array<i64: 1000, 1>}, {pipeline_mode = #tpu.pipeline_mode<synchronous>, transform_indices = @transform_3, window_bounds = array<i64: 1, 128>}, {transform_indices = @transform_4, window_bounds = array<i64: 1000, 128>}, {pipeline_mode = #tpu.pipeline_mode<synchronous>, transform_indices = @transform_5, window_bounds = array<i64: 128, 128>}, {pipeline_mode = #tpu.pipeline_mode<synchronous>, transform_indices = @transform_6, window_bounds = array<i64: 1, 128>}, {transform_indices = @transform_7, window_bounds = array<i64: 1000, 128>}]} {
    %get3A = arith.constant 0 : index
    %get3A_0 = arith.constant 0 : index
    %get3A_1 = arith.constant 0 : index
    %get3A_2 = vector.load %arg1[%get3A, %get3A_0, %get3A_1] : memref<2x1000x128xf32, #tpu.memory_space<vmem>>, vector<2x1000x128xf32>
    %get3A_3 = arith.constant 0 : index
    %get3A_4 = arith.constant 0 : index
    %get3A_5 = vector.load %arg3[%get3A_3, %get3A_4] : memref<1000x1xf32, #tpu.memory_space<vmem>>, vector<1000x1xf32>
    %slice3A = vector.extract_strided_slice %get3A_2 {offsets = [0, 0, 0], sizes = [1, 1000, 128], strides = [1, 1, 1]} : vector<2x1000x128xf32> to vector<1x1000x128xf32>
    %squeeze3A = vector.shape_cast %slice3A : vector<1x1000x128xf32> to vector<1000x128xf32>
    %slice3A_6 = vector.extract_strided_slice %get3A_2 {offsets = [1, 0, 0], sizes = [1, 1000, 128], strides = [1, 1, 1]} : vector<2x1000x128xf32> to vector<1x1000x128xf32>
    %squeeze3A_7 = vector.shape_cast %slice3A_6 : vector<1x1000x128xf32> to vector<1000x128xf32>
    %add3A = arith.addf %squeeze3A, %squeeze3A_7 : vector<1000x128xf32>
    %get3A_8 = arith.constant 0 : index
    %get3A_9 = arith.constant 0 : index
    %get3A_10 = vector.load %arg2[%get3A_8, %get3A_9] : memref<1000x128xf32, #tpu.memory_space<vmem>>, vector<1000x128xf32>
    %add3A_11 = arith.addf %add3A, %get3A_10 : vector<1000x128xf32>
    %mul3A = vector.broadcast %get3A_5 : vector<1000x1xf32> to vector<1000x128xf32>
    %mul3A_12 = arith.mulf %mul3A, %add3A_11 : vector<1000x128xf32>
    %get3A_13 = arith.constant 0 : index
    %get3A_14 = arith.constant 0 : index
    %get3A_15 = vector.load %arg4[%get3A_13, %get3A_14] : memref<1x128xf32, #tpu.memory_space<vmem>>, vector<1x128xf32>
    %add3A_16 = vector.broadcast %get3A_15 : vector<1x128xf32> to vector<1000x128xf32>
    %add3A_17 = arith.addf %mul3A_12, %add3A_16 : vector<1000x128xf32>
    %max3A = arith.constant 0.000000e+00 : f32
    %max3A_18 = vector.broadcast %max3A : f32 to vector<1000x128xf32>
    %max3A_19 = arith.maximumf %add3A_17, %max3A_18 : vector<1000x128xf32>
    %get3A_20 = arith.constant 0 : index
    %get3A_21 = arith.constant 0 : index
    %get3A_22 = vector.load %arg5[%get3A_20, %get3A_21] : memref<1000x128xf32, #tpu.memory_space<vmem>>, vector<1000x128xf32>
    %add3A_23 = arith.addf %get3A_22, %max3A_19 : vector<1000x128xf32>
    %get3A_24 = arith.constant 0 : index
    %get3A_25 = arith.constant 0 : index
    %get3A_26 = vector.load %arg6[%get3A_24, %get3A_25] : memref<128x128xf32, #tpu.memory_space<vmem>>, vector<128x128xf32>
    %dot_general3A = arith.constant dense<0.000000e+00> : vector<1000x128xf32>
    %dot_general3A_27 = tpu.matmul %add3A_23, %get3A_26, %dot_general3A {dimension_numbers = #tpu.dot_dimension_numbers<[1], [0], [0], [1], [0, 0, 1, 1], [], []>, transpose_lhs_hint = false} : vector<1000x128xf32>, vector<128x128xf32>, vector<1000x128xf32> -> vector<1000x128xf32>
    %get3A_28 = arith.constant 0 : index
    %get3A_29 = arith.constant 0 : index
    %get3A_30 = vector.load %arg7[%get3A_28, %get3A_29] : memref<1x128xf32, #tpu.memory_space<vmem>>, vector<1x128xf32>
    %add3A_31 = vector.broadcast %get3A_30 : vector<1x128xf32> to vector<1000x128xf32>
    %add3A_32 = arith.addf %dot_general3A_27, %add3A_31 : vector<1000x128xf32>
    %swap3A = arith.constant 0 : index
    %swap3A_33 = arith.constant 0 : index
    %swap3A_34 = vector.load %arg8[%swap3A, %swap3A_33] : memref<1000x128xf32, #tpu.memory_space<vmem>>, vector<1000x128xf32>
    tpu.vector_store %arg8[%swap3A, %swap3A_33], %add3A_32 {strides = array<i32>} : memref<1000x128xf32, #tpu.memory_space<vmem>>, vector<1000x128xf32>,
    return
  }
  func.func @transform_0(%arg0: i32) -> (i32, i32, i32) {
    %c0_i32 = arith.constant 0 : i32
    %c0_i32_0 = arith.constant 0 : i32
    %c0_i32_1 = arith.constant 0 : i32
    return %c0_i32, %arg0, %c0_i32_0 : i32, i32, i32
  }
  func.func @transform_1(%arg0: i32) -> (i32, i32) {
    %c0_i32 = arith.constant 0 : i32
    %c0_i32_0 = arith.constant 0 : i32
    return %arg0, %c0_i32 : i32, i32
  }
  func.func @transform_2(%arg0: i32) -> (i32, i32) {
    %c0_i32 = arith.constant 0 : i32
    %c0_i32_0 = arith.constant 0 : i32
    return %arg0, %c0_i32 : i32, i32
  }
  func.func @transform_3(%arg0: i32) -> (i32, i32) {
    %c0_i32 = arith.constant 0 : i32
    %c0_i32_0 = arith.constant 0 : i32
    %c0_i32_1 = arith.constant 0 : i32
    return %c0_i32, %c0_i32_0 : i32, i32
  }
  func.func @transform_4(%arg0: i32) -> (i32, i32) {
    %c0_i32 = arith.constant 0 : i32
    %c0_i32_0 = arith.constant 0 : i32
    return %arg0, %c0_i32 : i32, i32
  }
  func.func @transform_5(%arg0: i32) -> (i32, i32) {
    %c0_i32 = arith.constant 0 : i32
    %c0_i32_0 = arith.constant 0 : i32
    %c0_i32_1 = arith.constant 0 : i32
    return %c0_i32, %c0_i32_0 : i32, i32
  }
  func.func @transform_6(%arg0: i32) -> (i32, i32) {
    %c0_i32 = arith.constant 0 : i32
    %c0_i32_0 = arith.constant 0 : i32
    %c0_i32_1 = arith.constant 0 : i32
    return %c0_i32, %c0_i32_0 : i32, i32
  }
  func.func @transform_7(%arg0: i32) -> (i32, i32) {
    %c0_i32 = arith.constant 0 : i32
    %c0_i32_0 = arith.constant 0 : i32
    return %arg0, %c0_i32 : i32, i32
  }
}

</mosaic_0001>

<sc_bundles>
// kernel: kernel.11.cloned.1.call-start
scs
__scs_entry_jumppad:
0x0: {  	(pc) =	sbr.rel $0x88, $3  }
0x1: {  	(tag) =	ssettag $0x0;
	lr =	simm.s32 $0x1  }
0x2: {  	[smem:$0x3F99] =	sst lr;
	_ =	strace $0xD0000000  }
0x3: {  	_ = 	snop  }
0x4: {  	_ = 	snop  }
0x5: {  	_ = 	snop  }
0x6: {  	_ = 	snop  }
0x7: {  	_ = 	snop  }
__scs_overlays_trampoline_lowered:
0x8: {  	[smem:$0x3FA8] =	sst s0  }
0x9: {  	[smem:$0x3FA9] =	sst s1  }
0xa: {  	[smem:$0x3FAA] =	sst s2  }
0xb: {  	[smem:$0x3FAB] =	sst s3  }
0xc: {  	[smem:$0x3FAC] =	sst s4  }
0xd: {  	[smem:$0x3FAD] =	sst s5  }
0xe: {  	[smem:$0x3FAE] =	sst s6  }
0xf: {  	[smem:$0x3FAF] =	sst s7  }
0x10: {  	[smem:$0x3FB0] =	sst s8  }
0x11: {  	[smem:$0x3FB1] =	sst s9;
	s0 =	simm.s32 @!p0 $0x0  }
0x12: {  	s1 =	sld [smem:$0x3F97];
	s0 =	simm.s32 @p0 $0x1  }
0x13: {  	[smem:$0x3FB2] =	sst s0;
	s0 =	simm.s32 @!p1 $0x0  }
0x14: {  	s2 =	sld [smem:$0x3F96];
	s0 =	simm.s32 @p1 $0x1  }
0x15: {  	[smem:$0x3FB3] =	sst s0;
	s0 =	simm.s32 @!p2 $0x0  }
0x16: {  	s3 =	sld [smem:$0x3FDB];
	s0 =	simm.s32 @p2 $0x1  }
0x17: {  	s4 =	simm.s32 $0x1BF5;
	[smem:$0x3FB5] =	sst s0  }
0x18: {  	s0 =	sld [smem:$0x3F98];
	_ =	swait.ge [sflag:s4], $0x0  }
0x19: {  	s7 =	sld [smem:$0x3F99]  }
0x1a: {  	s8 =	sadd.s32 $0xFFFFE003, lr  }
0x1b: {  	s9 =	sadd.s32 $0xFFFFFEF7, lr;
	s5 =	simm.s32 $0xFFFFFFFF;
	p2 =	slt.u32 s8, $0xFFFFF086  }
0x1c: {  	p1 =	slt.u32 s9, $0xF7A;
	s5 =	simm.s32 @!p2 $0x0  }
0x1d: {  	s5 =	simm.s32 @p1 $0x1;
	p0 =	seq.s32 s7, s2  }
0x1e: {  	s7 =	smul.u32 @!p0 $0xF7A, s2;
	p2 =	seq.s32 @!p0 s5, $0x0  }
0x1f: {  	s9 =	smul.u32 $0xF7A, s1;
	s8 =	simm.s32 @!p0 $0x1BF5;
	p2 =	por !p2, p0  }
0x20: {  	[sflag:s8] =	ssyncset.s32 @!p0 $0xFFFFF086;
	s6 =	sadd.s32 @!p0 s3, s7;
	s7 =	simm.s32 @!p0 $0x108  }
0x21: {  	s3 =	sadd.s32 s3, s9;
	s6 =	sadd.s32 @!p0 $0x88, s6;
	s7 =	simm.s32 @p2 $0x1082  }
0x22: {  	[simem:s7], [sflag:s8] =	dma.local @!p0 [hbm:s6], $0xF7A  }
0x23: {  	s9 =	sor.u32 $0xD0000000, s2;
	s6 =	simm.s32 $0x108;
	_ =	swait.ge @!p0 [sflag:s8], $0x0  }
0x24: {  	s3 =	sadd.s32 $0x88, s3;
	s6 =	simm.s32 @!p1 $0x1082;
	[sflag:s4] =	ssyncset.s32 $0xFFFFF086  }
0x25: {  	[simem:s6], [sflag:s4] =	dma.local [hbm:s3], $0xF7A  }
0x26: {  	[smem:$0x3F99] =	sst s1;
	(tag) =	ssettag s2;
	_ =	strace s9  }
0x27: {  	s1 =	sld [smem:$0x3FA9]  }
0x28: {  	s2 =	sld [smem:$0x3FAA]  }
0x29: {  	s4 =	sld [smem:$0x3FAC]  }
0x2a: {  	p0 =	seq.s32 s5, $0x0;
	s5 =	sld [smem:$0x3FAD]  }
0x2b: {  	s6 =	sld [smem:$0x3FAE]  }
0x2c: {  	s7 =	sld [smem:$0x3FAF]  }
0x2d: {  	s3 =	simm.s32 $0x108;
	s8 =	sld [smem:$0x3FB0]  }
0x2e: {  	s3 =	simm.s32 @!p0 $0x1082;
	s9 =	sld [smem:$0x3FB1]  }
0x2f: {  	lr =	sadd.s32 s0, s3;
	s0 =	sld [smem:$0x3FA8]  }
0x30: {  	s3 =	sld [smem:$0x3FAB]  }
0x31: {  	[smem:$0x3FB4] =	sst s10  }
0x32: {  	s10 =	sld [smem:$0x3FB2];
	_ =	sdelay $0x3  }
0x33: {  	p0 =	seq.s32 s10, $0x1;
	s10 =	sld [smem:$0x3FB4];
	_ =	sdelay $0x3  }
0x34: {  	[smem:$0x3FB4] =	sst s10  }
0x35: {  	s10 =	sld [smem:$0x3FB3];
	_ =	sdelay $0x3  }
0x36: {  	p1 =	seq.s32 s10, $0x1;
	s10 =	sld [smem:$0x3FB4];
	_ =	sdelay $0x3  }
0x37: {  	[smem:$0x3FB4] =	sst s10  }
0x38: {  	s10 =	sld [smem:$0x3FB5]  }
0x39: {  	_ = 	snop;
	(pc) =	sbr.ind lr, $3  }
0x3a: {  	_ = 	snop  }
0x3b: {  	_ = 	snop  }
0x3c: {  	p2 =	seq.s32 s10, $0x1;
	s10 =	sld [smem:$0x3FB4]  }
0x3d: {  	_ =	shalt  }
0x3e: {  	_ =	shalt  }
0x3f: {  	_ =	shalt  }
0x40: {  	_ =	shalt  }
0x41: {  	_ =	shalt  }
0x42: {  	_ =	shalt  }
0x43: {  	_ =	shalt  }
0x44: {  	_ =	shalt  }
0x45: {  	_ =	shalt  }
0x46: {  	_ =	shalt  }
0x47: {  	_ =	shalt  }
0x48: {  	_ =	shalt  }
0x49: {  	_ =	shalt  }
0x4a: {  	_ =	shalt  }
0x4b: {  	_ =	shalt  }
0x4c: {  	_ =	shalt  }
0x4d: {  	_ =	shalt  }
0x4e: {  	_ =	shalt  }
0x4f: {  	_ =	shalt  }
0x50: {  	_ =	shalt  }
0x51: {  	_ =	shalt  }
0x52: {  	_ =	shalt  }
0x53: {  	_ =	shalt  }
0x54: {  	_ =	shalt  }
0x55: {  	_ =	shalt  }
0x56: {  	_ =	shalt  }
0x57: {  	_ =	shalt  }
0x58: {  	_ =	shalt  }
0x59: {  	_ =	shalt  }
0x5a: {  	_ =	shalt  }
0x5b: {  	_ =	shalt  }
0x5c: {  	_ =	shalt  }
0x5d: {  	_ =	shalt  }
0x5e: {  	_ =	shalt  }
0x5f: {  	_ =	shalt  }
0x60: {  	_ =	shalt  }
0x61: {  	_ =	shalt  }
0x62: {  	_ =	shalt  }
0x63: {  	_ =	shalt  }
0x64: {  	_ =	shalt  }
0x65: {  	_ =	shalt  }
0x66: {  	_ =	shalt  }
0x67: {  	_ =	shalt  }
0x68: {  	_ =	shalt  }
0x69: {  	_ =	shalt  }
0x6a: {  	_ =	shalt  }
0x6b: {  	_ =	shalt  }
0x6c: {  	_ =	shalt  }
0x6d: {  	_ =	shalt  }
0x6e: {  	_ =	shalt  }
0x6f: {  	_ =	shalt  }
0x70: {  	_ =	shalt  }
0x71: {  	_ =	shalt  }
0x72: {  	_ =	shalt  }
0x73: {  	_ =	shalt  }
0x74: {  	_ =	shalt  }
0x75: {  	_ =	shalt  }
0x76: {  	_ =	shalt  }
0x77: {  	_ =	shalt  }
0x78: {  	_ =	shalt  }
0x79: {  	_ =	shalt  }
0x7a: {  	_ =	shalt  }
0x7b: {  	_ =	shalt  }
0x7c: {  	_ =	shalt  }
0x7d: {  	_ =	shalt  }
0x7e: {  	_ =	shalt  }
0x7f: {  	_ =	shalt  }
0x80: {  	_ =	shalt  }
0x81: {  	_ =	shalt  }
0x82: {  	_ =	shalt  }
0x83: {  	_ =	shalt  }
0x84: {  	_ =	shalt  }
0x85: {  	_ =	shalt  }
0x86: {  	_ =	shalt  }
0x87: {  	_ =	shalt  }
.Lfunc_end0:
.L_simem_size_0:
called_computation.1_lowered:
.L_overlay_start_0:
0x88: {  	s2 =	sld [smem:$0x3FD9]  }
0x89: {  	s3 =	sld [smem:$0x3FFE];
	_ =	sdelay $0x1  }
0x8a: {  	s1 =	srdreg.scid  }
0x8b: {  	s0 =	sand.u32 $0x1, s1  }
0x8c: {  	s17 =	sshll.u32 s0, $0xA;
	s2 =	sadd.s32 s3, s2  }
0x8d: {  	s2 =	sadd.s32 s2, s17  }
0x8e: {  	[smem:$0x3FC0] =	sst s2  }
0x8f: {  	_ = 	snop  }
0x90: {  	s2 =	sld [smem:$0x3FD0];
	(tm) =	ssettm $0x1  }
0x91: {  	s18 =	sld [smem:$0x3FFB];
	_ =	sdelay $0x3  }
0x92: {  	_ =	strace s18  }
0x93: {  	s3 =	sld [smem:$0x3FFC];
	_ =	sdelay $0x3  }
0x94: {  	_ =	strace s3  }
0x95: {  	s3 =	sld [smem:$0x3FFD];
	_ =	sdelay $0x3  }
0x96: {  	_ =	strace s3  }
0x97: {  	_ =	strace $0x8FFFFFFF  }
0x98: {  	s19 =	sld [smem:$0x3FDB];
	_ =	sdelay $0x1  }
0x99: {  	s4 =	simm.s32 $_scs_section_size  }
0x9a: {  	s5 =	simm.s32 $_size__tile_overlayer_lowered;
	s6 =	simm.s32 $_tile_overlayer_lowered  }
0x9b: {  	s22 =	simm.s32 $0x1BFF;
	s21 =	sshll.u32 s6, $0x1;
	s3 =	sadd.s32 s4, s19  }
0x9c: {  	s7 =	simm.s32 $0x0;
	s20 =	sshll.u32 s5, $0x1;
	s5 =	sadd.s32 s21, s3  }
0x9d: {  	[timem:s7], [sflag:s22] =	dma.local [hbm:s5], s20  }
0x9e: {  	_ =	swait.ge [sflag:s22], s20  }
0x9f: {  	s4 =	ssub.s32 $0x0, s20;
	[sflag:s22] =	ssyncset.done $0x0  }
0xa0: {  	[sflag:s22] =	ssyncadd.s32 s4;
	_ =	sdelay $0x1  }
0xa1: {  	s23 =	simm.s32 $0x1B8B  }
0xa2: {  	_ =	swait.ge [sflag:s23], $0x1  }
0xa3: {  	[sflag:s23] =	ssyncset.done $0x0  }
0xa4: {  	s25 =	simm.s32 $0x1B8E;
	s24 =	sld [smem:$0x3FFE];
	[sflag:s23] =	ssyncadd.s32 $0xFFFFFFFF  }
0xa5: {  	s26 =	simm.s32 $execute0_lowered;
	[smem:$0x3FD2] =	sst s25  }
0xa6: {  	s5 =	sshll.u32 s26, $0x1;
	_ =	strace $0x80000049;
	[dreg:$0x1] =	wrdreg $0xFFFFFFFF  }
0xa7: {  	s28 =	simm.s32 $_size_execute0_lowered;
	s3 =	sadd.s32 s3, s5;
	[dreg:$0x0] =	wrdreg $0x0  }
0xa8: {  	s5 =	sshll.u32 s28, $0x1;
	[dreg:$0x2] =	wrdreg s3  }
0xa9: {  	[dreg:$0x3] =	wrdreg s5  }
0xaa: {  	[dreg:$0x4] =	wrdreg $0xC0  }
0xab: {  	_ =	task [dreg:s7], $0x5FFFF  }
0xac: {  	[dreg:$0x1] =	wrdreg $0xFFFFFFFF  }
0xad: {  	[dreg:$0x0] =	wrdreg $0x60  }
0xae: {  	[dreg:$0x2] =	wrdreg s2  }
0xaf: {  	[dreg:$0x3] =	wrdreg s24  }
0xb0: {  	[dreg:$0x4] =	wrdreg $0x90000  }
0xb1: {  	[dreg:$0x5] =	wrdreg $0x9  }
0xb2: {  	_ =	task.clear_ibuf [dreg:s7], $0x6FFFF;
	_ =	strace $0x90000049  }
0xb3: {  	s29 =	simm.s32 $0x9;
	_ =	strace $0x8000004B  }
0xb4: {  	_ =	swait.ge [sflag:s29], $0x1  }
0xb5: {  	[sflag:s29] =	ssyncadd.s32 $0xFFFFFFFF  }
0xb6: {  	_ =	strace $0x9000004B  }
0xb7: {  	_ =	sfence  }
0xb8: {  	s30 =	sld [smem:$0x0];
	_ =	sdelay $0x2  }
0xb9: {  	s31 =	sshll.u32 s1, $0xD;
	s1 =	sshrl.u32 s1, $0x2  }
0xba: {  	s3 =	sand.u32 $0x4000, s31;
	s1 =	sadd.s32 s1, s30  }
0xbb: {  	s0 =	sor.u32 s3, s0;
	s1 =	sshll.u32 s1, $0x11  }
0xbc: {  	s0 =	sor.u32 s1, s0  }
0xbd: {  	s0 =	sadd.s32 $0x8F2B, s0  }
0xbe: {  	[sflag:s0] =	ssyncadd.remote.s32 $0x1  }
0xbf: {  	_ =	sfence.sel $0xFFFF  }
0xc0: {  	[dreg:$0x0] =	wrdreg $0xFFFFFFFF;
	(pc) =	sbr.abs _section_cstart, $3  }
0xc1: {  	[dreg:$0x1] =	wrdreg $0xFFFFFFFF  }
0xc2: {  	_ =	task.clear_ibuf [dreg:s7], $0x2FFFF;
	_ =	strace $0x9FFFFFFF  }
0xc3: {  	(tm) =	ssettm $0x7FFFFFFF  }
tec
execute0_lowered:
.L_overlay_start_1:
0x0: {  	(tag) =	ssettag $0x1  }
0x1: {  	s1 =	rddreg [dreg:$0x0]  }
0x2: {  	s0 =	rddreg [dreg:$0x1]  }
0x3: {  	s3 =	rddreg [dreg:$0x2]  }
0x4: {  	s2 =	srdreg.scid;
	s12 =	stileid.u32;
	s4 =	simm.s32 $0x0  }
0x5: {  	s17 =	simm.s32 $0x7;
	s28 =	simm.s32 $0x4;
	s29 =	simm.s32 $0x5  }
0x6: {  	s30 =	simm.s32 $0x6;
	s18 =	simm.s32 $0x0;
	s2 =	sand.u32 $0x1, s2  }
0x7: {  	s7 =	smul.u32 $0x2780, s12;
	[smem:$0x7FF] =	sst s4;
	s5 =	sadd.s32 $0x2400, s0  }
0x8: {  	s6 =	sadd.s32 $0xC400, s0;
	s19 =	sadd.s32 $0x16400, s0;
	s10 =	smul.u32 $0x4F000, s12  }
0x9: {  	s9 =	sshll.u32 s12, $0x4;
	s22 =	sshll.u32 s12, $0x6;
	s8 =	smul.u32 $0x27800, s2  }
0xa: {  	_ =	strace $0x8000004A;
	[dreg:$0x6] =	wrdreg s19;
	s20 =	ssub.s32 $0x2, s2  }
0xb: {  	p0 =	seq.s32 s2, $0x0;
	s2 =	sor.u32 $0x900, s9;
	s11 =	sshrl.u32 s20, $0x1  }
0xc: {  	s21 =	sshrl.u32 s10, $0x2;
	s7 =	sadd.s32 s7, s8;
	s15 =	ssub.s32 s20, s11  }
0xd: {  	s8 =	sor.u32 $0x1C07, s22;
	s20 =	simm.s32 $0xC00;
	s22 =	simm.s32 $0x1000  }
0xe: {  	s0 =	sadd.s32 s7, s0;
	s7 =	smul.u32 $0x90, s12;
	s12 =	simm.s32 $0x11  }
0xf: {  	s15 =	smax.u32 s15, $0x1;
	s12 =	simm.s32 @!p0 $0x1;
	s14 =	sadd.s32 $0x18C00, s0  }
0x10: {  	s2 =	smov.u32 @p0 s7;
	s7 =	sadd.s32 s21, s3;
	s31 =	sshll.u32 s12, $0xA  }
0x11: {  	s23 =	sshll.u32 s2, $0x4;
	s2 =	sshrl.u32 s2, $0x3;
	[dreg:$0x5] =	wrdreg s31  }
0x12: {  	s21 =	simm.s32 $0x80;
	s24 =	sadd.s32 s5, s23;
	[dreg:$0x4] =	wrdreg s2  }
0x13: {  	s16 =	sshrl.u32 s7, $0x3;
	s25 =	sadd.s32 s6, s23;
	[dreg:$0x7] =	wrdreg s24  }
0x14: {  	s13 =	sor.u32 $0x80, s23;
	s23 =	simm.s32 $0x5000;
	[dreg:$0x8] =	wrdreg s25  }
0x15: {  	s26 =	sadd.s32 s5, s13;
	s13 =	sadd.s32 s6, s13;
	s24 =	simm.s32 $0x1  }
0x16: {  	s25 =	simm.s32 $0x2;
	[dreg:$0x9] =	wrdreg s26;
	s26 =	simm.s32 $0x3  }
.LBB2_1:
0x17: {  	s0 =	rddreg [dreg:$0x6]  }
0x18: {  	[spmem:s16], [sflag:s8] =	dma.local [hbm:s0], $0x2780  }
0x19: {  	_ =	swait.ge [sflag:s17], $0x2780  }
0x1a: {  	[sflag:s17] =	ssyncset.done $0x0  }
0x1b: {  	[sflag:s17] =	ssyncadd.s32 $0xFFFFD880  }
0x1c: {  	[bflag:$0x0] =	sbarrier.arrive $0xFFFF  }
0x1d: {  	s2 =	rddreg [dreg:$0x7]  }
0x1e: {  	[tilespmem:s4], [sflag:$0x7] =	stream.linear.gather [hbm4b:s2+s4], $0x400, $0x38;
	[tilespmem:$0x1CC00] =	vst v63  }
0x1f: {  	_ =	swait.ge [sflag:s17], $0x400  }
0x20: {  	[sflag:s17] =	ssyncset.done $0x0  }
0x21: {  	s2 =	simm.s32 $0x800;
	s7 =	rddreg [dreg:$0x8];
	[sflag:s17] =	ssyncadd.s32 $0xFFFFFC00  }
0x22: {  	[tilespmem:s2], [sflag:$0x7] =	stream.linear.gather [hbm4b:s7+s4], $0x400, $0x38;
	[tilespmem:$0x1CC00] =	vst v63  }
0x23: {  	_ =	swait.ge [sflag:s17], $0x400  }
0x24: {  	[sflag:s17] =	ssyncset.done $0x0  }
0x25: {  	s10 =	simm.s32 $0x400;
	s9 =	rddreg [dreg:$0x9];
	[sflag:s17] =	ssyncadd.s32 $0xFFFFFC00  }
0x26: {  	[tilespmem:s10], [sflag:$0x5] =	stream.linear.gather [hbm4b:s9+s4], $0x400, $0x38;
	[tilespmem:$0x1CC00] =	vst v63  }
0x27: {  	_ = 	snop  }
0x28: {  	[tilespmem:s20], [sflag:$0x6] =	stream.linear.gather [hbm4b:s13+s4], $0x400, $0x38;
	[tilespmem:$0x1CC00] =	vst v63  }
0x29: {  	_ = 	snop  }
0x2a: {  	[tilespmem:s22], [sflag:$0x1] =	stream.indirect.gather [hbm4b:s1+s21], $0x80, s4, s21, $0xb8;
	[tilespmem:$0x1CC00] =	vst v63  }
0x2b: {  	_ = 	snop  }
0x2c: {  	[tilespmem:s23], [sflag:$0x2] =	stream.indirect.gather [hbm4b:s1+s21], $0x80, s21, s21, $0xb8;
	[tilespmem:$0x1CC00] =	vst v63  }
0x2d: {  	_ =	swait.ge [sflag:s24], $0x4000  }
0x2e: {  	s19 =	sand.u32 $0x400, s4;
	[sflag:s24] =	ssyncset.done $0x0  }
0x2f: {  	s31 =	sor.u32 $0x800, s19;
	[sflag:s24] =	ssyncadd.s32 $0xFFFFC000  }
0x30: {  	[spmem:s3] =	stream.indirect.scatter.add.f32 [tilespmem:s22], [sflag:$0x3], $0x80, s31, s21, $0xb8;
	[tilespmem:$0x1CC00] =	vst v63  }
0x31: {  	_ =	swait.ge [sflag:s25], $0x4000  }
0x32: {  	[sflag:s25] =	ssyncset.done $0x0  }
0x33: {  	s11 =	sor.u32 $0x880, s19;
	[sflag:s25] =	ssyncadd.s32 $0xFFFFC000  }
0x34: {  	[spmem:s3] =	stream.indirect.scatter.add.f32 [tilespmem:s23], [sflag:$0x4], $0x80, s11, s21, $0xb8;
	[tilespmem:$0x1CC00] =	vst v63  }
0x35: {  	_ =	swait.ge [sflag:s26], $0x4000  }
0x36: {  	[sflag:s26] =	ssyncset.done $0x0  }
0x37: {  	s2 =	sor.u32 $0x100, s19;
	[sflag:s26] =	ssyncadd.s32 $0xFFFFC000  }
0x38: {  	[tilespmem:s22], [sflag:$0x1] =	stream.indirect.gather [hbm4b:s1+s21], $0x80, s2, s21, $0xb8;
	[tilespmem:$0x1CC00] =	vst v63  }
0x39: {  	_ =	swait.ge [sflag:s28], $0x4000  }
0x3a: {  	[sflag:s28] =	ssyncset.done $0x0  }
0x3b: {  	s7 =	sor.u32 $0x180, s19;
	[sflag:s28] =	ssyncadd.s32 $0xFFFFC000  }
0x3c: {  	[tilespmem:s23], [sflag:$0x2] =	stream.indirect.gather [hbm4b:s1+s21], $0x80, s7, s21, $0xb8;
	[tilespmem:$0x1CC00] =	vst v63  }
0x3d: {  	_ =	swait.ge [sflag:s24], $0x4000  }
0x3e: {  	[sflag:s24] =	ssyncset.done $0x0  }
0x3f: {  	s9 =	sor.u32 $0x900, s19;
	[sflag:s24] =	ssyncadd.s32 $0xFFFFC000  }
0x40: {  	[spmem:s3] =	stream.indirect.scatter.add.f32 [tilespmem:s22], [sflag:$0x3], $0x80, s9, s21, $0xb8;
	[tilespmem:$0x1CC00] =	vst v63  }
0x41: {  	_ =	swait.ge [sflag:s25], $0x4000  }
0x42: {  	[sflag:s25] =	ssyncset.done $0x0  }
0x43: {  	s10 =	sor.u32 $0x980, s19;
	[sflag:s25] =	ssyncadd.s32 $0xFFFFC000  }
0x44: {  	[spmem:s3] =	stream.indirect.scatter.add.f32 [tilespmem:s23], [sflag:$0x4], $0x80, s10, s21, $0xb8;
	[tilespmem:$0x1CC00] =	vst v63  }
0x45: {  	_ =	swait.ge [sflag:s26], $0x4000  }
0x46: {  	[sflag:s26] =	ssyncset.done $0x0  }
0x47: {  	s11 =	sor.u32 $0x200, s19;
	[sflag:s26] =	ssyncadd.s32 $0xFFFFC000  }
0x48: {  	[tilespmem:s22], [sflag:$0x1] =	stream.indirect.gather [hbm4b:s1+s21], $0x80, s11, s21, $0xb8;
	[tilespmem:$0x1CC00] =	vst v63  }
0x49: {  	_ =	swait.ge [sflag:s28], $0x4000  }
0x4a: {  	[sflag:s28] =	ssyncset.done $0x0  }
0x4b: {  	s2 =	sor.u32 $0x280, s19;
	[sflag:s28] =	ssyncadd.s32 $0xFFFFC000  }
0x4c: {  	[tilespmem:s23], [sflag:$0x2] =	stream.indirect.gather [hbm4b:s1+s21], $0x80, s2, s21, $0xb8;
	[tilespmem:$0x1CC00] =	vst v63  }
0x4d: {  	_ =	swait.ge [sflag:s24], $0x4000  }
0x4e: {  	[sflag:s24] =	ssyncset.done $0x0  }
0x4f: {  	s7 =	sor.u32 $0xA00, s19;
	[sflag:s24] =	ssyncadd.s32 $0xFFFFC000  }
0x50: {  	[spmem:s3] =	stream.indirect.scatter.add.f32 [tilespmem:s22], [sflag:$0x3], $0x80, s7, s21, $0xb8;
	[tilespmem:$0x1CC00] =	vst v63  }
0x51: {  	_ =	swait.ge [sflag:s25], $0x4000  }
0x52: {  	[sflag:s25] =	ssyncset.done $0x0  }
0x53: {  	s9 =	sor.u32 $0xA80, s19;
	[sflag:s25] =	ssyncadd.s32 $0xFFFFC000  }
0x54: {  	[spmem:s3] =	stream.indirect.scatter.add.f32 [tilespmem:s23], [sflag:$0x4], $0x80, s9, s21, $0xb8;
	[tilespmem:$0x1CC00] =	vst v63  }
0x55: {  	_ =	swait.ge [sflag:s26], $0x4000  }
0x56: {  	[sflag:s26] =	ssyncset.done $0x0  }
0x57: {  	s10 =	sor.u32 $0x300, s19;
	[sflag:s26] =	ssyncadd.s32 $0xFFFFC000  }
0x58: {  	[tilespmem:s22], [sflag:$0x1] =	stream.indirect.gather [hbm4b:s1+s21], $0x80, s10, s21, $0xb8;
	[tilespmem:$0x1CC00] =	vst v63  }
0x59: {  	_ =	swait.ge [sflag:s28], $0x4000  }
0x5a: {  	[sflag:s28] =	ssyncset.done $0x0  }
0x5b: {  	s11 =	sor.u32 $0x380, s19;
	[sflag:s28] =	ssyncadd.s32 $0xFFFFC000  }
0x5c: {  	[tilespmem:s23], [sflag:$0x2] =	stream.indirect.gather [hbm4b:s1+s21], $0x80, s11, s21, $0xb8;
	[tilespmem:$0x1CC00] =	vst v63  }
0x5d: {  	_ =	swait.ge [sflag:s24], $0x4000  }
0x5e: {  	[sflag:s24] =	ssyncset.done $0x0  }
0x5f: {  	s2 =	sor.u32 $0xB00, s19;
	[sflag:s24] =	ssyncadd.s32 $0xFFFFC000  }
0x60: {  	[spmem:s3] =	stream.indirect.scatter.add.f32 [tilespmem:s22], [sflag:$0x3], $0x80, s2, s21, $0xb8;
	[tilespmem:$0x1CC00] =	vst v63  }
0x61: {  	_ =	swait.ge [sflag:s25], $0x4000  }
0x62: {  	[sflag:s25] =	ssyncset.done $0x0  }
0x63: {  	s7 =	sor.u32 $0xB80, s19;
	[sflag:s25] =	ssyncadd.s32 $0xFFFFC000  }
0x64: {  	[spmem:s3] =	stream.indirect.scatter.add.f32 [tilespmem:s23], [sflag:$0x4], $0x80, s7, s21, $0xb8;
	[tilespmem:$0x1CC00] =	vst v63  }
0x65: {  	_ =	swait.ge [sflag:s29], $0x400  }
0x66: {  	[sflag:s29] =	ssyncset.done $0x0  }
0x67: {  	[sflag:s29] =	ssyncadd.s32 $0xFFFFFC00  }
0x68: {  	_ =	swait.ge [sflag:s30], $0x400  }
0x69: {  	[sflag:s30] =	ssyncset.done $0x0  }
0x6a: {  	[sflag:s30] =	ssyncadd.s32 $0xFFFFFC00  }
0x6b: {  	_ =	swait.ge [sflag:s26], $0x4000  }
0x6c: {  	[sflag:s26] =	ssyncset.done $0x0  }
0x6d: {  	s9 =	sxor.u32 $0x400, s19;
	[sflag:s26] =	ssyncadd.s32 $0xFFFFC000  }
0x6e: {  	[tilespmem:s22], [sflag:$0x1] =	stream.indirect.gather [hbm4b:s1+s21], $0x80, s9, s21, $0xb8;
	[tilespmem:$0x1CC00] =	vst v63  }
0x6f: {  	_ =	swait.ge [sflag:s28], $0x4000  }
0x70: {  	p0 =	sgt.s32 s12, $0x2;
	s0 =	smov.u32 s12;
	s7 =	rddreg [dreg:$0x5]  }
0x71: {  	s0 =	smov.u32 @p0 s25;
	p0 =	sne.s32 s7, $0x400  }
.Ltmp0:
0x72: {  	[sflag:s28] =	ssyncset.done $0x0;
	s11 =	rddreg [dreg:$0x4];
	(pc) =	sbr.rel @!p0 .LBB2_3-.Ltmp0, $4  }
0x73: {  	s10 =	sxor.u32 $0x480, s19;
	[sflag:s28] =	ssyncadd.s32 $0xFFFFC000;
	s0 =	sadd.s32 s11, s0  }
0x74: {  	[tilespmem:s23], [sflag:$0x2] =	stream.indirect.gather [hbm4b:s1+s21], $0x80, s10, s21, $0xb8;
	[tilespmem:$0x1CC00] =	vst v63  }
0x75: {  	s2 =	sshll.u32 s0, $0x7  }
0x76: {  	s0 =	simm.s32 $0x400;
	s7 =	sand.u32 $0x1FFFFF80, s2;
	s2 =	simm.s32 $0x3  }
.LBB2_2:
0x77: {  	s9 =	sadd.s32 s5, s7  }
0x78: {  	[tilespmem:s19], [sflag:$0x5] =	stream.linear.gather [hbm4b:s9+s4], $0x400, $0x38;
	[tilespmem:$0x1CC00] =	vst v63  }
0x79: {  	s11 =	sadd.s32 s6, s7  }
0x7a: {  	[tilespmem:s31], [sflag:$0x6] =	stream.linear.gather [hbm4b:s11+s4], $0x400, $0x38;
	[tilespmem:$0x1CC00] =	vst v63  }
0x7b: {  	s10 =	smov.u32 s0;
	_ =	swait.ge [sflag:s24], $0x4000  }
0x7c: {  	s19 =	sand.u32 $0x400, s10;
	[sflag:s24] =	ssyncset.done $0x0  }
0x7d: {  	s31 =	sor.u32 $0x800, s19;
	[sflag:s24] =	ssyncadd.s32 $0xFFFFC000  }
0x7e: {  	[spmem:s3] =	stream.indirect.scatter.add.f32 [tilespmem:s22], [sflag:$0x3], $0x80, s31, s21, $0xb8;
	[tilespmem:$0x1CC00] =	vst v63  }
0x7f: {  	_ =	swait.ge [sflag:s25], $0x4000  }
0x80: {  	[sflag:s25] =	ssyncset.done $0x0  }
0x81: {  	s11 =	sor.u32 $0x880, s19;
	[sflag:s25] =	ssyncadd.s32 $0xFFFFC000  }
0x82: {  	[spmem:s3] =	stream.indirect.scatter.add.f32 [tilespmem:s23], [sflag:$0x4], $0x80, s11, s21, $0xb8;
	[tilespmem:$0x1CC00] =	vst v63  }
0x83: {  	_ =	swait.ge [sflag:s26], $0x4000  }
0x84: {  	[sflag:s26] =	ssyncset.done $0x0  }
0x85: {  	s9 =	sor.u32 $0x100, s19;
	[sflag:s26] =	ssyncadd.s32 $0xFFFFC000  }
0x86: {  	[tilespmem:s22], [sflag:$0x1] =	stream.indirect.gather [hbm4b:s1+s21], $0x80, s9, s21, $0xb8;
	[tilespmem:$0x1CC00] =	vst v63  }
0x87: {  	_ =	swait.ge [sflag:s28], $0x4000  }
0x88: {  	[sflag:s28] =	ssyncset.done $0x0  }
0x89: {  	s10 =	sor.u32 $0x180, s19;
	[sflag:s28] =	ssyncadd.s32 $0xFFFFC000  }
0x8a: {  	[tilespmem:s23], [sflag:$0x2] =	stream.indirect.gather [hbm4b:s1+s21], $0x80, s10, s21, $0xb8;
	[tilespmem:$0x1CC00] =	vst v63  }
0x8b: {  	_ =	swait.ge [sflag:s24], $0x4000  }
0x8c: {  	[sflag:s24] =	ssyncset.done $0x0  }
0x8d: {  	s11 =	sor.u32 $0x900, s19;
	[sflag:s24] =	ssyncadd.s32 $0xFFFFC000  }
0x8e: {  	[spmem:s3] =	stream.indirect.scatter.add.f32 [tilespmem:s22], [sflag:$0x3], $0x80, s11, s21, $0xb8;
	[tilespmem:$0x1CC00] =	vst v63  }
0x8f: {  	_ =	swait.ge [sflag:s25], $0x4000  }
0x90: {  	[sflag:s25] =	ssyncset.done $0x0  }
0x91: {  	s9 =	sor.u32 $0x980, s19;
	[sflag:s25] =	ssyncadd.s32 $0xFFFFC000  }
0x92: {  	[spmem:s3] =	stream.indirect.scatter.add.f32 [tilespmem:s23], [sflag:$0x4], $0x80, s9, s21, $0xb8;
	[tilespmem:$0x1CC00] =	vst v63  }
0x93: {  	_ =	swait.ge [sflag:s26], $0x4000  }
0x94: {  	[sflag:s26] =	ssyncset.done $0x0  }
0x95: {  	s10 =	sor.u32 $0x200, s19;
	[sflag:s26] =	ssyncadd.s32 $0xFFFFC000  }
0x96: {  	[tilespmem:s22], [sflag:$0x1] =	stream.indirect.gather [hbm4b:s1+s21], $0x80, s10, s21, $0xb8;
	[tilespmem:$0x1CC00] =	vst v63  }
0x97: {  	_ =	swait.ge [sflag:s28], $0x4000  }
0x98: {  	[sflag:s28] =	ssyncset.done $0x0  }
0x99: {  	s11 =	sor.u32 $0x280, s19;
	[sflag:s28] =	ssyncadd.s32 $0xFFFFC000  }
0x9a: {  	[tilespmem:s23], [sflag:$0x2] =	stream.indirect.gather [hbm4b:s1+s21], $0x80, s11, s21, $0xb8;
	[tilespmem:$0x1CC00] =	vst v63  }
0x9b: {  	_ =	swait.ge [sflag:s24], $0x4000  }
0x9c: {  	[sflag:s24] =	ssyncset.done $0x0  }
0x9d: {  	s9 =	sor.u32 $0xA00, s19;
	[sflag:s24] =	ssyncadd.s32 $0xFFFFC000  }
0x9e: {  	[spmem:s3] =	stream.indirect.scatter.add.f32 [tilespmem:s22], [sflag:$0x3], $0x80, s9, s21, $0xb8;
	[tilespmem:$0x1CC00] =	vst v63  }
0x9f: {  	_ =	swait.ge [sflag:s25], $0x4000  }
0xa0: {  	[sflag:s25] =	ssyncset.done $0x0  }
0xa1: {  	s10 =	sor.u32 $0xA80, s19;
	[sflag:s25] =	ssyncadd.s32 $0xFFFFC000  }
0xa2: {  	[spmem:s3] =	stream.indirect.scatter.add.f32 [tilespmem:s23], [sflag:$0x4], $0x80, s10, s21, $0xb8;
	[tilespmem:$0x1CC00] =	vst v63  }
0xa3: {  	_ =	swait.ge [sflag:s26], $0x4000  }
0xa4: {  	[sflag:s26] =	ssyncset.done $0x0  }
0xa5: {  	s11 =	sor.u32 $0x300, s19;
	[sflag:s26] =	ssyncadd.s32 $0xFFFFC000  }
0xa6: {  	[tilespmem:s22], [sflag:$0x1] =	stream.indirect.gather [hbm4b:s1+s21], $0x80, s11, s21, $0xb8;
	[tilespmem:$0x1CC00] =	vst v63  }
0xa7: {  	_ =	swait.ge [sflag:s28], $0x4000  }
0xa8: {  	[sflag:s28] =	ssyncset.done $0x0  }
0xa9: {  	s9 =	sor.u32 $0x380, s19;
	[sflag:s28] =	ssyncadd.s32 $0xFFFFC000  }
0xaa: {  	[tilespmem:s23], [sflag:$0x2] =	stream.indirect.gather [hbm4b:s1+s21], $0x80, s9, s21, $0xb8;
	[tilespmem:$0x1CC00] =	vst v63  }
0xab: {  	_ =	swait.ge [sflag:s24], $0x4000  }
0xac: {  	[sflag:s24] =	ssyncset.done $0x0  }
0xad: {  	s10 =	sor.u32 $0xB00, s19;
	[sflag:s24] =	ssyncadd.s32 $0xFFFFC000  }
0xae: {  	[spmem:s3] =	stream.indirect.scatter.add.f32 [tilespmem:s22], [sflag:$0x3], $0x80, s10, s21, $0xb8;
	[tilespmem:$0x1CC00] =	vst v63  }
0xaf: {  	_ =	swait.ge [sflag:s25], $0x4000  }
0xb0: {  	[sflag:s25] =	ssyncset.done $0x0  }
0xb1: {  	s11 =	sor.u32 $0xB80, s19;
	[sflag:s25] =	ssyncadd.s32 $0xFFFFC000  }
0xb2: {  	[spmem:s3] =	stream.indirect.scatter.add.f32 [tilespmem:s23], [sflag:$0x4], $0x80, s11, s21, $0xb8;
	[tilespmem:$0x1CC00] =	vst v63  }
0xb3: {  	_ =	swait.ge [sflag:s29], $0x400  }
0xb4: {  	[sflag:s29] =	ssyncset.done $0x0  }
0xb5: {  	[sflag:s29] =	ssyncadd.s32 $0xFFFFFC00  }
0xb6: {  	_ =	swait.ge [sflag:s30], $0x400  }
0xb7: {  	[sflag:s30] =	ssyncset.done $0x0  }
0xb8: {  	[sflag:s30] =	ssyncadd.s32 $0xFFFFFC00  }
0xb9: {  	_ =	swait.ge [sflag:s26], $0x4000  }
0xba: {  	[sflag:s26] =	ssyncset.done $0x0  }
0xbb: {  	s9 =	sxor.u32 $0x400, s19;
	[sflag:s26] =	ssyncadd.s32 $0xFFFFC000  }
0xbc: {  	[tilespmem:s22], [sflag:$0x1] =	stream.indirect.gather [hbm4b:s1+s21], $0x80, s9, s21, $0xb8;
	[tilespmem:$0x1CC00] =	vst v63  }
0xbd: {  	s0 =	sadd.s32 $0x400, s0;
	_ =	swait.ge [sflag:s28], $0x4000  }
0xbe: {  	p0 =	slt.s32 s2, s12;
	s9 =	smov.u32 s12;
	s11 =	rddreg [dreg:$0x5]  }
0xbf: {  	s9 =	smov.u32 @p0 s2;
	p0 =	sne.s32 s11, s0  }
.Ltmp1:
0xc0: {  	[sflag:s28] =	ssyncset.done $0x0;
	s10 =	rddreg [dreg:$0x4];
	(pc) =	sbr.rel @p0 .LBB2_2-.Ltmp1, $4  }
0xc1: {  	s7 =	sxor.u32 $0x480, s19;
	[sflag:s28] =	ssyncadd.s32 $0xFFFFC000;
	s10 =	sadd.s32 s10, s9  }
0xc2: {  	[tilespmem:s23], [sflag:$0x2] =	stream.indirect.gather [hbm4b:s1+s21], $0x80, s7, s21, $0xb8;
	[tilespmem:$0x1CC00] =	vst v63  }
0xc3: {  	s7 =	sshll.u32 s10, $0x7  }
0xc4: {  	s2 =	sadd.s32 $0x1, s2;
	s7 =	sand.u32 $0x1FFFFF80, s7  }
.LBB2_3:
0xc5: {  	s0 =	sadd.s32 s5, s7  }
0xc6: {  	[tilespmem:s19], [sflag:$0x5] =	stream.linear.gather [hbm4b:s0+s4], $0x400, $0x38;
	[tilespmem:$0x1CC00] =	vst v63  }
0xc7: {  	s2 =	sadd.s32 s6, s7  }
0xc8: {  	[tilespmem:s31], [sflag:$0x6] =	stream.linear.gather [hbm4b:s2+s4], $0x400, $0x38;
	[tilespmem:$0x1CC00] =	vst v63  }
0xc9: {  	_ =	swait.ge [sflag:s29], $0x400  }
0xca: {  	[sflag:s29] =	ssyncset.done $0x0  }
0xcb: {  	[sflag:s29] =	ssyncadd.s32 $0xFFFFFC00  }
0xcc: {  	_ =	swait.ge [sflag:s30], $0x400  }
0xcd: {  	[sflag:s30] =	ssyncset.done $0x0  }
0xce: {  	[sflag:s30] =	ssyncadd.s32 $0xFFFFFC00  }
0xcf: {  	_ =	swait.ge [sflag:s24], $0x4000  }
0xd0: {  	[sflag:s24] =	ssyncset.done $0x0  }
0xd1: {  	[sflag:s24] =	ssyncadd.s32 $0xFFFFC000  }
0xd2: {  	[spmem:s3] =	stream.indirect.scatter.add.f32 [tilespmem:s22], [sflag:$0x3], $0x80, s20, s21, $0xb8;
	[tilespmem:$0x1CC00] =	vst v63  }
0xd3: {  	_ =	swait.ge [sflag:s25], $0x4000  }
0xd4: {  	[sflag:s25] =	ssyncset.done $0x0  }
0xd5: {  	s7 =	simm.s32 $0xC80;
	[sflag:s25] =	ssyncadd.s32 $0xFFFFC000  }
0xd6: {  	[spmem:s3] =	stream.indirect.scatter.add.f32 [tilespmem:s23], [sflag:$0x4], $0x80, s7, s21, $0xb8;
	[tilespmem:$0x1CC00] =	vst v63  }
0xd7: {  	_ =	swait.ge [sflag:s26], $0x4000  }
0xd8: {  	[sflag:s26] =	ssyncset.done $0x0  }
0xd9: {  	s9 =	simm.s32 $0x500;
	[sflag:s26] =	ssyncadd.s32 $0xFFFFC000  }
0xda: {  	[tilespmem:s22], [sflag:$0x1] =	stream.indirect.gather [hbm4b:s1+s21], $0x80, s9, s21, $0xb8;
	[tilespmem:$0x1CC00] =	vst v63  }
0xdb: {  	_ =	swait.ge [sflag:s28], $0x4000  }
0xdc: {  	[sflag:s28] =	ssyncset.done $0x0  }
0xdd: {  	s10 =	simm.s32 $0x580;
	[sflag:s28] =	ssyncadd.s32 $0xFFFFC000  }
0xde: {  	[tilespmem:s23], [sflag:$0x2] =	stream.indirect.gather [hbm4b:s1+s21], $0x80, s10, s21, $0xb8;
	[tilespmem:$0x1CC00] =	vst v63  }
0xdf: {  	_ =	swait.ge [sflag:s24], $0x4000  }
0xe0: {  	[sflag:s24] =	ssyncset.done $0x0  }
0xe1: {  	s11 =	simm.s32 $0xD00;
	[sflag:s24] =	ssyncadd.s32 $0xFFFFC000  }
0xe2: {  	[spmem:s3] =	stream.indirect.scatter.add.f32 [tilespmem:s22], [sflag:$0x3], $0x80, s11, s21, $0xb8;
	[tilespmem:$0x1CC00] =	vst v63  }
0xe3: {  	_ =	swait.ge [sflag:s25], $0x4000  }
0xe4: {  	[sflag:s25] =	ssyncset.done $0x0  }
0xe5: {  	s19 =	simm.s32 $0xD80;
	[sflag:s25] =	ssyncadd.s32 $0xFFFFC000  }
0xe6: {  	[spmem:s3] =	stream.indirect.scatter.add.f32 [tilespmem:s23], [sflag:$0x4], $0x80, s19, s21, $0xb8;
	[tilespmem:$0x1CC00] =	vst v63  }
0xe7: {  	_ =	swait.ge [sflag:s26], $0x4000  }
0xe8: {  	[sflag:s26] =	ssyncset.done $0x0  }
0xe9: {  	s31 =	simm.s32 $0x600;
	[sflag:s26] =	ssyncadd.s32 $0xFFFFC000  }
0xea: {  	[tilespmem:s22], [sflag:$0x1] =	stream.indirect.gather [hbm4b:s1+s21], $0x80, s31, s21, $0xb8;
	[tilespmem:$0x1CC00] =	vst v63  }
0xeb: {  	_ =	swait.ge [sflag:s28], $0x4000  }
0xec: {  	[sflag:s28] =	ssyncset.done $0x0  }
0xed: {  	s2 =	simm.s32 $0x680;
	[sflag:s28] =	ssyncadd.s32 $0xFFFFC000  }
0xee: {  	[tilespmem:s23], [sflag:$0x2] =	stream.indirect.gather [hbm4b:s1+s21], $0x80, s2, s21, $0xb8;
	[tilespmem:$0x1CC00] =	vst v63  }
0xef: {  	_ =	swait.ge [sflag:s24], $0x4000  }
0xf0: {  	[sflag:s24] =	ssyncset.done $0x0  }
0xf1: {  	s7 =	simm.s32 $0xE00;
	[sflag:s24] =	ssyncadd.s32 $0xFFFFC000  }
0xf2: {  	[spmem:s3] =	stream.indirect.scatter.add.f32 [tilespmem:s22], [sflag:$0x3], $0x80, s7, s21, $0xb8;
	[tilespmem:$0x1CC00] =	vst v63  }
0xf3: {  	_ =	swait.ge [sflag:s25], $0x4000  }
0xf4: {  	[sflag:s25] =	ssyncset.done $0x0  }
0xf5: {  	s9 =	simm.s32 $0xE80;
	[sflag:s25] =	ssyncadd.s32 $0xFFFFC000  }
0xf6: {  	[spmem:s3] =	stream.indirect.scatter.add.f32 [tilespmem:s23], [sflag:$0x4], $0x80, s9, s21, $0xb8;
	[tilespmem:$0x1CC00] =	vst v63  }
0xf7: {  	_ =	swait.ge [sflag:s26], $0x4000  }
0xf8: {  	[sflag:s26] =	ssyncset.done $0x0  }
0xf9: {  	s10 =	simm.s32 $0x700;
	[sflag:s26] =	ssyncadd.s32 $0xFFFFC000  }
0xfa: {  	[tilespmem:s22], [sflag:$0x1] =	stream.indirect.gather [hbm4b:s1+s21], $0x80, s10, s21, $0xb8;
	[tilespmem:$0x1CC00] =	vst v63  }
0xfb: {  	_ =	swait.ge [sflag:s28], $0x4000  }
0xfc: {  	[sflag:s28] =	ssyncset.done $0x0  }
0xfd: {  	s11 =	simm.s32 $0x780;
	[sflag:s28] =	ssyncadd.s32 $0xFFFFC000  }
0xfe: {  	[tilespmem:s23], [sflag:$0x2] =	stream.indirect.gather [hbm4b:s1+s21], $0x80, s11, s21, $0xb8;
	[tilespmem:$0x1CC00] =	vst v63  }
0xff: {  	_ =	swait.ge [sflag:s24], $0x4000  }
0x100: {  	[sflag:s24] =	ssyncset.done $0x0  }
0x101: {  	s19 =	simm.s32 $0xF00;
	[sflag:s24] =	ssyncadd.s32 $0xFFFFC000  }
0x102: {  	[spmem:s3] =	stream.indirect.scatter.add.f32 [tilespmem:s22], [sflag:$0x3], $0x80, s19, s21, $0xb8;
	[tilespmem:$0x1CC00] =	vst v63  }
0x103: {  	_ =	swait.ge [sflag:s25], $0x4000  }
0x104: {  	[sflag:s25] =	ssyncset.done $0x0  }
0x105: {  	s31 =	simm.s32 $0xF80;
	[sflag:s25] =	ssyncadd.s32 $0xFFFFC000  }
0x106: {  	[spmem:s3] =	stream.indirect.scatter.add.f32 [tilespmem:s23], [sflag:$0x4], $0x80, s31, s21, $0xb8;
	[tilespmem:$0x1CC00] =	vst v63  }
0x107: {  	_ =	swait.ge [sflag:s26], $0x4000  }
0x108: {  	[sflag:s26] =	ssyncset.done $0x0  }
0x109: {  	[sflag:s26] =	ssyncadd.s32 $0xFFFFC000  }
0x10a: {  	_ =	swait.ge [sflag:s28], $0x4000  }
0x10b: {  	s18 =	sadd.s32 $0x1, s18;
	[sflag:s28] =	ssyncset.done $0x0  }
0x10c: {  	p0 =	sne.s32 s18, s15;
	[sflag:s28] =	ssyncadd.s32 $0xFFFFC000  }
.Ltmp2:
0x10d: {  	[bflag:$0x0] =	sbarrier.arrive $0xFFFF;
	(pc) =	sbr.rel @p0 .LBB2_1-.Ltmp2, $4  }
0x10e: {  	[hbm:s14], [sflag:s8] =	dma.local [spmem:s16], $0x2780  }
0x10f: {  	_ =	swait.ge [sflag:s17], $0x2780  }
0x110: {  	[sflag:s17] =	ssyncset.done $0x0  }
0x111: {  	[sflag:s17] =	ssyncadd.s32 $0xFFFFD880  }
0x112: {  	_ =	sfence.sel $0x180000  }
0x113: {  	[bflag:$0x0] =	sbarrier.arrive $0xFFFF  }
0x114: {  	_ =	strace $0x9000004A  }
0x115: {  	s0 =	stileid.u32;
	[bflag:$0x2] =	sbarrier.arrive $0xFFFF  }
0x116: {  	p0 =	sne.s32 s0, $0x0;
	s0 =	rddreg [dreg:$0x3]  }
0x117: {  	s0 =	sadd.s32 @!p0 $0x100000, s0  }
0x118: {  	[sflag:s0] =	ssyncadd.tile.s32 @!p0 $0x1;
	_ =	shalt  }
.Lfunc_end2:
_tile_overlayer_lowered:
.L_overlay_start_2:
0x119: {  	(tag) =	ssettag $0x2  }
0x11a: {  	s0 =	rddreg [dreg:$0x0];
	s2 =	stileid.u32  }
0x11b: {  	s1 =	rddreg [dreg:$0x1];
	p0 =	sne.s32 s2, $0x0  }
0x11c: {  	s3 =	rddreg [dreg:$0x2];
	[bflag:$0x3] =	sbarrier.arrive $0xFFFF;
	s2 =	simm.s32 @!p0 $0x1C07  }
0x11d: {  	[timem:s3], [sflag:s2] =	dma.local @!p0 [hbm:s0], s1  }
0x11e: {  	s0 =	simm.s32 @!p0 $0x7  }
0x11f: {  	_ =	swait.ge @!p0 [sflag:s0], s1  }
0x120: {  	s1 =	ssub.s32 @!p0 $0x0, s1;
	[sflag:s0] =	ssyncset.done @!p0 $0x0  }
0x121: {  	[sflag:s0] =	ssyncadd.s32 @!p0 s1  }
0x122: {  	[bflag:$0x3] =	sbarrier.arrive $0xFFFF  }
0x123: {  	_ =	shalt  }

// kernel: kernel.14.cloned.1.call-start
scs
__scs_entry_jumppad:
0x0: {  	(pc) =	sbr.rel $0x88, $3  }
0x1: {  	(tag) =	ssettag $0x0;
	lr =	simm.s32 $0x1  }
0x2: {  	[smem:$0x3F99] =	sst lr;
	_ =	strace $0xD0000000  }
0x3: {  	_ = 	snop  }
0x4: {  	_ = 	snop  }
0x5: {  	_ = 	snop  }
0x6: {  	_ = 	snop  }
0x7: {  	_ = 	snop  }
__scs_overlays_trampoline_lowered:
0x8: {  	[smem:$0x3FA8] =	sst s0  }
0x9: {  	[smem:$0x3FA9] =	sst s1  }
0xa: {  	[smem:$0x3FAA] =	sst s2  }
0xb: {  	[smem:$0x3FAB] =	sst s3  }
0xc: {  	[smem:$0x3FAC] =	sst s4  }
0xd: {  	[smem:$0x3FAD] =	sst s5  }
0xe: {  	[smem:$0x3FAE] =	sst s6  }
0xf: {  	[smem:$0x3FAF] =	sst s7  }
0x10: {  	[smem:$0x3FB0] =	sst s8  }
0x11: {  	[smem:$0x3FB1] =	sst s9;
	s0 =	simm.s32 @!p0 $0x0  }
0x12: {  	s1 =	sld [smem:$0x3F97];
	s0 =	simm.s32 @p0 $0x1  }
0x13: {  	[smem:$0x3FB2] =	sst s0;
	s0 =	simm.s32 @!p1 $0x0  }
0x14: {  	s2 =	sld [smem:$0x3F96];
	s0 =	simm.s32 @p1 $0x1  }
0x15: {  	[smem:$0x3FB3] =	sst s0;
	s0 =	simm.s32 @!p2 $0x0  }
0x16: {  	s3 =	sld [smem:$0x3FDB];
	s0 =	simm.s32 @p2 $0x1  }
0x17: {  	s4 =	simm.s32 $0x1BF5;
	[smem:$0x3FB5] =	sst s0  }
0x18: {  	s0 =	sld [smem:$0x3F98];
	_ =	swait.ge [sflag:s4], $0x0  }
0x19: {  	s7 =	sld [smem:$0x3F99]  }
0x1a: {  	s8 =	sadd.s32 $0xFFFFE003, lr  }
0x1b: {  	s9 =	sadd.s32 $0xFFFFFEF7, lr;
	s5 =	simm.s32 $0xFFFFFFFF;
	p2 =	slt.u32 s8, $0xFFFFF086  }
0x1c: {  	p1 =	slt.u32 s9, $0xF7A;
	s5 =	simm.s32 @!p2 $0x0  }
0x1d: {  	s5 =	simm.s32 @p1 $0x1;
	p0 =	seq.s32 s7, s2  }
0x1e: {  	s7 =	smul.u32 @!p0 $0xF7A, s2;
	p2 =	seq.s32 @!p0 s5, $0x0  }
0x1f: {  	s9 =	smul.u32 $0xF7A, s1;
	s8 =	simm.s32 @!p0 $0x1BF5;
	p2 =	por !p2, p0  }
0x20: {  	[sflag:s8] =	ssyncset.s32 @!p0 $0xFFFFF086;
	s6 =	sadd.s32 @!p0 s3, s7;
	s7 =	simm.s32 @!p0 $0x108  }
0x21: {  	s3 =	sadd.s32 s3, s9;
	s6 =	sadd.s32 @!p0 $0x88, s6;
	s7 =	simm.s32 @p2 $0x1082  }
0x22: {  	[simem:s7], [sflag:s8] =	dma.local @!p0 [hbm:s6], $0xF7A  }
0x23: {  	s9 =	sor.u32 $0xD0000000, s2;
	s6 =	simm.s32 $0x108;
	_ =	swait.ge @!p0 [sflag:s8], $0x0  }
0x24: {  	s3 =	sadd.s32 $0x88, s3;
	s6 =	simm.s32 @!p1 $0x1082;
	[sflag:s4] =	ssyncset.s32 $0xFFFFF086  }
0x25: {  	[simem:s6], [sflag:s4] =	dma.local [hbm:s3], $0xF7A  }
0x26: {  	[smem:$0x3F99] =	sst s1;
	(tag) =	ssettag s2;
	_ =	strace s9  }
0x27: {  	s1 =	sld [smem:$0x3FA9]  }
0x28: {  	s2 =	sld [smem:$0x3FAA]  }
0x29: {  	s4 =	sld [smem:$0x3FAC]  }
0x2a: {  	p0 =	seq.s32 s5, $0x0;
	s5 =	sld [smem:$0x3FAD]  }
0x2b: {  	s6 =	sld [smem:$0x3FAE]  }
0x2c: {  	s7 =	sld [smem:$0x3FAF]  }
0x2d: {  	s3 =	simm.s32 $0x108;
	s8 =	sld [smem:$0x3FB0]  }
0x2e: {  	s3 =	simm.s32 @!p0 $0x1082;
	s9 =	sld [smem:$0x3FB1]  }
0x2f: {  	lr =	sadd.s32 s0, s3;
	s0 =	sld [smem:$0x3FA8]  }
0x30: {  	s3 =	sld [smem:$0x3FAB]  }
0x31: {  	[smem:$0x3FB4] =	sst s10  }
0x32: {  	s10 =	sld [smem:$0x3FB2];
	_ =	sdelay $0x3  }
0x33: {  	p0 =	seq.s32 s10, $0x1;
	s10 =	sld [smem:$0x3FB4];
	_ =	sdelay $0x3  }
0x34: {  	[smem:$0x3FB4] =	sst s10  }
0x35: {  	s10 =	sld [smem:$0x3FB3];
	_ =	sdelay $0x3  }
0x36: {  	p1 =	seq.s32 s10, $0x1;
	s10 =	sld [smem:$0x3FB4];
	_ =	sdelay $0x3  }
0x37: {  	[smem:$0x3FB4] =	sst s10  }
0x38: {  	s10 =	sld [smem:$0x3FB5]  }
0x39: {  	_ = 	snop;
	(pc) =	sbr.ind lr, $3  }
0x3a: {  	_ = 	snop  }
0x3b: {  	_ = 	snop  }
0x3c: {  	p2 =	seq.s32 s10, $0x1;
	s10 =	sld [smem:$0x3FB4]  }
0x3d: {  	_ =	shalt  }
0x3e: {  	_ =	shalt  }
0x3f: {  	_ =	shalt  }
0x40: {  	_ =	shalt  }
0x41: {  	_ =	shalt  }
0x42: {  	_ =	shalt  }
0x43: {  	_ =	shalt  }
0x44: {  	_ =	shalt  }
0x45: {  	_ =	shalt  }
0x46: {  	_ =	shalt  }
0x47: {  	_ =	shalt  }
0x48: {  	_ =	shalt  }
0x49: {  	_ =	shalt  }
0x4a: {  	_ =	shalt  }
0x4b: {  	_ =	shalt  }
0x4c: {  	_ =	shalt  }
0x4d: {  	_ =	shalt  }
0x4e: {  	_ =	shalt  }
0x4f: {  	_ =	shalt  }
0x50: {  	_ =	shalt  }
0x51: {  	_ =	shalt  }
0x52: {  	_ =	shalt  }
0x53: {  	_ =	shalt  }
0x54: {  	_ =	shalt  }
0x55: {  	_ =	shalt  }
0x56: {  	_ =	shalt  }
0x57: {  	_ =	shalt  }
0x58: {  	_ =	shalt  }
0x59: {  	_ =	shalt  }
0x5a: {  	_ =	shalt  }
0x5b: {  	_ =	shalt  }
0x5c: {  	_ =	shalt  }
0x5d: {  	_ =	shalt  }
0x5e: {  	_ =	shalt  }
0x5f: {  	_ =	shalt  }
0x60: {  	_ =	shalt  }
0x61: {  	_ =	shalt  }
0x62: {  	_ =	shalt  }
0x63: {  	_ =	shalt  }
0x64: {  	_ =	shalt  }
0x65: {  	_ =	shalt  }
0x66: {  	_ =	shalt  }
0x67: {  	_ =	shalt  }
0x68: {  	_ =	shalt  }
0x69: {  	_ =	shalt  }
0x6a: {  	_ =	shalt  }
0x6b: {  	_ =	shalt  }
0x6c: {  	_ =	shalt  }
0x6d: {  	_ =	shalt  }
0x6e: {  	_ =	shalt  }
0x6f: {  	_ =	shalt  }
0x70: {  	_ =	shalt  }
0x71: {  	_ =	shalt  }
0x72: {  	_ =	shalt  }
0x73: {  	_ =	shalt  }
0x74: {  	_ =	shalt  }
0x75: {  	_ =	shalt  }
0x76: {  	_ =	shalt  }
0x77: {  	_ =	shalt  }
0x78: {  	_ =	shalt  }
0x79: {  	_ =	shalt  }
0x7a: {  	_ =	shalt  }
0x7b: {  	_ =	shalt  }
0x7c: {  	_ =	shalt  }
0x7d: {  	_ =	shalt  }
0x7e: {  	_ =	shalt  }
0x7f: {  	_ =	shalt  }
0x80: {  	_ =	shalt  }
0x81: {  	_ =	shalt  }
0x82: {  	_ =	shalt  }
0x83: {  	_ =	shalt  }
0x84: {  	_ =	shalt  }
0x85: {  	_ =	shalt  }
0x86: {  	_ =	shalt  }
0x87: {  	_ =	shalt  }
.Lfunc_end0:
.L_simem_size_0:
called_computation.2_lowered:
.L_overlay_start_0:
0x88: {  	s2 =	sld [smem:$0x3FD9]  }
0x89: {  	s3 =	sld [smem:$0x3FFE];
	_ =	sdelay $0x1  }
0x8a: {  	s1 =	srdreg.scid  }
0x8b: {  	s0 =	sand.u32 $0x1, s1  }
0x8c: {  	s17 =	sshll.u32 s0, $0xA;
	s2 =	sadd.s32 s3, s2  }
0x8d: {  	s2 =	sadd.s32 s2, s17  }
0x8e: {  	[smem:$0x3FC0] =	sst s2  }
0x8f: {  	_ = 	snop  }
0x90: {  	s2 =	sld [smem:$0x3FD0];
	(tm) =	ssettm $0x1  }
0x91: {  	s18 =	sld [smem:$0x3FFB];
	_ =	sdelay $0x3  }
0x92: {  	_ =	strace s18  }
0x93: {  	s3 =	sld [smem:$0x3FFC];
	_ =	sdelay $0x3  }
0x94: {  	_ =	strace s3  }
0x95: {  	s3 =	sld [smem:$0x3FFD];
	_ =	sdelay $0x3  }
0x96: {  	_ =	strace s3  }
0x97: {  	_ =	strace $0x8FFFFFFF  }
0x98: {  	s19 =	sld [smem:$0x3FDB];
	_ =	sdelay $0x1  }
0x99: {  	s4 =	simm.s32 $_scs_section_size  }
0x9a: {  	s5 =	simm.s32 $_size__tile_overlayer_lowered;
	s6 =	simm.s32 $_tile_overlayer_lowered  }
0x9b: {  	s22 =	simm.s32 $0x1BFF;
	s21 =	sshll.u32 s6, $0x1;
	s3 =	sadd.s32 s4, s19  }
0x9c: {  	s7 =	simm.s32 $0x0;
	s20 =	sshll.u32 s5, $0x1;
	s5 =	sadd.s32 s21, s3  }
0x9d: {  	[timem:s7], [sflag:s22] =	dma.local [hbm:s5], s20  }
0x9e: {  	_ =	swait.ge [sflag:s22], s20  }
0x9f: {  	s4 =	ssub.s32 $0x0, s20;
	[sflag:s22] =	ssyncset.done $0x0  }
0xa0: {  	[sflag:s22] =	ssyncadd.s32 s4;
	_ =	sdelay $0x1  }
0xa1: {  	s23 =	simm.s32 $0x1B8B  }
0xa2: {  	_ =	swait.ge [sflag:s23], $0x1  }
0xa3: {  	[sflag:s23] =	ssyncset.done $0x0  }
0xa4: {  	s25 =	simm.s32 $0x1B8E;
	s24 =	sld [smem:$0x3FFE];
	[sflag:s23] =	ssyncadd.s32 $0xFFFFFFFF  }
0xa5: {  	s26 =	simm.s32 $execute0_lowered;
	[smem:$0x3FD2] =	sst s25  }
0xa6: {  	s5 =	sshll.u32 s26, $0x1;
	_ =	strace $0x8000004C;
	[dreg:$0x1] =	wrdreg $0xFFFFFFFF  }
0xa7: {  	s28 =	simm.s32 $_size_execute0_lowered;
	s3 =	sadd.s32 s3, s5;
	[dreg:$0x0] =	wrdreg $0x0  }
0xa8: {  	s5 =	sshll.u32 s28, $0x1;
	[dreg:$0x2] =	wrdreg s3  }
0xa9: {  	[dreg:$0x3] =	wrdreg s5  }
0xaa: {  	[dreg:$0x4] =	wrdreg $0xC0  }
0xab: {  	_ =	task [dreg:s7], $0x5FFFF  }
0xac: {  	[dreg:$0x1] =	wrdreg $0xFFFFFFFF  }
0xad: {  	[dreg:$0x0] =	wrdreg $0x60  }
0xae: {  	[dreg:$0x2] =	wrdreg s2  }
0xaf: {  	[dreg:$0x3] =	wrdreg s24  }
0xb0: {  	[dreg:$0x4] =	wrdreg $0x90000  }
0xb1: {  	[dreg:$0x5] =	wrdreg $0x9  }
0xb2: {  	_ =	task.clear_ibuf [dreg:s7], $0x6FFFF;
	_ =	strace $0x9000004C  }
0xb3: {  	s29 =	simm.s32 $0x9;
	_ =	strace $0x8000004E  }
0xb4: {  	_ =	swait.ge [sflag:s29], $0x1  }
0xb5: {  	[sflag:s29] =	ssyncadd.s32 $0xFFFFFFFF  }
0xb6: {  	_ =	strace $0x9000004E  }
0xb7: {  	_ =	sfence  }
0xb8: {  	s30 =	sld [smem:$0x0];
	_ =	sdelay $0x2  }
0xb9: {  	s31 =	sshll.u32 s1, $0xD;
	s1 =	sshrl.u32 s1, $0x2  }
0xba: {  	s3 =	sand.u32 $0x4000, s31;
	s1 =	sadd.s32 s1, s30  }
0xbb: {  	s0 =	sor.u32 s3, s0;
	s1 =	sshll.u32 s1, $0x11  }
0xbc: {  	s0 =	sor.u32 s1, s0  }
0xbd: {  	s0 =	sadd.s32 $0x8F2B, s0  }
0xbe: {  	[sflag:s0] =	ssyncadd.remote.s32 $0x1  }
0xbf: {  	_ =	sfence.sel $0xFFFF  }
0xc0: {  	[dreg:$0x0] =	wrdreg $0xFFFFFFFF;
	(pc) =	sbr.abs _section_cstart, $3  }
0xc1: {  	[dreg:$0x1] =	wrdreg $0xFFFFFFFF  }
0xc2: {  	_ =	task.clear_ibuf [dreg:s7], $0x2FFFF;
	_ =	strace $0x9FFFFFFF  }
0xc3: {  	(tm) =	ssettm $0x7FFFFFFF  }
tec
execute0_lowered:
.L_overlay_start_1:
0x0: {  	(tag) =	ssettag $0x1  }
0x1: {  	s1 =	rddreg [dreg:$0x0]  }
0x2: {  	s0 =	rddreg [dreg:$0x1]  }
0x3: {  	s3 =	rddreg [dreg:$0x2]  }
0x4: {  	s2 =	srdreg.scid;
	s12 =	stileid.u32;
	s4 =	simm.s32 $0x0  }
0x5: {  	s17 =	simm.s32 $0x7;
	s28 =	simm.s32 $0x4;
	s29 =	simm.s32 $0x5  }
0x6: {  	s30 =	simm.s32 $0x6;
	s18 =	simm.s32 $0x0;
	s2 =	sand.u32 $0x1, s2  }
0x7: {  	s7 =	smul.u32 $0x2780, s12;
	[smem:$0x7FF] =	sst s4;
	s5 =	sadd.s32 $0x2400, s0  }
0x8: {  	s6 =	sadd.s32 $0xC400, s0;
	s19 =	sadd.s32 $0x16400, s0;
	s10 =	smul.u32 $0x4F000, s12  }
0x9: {  	s9 =	sshll.u32 s12, $0x4;
	s22 =	sshll.u32 s12, $0x6;
	s8 =	smul.u32 $0x27800, s2  }
0xa: {  	_ =	strace $0x8000004D;
	[dreg:$0x6] =	wrdreg s19;
	s20 =	ssub.s32 $0x2, s2  }
0xb: {  	p0 =	seq.s32 s2, $0x0;
	s2 =	sor.u32 $0x900, s9;
	s11 =	sshrl.u32 s20, $0x1  }
0xc: {  	s21 =	sshrl.u32 s10, $0x2;
	s7 =	sadd.s32 s7, s8;
	s15 =	ssub.s32 s20, s11  }
0xd: {  	s8 =	sor.u32 $0x1C07, s22;
	s20 =	simm.s32 $0xC00;
	s22 =	simm.s32 $0x1000  }
0xe: {  	s0 =	sadd.s32 s7, s0;
	s7 =	smul.u32 $0x90, s12;
	s12 =	simm.s32 $0x11  }
0xf: {  	s15 =	smax.u32 s15, $0x1;
	s12 =	simm.s32 @!p0 $0x1;
	s14 =	sadd.s32 $0x18C00, s0  }
0x10: {  	s2 =	smov.u32 @p0 s7;
	s7 =	sadd.s32 s21, s3;
	s31 =	sshll.u32 s12, $0xA  }
0x11: {  	s23 =	sshll.u32 s2, $0x4;
	s2 =	sshrl.u32 s2, $0x3;
	[dreg:$0x5] =	wrdreg s31  }
0x12: {  	s21 =	simm.s32 $0x80;
	s24 =	sadd.s32 s5, s23;
	[dreg:$0x4] =	wrdreg s2  }
0x13: {  	s16 =	sshrl.u32 s7, $0x3;
	s25 =	sadd.s32 s6, s23;
	[dreg:$0x7] =	wrdreg s24  }
0x14: {  	s13 =	sor.u32 $0x80, s23;
	s23 =	simm.s32 $0x5000;
	[dreg:$0x8] =	wrdreg s25  }
0x15: {  	s26 =	sadd.s32 s5, s13;
	s13 =	sadd.s32 s6, s13;
	s24 =	simm.s32 $0x1  }
0x16: {  	s25 =	simm.s32 $0x2;
	[dreg:$0x9] =	wrdreg s26;
	s26 =	simm.s32 $0x3  }
.LBB2_1:
0x17: {  	s0 =	rddreg [dreg:$0x6]  }
0x18: {  	[spmem:s16], [sflag:s8] =	dma.local [hbm:s0], $0x2780  }
0x19: {  	_ =	swait.ge [sflag:s17], $0x2780  }
0x1a: {  	[sflag:s17] =	ssyncset.done $0x0  }
0x1b: {  	[sflag:s17] =	ssyncadd.s32 $0xFFFFD880  }
0x1c: {  	[bflag:$0x0] =	sbarrier.arrive $0xFFFF  }
0x1d: {  	s2 =	rddreg [dreg:$0x7]  }
0x1e: {  	[tilespmem:s4], [sflag:$0x7] =	stream.linear.gather [hbm4b:s2+s4], $0x400, $0x38;
	[tilespmem:$0x1CC00] =	vst v63  }
0x1f: {  	_ =	swait.ge [sflag:s17], $0x400  }
0x20: {  	[sflag:s17] =	ssyncset.done $0x0  }
0x21: {  	s2 =	simm.s32 $0x800;
	s7 =	rddreg [dreg:$0x8];
	[sflag:s17] =	ssyncadd.s32 $0xFFFFFC00  }
0x22: {  	[tilespmem:s2], [sflag:$0x7] =	stream.linear.gather [hbm4b:s7+s4], $0x400, $0x38;
	[tilespmem:$0x1CC00] =	vst v63  }
0x23: {  	_ =	swait.ge [sflag:s17], $0x400  }
0x24: {  	[sflag:s17] =	ssyncset.done $0x0  }
0x25: {  	s10 =	simm.s32 $0x400;
	s9 =	rddreg [dreg:$0x9];
	[sflag:s17] =	ssyncadd.s32 $0xFFFFFC00  }
0x26: {  	[tilespmem:s10], [sflag:$0x5] =	stream.linear.gather [hbm4b:s9+s4], $0x400, $0x38;
	[tilespmem:$0x1CC00] =	vst v63  }
0x27: {  	_ = 	snop  }
0x28: {  	[tilespmem:s20], [sflag:$0x6] =	stream.linear.gather [hbm4b:s13+s4], $0x400, $0x38;
	[tilespmem:$0x1CC00] =	vst v63  }
0x29: {  	_ = 	snop  }
0x2a: {  	[tilespmem:s22], [sflag:$0x1] =	stream.indirect.gather [hbm4b:s1+s21], $0x80, s4, s21, $0xb8;
	[tilespmem:$0x1CC00] =	vst v63  }
0x2b: {  	_ = 	snop  }
0x2c: {  	[tilespmem:s23], [sflag:$0x2] =	stream.indirect.gather [hbm4b:s1+s21], $0x80, s21, s21, $0xb8;
	[tilespmem:$0x1CC00] =	vst v63  }
0x2d: {  	_ =	swait.ge [sflag:s24], $0x4000  }
0x2e: {  	s19 =	sand.u32 $0x400, s4;
	[sflag:s24] =	ssyncset.done $0x0  }
0x2f: {  	s31 =	sor.u32 $0x800, s19;
	[sflag:s24] =	ssyncadd.s32 $0xFFFFC000  }
0x30: {  	[spmem:s3] =	stream.indirect.scatter.add.f32 [tilespmem:s22], [sflag:$0x3], $0x80, s31, s21, $0xb8;
	[tilespmem:$0x1CC00] =	vst v63  }
0x31: {  	_ =	swait.ge [sflag:s25], $0x4000  }
0x32: {  	[sflag:s25] =	ssyncset.done $0x0  }
0x33: {  	s11 =	sor.u32 $0x880, s19;
	[sflag:s25] =	ssyncadd.s32 $0xFFFFC000  }
0x34: {  	[spmem:s3] =	stream.indirect.scatter.add.f32 [tilespmem:s23], [sflag:$0x4], $0x80, s11, s21, $0xb8;
	[tilespmem:$0x1CC00] =	vst v63  }
0x35: {  	_ =	swait.ge [sflag:s26], $0x4000  }
0x36: {  	[sflag:s26] =	ssyncset.done $0x0  }
0x37: {  	s2 =	sor.u32 $0x100, s19;
	[sflag:s26] =	ssyncadd.s32 $0xFFFFC000  }
0x38: {  	[tilespmem:s22], [sflag:$0x1] =	stream.indirect.gather [hbm4b:s1+s21], $0x80, s2, s21, $0xb8;
	[tilespmem:$0x1CC00] =	vst v63  }
0x39: {  	_ =	swait.ge [sflag:s28], $0x4000  }
0x3a: {  	[sflag:s28] =	ssyncset.done $0x0  }
0x3b: {  	s7 =	sor.u32 $0x180, s19;
	[sflag:s28] =	ssyncadd.s32 $0xFFFFC000  }
0x3c: {  	[tilespmem:s23], [sflag:$0x2] =	stream.indirect.gather [hbm4b:s1+s21], $0x80, s7, s21, $0xb8;
	[tilespmem:$0x1CC00] =	vst v63  }
0x3d: {  	_ =	swait.ge [sflag:s24], $0x4000  }
0x3e: {  	[sflag:s24] =	ssyncset.done $0x0  }
0x3f: {  	s9 =	sor.u32 $0x900, s19;
	[sflag:s24] =	ssyncadd.s32 $0xFFFFC000  }
0x40: {  	[spmem:s3] =	stream.indirect.scatter.add.f32 [tilespmem:s22], [sflag:$0x3], $0x80, s9, s21, $0xb8;
	[tilespmem:$0x1CC00] =	vst v63  }
0x41: {  	_ =	swait.ge [sflag:s25], $0x4000  }
0x42: {  	[sflag:s25] =	ssyncset.done $0x0  }
0x43: {  	s10 =	sor.u32 $0x980, s19;
	[sflag:s25] =	ssyncadd.s32 $0xFFFFC000  }
0x44: {  	[spmem:s3] =	stream.indirect.scatter.add.f32 [tilespmem:s23], [sflag:$0x4], $0x80, s10, s21, $0xb8;
	[tilespmem:$0x1CC00] =	vst v63  }
0x45: {  	_ =	swait.ge [sflag:s26], $0x4000  }
0x46: {  	[sflag:s26] =	ssyncset.done $0x0  }
0x47: {  	s11 =	sor.u32 $0x200, s19;
	[sflag:s26] =	ssyncadd.s32 $0xFFFFC000  }
0x48: {  	[tilespmem:s22], [sflag:$0x1] =	stream.indirect.gather [hbm4b:s1+s21], $0x80, s11, s21, $0xb8;
	[tilespmem:$0x1CC00] =	vst v63  }
0x49: {  	_ =	swait.ge [sflag:s28], $0x4000  }
0x4a: {  	[sflag:s28] =	ssyncset.done $0x0  }
0x4b: {  	s2 =	sor.u32 $0x280, s19;
	[sflag:s28] =	ssyncadd.s32 $0xFFFFC000  }
0x4c: {  	[tilespmem:s23], [sflag:$0x2] =	stream.indirect.gather [hbm4b:s1+s21], $0x80, s2, s21, $0xb8;
	[tilespmem:$0x1CC00] =	vst v63  }
0x4d: {  	_ =	swait.ge [sflag:s24], $0x4000  }
0x4e: {  	[sflag:s24] =	ssyncset.done $0x0  }
0x4f: {  	s7 =	sor.u32 $0xA00, s19;
	[sflag:s24] =	ssyncadd.s32 $0xFFFFC000  }
0x50: {  	[spmem:s3] =	stream.indirect.scatter.add.f32 [tilespmem:s22], [sflag:$0x3], $0x80, s7, s21, $0xb8;
	[tilespmem:$0x1CC00] =	vst v63  }
0x51: {  	_ =	swait.ge [sflag:s25], $0x4000  }
0x52: {  	[sflag:s25] =	ssyncset.done $0x0  }
0x53: {  	s9 =	sor.u32 $0xA80, s19;
	[sflag:s25] =	ssyncadd.s32 $0xFFFFC000  }
0x54: {  	[spmem:s3] =	stream.indirect.scatter.add.f32 [tilespmem:s23], [sflag:$0x4], $0x80, s9, s21, $0xb8;
	[tilespmem:$0x1CC00] =	vst v63  }
0x55: {  	_ =	swait.ge [sflag:s26], $0x4000  }
0x56: {  	[sflag:s26] =	ssyncset.done $0x0  }
0x57: {  	s10 =	sor.u32 $0x300, s19;
	[sflag:s26] =	ssyncadd.s32 $0xFFFFC000  }
0x58: {  	[tilespmem:s22], [sflag:$0x1] =	stream.indirect.gather [hbm4b:s1+s21], $0x80, s10, s21, $0xb8;
	[tilespmem:$0x1CC00] =	vst v63  }
0x59: {  	_ =	swait.ge [sflag:s28], $0x4000  }
0x5a: {  	[sflag:s28] =	ssyncset.done $0x0  }
0x5b: {  	s11 =	sor.u32 $0x380, s19;
	[sflag:s28] =	ssyncadd.s32 $0xFFFFC000  }
0x5c: {  	[tilespmem:s23], [sflag:$0x2] =	stream.indirect.gather [hbm4b:s1+s21], $0x80, s11, s21, $0xb8;
	[tilespmem:$0x1CC00] =	vst v63  }
0x5d: {  	_ =	swait.ge [sflag:s24], $0x4000  }
0x5e: {  	[sflag:s24] =	ssyncset.done $0x0  }
0x5f: {  	s2 =	sor.u32 $0xB00, s19;
	[sflag:s24] =	ssyncadd.s32 $0xFFFFC000  }
0x60: {  	[spmem:s3] =	stream.indirect.scatter.add.f32 [tilespmem:s22], [sflag:$0x3], $0x80, s2, s21, $0xb8;
	[tilespmem:$0x1CC00] =	vst v63  }
0x61: {  	_ =	swait.ge [sflag:s25], $0x4000  }
0x62: {  	[sflag:s25] =	ssyncset.done $0x0  }
0x63: {  	s7 =	sor.u32 $0xB80, s19;
	[sflag:s25] =	ssyncadd.s32 $0xFFFFC000  }
0x64: {  	[spmem:s3] =	stream.indirect.scatter.add.f32 [tilespmem:s23], [sflag:$0x4], $0x80, s7, s21, $0xb8;
	[tilespmem:$0x1CC00] =	vst v63  }
0x65: {  	_ =	swait.ge [sflag:s29], $0x400  }
0x66: {  	[sflag:s29] =	ssyncset.done $0x0  }
0x67: {  	[sflag:s29] =	ssyncadd.s32 $0xFFFFFC00  }
0x68: {  	_ =	swait.ge [sflag:s30], $0x400  }
0x69: {  	[sflag:s30] =	ssyncset.done $0x0  }
0x6a: {  	[sflag:s30] =	ssyncadd.s32 $0xFFFFFC00  }
0x6b: {  	_ =	swait.ge [sflag:s26], $0x4000  }
0x6c: {  	[sflag:s26] =	ssyncset.done $0x0  }
0x6d: {  	s9 =	sxor.u32 $0x400, s19;
	[sflag:s26] =	ssyncadd.s32 $0xFFFFC000  }
0x6e: {  	[tilespmem:s22], [sflag:$0x1] =	stream.indirect.gather [hbm4b:s1+s21], $0x80, s9, s21, $0xb8;
	[tilespmem:$0x1CC00] =	vst v63  }
0x6f: {  	_ =	swait.ge [sflag:s28], $0x4000  }
0x70: {  	p0 =	sgt.s32 s12, $0x2;
	s0 =	smov.u32 s12;
	s7 =	rddreg [dreg:$0x5]  }
0x71: {  	s0 =	smov.u32 @p0 s25;
	p0 =	sne.s32 s7, $0x400  }
.Ltmp0:
0x72: {  	[sflag:s28] =	ssyncset.done $0x0;
	s11 =	rddreg [dreg:$0x4];
	(pc) =	sbr.rel @!p0 .LBB2_3-.Ltmp0, $4  }
0x73: {  	s10 =	sxor.u32 $0x480, s19;
	[sflag:s28] =	ssyncadd.s32 $0xFFFFC000;
	s0 =	sadd.s32 s11, s0  }
0x74: {  	[tilespmem:s23], [sflag:$0x2] =	stream.indirect.gather [hbm4b:s1+s21], $0x80, s10, s21, $0xb8;
	[tilespmem:$0x1CC00] =	vst v63  }
0x75: {  	s2 =	sshll.u32 s0, $0x7  }
0x76: {  	s0 =	simm.s32 $0x400;
	s7 =	sand.u32 $0x1FFFFF80, s2;
	s2 =	simm.s32 $0x3  }
.LBB2_2:
0x77: {  	s9 =	sadd.s32 s5, s7  }
0x78: {  	[tilespmem:s19], [sflag:$0x5] =	stream.linear.gather [hbm4b:s9+s4], $0x400, $0x38;
	[tilespmem:$0x1CC00] =	vst v63  }
0x79: {  	s11 =	sadd.s32 s6, s7  }
0x7a: {  	[tilespmem:s31], [sflag:$0x6] =	stream.linear.gather [hbm4b:s11+s4], $0x400, $0x38;
	[tilespmem:$0x1CC00] =	vst v63  }
0x7b: {  	s10 =	smov.u32 s0;
	_ =	swait.ge [sflag:s24], $0x4000  }
0x7c: {  	s19 =	sand.u32 $0x400, s10;
	[sflag:s24] =	ssyncset.done $0x0  }
0x7d: {  	s31 =	sor.u32 $0x800, s19;
	[sflag:s24] =	ssyncadd.s32 $0xFFFFC000  }
0x7e: {  	[spmem:s3] =	stream.indirect.scatter.add.f32 [tilespmem:s22], [sflag:$0x3], $0x80, s31, s21, $0xb8;
	[tilespmem:$0x1CC00] =	vst v63  }
0x7f: {  	_ =	swait.ge [sflag:s25], $0x4000  }
0x80: {  	[sflag:s25] =	ssyncset.done $0x0  }
0x81: {  	s11 =	sor.u32 $0x880, s19;
	[sflag:s25] =	ssyncadd.s32 $0xFFFFC000  }
0x82: {  	[spmem:s3] =	stream.indirect.scatter.add.f32 [tilespmem:s23], [sflag:$0x4], $0x80, s11, s21, $0xb8;
	[tilespmem:$0x1CC00] =	vst v63  }
0x83: {  	_ =	swait.ge [sflag:s26], $0x4000  }
0x84: {  	[sflag:s26] =	ssyncset.done $0x0  }
0x85: {  	s9 =	sor.u32 $0x100, s19;
	[sflag:s26] =	ssyncadd.s32 $0xFFFFC000  }
0x86: {  	[tilespmem:s22], [sflag:$0x1] =	stream.indirect.gather [hbm4b:s1+s21], $0x80, s9, s21, $0xb8;
	[tilespmem:$0x1CC00] =	vst v63  }
0x87: {  	_ =	swait.ge [sflag:s28], $0x4000  }
0x88: {  	[sflag:s28] =	ssyncset.done $0x0  }
0x89: {  	s10 =	sor.u32 $0x180, s19;
	[sflag:s28] =	ssyncadd.s32 $0xFFFFC000  }
0x8a: {  	[tilespmem:s23], [sflag:$0x2] =	stream.indirect.gather [hbm4b:s1+s21], $0x80, s10, s21, $0xb8;
	[tilespmem:$0x1CC00] =	vst v63  }
0x8b: {  	_ =	swait.ge [sflag:s24], $0x4000  }
0x8c: {  	[sflag:s24] =	ssyncset.done $0x0  }
0x8d: {  	s11 =	sor.u32 $0x900, s19;
	[sflag:s24] =	ssyncadd.s32 $0xFFFFC000  }
0x8e: {  	[spmem:s3] =	stream.indirect.scatter.add.f32 [tilespmem:s22], [sflag:$0x3], $0x80, s11, s21, $0xb8;
	[tilespmem:$0x1CC00] =	vst v63  }
0x8f: {  	_ =	swait.ge [sflag:s25], $0x4000  }
0x90: {  	[sflag:s25] =	ssyncset.done $0x0  }
0x91: {  	s9 =	sor.u32 $0x980, s19;
	[sflag:s25] =	ssyncadd.s32 $0xFFFFC000  }
0x92: {  	[spmem:s3] =	stream.indirect.scatter.add.f32 [tilespmem:s23], [sflag:$0x4], $0x80, s9, s21, $0xb8;
	[tilespmem:$0x1CC00] =	vst v63  }
0x93: {  	_ =	swait.ge [sflag:s26], $0x4000  }
0x94: {  	[sflag:s26] =	ssyncset.done $0x0  }
0x95: {  	s10 =	sor.u32 $0x200, s19;
	[sflag:s26] =	ssyncadd.s32 $0xFFFFC000  }
0x96: {  	[tilespmem:s22], [sflag:$0x1] =	stream.indirect.gather [hbm4b:s1+s21], $0x80, s10, s21, $0xb8;
	[tilespmem:$0x1CC00] =	vst v63  }
0x97: {  	_ =	swait.ge [sflag:s28], $0x4000  }
0x98: {  	[sflag:s28] =	ssyncset.done $0x0  }
0x99: {  	s11 =	sor.u32 $0x280, s19;
	[sflag:s28] =	ssyncadd.s32 $0xFFFFC000  }
0x9a: {  	[tilespmem:s23], [sflag:$0x2] =	stream.indirect.gather [hbm4b:s1+s21], $0x80, s11, s21, $0xb8;
	[tilespmem:$0x1CC00] =	vst v63  }
0x9b: {  	_ =	swait.ge [sflag:s24], $0x4000  }
0x9c: {  	[sflag:s24] =	ssyncset.done $0x0  }
0x9d: {  	s9 =	sor.u32 $0xA00, s19;
	[sflag:s24] =	ssyncadd.s32 $0xFFFFC000  }
0x9e: {  	[spmem:s3] =	stream.indirect.scatter.add.f32 [tilespmem:s22], [sflag:$0x3], $0x80, s9, s21, $0xb8;
	[tilespmem:$0x1CC00] =	vst v63  }
0x9f: {  	_ =	swait.ge [sflag:s25], $0x4000  }
0xa0: {  	[sflag:s25] =	ssyncset.done $0x0  }
0xa1: {  	s10 =	sor.u32 $0xA80, s19;
	[sflag:s25] =	ssyncadd.s32 $0xFFFFC000  }
0xa2: {  	[spmem:s3] =	stream.indirect.scatter.add.f32 [tilespmem:s23], [sflag:$0x4], $0x80, s10, s21, $0xb8;
	[tilespmem:$0x1CC00] =	vst v63  }
0xa3: {  	_ =	swait.ge [sflag:s26], $0x4000  }
0xa4: {  	[sflag:s26] =	ssyncset.done $0x0  }
0xa5: {  	s11 =	sor.u32 $0x300, s19;
	[sflag:s26] =	ssyncadd.s32 $0xFFFFC000  }
0xa6: {  	[tilespmem:s22], [sflag:$0x1] =	stream.indirect.gather [hbm4b:s1+s21], $0x80, s11, s21, $0xb8;
	[tilespmem:$0x1CC00] =	vst v63  }
0xa7: {  	_ =	swait.ge [sflag:s28], $0x4000  }
0xa8: {  	[sflag:s28] =	ssyncset.done $0x0  }
0xa9: {  	s9 =	sor.u32 $0x380, s19;
	[sflag:s28] =	ssyncadd.s32 $0xFFFFC000  }
0xaa: {  	[tilespmem:s23], [sflag:$0x2] =	stream.indirect.gather [hbm4b:s1+s21], $0x80, s9, s21, $0xb8;
	[tilespmem:$0x1CC00] =	vst v63  }
0xab: {  	_ =	swait.ge [sflag:s24], $0x4000  }
0xac: {  	[sflag:s24] =	ssyncset.done $0x0  }
0xad: {  	s10 =	sor.u32 $0xB00, s19;
	[sflag:s24] =	ssyncadd.s32 $0xFFFFC000  }
0xae: {  	[spmem:s3] =	stream.indirect.scatter.add.f32 [tilespmem:s22], [sflag:$0x3], $0x80, s10, s21, $0xb8;
	[tilespmem:$0x1CC00] =	vst v63  }
0xaf: {  	_ =	swait.ge [sflag:s25], $0x4000  }
0xb0: {  	[sflag:s25] =	ssyncset.done $0x0  }
0xb1: {  	s11 =	sor.u32 $0xB80, s19;
	[sflag:s25] =	ssyncadd.s32 $0xFFFFC000  }
0xb2: {  	[spmem:s3] =	stream.indirect.scatter.add.f32 [tilespmem:s23], [sflag:$0x4], $0x80, s11, s21, $0xb8;
	[tilespmem:$0x1CC00] =	vst v63  }
0xb3: {  	_ =	swait.ge [sflag:s29], $0x400  }
0xb4: {  	[sflag:s29] =	ssyncset.done $0x0  }
0xb5: {  	[sflag:s29] =	ssyncadd.s32 $0xFFFFFC00  }
0xb6: {  	_ =	swait.ge [sflag:s30], $0x400  }
0xb7: {  	[sflag:s30] =	ssyncset.done $0x0  }
0xb8: {  	[sflag:s30] =	ssyncadd.s32 $0xFFFFFC00  }
0xb9: {  	_ =	swait.ge [sflag:s26], $0x4000  }
0xba: {  	[sflag:s26] =	ssyncset.done $0x0  }
0xbb: {  	s9 =	sxor.u32 $0x400, s19;
	[sflag:s26] =	ssyncadd.s32 $0xFFFFC000  }
0xbc: {  	[tilespmem:s22], [sflag:$0x1] =	stream.indirect.gather [hbm4b:s1+s21], $0x80, s9, s21, $0xb8;
	[tilespmem:$0x1CC00] =	vst v63  }
0xbd: {  	s0 =	sadd.s32 $0x400, s0;
	_ =	swait.ge [sflag:s28], $0x4000  }
0xbe: {  	p0 =	slt.s32 s2, s12;
	s9 =	smov.u32 s12;
	s11 =	rddreg [dreg:$0x5]  }
0xbf: {  	s9 =	smov.u32 @p0 s2;
	p0 =	sne.s32 s11, s0  }
.Ltmp1:
0xc0: {  	[sflag:s28] =	ssyncset.done $0x0;
	s10 =	rddreg [dreg:$0x4];
	(pc) =	sbr.rel @p0 .LBB2_2-.Ltmp1, $4  }
0xc1: {  	s7 =	sxor.u32 $0x480, s19;
	[sflag:s28] =	ssyncadd.s32 $0xFFFFC000;
	s10 =	sadd.s32 s10, s9  }
0xc2: {  	[tilespmem:s23], [sflag:$0x2] =	stream.indirect.gather [hbm4b:s1+s21], $0x80, s7, s21, $0xb8;
	[tilespmem:$0x1CC00] =	vst v63  }
0xc3: {  	s7 =	sshll.u32 s10, $0x7  }
0xc4: {  	s2 =	sadd.s32 $0x1, s2;
	s7 =	sand.u32 $0x1FFFFF80, s7  }
.LBB2_3:
0xc5: {  	s0 =	sadd.s32 s5, s7  }
0xc6: {  	[tilespmem:s19], [sflag:$0x5] =	stream.linear.gather [hbm4b:s0+s4], $0x400, $0x38;
	[tilespmem:$0x1CC00] =	vst v63  }
0xc7: {  	s2 =	sadd.s32 s6, s7  }
0xc8: {  	[tilespmem:s31], [sflag:$0x6] =	stream.linear.gather [hbm4b:s2+s4], $0x400, $0x38;
	[tilespmem:$0x1CC00] =	vst v63  }
0xc9: {  	_ =	swait.ge [sflag:s29], $0x400  }
0xca: {  	[sflag:s29] =	ssyncset.done $0x0  }
0xcb: {  	[sflag:s29] =	ssyncadd.s32 $0xFFFFFC00  }
0xcc: {  	_ =	swait.ge [sflag:s30], $0x400  }
0xcd: {  	[sflag:s30] =	ssyncset.done $0x0  }
0xce: {  	[sflag:s30] =	ssyncadd.s32 $0xFFFFFC00  }
0xcf: {  	_ =	swait.ge [sflag:s24], $0x4000  }
0xd0: {  	[sflag:s24] =	ssyncset.done $0x0  }
0xd1: {  	[sflag:s24] =	ssyncadd.s32 $0xFFFFC000  }
0xd2: {  	[spmem:s3] =	stream.indirect.scatter.add.f32 [tilespmem:s22], [sflag:$0x3], $0x80, s20, s21, $0xb8;
	[tilespmem:$0x1CC00] =	vst v63  }
0xd3: {  	_ =	swait.ge [sflag:s25], $0x4000  }
0xd4: {  	[sflag:s25] =	ssyncset.done $0x0  }
0xd5: {  	s7 =	simm.s32 $0xC80;
	[sflag:s25] =	ssyncadd.s32 $0xFFFFC000  }
0xd6: {  	[spmem:s3] =	stream.indirect.scatter.add.f32 [tilespmem:s23], [sflag:$0x4], $0x80, s7, s21, $0xb8;
	[tilespmem:$0x1CC00] =	vst v63  }
0xd7: {  	_ =	swait.ge [sflag:s26], $0x4000  }
0xd8: {  	[sflag:s26] =	ssyncset.done $0x0  }
0xd9: {  	s9 =	simm.s32 $0x500;
	[sflag:s26] =	ssyncadd.s32 $0xFFFFC000  }
0xda: {  	[tilespmem:s22], [sflag:$0x1] =	stream.indirect.gather [hbm4b:s1+s21], $0x80, s9, s21, $0xb8;
	[tilespmem:$0x1CC00] =	vst v63  }
0xdb: {  	_ =	swait.ge [sflag:s28], $0x4000  }
0xdc: {  	[sflag:s28] =	ssyncset.done $0x0  }
0xdd: {  	s10 =	simm.s32 $0x580;
	[sflag:s28] =	ssyncadd.s32 $0xFFFFC000  }
0xde: {  	[tilespmem:s23], [sflag:$0x2] =	stream.indirect.gather [hbm4b:s1+s21], $0x80, s10, s21, $0xb8;
	[tilespmem:$0x1CC00] =	vst v63  }
0xdf: {  	_ =	swait.ge [sflag:s24], $0x4000  }
0xe0: {  	[sflag:s24] =	ssyncset.done $0x0  }
0xe1: {  	s11 =	simm.s32 $0xD00;
	[sflag:s24] =	ssyncadd.s32 $0xFFFFC000  }
0xe2: {  	[spmem:s3] =	stream.indirect.scatter.add.f32 [tilespmem:s22], [sflag:$0x3], $0x80, s11, s21, $0xb8;
	[tilespmem:$0x1CC00] =	vst v63  }
0xe3: {  	_ =	swait.ge [sflag:s25], $0x4000  }
0xe4: {  	[sflag:s25] =	ssyncset.done $0x0  }
0xe5: {  	s19 =	simm.s32 $0xD80;
	[sflag:s25] =	ssyncadd.s32 $0xFFFFC000  }
0xe6: {  	[spmem:s3] =	stream.indirect.scatter.add.f32 [tilespmem:s23], [sflag:$0x4], $0x80, s19, s21, $0xb8;
	[tilespmem:$0x1CC00] =	vst v63  }
0xe7: {  	_ =	swait.ge [sflag:s26], $0x4000  }
0xe8: {  	[sflag:s26] =	ssyncset.done $0x0  }
0xe9: {  	s31 =	simm.s32 $0x600;
	[sflag:s26] =	ssyncadd.s32 $0xFFFFC000  }
0xea: {  	[tilespmem:s22], [sflag:$0x1] =	stream.indirect.gather [hbm4b:s1+s21], $0x80, s31, s21, $0xb8;
	[tilespmem:$0x1CC00] =	vst v63  }
0xeb: {  	_ =	swait.ge [sflag:s28], $0x4000  }
0xec: {  	[sflag:s28] =	ssyncset.done $0x0  }
0xed: {  	s2 =	simm.s32 $0x680;
	[sflag:s28] =	ssyncadd.s32 $0xFFFFC000  }
0xee: {  	[tilespmem:s23], [sflag:$0x2] =	stream.indirect.gather [hbm4b:s1+s21], $0x80, s2, s21, $0xb8;
	[tilespmem:$0x1CC00] =	vst v63  }
0xef: {  	_ =	swait.ge [sflag:s24], $0x4000  }
0xf0: {  	[sflag:s24] =	ssyncset.done $0x0  }
0xf1: {  	s7 =	simm.s32 $0xE00;
	[sflag:s24] =	ssyncadd.s32 $0xFFFFC000  }
0xf2: {  	[spmem:s3] =	stream.indirect.scatter.add.f32 [tilespmem:s22], [sflag:$0x3], $0x80, s7, s21, $0xb8;
	[tilespmem:$0x1CC00] =	vst v63  }
0xf3: {  	_ =	swait.ge [sflag:s25], $0x4000  }
0xf4: {  	[sflag:s25] =	ssyncset.done $0x0  }
0xf5: {  	s9 =	simm.s32 $0xE80;
	[sflag:s25] =	ssyncadd.s32 $0xFFFFC000  }
0xf6: {  	[spmem:s3] =	stream.indirect.scatter.add.f32 [tilespmem:s23], [sflag:$0x4], $0x80, s9, s21, $0xb8;
	[tilespmem:$0x1CC00] =	vst v63  }
0xf7: {  	_ =	swait.ge [sflag:s26], $0x4000  }
0xf8: {  	[sflag:s26] =	ssyncset.done $0x0  }
0xf9: {  	s10 =	simm.s32 $0x700;
	[sflag:s26] =	ssyncadd.s32 $0xFFFFC000  }
0xfa: {  	[tilespmem:s22], [sflag:$0x1] =	stream.indirect.gather [hbm4b:s1+s21], $0x80, s10, s21, $0xb8;
	[tilespmem:$0x1CC00] =	vst v63  }
0xfb: {  	_ =	swait.ge [sflag:s28], $0x4000  }
0xfc: {  	[sflag:s28] =	ssyncset.done $0x0  }
0xfd: {  	s11 =	simm.s32 $0x780;
	[sflag:s28] =	ssyncadd.s32 $0xFFFFC000  }
0xfe: {  	[tilespmem:s23], [sflag:$0x2] =	stream.indirect.gather [hbm4b:s1+s21], $0x80, s11, s21, $0xb8;
	[tilespmem:$0x1CC00] =	vst v63  }
0xff: {  	_ =	swait.ge [sflag:s24], $0x4000  }
0x100: {  	[sflag:s24] =	ssyncset.done $0x0  }
0x101: {  	s19 =	simm.s32 $0xF00;
	[sflag:s24] =	ssyncadd.s32 $0xFFFFC000  }
0x102: {  	[spmem:s3] =	stream.indirect.scatter.add.f32 [tilespmem:s22], [sflag:$0x3], $0x80, s19, s21, $0xb8;
	[tilespmem:$0x1CC00] =	vst v63  }
0x103: {  	_ =	swait.ge [sflag:s25], $0x4000  }
0x104: {  	[sflag:s25] =	ssyncset.done $0x0  }
0x105: {  	s31 =	simm.s32 $0xF80;
	[sflag:s25] =	ssyncadd.s32 $0xFFFFC000  }
0x106: {  	[spmem:s3] =	stream.indirect.scatter.add.f32 [tilespmem:s23], [sflag:$0x4], $0x80, s31, s21, $0xb8;
	[tilespmem:$0x1CC00] =	vst v63  }
0x107: {  	_ =	swait.ge [sflag:s26], $0x4000  }
0x108: {  	[sflag:s26] =	ssyncset.done $0x0  }
0x109: {  	[sflag:s26] =	ssyncadd.s32 $0xFFFFC000  }
0x10a: {  	_ =	swait.ge [sflag:s28], $0x4000  }
0x10b: {  	s18 =	sadd.s32 $0x1, s18;
	[sflag:s28] =	ssyncset.done $0x0  }
0x10c: {  	p0 =	sne.s32 s18, s15;
	[sflag:s28] =	ssyncadd.s32 $0xFFFFC000  }
.Ltmp2:
0x10d: {  	[bflag:$0x0] =	sbarrier.arrive $0xFFFF;
	(pc) =	sbr.rel @p0 .LBB2_1-.Ltmp2, $4  }
0x10e: {  	[hbm:s14], [sflag:s8] =	dma.local [spmem:s16], $0x2780  }
0x10f: {  	_ =	swait.ge [sflag:s17], $0x2780  }
0x110: {  	[sflag:s17] =	ssyncset.done $0x0  }
0x111: {  	[sflag:s17] =	ssyncadd.s32 $0xFFFFD880  }
0x112: {  	_ =	sfence.sel $0x180000  }
0x113: {  	[bflag:$0x0] =	sbarrier.arrive $0xFFFF  }
0x114: {  	_ =	strace $0x9000004D  }
0x115: {  	s0 =	stileid.u32;
	[bflag:$0x2] =	sbarrier.arrive $0xFFFF  }
0x116: {  	p0 =	sne.s32 s0, $0x0;
	s0 =	rddreg [dreg:$0x3]  }
0x117: {  	s0 =	sadd.s32 @!p0 $0x100000, s0  }
0x118: {  	[sflag:s0] =	ssyncadd.tile.s32 @!p0 $0x1;
	_ =	shalt  }
.Lfunc_end2:
_tile_overlayer_lowered:
.L_overlay_start_2:
0x119: {  	(tag) =	ssettag $0x2  }
0x11a: {  	s0 =	rddreg [dreg:$0x0];
	s2 =	stileid.u32  }
0x11b: {  	s1 =	rddreg [dreg:$0x1];
	p0 =	sne.s32 s2, $0x0  }
0x11c: {  	s3 =	rddreg [dreg:$0x2];
	[bflag:$0x3] =	sbarrier.arrive $0xFFFF;
	s2 =	simm.s32 @!p0 $0x1C07  }
0x11d: {  	[timem:s3], [sflag:s2] =	dma.local @!p0 [hbm:s0], s1  }
0x11e: {  	s0 =	simm.s32 @!p0 $0x7  }
0x11f: {  	_ =	swait.ge @!p0 [sflag:s0], s1  }
0x120: {  	s1 =	ssub.s32 @!p0 $0x0, s1;
	[sflag:s0] =	ssyncset.done @!p0 $0x0  }
0x121: {  	[sflag:s0] =	ssyncadd.s32 @!p0 s1  }
0x122: {  	[bflag:$0x3] =	sbarrier.arrive $0xFFFF  }
0x123: {  	_ =	shalt  }

// kernel: kernel.8.cloned.1.call-start
scs
__scs_entry_jumppad:
0x0: {  	(pc) =	sbr.rel $0x88, $3  }
0x1: {  	(tag) =	ssettag $0x0;
	lr =	simm.s32 $0x1  }
0x2: {  	[smem:$0x3F99] =	sst lr;
	_ =	strace $0xD0000000  }
0x3: {  	_ = 	snop  }
0x4: {  	_ = 	snop  }
0x5: {  	_ = 	snop  }
0x6: {  	_ = 	snop  }
0x7: {  	_ = 	snop  }
__scs_overlays_trampoline_lowered:
0x8: {  	[smem:$0x3FA8] =	sst s0  }
0x9: {  	[smem:$0x3FA9] =	sst s1  }
0xa: {  	[smem:$0x3FAA] =	sst s2  }
0xb: {  	[smem:$0x3FAB] =	sst s3  }
0xc: {  	[smem:$0x3FAC] =	sst s4  }
0xd: {  	[smem:$0x3FAD] =	sst s5  }
0xe: {  	[smem:$0x3FAE] =	sst s6  }
0xf: {  	[smem:$0x3FAF] =	sst s7  }
0x10: {  	[smem:$0x3FB0] =	sst s8  }
0x11: {  	[smem:$0x3FB1] =	sst s9;
	s0 =	simm.s32 @!p0 $0x0  }
0x12: {  	s1 =	sld [smem:$0x3F97];
	s0 =	simm.s32 @p0 $0x1  }
0x13: {  	[smem:$0x3FB2] =	sst s0;
	s0 =	simm.s32 @!p1 $0x0  }
0x14: {  	s2 =	sld [smem:$0x3F96];
	s0 =	simm.s32 @p1 $0x1  }
0x15: {  	[smem:$0x3FB3] =	sst s0;
	s0 =	simm.s32 @!p2 $0x0  }
0x16: {  	s3 =	sld [smem:$0x3FDB];
	s0 =	simm.s32 @p2 $0x1  }
0x17: {  	s4 =	simm.s32 $0x1BF5;
	[smem:$0x3FB5] =	sst s0  }
0x18: {  	s0 =	sld [smem:$0x3F98];
	_ =	swait.ge [sflag:s4], $0x0  }
0x19: {  	s7 =	sld [smem:$0x3F99]  }
0x1a: {  	s8 =	sadd.s32 $0xFFFFE003, lr  }
0x1b: {  	s9 =	sadd.s32 $0xFFFFFEF7, lr;
	s5 =	simm.s32 $0xFFFFFFFF;
	p2 =	slt.u32 s8, $0xFFFFF086  }
0x1c: {  	p1 =	slt.u32 s9, $0xF7A;
	s5 =	simm.s32 @!p2 $0x0  }
0x1d: {  	s5 =	simm.s32 @p1 $0x1;
	p0 =	seq.s32 s7, s2  }
0x1e: {  	s7 =	smul.u32 @!p0 $0xF7A, s2;
	p2 =	seq.s32 @!p0 s5, $0x0  }
0x1f: {  	s9 =	smul.u32 $0xF7A, s1;
	s8 =	simm.s32 @!p0 $0x1BF5;
	p2 =	por !p2, p0  }
0x20: {  	[sflag:s8] =	ssyncset.s32 @!p0 $0xFFFFF086;
	s6 =	sadd.s32 @!p0 s3, s7;
	s7 =	simm.s32 @!p0 $0x108  }
0x21: {  	s3 =	sadd.s32 s3, s9;
	s6 =	sadd.s32 @!p0 $0x88, s6;
	s7 =	simm.s32 @p2 $0x1082  }
0x22: {  	[simem:s7], [sflag:s8] =	dma.local @!p0 [hbm:s6], $0xF7A  }
0x23: {  	s9 =	sor.u32 $0xD0000000, s2;
	s6 =	simm.s32 $0x108;
	_ =	swait.ge @!p0 [sflag:s8], $0x0  }
0x24: {  	s3 =	sadd.s32 $0x88, s3;
	s6 =	simm.s32 @!p1 $0x1082;
	[sflag:s4] =	ssyncset.s32 $0xFFFFF086  }
0x25: {  	[simem:s6], [sflag:s4] =	dma.local [hbm:s3], $0xF7A  }
0x26: {  	[smem:$0x3F99] =	sst s1;
	(tag) =	ssettag s2;
	_ =	strace s9  }
0x27: {  	s1 =	sld [smem:$0x3FA9]  }
0x28: {  	s2 =	sld [smem:$0x3FAA]  }
0x29: {  	s4 =	sld [smem:$0x3FAC]  }
0x2a: {  	p0 =	seq.s32 s5, $0x0;
	s5 =	sld [smem:$0x3FAD]  }
0x2b: {  	s6 =	sld [smem:$0x3FAE]  }
0x2c: {  	s7 =	sld [smem:$0x3FAF]  }
0x2d: {  	s3 =	simm.s32 $0x108;
	s8 =	sld [smem:$0x3FB0]  }
0x2e: {  	s3 =	simm.s32 @!p0 $0x1082;
	s9 =	sld [smem:$0x3FB1]  }
0x2f: {  	lr =	sadd.s32 s0, s3;
	s0 =	sld [smem:$0x3FA8]  }
0x30: {  	s3 =	sld [smem:$0x3FAB]  }
0x31: {  	[smem:$0x3FB4] =	sst s10  }
0x32: {  	s10 =	sld [smem:$0x3FB2];
	_ =	sdelay $0x3  }
0x33: {  	p0 =	seq.s32 s10, $0x1;
	s10 =	sld [smem:$0x3FB4];
	_ =	sdelay $0x3  }
0x34: {  	[smem:$0x3FB4] =	sst s10  }
0x35: {  	s10 =	sld [smem:$0x3FB3];
	_ =	sdelay $0x3  }
0x36: {  	p1 =	seq.s32 s10, $0x1;
	s10 =	sld [smem:$0x3FB4];
	_ =	sdelay $0x3  }
0x37: {  	[smem:$0x3FB4] =	sst s10  }
0x38: {  	s10 =	sld [smem:$0x3FB5]  }
0x39: {  	_ = 	snop;
	(pc) =	sbr.ind lr, $3  }
0x3a: {  	_ = 	snop  }
0x3b: {  	_ = 	snop  }
0x3c: {  	p2 =	seq.s32 s10, $0x1;
	s10 =	sld [smem:$0x3FB4]  }
0x3d: {  	_ =	shalt  }
0x3e: {  	_ =	shalt  }
0x3f: {  	_ =	shalt  }
0x40: {  	_ =	shalt  }
0x41: {  	_ =	shalt  }
0x42: {  	_ =	shalt  }
0x43: {  	_ =	shalt  }
0x44: {  	_ =	shalt  }
0x45: {  	_ =	shalt  }
0x46: {  	_ =	shalt  }
0x47: {  	_ =	shalt  }
0x48: {  	_ =	shalt  }
0x49: {  	_ =	shalt  }
0x4a: {  	_ =	shalt  }
0x4b: {  	_ =	shalt  }
0x4c: {  	_ =	shalt  }
0x4d: {  	_ =	shalt  }
0x4e: {  	_ =	shalt  }
0x4f: {  	_ =	shalt  }
0x50: {  	_ =	shalt  }
0x51: {  	_ =	shalt  }
0x52: {  	_ =	shalt  }
0x53: {  	_ =	shalt  }
0x54: {  	_ =	shalt  }
0x55: {  	_ =	shalt  }
0x56: {  	_ =	shalt  }
0x57: {  	_ =	shalt  }
0x58: {  	_ =	shalt  }
0x59: {  	_ =	shalt  }
0x5a: {  	_ =	shalt  }
0x5b: {  	_ =	shalt  }
0x5c: {  	_ =	shalt  }
0x5d: {  	_ =	shalt  }
0x5e: {  	_ =	shalt  }
0x5f: {  	_ =	shalt  }
0x60: {  	_ =	shalt  }
0x61: {  	_ =	shalt  }
0x62: {  	_ =	shalt  }
0x63: {  	_ =	shalt  }
0x64: {  	_ =	shalt  }
0x65: {  	_ =	shalt  }
0x66: {  	_ =	shalt  }
0x67: {  	_ =	shalt  }
0x68: {  	_ =	shalt  }
0x69: {  	_ =	shalt  }
0x6a: {  	_ =	shalt  }
0x6b: {  	_ =	shalt  }
0x6c: {  	_ =	shalt  }
0x6d: {  	_ =	shalt  }
0x6e: {  	_ =	shalt  }
0x6f: {  	_ =	shalt  }
0x70: {  	_ =	shalt  }
0x71: {  	_ =	shalt  }
0x72: {  	_ =	shalt  }
0x73: {  	_ =	shalt  }
0x74: {  	_ =	shalt  }
0x75: {  	_ =	shalt  }
0x76: {  	_ =	shalt  }
0x77: {  	_ =	shalt  }
0x78: {  	_ =	shalt  }
0x79: {  	_ =	shalt  }
0x7a: {  	_ =	shalt  }
0x7b: {  	_ =	shalt  }
0x7c: {  	_ =	shalt  }
0x7d: {  	_ =	shalt  }
0x7e: {  	_ =	shalt  }
0x7f: {  	_ =	shalt  }
0x80: {  	_ =	shalt  }
0x81: {  	_ =	shalt  }
0x82: {  	_ =	shalt  }
0x83: {  	_ =	shalt  }
0x84: {  	_ =	shalt  }
0x85: {  	_ =	shalt  }
0x86: {  	_ =	shalt  }
0x87: {  	_ =	shalt  }
.Lfunc_end0:
.L_simem_size_0:
called_computation_lowered:
.L_overlay_start_0:
0x88: {  	s2 =	sld [smem:$0x3FD9]  }
0x89: {  	s3 =	sld [smem:$0x3FFE];
	_ =	sdelay $0x1  }
0x8a: {  	s1 =	srdreg.scid  }
0x8b: {  	s0 =	sand.u32 $0x1, s1  }
0x8c: {  	s17 =	sshll.u32 s0, $0xA;
	s2 =	sadd.s32 s3, s2  }
0x8d: {  	s2 =	sadd.s32 s2, s17  }
0x8e: {  	[smem:$0x3FC0] =	sst s2  }
0x8f: {  	_ = 	snop  }
0x90: {  	s2 =	sld [smem:$0x3FD0];
	(tm) =	ssettm $0x1  }
0x91: {  	s18 =	sld [smem:$0x3FFB];
	_ =	sdelay $0x3  }
0x92: {  	_ =	strace s18  }
0x93: {  	s3 =	sld [smem:$0x3FFC];
	_ =	sdelay $0x3  }
0x94: {  	_ =	strace s3  }
0x95: {  	s3 =	sld [smem:$0x3FFD];
	_ =	sdelay $0x3  }
0x96: {  	_ =	strace s3  }
0x97: {  	_ =	strace $0x8FFFFFFF  }
0x98: {  	s19 =	sld [smem:$0x3FDB];
	_ =	sdelay $0x1  }
0x99: {  	s4 =	simm.s32 $_scs_section_size  }
0x9a: {  	s5 =	simm.s32 $_size__tile_overlayer_lowered;
	s6 =	simm.s32 $_tile_overlayer_lowered  }
0x9b: {  	s22 =	simm.s32 $0x1BFF;
	s21 =	sshll.u32 s6, $0x1;
	s3 =	sadd.s32 s4, s19  }
0x9c: {  	s7 =	simm.s32 $0x0;
	s20 =	sshll.u32 s5, $0x1;
	s5 =	sadd.s32 s21, s3  }
0x9d: {  	[timem:s7], [sflag:s22] =	dma.local [hbm:s5], s20  }
0x9e: {  	_ =	swait.ge [sflag:s22], s20  }
0x9f: {  	s4 =	ssub.s32 $0x0, s20;
	[sflag:s22] =	ssyncset.done $0x0  }
0xa0: {  	[sflag:s22] =	ssyncadd.s32 s4;
	_ =	sdelay $0x1  }
0xa1: {  	s23 =	simm.s32 $0x1B8B  }
0xa2: {  	_ =	swait.ge [sflag:s23], $0x1  }
0xa3: {  	[sflag:s23] =	ssyncset.done $0x0  }
0xa4: {  	s25 =	simm.s32 $0x1B8E;
	s24 =	sld [smem:$0x3FFE];
	[sflag:s23] =	ssyncadd.s32 $0xFFFFFFFF  }
0xa5: {  	s26 =	simm.s32 $execute0_lowered;
	[smem:$0x3FD2] =	sst s25  }
0xa6: {  	s5 =	sshll.u32 s26, $0x1;
	_ =	strace $0x80000046;
	[dreg:$0x1] =	wrdreg $0xFFFFFFFF  }
0xa7: {  	s28 =	simm.s32 $_size_execute0_lowered;
	s3 =	sadd.s32 s3, s5;
	[dreg:$0x0] =	wrdreg $0x0  }
0xa8: {  	s5 =	sshll.u32 s28, $0x1;
	[dreg:$0x2] =	wrdreg s3  }
0xa9: {  	[dreg:$0x3] =	wrdreg s5  }
0xaa: {  	[dreg:$0x4] =	wrdreg $0xC0  }
0xab: {  	_ =	task [dreg:s7], $0x5FFFF  }
0xac: {  	[dreg:$0x1] =	wrdreg $0xFFFFFFFF  }
0xad: {  	[dreg:$0x0] =	wrdreg $0x60  }
0xae: {  	[dreg:$0x2] =	wrdreg s24  }
0xaf: {  	[dreg:$0x3] =	wrdreg s2  }
0xb0: {  	[dreg:$0x4] =	wrdreg $0x68000  }
0xb1: {  	[dreg:$0x5] =	wrdreg $0x9  }
0xb2: {  	_ =	task.clear_ibuf [dreg:s7], $0x6FFFF;
	_ =	strace $0x90000046  }
0xb3: {  	s29 =	simm.s32 $0x9;
	_ =	strace $0x80000048  }
0xb4: {  	_ =	swait.ge [sflag:s29], $0x1  }
0xb5: {  	[sflag:s29] =	ssyncadd.s32 $0xFFFFFFFF  }
0xb6: {  	_ =	strace $0x90000048  }
0xb7: {  	_ =	sfence  }
0xb8: {  	s30 =	sld [smem:$0x0];
	_ =	sdelay $0x2  }
0xb9: {  	s31 =	sshll.u32 s1, $0xD;
	s1 =	sshrl.u32 s1, $0x2  }
0xba: {  	s3 =	sand.u32 $0x4000, s31;
	s1 =	sadd.s32 s1, s30  }
0xbb: {  	s0 =	sor.u32 s3, s0;
	s1 =	sshll.u32 s1, $0x11  }
0xbc: {  	s0 =	sor.u32 s1, s0  }
0xbd: {  	s0 =	sadd.s32 $0x8F2B, s0  }
0xbe: {  	[sflag:s0] =	ssyncadd.remote.s32 $0x1  }
0xbf: {  	_ =	sfence.sel $0xFFFF  }
0xc0: {  	[dreg:$0x0] =	wrdreg $0xFFFFFFFF;
	(pc) =	sbr.abs _section_cstart, $3  }
0xc1: {  	[dreg:$0x1] =	wrdreg $0xFFFFFFFF  }
0xc2: {  	_ =	task.clear_ibuf [dreg:s7], $0x2FFFF;
	_ =	strace $0x9FFFFFFF  }
0xc3: {  	(tm) =	ssettm $0x7FFFFFFF  }
tec
execute0_lowered:
.L_overlay_start_1:
0x0: {  	(tag) =	ssettag $0x1  }
0x1: {  	s7 =	rddreg [dreg:$0x0]  }
0x2: {  	s0 =	srdreg.scid;
	s2 =	rddreg [dreg:$0x1]  }
0x3: {  	s3 =	rddreg [dreg:$0x2];
	s6 =	sand.u32 $0x1, s0;
	s0 =	stileid.u32  }
0x4: {  	s4 =	simm.s32 $0x0;
	s14 =	simm.s32 $0x1;
	s8 =	smul.u32 $0x2780, s0  }
0x5: {  	s15 =	simm.s32 $0x0;
	[smem:$0x7FF] =	sst s4;
	s9 =	smul.u32 $0x27800, s6  }
0x6: {  	s1 =	sshll.u32 s6, $0x4;
	s30 =	smul.u32 $0x4F000, s0;
	s6 =	ssub.s32 $0x2, s6  }
0x7: {  	s11 =	sshll.u32 s0, $0x6;
	s1 =	sor.u32 s0, s1;
	s31 =	sshrl.u32 s6, $0x1  }
0x8: {  	s5 =	smul.u32 $0x500, s1;
	s1 =	rddreg [dreg:$0x3];
	_ =	strace $0x80000047  }
0x9: {  	s8 =	sadd.s32 s8, s9;
	s9 =	sshrl.u32 s30, $0x2;
	s12 =	ssub.s32 s6, s31  }
0xa: {  	s6 =	sor.u32 $0x1C02, s11;
	s11 =	simm.s32 $0x2;
	s8 =	sadd.s32 s8, s7  }
0xb: {  	s13 =	sadd.s32 s9, s3;
	s9 =	smax.u32 s12, $0x1;
	s12 =	simm.s32 $0x2800  }
0xc: {  	s10 =	sadd.s32 s5, s7;
	s5 =	sadd.s32 $0x16400, s7;
	s8 =	sadd.s32 $0x18C00, s8  }
0xd: {  	s7 =	sadd.s32 $0xC400, s10;
	s10 =	sshrl.u32 s13, $0x3;
	s13 =	simm.s32 $0x80  }
.LBB2_1:
0xe: {  	[spmem:s10], [sflag:s6] =	dma.local [hbm:s5], $0x2780  }
0xf: {  	_ =	swait.ge [sflag:s11], $0x2780  }
0x10: {  	[sflag:s11] =	ssyncset.done $0x0  }
0x11: {  	[sflag:s11] =	ssyncadd.s32 $0xFFFFD880  }
0x12: {  	[tilespmem:s12], [sflag:$0x2] =	stream.linear.gather [hbm4b:s2+s4], $0x4000, $0x38;
	[tilespmem:$0x1A400] =	vst v63  }
0x13: {  	_ =	swait.ge [sflag:s11], $0x4000  }
0x14: {  	[sflag:s11] =	ssyncset.done $0x0  }
0x15: {  	[sflag:s11] =	ssyncadd.s32 $0xFFFFC000  }
0x16: {  	[tilespmem:s4], [sflag:$0x2] =	stream.linear.gather [hbm4b:s7+s4], $0x2800, $0x38;
	[tilespmem:$0x1A400] =	vst v63  }
0x17: {  	_ =	swait.ge [sflag:s11], $0x2800  }
0x18: {  	[sflag:s11] =	ssyncset.done $0x0  }
0x19: {  	[sflag:s11] =	ssyncadd.s32 $0xFFFFD800  }
0x1a: {  	s16 =	simm.s32 $0x0;
	[bflag:$0x0] =	sbarrier.arrive $0xFFFF  }
0x1b: {  	[spmem:s3] =	stream.indirect.scatter.add.f32 [tilespmem:s12], [sflag:$0x1], $0x80, s16, s13, $0xb8;
	[tilespmem:$0x1A400] =	vst v63  }
0x1c: {  	s24 =	simm.s32 $0x80  }
0x1d: {  	[spmem:s3] =	stream.indirect.scatter.add.f32 [tilespmem:s12], [sflag:$0x1], $0x80, s24, s13, $0xb8;
	[tilespmem:$0x1A400] =	vst v63  }
0x1e: {  	s25 =	simm.s32 $0x100  }
0x1f: {  	[spmem:s3] =	stream.indirect.scatter.add.f32 [tilespmem:s12], [sflag:$0x1], $0x80, s25, s13, $0xb8;
	[tilespmem:$0x1A400] =	vst v63  }
0x20: {  	s26 =	simm.s32 $0x180  }
0x21: {  	[spmem:s3] =	stream.indirect.scatter.add.f32 [tilespmem:s12], [sflag:$0x1], $0x80, s26, s13, $0xb8;
	[tilespmem:$0x1A400] =	vst v63  }
0x22: {  	s28 =	simm.s32 $0x200  }
0x23: {  	[spmem:s3] =	stream.indirect.scatter.add.f32 [tilespmem:s12], [sflag:$0x1], $0x80, s28, s13, $0xb8;
	[tilespmem:$0x1A400] =	vst v63  }
0x24: {  	s29 =	simm.s32 $0x280  }
0x25: {  	[spmem:s3] =	stream.indirect.scatter.add.f32 [tilespmem:s12], [sflag:$0x1], $0x80, s29, s13, $0xb8;
	[tilespmem:$0x1A400] =	vst v63  }
0x26: {  	s30 =	simm.s32 $0x300  }
0x27: {  	[spmem:s3] =	stream.indirect.scatter.add.f32 [tilespmem:s12], [sflag:$0x1], $0x80, s30, s13, $0xb8;
	[tilespmem:$0x1A400] =	vst v63  }
0x28: {  	s31 =	simm.s32 $0x380  }
0x29: {  	[spmem:s3] =	stream.indirect.scatter.add.f32 [tilespmem:s12], [sflag:$0x1], $0x80, s31, s13, $0xb8;
	[tilespmem:$0x1A400] =	vst v63  }
0x2a: {  	_ =	swait.ge [sflag:s14], $0x4000  }
0x2b: {  	[sflag:s14] =	ssyncset.done $0x0  }
0x2c: {  	[sflag:s14] =	ssyncadd.s32 $0xFFFFC000  }
0x2d: {  	_ =	swait.ge [sflag:s14], $0x4000  }
0x2e: {  	[sflag:s14] =	ssyncset.done $0x0  }
0x2f: {  	[sflag:s14] =	ssyncadd.s32 $0xFFFFC000  }
0x30: {  	_ =	swait.ge [sflag:s14], $0x4000  }
0x31: {  	[sflag:s14] =	ssyncset.done $0x0  }
0x32: {  	[sflag:s14] =	ssyncadd.s32 $0xFFFFC000  }
0x33: {  	_ =	swait.ge [sflag:s14], $0x4000  }
0x34: {  	[sflag:s14] =	ssyncset.done $0x0  }
0x35: {  	[sflag:s14] =	ssyncadd.s32 $0xFFFFC000  }
0x36: {  	_ =	swait.ge [sflag:s14], $0x4000  }
0x37: {  	[sflag:s14] =	ssyncset.done $0x0  }
0x38: {  	[sflag:s14] =	ssyncadd.s32 $0xFFFFC000  }
0x39: {  	_ =	swait.ge [sflag:s14], $0x4000  }
0x3a: {  	[sflag:s14] =	ssyncset.done $0x0  }
0x3b: {  	[sflag:s14] =	ssyncadd.s32 $0xFFFFC000  }
0x3c: {  	_ =	swait.ge [sflag:s14], $0x4000  }
0x3d: {  	[sflag:s14] =	ssyncset.done $0x0  }
0x3e: {  	[sflag:s14] =	ssyncadd.s32 $0xFFFFC000  }
0x3f: {  	_ =	swait.ge [sflag:s14], $0x4000  }
0x40: {  	s18 =	simm.s32 $0x2000;
	s16 =	simm.s32 $0x1000;
	[sflag:s14] =	ssyncset.done $0x0  }
.LBB2_2:
0x41: {  	s19 =	sshra.s32 s16, $0x2  }
0x42: {  	[sflag:s14] =	ssyncadd.s32 $0xFFFFC000;
	s16 =	smov.u32 s18;
	s17 =	sadd.s32 $0x1000, s18  }
0x43: {  	[spmem:s3] =	stream.indirect.scatter.add.f32 [tilespmem:s12], [sflag:$0x1], $0x80, s19, s13, $0xb8;
	[tilespmem:$0x1A400] =	vst v63  }
0x44: {  	p0 =	sne.s32 s18, $0x9000;
	s18 =	sadd.s32 $0x80, s19  }
0x45: {  	[spmem:s3] =	stream.indirect.scatter.add.f32 [tilespmem:s12], [sflag:$0x1], $0x80, s18, s13, $0xb8;
	[tilespmem:$0x1A400] =	vst v63  }
0x46: {  	s18 =	sadd.s32 $0x100, s19  }
0x47: {  	[spmem:s3] =	stream.indirect.scatter.add.f32 [tilespmem:s12], [sflag:$0x1], $0x80, s18, s13, $0xb8;
	[tilespmem:$0x1A400] =	vst v63  }
0x48: {  	s18 =	sadd.s32 $0x180, s19  }
0x49: {  	[spmem:s3] =	stream.indirect.scatter.add.f32 [tilespmem:s12], [sflag:$0x1], $0x80, s18, s13, $0xb8;
	[tilespmem:$0x1A400] =	vst v63  }
0x4a: {  	s18 =	sadd.s32 $0x200, s19  }
0x4b: {  	[spmem:s3] =	stream.indirect.scatter.add.f32 [tilespmem:s12], [sflag:$0x1], $0x80, s18, s13, $0xb8;
	[tilespmem:$0x1A400] =	vst v63  }
0x4c: {  	s18 =	sadd.s32 $0x280, s19  }
0x4d: {  	[spmem:s3] =	stream.indirect.scatter.add.f32 [tilespmem:s12], [sflag:$0x1], $0x80, s18, s13, $0xb8;
	[tilespmem:$0x1A400] =	vst v63  }
0x4e: {  	s18 =	sadd.s32 $0x300, s19  }
0x4f: {  	[spmem:s3] =	stream.indirect.scatter.add.f32 [tilespmem:s12], [sflag:$0x1], $0x80, s18, s13, $0xb8;
	[tilespmem:$0x1A400] =	vst v63  }
0x50: {  	s18 =	sadd.s32 $0x380, s19  }
0x51: {  	[spmem:s3] =	stream.indirect.scatter.add.f32 [tilespmem:s12], [sflag:$0x1], $0x80, s18, s13, $0xb8;
	[tilespmem:$0x1A400] =	vst v63  }
0x52: {  	_ =	swait.ge [sflag:s14], $0x4000  }
0x53: {  	[sflag:s14] =	ssyncset.done $0x0  }
0x54: {  	[sflag:s14] =	ssyncadd.s32 $0xFFFFC000  }
0x55: {  	_ =	swait.ge [sflag:s14], $0x4000  }
0x56: {  	[sflag:s14] =	ssyncset.done $0x0  }
0x57: {  	[sflag:s14] =	ssyncadd.s32 $0xFFFFC000  }
0x58: {  	_ =	swait.ge [sflag:s14], $0x4000  }
0x59: {  	[sflag:s14] =	ssyncset.done $0x0  }
0x5a: {  	[sflag:s14] =	ssyncadd.s32 $0xFFFFC000  }
0x5b: {  	_ =	swait.ge [sflag:s14], $0x4000  }
0x5c: {  	[sflag:s14] =	ssyncset.done $0x0  }
0x5d: {  	[sflag:s14] =	ssyncadd.s32 $0xFFFFC000  }
0x5e: {  	_ =	swait.ge [sflag:s14], $0x4000  }
0x5f: {  	[sflag:s14] =	ssyncset.done $0x0  }
0x60: {  	[sflag:s14] =	ssyncadd.s32 $0xFFFFC000  }
0x61: {  	_ =	swait.ge [sflag:s14], $0x4000  }
0x62: {  	[sflag:s14] =	ssyncset.done $0x0  }
0x63: {  	[sflag:s14] =	ssyncadd.s32 $0xFFFFC000  }
.Ltmp0:
0x64: {  	_ =	swait.ge [sflag:s14], $0x4000;
	(pc) =	sbr.rel @p0 .LBB2_2-.Ltmp0, $4  }
0x65: {  	[sflag:s14] =	ssyncset.done $0x0  }
0x66: {  	[sflag:s14] =	ssyncadd.s32 $0xFFFFC000  }
0x67: {  	_ =	swait.ge [sflag:s14], $0x4000  }
0x68: {  	s18 =	smov.u32 s17;
	[sflag:s14] =	ssyncset.done $0x0  }
0x69: {  	s16 =	sshra.s32 s16, $0x2;
	[sflag:s14] =	ssyncadd.s32 $0xFFFFC000  }
0x6a: {  	[spmem:s3] =	stream.indirect.scatter.add.f32 [tilespmem:s12], [sflag:$0x1], $0x80, s16, s13, $0xb8;
	[tilespmem:$0x1A400] =	vst v63  }
0x6b: {  	s17 =	sadd.s32 $0x80, s16  }
0x6c: {  	[spmem:s3] =	stream.indirect.scatter.add.f32 [tilespmem:s12], [sflag:$0x1], $0x80, s17, s13, $0xb8;
	[tilespmem:$0x1A400] =	vst v63  }
0x6d: {  	s26 =	sadd.s32 $0x100, s16  }
0x6e: {  	[spmem:s3] =	stream.indirect.scatter.add.f32 [tilespmem:s12], [sflag:$0x1], $0x80, s26, s13, $0xb8;
	[tilespmem:$0x1A400] =	vst v63  }
0x6f: {  	s28 =	sadd.s32 $0x180, s16  }
0x70: {  	[spmem:s3] =	stream.indirect.scatter.add.f32 [tilespmem:s12], [sflag:$0x1], $0x80, s28, s13, $0xb8;
	[tilespmem:$0x1A400] =	vst v63  }
0x71: {  	s29 =	sadd.s32 $0x200, s16  }
0x72: {  	[spmem:s3] =	stream.indirect.scatter.add.f32 [tilespmem:s12], [sflag:$0x1], $0x80, s29, s13, $0xb8;
	[tilespmem:$0x1A400] =	vst v63  }
0x73: {  	s30 =	sadd.s32 $0x280, s16  }
0x74: {  	[spmem:s3] =	stream.indirect.scatter.add.f32 [tilespmem:s12], [sflag:$0x1], $0x80, s30, s13, $0xb8;
	[tilespmem:$0x1A400] =	vst v63  }
0x75: {  	s31 =	sadd.s32 $0x300, s16  }
0x76: {  	[spmem:s3] =	stream.indirect.scatter.add.f32 [tilespmem:s12], [sflag:$0x1], $0x80, s31, s13, $0xb8;
	[tilespmem:$0x1A400] =	vst v63  }
0x77: {  	s16 =	sadd.s32 $0x380, s16  }
0x78: {  	[spmem:s3] =	stream.indirect.scatter.add.f32 [tilespmem:s12], [sflag:$0x1], $0x80, s16, s13, $0xb8;
	[tilespmem:$0x1A400] =	vst v63  }
0x79: {  	_ =	swait.ge [sflag:s14], $0x4000  }
0x7a: {  	[sflag:s14] =	ssyncset.done $0x0  }
0x7b: {  	[sflag:s14] =	ssyncadd.s32 $0xFFFFC000  }
0x7c: {  	_ =	swait.ge [sflag:s14], $0x4000  }
0x7d: {  	[sflag:s14] =	ssyncset.done $0x0  }
0x7e: {  	[sflag:s14] =	ssyncadd.s32 $0xFFFFC000  }
0x7f: {  	_ =	swait.ge [sflag:s14], $0x4000  }
0x80: {  	[sflag:s14] =	ssyncset.done $0x0  }
0x81: {  	[sflag:s14] =	ssyncadd.s32 $0xFFFFC000  }
0x82: {  	_ =	swait.ge [sflag:s14], $0x4000  }
0x83: {  	[sflag:s14] =	ssyncset.done $0x0  }
0x84: {  	[sflag:s14] =	ssyncadd.s32 $0xFFFFC000  }
0x85: {  	_ =	swait.ge [sflag:s14], $0x4000  }
0x86: {  	[sflag:s14] =	ssyncset.done $0x0  }
0x87: {  	[sflag:s14] =	ssyncadd.s32 $0xFFFFC000  }
0x88: {  	_ =	swait.ge [sflag:s14], $0x4000  }
0x89: {  	[sflag:s14] =	ssyncset.done $0x0  }
0x8a: {  	[sflag:s14] =	ssyncadd.s32 $0xFFFFC000  }
0x8b: {  	_ =	swait.ge [sflag:s14], $0x4000  }
0x8c: {  	[sflag:s14] =	ssyncset.done $0x0  }
0x8d: {  	[sflag:s14] =	ssyncadd.s32 $0xFFFFC000  }
0x8e: {  	_ =	swait.ge [sflag:s14], $0x4000  }
0x8f: {  	s15 =	sadd.s32 $0x1, s15;
	[sflag:s14] =	ssyncset.done $0x0  }
0x90: {  	p0 =	sne.s32 s15, s9;
	[sflag:s14] =	ssyncadd.s32 $0xFFFFC000  }
.Ltmp1:
0x91: {  	[bflag:$0x0] =	sbarrier.arrive $0xFFFF;
	(pc) =	sbr.rel @p0 .LBB2_1-.Ltmp1, $4  }
0x92: {  	[hbm:s8], [sflag:s6] =	dma.local [spmem:s10], $0x2780  }
0x93: {  	_ =	swait.ge [sflag:s11], $0x2780  }
0x94: {  	[sflag:s11] =	ssyncset.done $0x0  }
0x95: {  	[sflag:s11] =	ssyncadd.s32 $0xFFFFD880  }
0x96: {  	_ =	sfence.sel $0x180000  }
0x97: {  	[bflag:$0x0] =	sbarrier.arrive $0xFFFF  }
0x98: {  	p0 =	sne.s32 s0, $0x0;
	_ =	strace $0x90000047  }
0x99: {  	s0 =	sadd.s32 @!p0 $0x100000, s1;
	[bflag:$0x2] =	sbarrier.arrive $0xFFFF  }
0x9a: {  	[sflag:s0] =	ssyncadd.tile.s32 @!p0 $0x1;
	_ =	shalt  }
.Lfunc_end2:
_tile_overlayer_lowered:
.L_overlay_start_2:
0x9b: {  	(tag) =	ssettag $0x2  }
0x9c: {  	s0 =	rddreg [dreg:$0x0];
	s2 =	stileid.u32  }
0x9d: {  	s1 =	rddreg [dreg:$0x1];
	p0 =	sne.s32 s2, $0x0  }
0x9e: {  	s3 =	rddreg [dreg:$0x2];
	[bflag:$0x3] =	sbarrier.arrive $0xFFFF;
	s2 =	simm.s32 @!p0 $0x1C02  }
0x9f: {  	[timem:s3], [sflag:s2] =	dma.local @!p0 [hbm:s0], s1  }
0xa0: {  	s0 =	simm.s32 @!p0 $0x2  }
0xa1: {  	_ =	swait.ge @!p0 [sflag:s0], s1  }
0xa2: {  	s1 =	ssub.s32 @!p0 $0x0, s1;
	[sflag:s0] =	ssyncset.done @!p0 $0x0  }
0xa3: {  	[sflag:s0] =	ssyncadd.s32 @!p0 s1  }
0xa4: {  	[bflag:$0x3] =	sbarrier.arrive $0xFFFF  }
0xa5: {  	_ =	shalt  }

</sc_bundles>
